<compile_context>
chip_gen: v7x
topology: tpu7x:2x2x1
jax: 0.10.2.dev20260603
libtpu: 0.0.44.dev20260713+nightly
codegen_flags: <defaults>
</compile_context>

<pallas_src>
import functools

import jax
import jax.numpy as jnp
from jax import lax
from jax.experimental import pallas as pl
from jax.experimental.pallas import tpu as pltpu
from jax.experimental.pallas import tpu_sc as plsc

VOCAB_SIZE = 1000
EMBED_DIM = 128
BATCH = 4096
SEQ = 200

NC = 2
NS = 16
NW = NC * NS

ROWS_PER_W = BATCH // NW
B = BATCH * SEQ
B_PER_W = ROWS_PER_W * SEQ
NG = ROWS_PER_W
QG = 32
NQ = NG // QG
NSLOT = 4
F = 2
SPLITS = (0, 128, SEQ)


def _make_kernel():
    mesh = plsc.VectorSubcoreMesh(
        core_axis_name="c", subcore_axis_name="s",
        num_cores=NC, num_subcores=NS)

    @functools.partial(
        pl.kernel,
        mesh=mesh,
        out_type=jax.ShapeDtypeStruct((B, EMBED_DIM), jnp.float32),
        scratch_types=[
            pltpu.VMEM((2, QG, SEQ), jnp.int32),
            pltpu.VMEM((NSLOT, SEQ, EMBED_DIM), jnp.float32),
            pltpu.VMEM_SHARED((VOCAB_SIZE, EMBED_DIM), jnp.float32),
            [pltpu.SemaphoreType.DMA] * 2,
            [pltpu.SemaphoreType.DMA] * NSLOT,
            [pltpu.SemaphoreType.DMA] * NSLOT,
        ],
    )
    def emb_kernel(x_hbm, w_hbm, out_hbm, idx_v, rows_v, w_sh,
                   isems, gsems, osems):
        sid = lax.axis_index("s")
        wid = sid * NC + lax.axis_index("c")
        base = wid * B_PER_W
        xrow = wid * ROWS_PER_W

        def fire_i(q):
            b = q % 2
            pltpu.async_copy(
                x_hbm.at[pl.ds(xrow + q * QG, QG)], idx_v.at[b], isems[b])

        def drain_i(q):
            b = q % 2
            pltpu.make_async_copy(
                x_hbm.at[pl.ds(xrow + q * QG, QG)], idx_v.at[b],
                isems[b]).wait()

        fire_i(0)
        fire_i(1)

        @pl.when(sid == 0)
        def _stage_table():
            pltpu.sync_copy(w_hbm, w_sh)
        plsc.subcore_barrier()

        def _gcopies(b, r, u):
            for t in range(len(SPLITS) - 1):
                lo, hi = SPLITS[t], SPLITS[t + 1]
                yield (w_sh.at[idx_v.at[b, r, pl.ds(lo, hi - lo)]],
                       rows_v.at[u, pl.ds(lo, hi - lo)], gsems[u])

        def fire_g(b, r, u):
            for args in _gcopies(b, r, u):
                pltpu.async_copy(*args)

        def drain_g(b, r, u):
            for args in _gcopies(b, r, u):
                pltpu.make_async_copy(*args).wait()

        def fire_s(g, u):
            pltpu.async_copy(
                rows_v.at[u], out_hbm.at[pl.ds(base + g * SEQ, SEQ)],
                osems[u])

        def drain_s(g, u):
            pltpu.make_async_copy(
                rows_v.at[u], out_hbm.at[pl.ds(base + g * SEQ, SEQ)],
                osems[u]).wait()

        def emit(p, lc, u, fire=None, drain_old=True):
            g = p * QG + lc
            drain_g(p % 2, lc, u)
            fire_s(g, u)
            ju = (u + F) % NSLOT
            if drain_old:
                drain_s(g - (NSLOT - F), ju)
            if fire is not None:
                pf, lf = fire
                fire_g(pf % 2, lf, ju)

        drain_i(0)
        fire_g(0, 0, 0)
        fire_g(0, 1, 1)
        emit(0, 0, 0, fire=(0, 2), drain_old=False)
        emit(0, 1, 1, fire=(0, 3), drain_old=False)
        emit(0, 2, 2, fire=(0, 4))
        emit(0, 3, 3, fire=(0, 5))

        def make_body(p):
            def body(m, carry):
                lc = m * NSLOT
                for u in range(NSLOT):
                    emit(p, lc + u, u, fire=(p, lc + u + F))
                return carry
            return body

        lax.fori_loop(1, 7, make_body(0), 0)
        emit(0, 28, 0, fire=(0, 30))
        emit(0, 29, 1, fire=(0, 31))
        drain_i(1)
        emit(0, 30, 2, fire=(1, 0))
        emit(0, 31, 3, fire=(1, 1))

        for p in (1, 2):
            fire_i(p + 1)
            lax.fori_loop(0, 7, make_body(p), 0)
            emit(p, 28, 0, fire=(p, 30))
            emit(p, 29, 1, fire=(p, 31))
            drain_i(p + 1)
            emit(p, 30, 2, fire=(p + 1, 0))
            emit(p, 31, 3, fire=(p + 1, 1))

        lax.fori_loop(0, 7, make_body(3), 0)
        emit(3, 28, 0, fire=(3, 30))
        emit(3, 29, 1, fire=(3, 31))
        emit(3, 30, 2, fire=None)
        emit(3, 31, 3, fire=None)
        drain_s(NG - 2, (NG - 2) % NSLOT)
        drain_s(NG - 1, (NG - 1) % NSLOT)

    return emb_kernel


_emb = _make_kernel()


def kernel(x, weight):
    out = _emb(x, weight)
    return out.reshape(BATCH, SEQ, EMBED_DIM)

# --- scband reference (transcript-rebuilt; emitter-appended) ---
"""Pipeline reference for scband-pretrained-embedding-45208825758277 (READ-ONLY COPY).

The authoritative reference and input builder live on the scoring server;
editing this copy changes nothing except your own understanding.
"""

import jax, jax.numpy as jnp
import numpy as np

VOCAB_SIZE = 1000
EMBED_DIM = 128
BATCH = 4096
SEQ = 200
PADDING_IDX = 0


def setup_inputs(seed: int = 0) -> dict:
    key = jax.random.key(seed)
    k1, k2 = jax.random.split(key)
    x = jax.random.randint(k1, (BATCH, SEQ), 0, VOCAB_SIZE, dtype=jnp.int32)
    # Learned embedding table (nn.Embedding weight); padding row zeroed like torch padding_idx.
    weight = jax.random.normal(k2, (VOCAB_SIZE, EMBED_DIM), dtype=jnp.float32) * 0.01
    weight = weight.at[PADDING_IDX].set(0.0)
    return {"x": x, "weight": weight}


def reference(x, weight):
    # PretrainedEmbedding.forward: self.embedding(x) -> gather rows of weight.
    return jnp.take(weight, x, axis=0)

if __name__ == "__main__":
    import jax
    _d = setup_inputs()
    print(jax.jit(kernel)(*tuple(_d.values())))

</pallas_src>

<mosaic_0001>
#map = affine_map<(d0, d1) -> (0, 0)>
module attributes {stable_mosaic.version = 14 : i64} {
  func.func @emb_kernel(%arg0: i32, %arg1: i32, %arg2: memref<4096x200xi32, #tpu.memory_space<hbm>>, %arg3: memref<1000x128xf32, #tpu.memory_space<hbm>>, %arg4: memref<819200x128xf32, #tpu.memory_space<hbm>>, %arg5: memref<2x32x200xi32, #tpu.memory_space<vmem>>, %arg6: memref<4x200x128xf32, #tpu.memory_space<vmem>>, %arg7: memref<1000x128xf32, #tpu.memory_space<vmem_shared>>, %arg8: memref<!tpu.dma_semaphore, #tpu.memory_space<semaphore_mem>>, %arg9: memref<!tpu.dma_semaphore, #tpu.memory_space<semaphore_mem>>, %arg10: memref<!tpu.dma_semaphore, #tpu.memory_space<semaphore_mem>>, %arg11: memref<!tpu.dma_semaphore, #tpu.memory_space<semaphore_mem>>, %arg12: memref<!tpu.dma_semaphore, #tpu.memory_space<semaphore_mem>>, %arg13: memref<!tpu.dma_semaphore, #tpu.memory_space<semaphore_mem>>, %arg14: memref<!tpu.dma_semaphore, #tpu.memory_space<semaphore_mem>>, %arg15: memref<!tpu.dma_semaphore, #tpu.memory_space<semaphore_mem>>, %arg16: memref<!tpu.dma_semaphore, #tpu.memory_space<semaphore_mem>>, %arg17: memref<!tpu.dma_semaphore, #tpu.memory_space<semaphore_mem>>) attributes {dimension_semantics = [#tpu.dimension_semantics<core_parallel>, #tpu.dimension_semantics<subcore_parallel>], iteration_bounds = array<i64: 2, 16>, scalar_prefetch = 0 : i64, scratch_operands = 13 : i64, tpu.core_type = #tpu.core_type<sc_vector_subcore>, window_params = [{transform_indices = #map}, {transform_indices = #map}, {transform_indices = #map}]} {
    %mul3A = arith.constant 2 : i32
    %mul3A_0 = arith.muli %arg1, %mul3A : i32
    %add3A = arith.addi %mul3A_0, %arg0 : i32
    %mul3A_1 = arith.constant 25600 : i32
    %mul3A_2 = arith.muli %add3A, %mul3A_1 : i32
    %mul3A_3 = arith.constant 128 : i32
    %mul3A_4 = arith.muli %add3A, %mul3A_3 : i32
    %add3A_5 = arith.constant 0 : i32
    %add3A_6 = arith.addi %mul3A_4, %add3A_5 : i32
    %dma_start3A = arith.constant 0 : i32
    %dma_start3A_7 = arith.constant 0 : i32
    %dma_start3A_8 = arith.constant 0 : i32
    %dma_start3A_9 = tpu.memref_slice %arg5[%dma_start3A, %dma_start3A_7, %dma_start3A_8] : memref<2x32x200xi32, #tpu.memory_space<vmem>> -> memref<1x32x200xi32, #tpu.memory_space<vmem>>
    %dma_start3A_10 = tpu.memref_squeeze %dma_start3A_9 : memref<1x32x200xi32, #tpu.memory_space<vmem>> -> memref<32x200xi32, #tpu.memory_space<vmem>>
    %dma_start3A_11 = arith.constant 0 : i32
    %dma_start3A_12 = tpu.memref_slice %arg2[%add3A_6, %dma_start3A_11] : memref<4096x200xi32, #tpu.memory_space<hbm>> -> memref<32x200xi32, #tpu.memory_space<hbm>>
    %dma_start3A_13 = arith.constant 0 : i32
    %dma_start3A_14 = arith.constant 0 : i32
    %dma_start3A_15 = tpu.memref_slice %arg5[%dma_start3A, %dma_start3A_13, %dma_start3A_14] : memref<2x32x200xi32, #tpu.memory_space<vmem>> -> memref<1x32x200xi32, #tpu.memory_space<vmem>>
    %dma_start3A_16 = tpu.memref_squeeze %dma_start3A_15 : memref<1x32x200xi32, #tpu.memory_space<vmem>> -> memref<32x200xi32, #tpu.memory_space<vmem>>
    %dma_start3A_17 = arith.constant 0 : i32
    %dma_start3A_18 = tpu.memref_slice %arg2[%add3A_6, %dma_start3A_17] : memref<4096x200xi32, #tpu.memory_space<hbm>> -> memref<32x200xi32, #tpu.memory_space<hbm>>
    tpu.enqueue_dma source(%dma_start3A_18 : memref<32x200xi32, #tpu.memory_space<hbm>>) target(%dma_start3A_16 : memref<32x200xi32, #tpu.memory_space<vmem>>) target_semaphore(%arg8 : memref<!tpu.dma_semaphore, #tpu.memory_space<semaphore_mem>>)
    %add3A_19 = arith.constant 32 : i32
    %add3A_20 = arith.addi %mul3A_4, %add3A_19 : i32
    %dma_start3A_21 = arith.constant 1 : i32
    %dma_start3A_22 = arith.constant 0 : i32
    %dma_start3A_23 = arith.constant 0 : i32
    %dma_start3A_24 = tpu.memref_slice %arg5[%dma_start3A_21, %dma_start3A_22, %dma_start3A_23] : memref<2x32x200xi32, #tpu.memory_space<vmem>> -> memref<1x32x200xi32, #tpu.memory_space<vmem>>
    %dma_start3A_25 = tpu.memref_squeeze %dma_start3A_24 : memref<1x32x200xi32, #tpu.memory_space<vmem>> -> memref<32x200xi32, #tpu.memory_space<vmem>>
    %dma_start3A_26 = arith.constant 0 : i32
    %dma_start3A_27 = tpu.memref_slice %arg2[%add3A_20, %dma_start3A_26] : memref<4096x200xi32, #tpu.memory_space<hbm>> -> memref<32x200xi32, #tpu.memory_space<hbm>>
    %dma_start3A_28 = arith.constant 0 : i32
    %dma_start3A_29 = arith.constant 0 : i32
    %dma_start3A_30 = tpu.memref_slice %arg5[%dma_start3A_21, %dma_start3A_28, %dma_start3A_29] : memref<2x32x200xi32, #tpu.memory_space<vmem>> -> memref<1x32x200xi32, #tpu.memory_space<vmem>>
    %dma_start3A_31 = tpu.memref_squeeze %dma_start3A_30 : memref<1x32x200xi32, #tpu.memory_space<vmem>> -> memref<32x200xi32, #tpu.memory_space<vmem>>
    %dma_start3A_32 = arith.constant 0 : i32
    %dma_start3A_33 = tpu.memref_slice %arg2[%add3A_20, %dma_start3A_32] : memref<4096x200xi32, #tpu.memory_space<hbm>> -> memref<32x200xi32, #tpu.memory_space<hbm>>
    tpu.enqueue_dma source(%dma_start3A_33 : memref<32x200xi32, #tpu.memory_space<hbm>>) target(%dma_start3A_31 : memref<32x200xi32, #tpu.memory_space<vmem>>) target_semaphore(%arg9 : memref<!tpu.dma_semaphore, #tpu.memory_space<semaphore_mem>>)
    %eq3A = arith.constant 0 : i32
    %eq3A_34 = arith.cmpi eq, %arg1, %eq3A : i32
    %convert_element_type3A = arith.extui %eq3A_34 : i1 to i32
    %cond3A = arith.constant 0 : i32
    %cond3A_35 = arith.cmpi ne, %convert_element_type3A, %cond3A : i32
    scf.if %cond3A_35 {
      "tpu.region"() ({
        %run_scoped3A = tpu.sem_alloc : memref<!tpu.dma_semaphore, #tpu.memory_space<semaphore_mem>>
        tpu.enqueue_dma source(%arg3 : memref<1000x128xf32, #tpu.memory_space<hbm>>) target(%arg7 : memref<1000x128xf32, #tpu.memory_space<vmem_shared>>) target_semaphore(%run_scoped3A : memref<!tpu.dma_semaphore, #tpu.memory_space<semaphore_mem>>)
        tpu.wait_dma2 semaphore(%run_scoped3A : memref<!tpu.dma_semaphore, #tpu.memory_space<semaphore_mem>>) src(%arg3 : memref<1000x128xf32, #tpu.memory_space<hbm>>) dst(%arg7 : memref<1000x128xf32, #tpu.memory_space<vmem_shared>>)
        tpu.yield
      }) : () -> ()
    } else {
    }
    %barrier3A = arith.constant 0 : index
    tpu.barrier barrier_id(%barrier3A)
    %add3A_36 = arith.constant 0 : i32
    %add3A_37 = arith.addi %mul3A_4, %add3A_36 : i32
    %dma_wait3A = arith.constant 0 : i32
    %dma_wait3A_38 = arith.constant 0 : i32
    %dma_wait3A_39 = arith.constant 0 : i32
    %dma_wait3A_40 = tpu.memref_slice %arg5[%dma_wait3A, %dma_wait3A_38, %dma_wait3A_39] : memref<2x32x200xi32, #tpu.memory_space<vmem>> -> memref<1x32x200xi32, #tpu.memory_space<vmem>>
    %dma_wait3A_41 = tpu.memref_squeeze %dma_wait3A_40 : memref<1x32x200xi32, #tpu.memory_space<vmem>> -> memref<32x200xi32, #tpu.memory_space<vmem>>
    %dma_wait3A_42 = arith.constant 0 : i32
    %dma_wait3A_43 = tpu.memref_slice %arg2[%add3A_37, %dma_wait3A_42] : memref<4096x200xi32, #tpu.memory_space<hbm>> -> memref<32x200xi32, #tpu.memory_space<hbm>>
    %dma_wait3A_44 = arith.constant 0 : i32
    %dma_wait3A_45 = arith.constant 0 : i32
    %dma_wait3A_46 = tpu.memref_slice %arg5[%dma_wait3A, %dma_wait3A_44, %dma_wait3A_45] : memref<2x32x200xi32, #tpu.memory_space<vmem>> -> memref<1x32x200xi32, #tpu.memory_space<vmem>>
    %dma_wait3A_47 = tpu.memref_squeeze %dma_wait3A_46 : memref<1x32x200xi32, #tpu.memory_space<vmem>> -> memref<32x200xi32, #tpu.memory_space<vmem>>
    %dma_wait3A_48 = arith.constant 0 : i32
    %dma_wait3A_49 = tpu.memref_slice %arg2[%add3A_37, %dma_wait3A_48] : memref<4096x200xi32, #tpu.memory_space<hbm>> -> memref<32x200xi32, #tpu.memory_space<hbm>>
    tpu.wait_dma2 semaphore(%arg8 : memref<!tpu.dma_semaphore, #tpu.memory_space<semaphore_mem>>) src(%dma_wait3A_49 : memref<32x200xi32, #tpu.memory_space<hbm>>) dst(%dma_wait3A_47 : memref<32x200xi32, #tpu.memory_space<vmem>>)
    %dma_start3A_50 = arith.constant 0 : i32
    %dma_start3A_51 = arith.constant 0 : i32
    %dma_start3A_52 = arith.constant 0 : i32
    %dma_start3A_53 = arith.constant 0 : i32
    %dma_start3A_54 = arith.constant 0 : i32
    %dma_start3A_55 = tpu.memref_slice %arg6[%dma_start3A_52, %dma_start3A_53, %dma_start3A_54] : memref<4x200x128xf32, #tpu.memory_space<vmem>> -> memref<1x128x128xf32, #tpu.memory_space<vmem>>
    %dma_start3A_56 = tpu.memref_squeeze %dma_start3A_55 : memref<1x128x128xf32, #tpu.memory_space<vmem>> -> memref<128x128xf32, #tpu.memory_space<vmem>>
    %dma_start3A_57 = arith.constant 0 : i32
    %dma_start3A_58 = tpu.memref_slice %arg5[%dma_start3A_50, %dma_start3A_51, %dma_start3A_57] : memref<2x32x200xi32, #tpu.memory_space<vmem>> -> memref<1x1x128xi32, #tpu.memory_space<vmem>>
    %dma_start3A_59 = tpu.memref_squeeze %dma_start3A_58 : memref<1x1x128xi32, #tpu.memory_space<vmem>> -> memref<128xi32, #tpu.memory_space<vmem>>
    %dma_start3A_60 = arith.constant 0 : i32
    %dma_start3A_61 = arith.constant 0 : i32
    %dma_start3A_62 = tpu.memref_slice %arg7[%dma_start3A_60, %dma_start3A_61] : memref<1000x128xf32, #tpu.memory_space<vmem_shared>> -> memref<1000x128xf32, #tpu.memory_space<vmem_shared>>
    tpu.enqueue_indirect_dma source(%dma_start3A_62 : memref<1000x128xf32, #tpu.memory_space<vmem_shared>>) target(%dma_start3A_56 : memref<128x128xf32, #tpu.memory_space<vmem>>) offsets(%dma_start3A_59 : memref<128xi32, #tpu.memory_space<vmem>>) semaphore(%arg10 : memref<!tpu.dma_semaphore, #tpu.memory_space<semaphore_mem>>)
    %dma_start3A_63 = arith.constant 0 : i32
    %dma_start3A_64 = arith.constant 0 : i32
    %dma_start3A_65 = arith.constant 0 : i32
    %dma_start3A_66 = arith.constant 128 : i32
    %dma_start3A_67 = arith.constant 0 : i32
    %dma_start3A_68 = tpu.memref_slice %arg6[%dma_start3A_65, %dma_start3A_66, %dma_start3A_67] : memref<4x200x128xf32, #tpu.memory_space<vmem>> -> memref<1x72x128xf32, #tpu.memory_space<vmem>>
    %dma_start3A_69 = tpu.memref_squeeze %dma_start3A_68 : memref<1x72x128xf32, #tpu.memory_space<vmem>> -> memref<72x128xf32, #tpu.memory_space<vmem>>
    %dma_start3A_70 = arith.constant 128 : i32
    %dma_start3A_71 = tpu.memref_slice %arg5[%dma_start3A_63, %dma_start3A_64, %dma_start3A_70] : memref<2x32x200xi32, #tpu.memory_space<vmem>> -> memref<1x1x72xi32, #tpu.memory_space<vmem>>
    %dma_start3A_72 = tpu.memref_squeeze %dma_start3A_71 : memref<1x1x72xi32, #tpu.memory_space<vmem>> -> memref<72xi32, #tpu.memory_space<vmem>>
    %dma_start3A_73 = arith.constant 0 : i32
    %dma_start3A_74 = arith.constant 0 : i32
    %dma_start3A_75 = tpu.memref_slice %arg7[%dma_start3A_73, %dma_start3A_74] : memref<1000x128xf32, #tpu.memory_space<vmem_shared>> -> memref<1000x128xf32, #tpu.memory_space<vmem_shared>>
    tpu.enqueue_indirect_dma source(%dma_start3A_75 : memref<1000x128xf32, #tpu.memory_space<vmem_shared>>) target(%dma_start3A_69 : memref<72x128xf32, #tpu.memory_space<vmem>>) offsets(%dma_start3A_72 : memref<72xi32, #tpu.memory_space<vmem>>) semaphore(%arg10 : memref<!tpu.dma_semaphore, #tpu.memory_space<semaphore_mem>>)
    %dma_start3A_76 = arith.constant 0 : i32
    %dma_start3A_77 = arith.constant 1 : i32
    %dma_start3A_78 = arith.constant 1 : i32
    %dma_start3A_79 = arith.constant 0 : i32
    %dma_start3A_80 = arith.constant 0 : i32
    %dma_start3A_81 = tpu.memref_slice %arg6[%dma_start3A_78, %dma_start3A_79, %dma_start3A_80] : memref<4x200x128xf32, #tpu.memory_space<vmem>> -> memref<1x128x128xf32, #tpu.memory_space<vmem>>
    %dma_start3A_82 = tpu.memref_squeeze %dma_start3A_81 : memref<1x128x128xf32, #tpu.memory_space<vmem>> -> memref<128x128xf32, #tpu.memory_space<vmem>>
    %dma_start3A_83 = arith.constant 0 : i32
    %dma_start3A_84 = tpu.memref_slice %arg5[%dma_start3A_76, %dma_start3A_77, %dma_start3A_83] : memref<2x32x200xi32, #tpu.memory_space<vmem>> -> memref<1x1x128xi32, #tpu.memory_space<vmem>>
    %dma_start3A_85 = tpu.memref_squeeze %dma_start3A_84 : memref<1x1x128xi32, #tpu.memory_space<vmem>> -> memref<128xi32, #tpu.memory_space<vmem>>
    %dma_start3A_86 = arith.constant 0 : i32
    %dma_start3A_87 = arith.constant 0 : i32
    %dma_start3A_88 = tpu.memref_slice %arg7[%dma_start3A_86, %dma_start3A_87] : memref<1000x128xf32, #tpu.memory_space<vmem_shared>> -> memref<1000x128xf32, #tpu.memory_space<vmem_shared>>
    tpu.enqueue_indirect_dma source(%dma_start3A_88 : memref<1000x128xf32, #tpu.memory_space<vmem_shared>>) target(%dma_start3A_82 : memref<128x128xf32, #tpu.memory_space<vmem>>) offsets(%dma_start3A_85 : memref<128xi32, #tpu.memory_space<vmem>>) semaphore(%arg11 : memref<!tpu.dma_semaphore, #tpu.memory_space<semaphore_mem>>)
    %dma_start3A_89 = arith.constant 0 : i32
    %dma_start3A_90 = arith.constant 1 : i32
    %dma_start3A_91 = arith.constant 1 : i32
    %dma_start3A_92 = arith.constant 128 : i32
    %dma_start3A_93 = arith.constant 0 : i32
    %dma_start3A_94 = tpu.memref_slice %arg6[%dma_start3A_91, %dma_start3A_92, %dma_start3A_93] : memref<4x200x128xf32, #tpu.memory_space<vmem>> -> memref<1x72x128xf32, #tpu.memory_space<vmem>>
    %dma_start3A_95 = tpu.memref_squeeze %dma_start3A_94 : memref<1x72x128xf32, #tpu.memory_space<vmem>> -> memref<72x128xf32, #tpu.memory_space<vmem>>
    %dma_start3A_96 = arith.constant 128 : i32
    %dma_start3A_97 = tpu.memref_slice %arg5[%dma_start3A_89, %dma_start3A_90, %dma_start3A_96] : memref<2x32x200xi32, #tpu.memory_space<vmem>> -> memref<1x1x72xi32, #tpu.memory_space<vmem>>
    %dma_start3A_98 = tpu.memref_squeeze %dma_start3A_97 : memref<1x1x72xi32, #tpu.memory_space<vmem>> -> memref<72xi32, #tpu.memory_space<vmem>>
    %dma_start3A_99 = arith.constant 0 : i32
    %dma_start3A_100 = arith.constant 0 : i32
    %dma_start3A_101 = tpu.memref_slice %arg7[%dma_start3A_99, %dma_start3A_100] : memref<1000x128xf32, #tpu.memory_space<vmem_shared>> -> memref<1000x128xf32, #tpu.memory_space<vmem_shared>>
    tpu.enqueue_indirect_dma source(%dma_start3A_101 : memref<1000x128xf32, #tpu.memory_space<vmem_shared>>) target(%dma_start3A_95 : memref<72x128xf32, #tpu.memory_space<vmem>>) offsets(%dma_start3A_98 : memref<72xi32, #tpu.memory_space<vmem>>) semaphore(%arg11 : memref<!tpu.dma_semaphore, #tpu.memory_space<semaphore_mem>>)
    %dma_wait3A_102 = arith.constant 0 : i32
    %dma_wait3A_103 = arith.constant 0 : i32
    %dma_wait3A_104 = arith.constant 0 : i32
    %dma_wait3A_105 = arith.constant 0 : i32
    %dma_wait3A_106 = arith.constant 0 : i32
    %dma_wait3A_107 = tpu.memref_slice %arg6[%dma_wait3A_104, %dma_wait3A_105, %dma_wait3A_106] : memref<4x200x128xf32, #tpu.memory_space<vmem>> -> memref<1x128x128xf32, #tpu.memory_space<vmem>>
    %dma_wait3A_108 = tpu.memref_squeeze %dma_wait3A_107 : memref<1x128x128xf32, #tpu.memory_space<vmem>> -> memref<128x128xf32, #tpu.memory_space<vmem>>
    %dma_wait3A_109 = arith.constant 0 : i32
    %dma_wait3A_110 = tpu.memref_slice %arg5[%dma_wait3A_102, %dma_wait3A_103, %dma_wait3A_109] : memref<2x32x200xi32, #tpu.memory_space<vmem>> -> memref<1x1x128xi32, #tpu.memory_space<vmem>>
    %dma_wait3A_111 = tpu.memref_squeeze %dma_wait3A_110 : memref<1x1x128xi32, #tpu.memory_space<vmem>> -> memref<128xi32, #tpu.memory_space<vmem>>
    %dma_wait3A_112 = arith.constant 0 : i32
    %dma_wait3A_113 = arith.constant 0 : i32
    %dma_wait3A_114 = tpu.memref_slice %arg7[%dma_wait3A_112, %dma_wait3A_113] : memref<1000x128xf32, #tpu.memory_space<vmem_shared>> -> memref<1000x128xf32, #tpu.memory_space<vmem_shared>>
    tpu.wait_indirect_dma semaphore(%arg10 : memref<!tpu.dma_semaphore, #tpu.memory_space<semaphore_mem>>) src(%dma_wait3A_114 : memref<1000x128xf32, #tpu.memory_space<vmem_shared>>) dst(%dma_wait3A_108 : memref<128x128xf32, #tpu.memory_space<vmem>>)
    %dma_wait3A_115 = arith.constant 0 : i32
    %dma_wait3A_116 = arith.constant 0 : i32
    %dma_wait3A_117 = arith.constant 0 : i32
    %dma_wait3A_118 = arith.constant 128 : i32
    %dma_wait3A_119 = arith.constant 0 : i32
    %dma_wait3A_120 = tpu.memref_slice %arg6[%dma_wait3A_117, %dma_wait3A_118, %dma_wait3A_119] : memref<4x200x128xf32, #tpu.memory_space<vmem>> -> memref<1x72x128xf32, #tpu.memory_space<vmem>>
    %dma_wait3A_121 = tpu.memref_squeeze %dma_wait3A_120 : memref<1x72x128xf32, #tpu.memory_space<vmem>> -> memref<72x128xf32, #tpu.memory_space<vmem>>
    %dma_wait3A_122 = arith.constant 128 : i32
    %dma_wait3A_123 = tpu.memref_slice %arg5[%dma_wait3A_115, %dma_wait3A_116, %dma_wait3A_122] : memref<2x32x200xi32, #tpu.memory_space<vmem>> -> memref<1x1x72xi32, #tpu.memory_space<vmem>>
    %dma_wait3A_124 = tpu.memref_squeeze %dma_wait3A_123 : memref<1x1x72xi32, #tpu.memory_space<vmem>> -> memref<72xi32, #tpu.memory_space<vmem>>
    %dma_wait3A_125 = arith.constant 0 : i32
    %dma_wait3A_126 = arith.constant 0 : i32
    %dma_wait3A_127 = tpu.memref_slice %arg7[%dma_wait3A_125, %dma_wait3A_126] : memref<1000x128xf32, #tpu.memory_space<vmem_shared>> -> memref<1000x128xf32, #tpu.memory_space<vmem_shared>>
    tpu.wait_indirect_dma semaphore(%arg10 : memref<!tpu.dma_semaphore, #tpu.memory_space<semaphore_mem>>) src(%dma_wait3A_127 : memref<1000x128xf32, #tpu.memory_space<vmem_shared>>) dst(%dma_wait3A_121 : memref<72x128xf32, #tpu.memory_space<vmem>>)
    %add3A_128 = arith.constant 0 : i32
    %add3A_129 = arith.addi %mul3A_2, %add3A_128 : i32
    %dma_start3A_130 = arith.constant 0 : i32
    %dma_start3A_131 = arith.constant 0 : i32
    %dma_start3A_132 = arith.constant 0 : i32
    %dma_start3A_133 = tpu.memref_slice %arg6[%dma_start3A_130, %dma_start3A_131, %dma_start3A_132] : memref<4x200x128xf32, #tpu.memory_space<vmem>> -> memref<1x200x128xf32, #tpu.memory_space<vmem>>
    %dma_start3A_134 = tpu.memref_squeeze %dma_start3A_133 : memref<1x200x128xf32, #tpu.memory_space<vmem>> -> memref<200x128xf32, #tpu.memory_space<vmem>>
    %dma_start3A_135 = arith.constant 0 : i32
    %dma_start3A_136 = tpu.memref_slice %arg4[%add3A_129, %dma_start3A_135] : memref<819200x128xf32, #tpu.memory_space<hbm>> -> memref<200x128xf32, #tpu.memory_space<hbm>>
    %dma_start3A_137 = arith.constant 0 : i32
    %dma_start3A_138 = tpu.memref_slice %arg4[%add3A_129, %dma_start3A_137] : memref<819200x128xf32, #tpu.memory_space<hbm>> -> memref<200x128xf32, #tpu.memory_space<hbm>>
    %dma_start3A_139 = arith.constant 0 : i32
    %dma_start3A_140 = arith.constant 0 : i32
    %dma_start3A_141 = tpu.memref_slice %arg6[%dma_start3A_130, %dma_start3A_139, %dma_start3A_140] : memref<4x200x128xf32, #tpu.memory_space<vmem>> -> memref<1x200x128xf32, #tpu.memory_space<vmem>>
    %dma_start3A_142 = tpu.memref_squeeze %dma_start3A_141 : memref<1x200x128xf32, #tpu.memory_space<vmem>> -> memref<200x128xf32, #tpu.memory_space<vmem>>
    tpu.enqueue_dma source(%dma_start3A_142 : memref<200x128xf32, #tpu.memory_space<vmem>>) target(%dma_start3A_138 : memref<200x128xf32, #tpu.memory_space<hbm>>) target_semaphore(%arg14 : memref<!tpu.dma_semaphore, #tpu.memory_space<semaphore_mem>>)
    %dma_start3A_143 = arith.constant 0 : i32
    %dma_start3A_144 = arith.constant 2 : i32
    %dma_start3A_145 = arith.constant 2 : i32
    %dma_start3A_146 = arith.constant 0 : i32
    %dma_start3A_147 = arith.constant 0 : i32
    %dma_start3A_148 = tpu.memref_slice %arg6[%dma_start3A_145, %dma_start3A_146, %dma_start3A_147] : memref<4x200x128xf32, #tpu.memory_space<vmem>> -> memref<1x128x128xf32, #tpu.memory_space<vmem>>
    %dma_start3A_149 = tpu.memref_squeeze %dma_start3A_148 : memref<1x128x128xf32, #tpu.memory_space<vmem>> -> memref<128x128xf32, #tpu.memory_space<vmem>>
    %dma_start3A_150 = arith.constant 0 : i32
    %dma_start3A_151 = tpu.memref_slice %arg5[%dma_start3A_143, %dma_start3A_144, %dma_start3A_150] : memref<2x32x200xi32, #tpu.memory_space<vmem>> -> memref<1x1x128xi32, #tpu.memory_space<vmem>>
    %dma_start3A_152 = tpu.memref_squeeze %dma_start3A_151 : memref<1x1x128xi32, #tpu.memory_space<vmem>> -> memref<128xi32, #tpu.memory_space<vmem>>
    %dma_start3A_153 = arith.constant 0 : i32
    %dma_start3A_154 = arith.constant 0 : i32
    %dma_start3A_155 = tpu.memref_slice %arg7[%dma_start3A_153, %dma_start3A_154] : memref<1000x128xf32, #tpu.memory_space<vmem_shared>> -> memref<1000x128xf32, #tpu.memory_space<vmem_shared>>
    tpu.enqueue_indirect_dma source(%dma_start3A_155 : memref<1000x128xf32, #tpu.memory_space<vmem_shared>>) target(%dma_start3A_149 : memref<128x128xf32, #tpu.memory_space<vmem>>) offsets(%dma_start3A_152 : memref<128xi32, #tpu.memory_space<vmem>>) semaphore(%arg12 : memref<!tpu.dma_semaphore, #tpu.memory_space<semaphore_mem>>)
    %dma_start3A_156 = arith.constant 0 : i32
    %dma_start3A_157 = arith.constant 2 : i32
    %dma_start3A_158 = arith.constant 2 : i32
    %dma_start3A_159 = arith.constant 128 : i32
    %dma_start3A_160 = arith.constant 0 : i32
    %dma_start3A_161 = tpu.memref_slice %arg6[%dma_start3A_158, %dma_start3A_159, %dma_start3A_160] : memref<4x200x128xf32, #tpu.memory_space<vmem>> -> memref<1x72x128xf32, #tpu.memory_space<vmem>>
    %dma_start3A_162 = tpu.memref_squeeze %dma_start3A_161 : memref<1x72x128xf32, #tpu.memory_space<vmem>> -> memref<72x128xf32, #tpu.memory_space<vmem>>
    %dma_start3A_163 = arith.constant 128 : i32
    %dma_start3A_164 = tpu.memref_slice %arg5[%dma_start3A_156, %dma_start3A_157, %dma_start3A_163] : memref<2x32x200xi32, #tpu.memory_space<vmem>> -> memref<1x1x72xi32, #tpu.memory_space<vmem>>
    %dma_start3A_165 = tpu.memref_squeeze %dma_start3A_164 : memref<1x1x72xi32, #tpu.memory_space<vmem>> -> memref<72xi32, #tpu.memory_space<vmem>>
    %dma_start3A_166 = arith.constant 0 : i32
    %dma_start3A_167 = arith.constant 0 : i32
    %dma_start3A_168 = tpu.memref_slice %arg7[%dma_start3A_166, %dma_start3A_167] : memref<1000x128xf32, #tpu.memory_space<vmem_shared>> -> memref<1000x128xf32, #tpu.memory_space<vmem_shared>>
    tpu.enqueue_indirect_dma source(%dma_start3A_168 : memref<1000x128xf32, #tpu.memory_space<vmem_shared>>) target(%dma_start3A_162 : memref<72x128xf32, #tpu.memory_space<vmem>>) offsets(%dma_start3A_165 : memref<72xi32, #tpu.memory_space<vmem>>) semaphore(%arg12 : memref<!tpu.dma_semaphore, #tpu.memory_space<semaphore_mem>>)
    %dma_wait3A_169 = arith.constant 0 : i32
    %dma_wait3A_170 = arith.constant 1 : i32
    %dma_wait3A_171 = arith.constant 1 : i32
    %dma_wait3A_172 = arith.constant 0 : i32
    %dma_wait3A_173 = arith.constant 0 : i32
    %dma_wait3A_174 = tpu.memref_slice %arg6[%dma_wait3A_171, %dma_wait3A_172, %dma_wait3A_173] : memref<4x200x128xf32, #tpu.memory_space<vmem>> -> memref<1x128x128xf32, #tpu.memory_space<vmem>>
    %dma_wait3A_175 = tpu.memref_squeeze %dma_wait3A_174 : memref<1x128x128xf32, #tpu.memory_space<vmem>> -> memref<128x128xf32, #tpu.memory_space<vmem>>
    %dma_wait3A_176 = arith.constant 0 : i32
    %dma_wait3A_177 = tpu.memref_slice %arg5[%dma_wait3A_169, %dma_wait3A_170, %dma_wait3A_176] : memref<2x32x200xi32, #tpu.memory_space<vmem>> -> memref<1x1x128xi32, #tpu.memory_space<vmem>>
    %dma_wait3A_178 = tpu.memref_squeeze %dma_wait3A_177 : memref<1x1x128xi32, #tpu.memory_space<vmem>> -> memref<128xi32, #tpu.memory_space<vmem>>
    %dma_wait3A_179 = arith.constant 0 : i32
    %dma_wait3A_180 = arith.constant 0 : i32
    %dma_wait3A_181 = tpu.memref_slice %arg7[%dma_wait3A_179, %dma_wait3A_180] : memref<1000x128xf32, #tpu.memory_space<vmem_shared>> -> memref<1000x128xf32, #tpu.memory_space<vmem_shared>>
    tpu.wait_indirect_dma semaphore(%arg11 : memref<!tpu.dma_semaphore, #tpu.memory_space<semaphore_mem>>) src(%dma_wait3A_181 : memref<1000x128xf32, #tpu.memory_space<vmem_shared>>) dst(%dma_wait3A_175 : memref<128x128xf32, #tpu.memory_space<vmem>>)
    %dma_wait3A_182 = arith.constant 0 : i32
    %dma_wait3A_183 = arith.constant 1 : i32
    %dma_wait3A_184 = arith.constant 1 : i32
    %dma_wait3A_185 = arith.constant 128 : i32
    %dma_wait3A_186 = arith.constant 0 : i32
    %dma_wait3A_187 = tpu.memref_slice %arg6[%dma_wait3A_184, %dma_wait3A_185, %dma_wait3A_186] : memref<4x200x128xf32, #tpu.memory_space<vmem>> -> memref<1x72x128xf32, #tpu.memory_space<vmem>>
    %dma_wait3A_188 = tpu.memref_squeeze %dma_wait3A_187 : memref<1x72x128xf32, #tpu.memory_space<vmem>> -> memref<72x128xf32, #tpu.memory_space<vmem>>
    %dma_wait3A_189 = arith.constant 128 : i32
    %dma_wait3A_190 = tpu.memref_slice %arg5[%dma_wait3A_182, %dma_wait3A_183, %dma_wait3A_189] : memref<2x32x200xi32, #tpu.memory_space<vmem>> -> memref<1x1x72xi32, #tpu.memory_space<vmem>>
    %dma_wait3A_191 = tpu.memref_squeeze %dma_wait3A_190 : memref<1x1x72xi32, #tpu.memory_space<vmem>> -> memref<72xi32, #tpu.memory_space<vmem>>
    %dma_wait3A_192 = arith.constant 0 : i32
    %dma_wait3A_193 = arith.constant 0 : i32
    %dma_wait3A_194 = tpu.memref_slice %arg7[%dma_wait3A_192, %dma_wait3A_193] : memref<1000x128xf32, #tpu.memory_space<vmem_shared>> -> memref<1000x128xf32, #tpu.memory_space<vmem_shared>>
    tpu.wait_indirect_dma semaphore(%arg11 : memref<!tpu.dma_semaphore, #tpu.memory_space<semaphore_mem>>) src(%dma_wait3A_194 : memref<1000x128xf32, #tpu.memory_space<vmem_shared>>) dst(%dma_wait3A_188 : memref<72x128xf32, #tpu.memory_space<vmem>>)
    %add3A_195 = arith.constant 200 : i32
    %add3A_196 = arith.addi %mul3A_2, %add3A_195 : i32
    %dma_start3A_197 = arith.constant 1 : i32
    %dma_start3A_198 = arith.constant 0 : i32
    %dma_start3A_199 = arith.constant 0 : i32
    %dma_start3A_200 = tpu.memref_slice %arg6[%dma_start3A_197, %dma_start3A_198, %dma_start3A_199] : memref<4x200x128xf32, #tpu.memory_space<vmem>> -> memref<1x200x128xf32, #tpu.memory_space<vmem>>
    %dma_start3A_201 = tpu.memref_squeeze %dma_start3A_200 : memref<1x200x128xf32, #tpu.memory_space<vmem>> -> memref<200x128xf32, #tpu.memory_space<vmem>>
    %dma_start3A_202 = arith.constant 0 : i32
    %dma_start3A_203 = tpu.memref_slice %arg4[%add3A_196, %dma_start3A_202] : memref<819200x128xf32, #tpu.memory_space<hbm>> -> memref<200x128xf32, #tpu.memory_space<hbm>>
    %dma_start3A_204 = arith.constant 0 : i32
    %dma_start3A_205 = tpu.memref_slice %arg4[%add3A_196, %dma_start3A_204] : memref<819200x128xf32, #tpu.memory_space<hbm>> -> memref<200x128xf32, #tpu.memory_space<hbm>>
    %dma_start3A_206 = arith.constant 0 : i32
    %dma_start3A_207 = arith.constant 0 : i32
    %dma_start3A_208 = tpu.memref_slice %arg6[%dma_start3A_197, %dma_start3A_206, %dma_start3A_207] : memref<4x200x128xf32, #tpu.memory_space<vmem>> -> memref<1x200x128xf32, #tpu.memory_space<vmem>>
    %dma_start3A_209 = tpu.memref_squeeze %dma_start3A_208 : memref<1x200x128xf32, #tpu.memory_space<vmem>> -> memref<200x128xf32, #tpu.memory_space<vmem>>
    tpu.enqueue_dma source(%dma_start3A_209 : memref<200x128xf32, #tpu.memory_space<vmem>>) target(%dma_start3A_205 : memref<200x128xf32, #tpu.memory_space<hbm>>) target_semaphore(%arg15 : memref<!tpu.dma_semaphore, #tpu.memory_space<semaphore_mem>>)
    %dma_start3A_210 = arith.constant 0 : i32
    %dma_start3A_211 = arith.constant 3 : i32
    %dma_start3A_212 = arith.constant 3 : i32
    %dma_start3A_213 = arith.constant 0 : i32
    %dma_start3A_214 = arith.constant 0 : i32
    %dma_start3A_215 = tpu.memref_slice %arg6[%dma_start3A_212, %dma_start3A_213, %dma_start3A_214] : memref<4x200x128xf32, #tpu.memory_space<vmem>> -> memref<1x128x128xf32, #tpu.memory_space<vmem>>
    %dma_start3A_216 = tpu.memref_squeeze %dma_start3A_215 : memref<1x128x128xf32, #tpu.memory_space<vmem>> -> memref<128x128xf32, #tpu.memory_space<vmem>>
    %dma_start3A_217 = arith.constant 0 : i32
    %dma_start3A_218 = tpu.memref_slice %arg5[%dma_start3A_210, %dma_start3A_211, %dma_start3A_217] : memref<2x32x200xi32, #tpu.memory_space<vmem>> -> memref<1x1x128xi32, #tpu.memory_space<vmem>>
    %dma_start3A_219 = tpu.memref_squeeze %dma_start3A_218 : memref<1x1x128xi32, #tpu.memory_space<vmem>> -> memref<128xi32, #tpu.memory_space<vmem>>
    %dma_start3A_220 = arith.constant 0 : i32
    %dma_start3A_221 = arith.constant 0 : i32
    %dma_start3A_222 = tpu.memref_slice %arg7[%dma_start3A_220, %dma_start3A_221] : memref<1000x128xf32, #tpu.memory_space<vmem_shared>> -> memref<1000x128xf32, #tpu.memory_space<vmem_shared>>
    tpu.enqueue_indirect_dma source(%dma_start3A_222 : memref<1000x128xf32, #tpu.memory_space<vmem_shared>>) target(%dma_start3A_216 : memref<128x128xf32, #tpu.memory_space<vmem>>) offsets(%dma_start3A_219 : memref<128xi32, #tpu.memory_space<vmem>>) semaphore(%arg13 : memref<!tpu.dma_semaphore, #tpu.memory_space<semaphore_mem>>)
    %dma_start3A_223 = arith.constant 0 : i32
    %dma_start3A_224 = arith.constant 3 : i32
    %dma_start3A_225 = arith.constant 3 : i32
    %dma_start3A_226 = arith.constant 128 : i32
    %dma_start3A_227 = arith.constant 0 : i32
    %dma_start3A_228 = tpu.memref_slice %arg6[%dma_start3A_225, %dma_start3A_226, %dma_start3A_227] : memref<4x200x128xf32, #tpu.memory_space<vmem>> -> memref<1x72x128xf32, #tpu.memory_space<vmem>>
    %dma_start3A_229 = tpu.memref_squeeze %dma_start3A_228 : memref<1x72x128xf32, #tpu.memory_space<vmem>> -> memref<72x128xf32, #tpu.memory_space<vmem>>
    %dma_start3A_230 = arith.constant 128 : i32
    %dma_start3A_231 = tpu.memref_slice %arg5[%dma_start3A_223, %dma_start3A_224, %dma_start3A_230] : memref<2x32x200xi32, #tpu.memory_space<vmem>> -> memref<1x1x72xi32, #tpu.memory_space<vmem>>
    %dma_start3A_232 = tpu.memref_squeeze %dma_start3A_231 : memref<1x1x72xi32, #tpu.memory_space<vmem>> -> memref<72xi32, #tpu.memory_space<vmem>>
    %dma_start3A_233 = arith.constant 0 : i32
    %dma_start3A_234 = arith.constant 0 : i32
    %dma_start3A_235 = tpu.memref_slice %arg7[%dma_start3A_233, %dma_start3A_234] : memref<1000x128xf32, #tpu.memory_space<vmem_shared>> -> memref<1000x128xf32, #tpu.memory_space<vmem_shared>>
    tpu.enqueue_indirect_dma source(%dma_start3A_235 : memref<1000x128xf32, #tpu.memory_space<vmem_shared>>) target(%dma_start3A_229 : memref<72x128xf32, #tpu.memory_space<vmem>>) offsets(%dma_start3A_232 : memref<72xi32, #tpu.memory_space<vmem>>) semaphore(%arg13 : memref<!tpu.dma_semaphore, #tpu.memory_space<semaphore_mem>>)
    %dma_wait3A_236 = arith.constant 0 : i32
    %dma_wait3A_237 = arith.constant 2 : i32
    %dma_wait3A_238 = arith.constant 2 : i32
    %dma_wait3A_239 = arith.constant 0 : i32
    %dma_wait3A_240 = arith.constant 0 : i32
    %dma_wait3A_241 = tpu.memref_slice %arg6[%dma_wait3A_238, %dma_wait3A_239, %dma_wait3A_240] : memref<4x200x128xf32, #tpu.memory_space<vmem>> -> memref<1x128x128xf32, #tpu.memory_space<vmem>>
    %dma_wait3A_242 = tpu.memref_squeeze %dma_wait3A_241 : memref<1x128x128xf32, #tpu.memory_space<vmem>> -> memref<128x128xf32, #tpu.memory_space<vmem>>
    %dma_wait3A_243 = arith.constant 0 : i32
    %dma_wait3A_244 = tpu.memref_slice %arg5[%dma_wait3A_236, %dma_wait3A_237, %dma_wait3A_243] : memref<2x32x200xi32, #tpu.memory_space<vmem>> -> memref<1x1x128xi32, #tpu.memory_space<vmem>>
    %dma_wait3A_245 = tpu.memref_squeeze %dma_wait3A_244 : memref<1x1x128xi32, #tpu.memory_space<vmem>> -> memref<128xi32, #tpu.memory_space<vmem>>
    %dma_wait3A_246 = arith.constant 0 : i32
    %dma_wait3A_247 = arith.constant 0 : i32
    %dma_wait3A_248 = tpu.memref_slice %arg7[%dma_wait3A_246, %dma_wait3A_247] : memref<1000x128xf32, #tpu.memory_space<vmem_shared>> -> memref<1000x128xf32, #tpu.memory_space<vmem_shared>>
    tpu.wait_indirect_dma semaphore(%arg12 : memref<!tpu.dma_semaphore, #tpu.memory_space<semaphore_mem>>) src(%dma_wait3A_248 : memref<1000x128xf32, #tpu.memory_space<vmem_shared>>) dst(%dma_wait3A_242 : memref<128x128xf32, #tpu.memory_space<vmem>>)
    %dma_wait3A_249 = arith.constant 0 : i32
    %dma_wait3A_250 = arith.constant 2 : i32
    %dma_wait3A_251 = arith.constant 2 : i32
    %dma_wait3A_252 = arith.constant 128 : i32
    %dma_wait3A_253 = arith.constant 0 : i32
    %dma_wait3A_254 = tpu.memref_slice %arg6[%dma_wait3A_251, %dma_wait3A_252, %dma_wait3A_253] : memref<4x200x128xf32, #tpu.memory_space<vmem>> -> memref<1x72x128xf32, #tpu.memory_space<vmem>>
    %dma_wait3A_255 = tpu.memref_squeeze %dma_wait3A_254 : memref<1x72x128xf32, #tpu.memory_space<vmem>> -> memref<72x128xf32, #tpu.memory_space<vmem>>
    %dma_wait3A_256 = arith.constant 128 : i32
    %dma_wait3A_257 = tpu.memref_slice %arg5[%dma_wait3A_249, %dma_wait3A_250, %dma_wait3A_256] : memref<2x32x200xi32, #tpu.memory_space<vmem>> -> memref<1x1x72xi32, #tpu.memory_space<vmem>>
    %dma_wait3A_258 = tpu.memref_squeeze %dma_wait3A_257 : memref<1x1x72xi32, #tpu.memory_space<vmem>> -> memref<72xi32, #tpu.memory_space<vmem>>
    %dma_wait3A_259 = arith.constant 0 : i32
    %dma_wait3A_260 = arith.constant 0 : i32
    %dma_wait3A_261 = tpu.memref_slice %arg7[%dma_wait3A_259, %dma_wait3A_260] : memref<1000x128xf32, #tpu.memory_space<vmem_shared>> -> memref<1000x128xf32, #tpu.memory_space<vmem_shared>>
    tpu.wait_indirect_dma semaphore(%arg12 : memref<!tpu.dma_semaphore, #tpu.memory_space<semaphore_mem>>) src(%dma_wait3A_261 : memref<1000x128xf32, #tpu.memory_space<vmem_shared>>) dst(%dma_wait3A_255 : memref<72x128xf32, #tpu.memory_space<vmem>>)
    %add3A_262 = arith.constant 400 : i32
    %add3A_263 = arith.addi %mul3A_2, %add3A_262 : i32
    %dma_start3A_264 = arith.constant 2 : i32
    %dma_start3A_265 = arith.constant 0 : i32
    %dma_start3A_266 = arith.constant 0 : i32
    %dma_start3A_267 = tpu.memref_slice %arg6[%dma_start3A_264, %dma_start3A_265, %dma_start3A_266] : memref<4x200x128xf32, #tpu.memory_space<vmem>> -> memref<1x200x128xf32, #tpu.memory_space<vmem>>
    %dma_start3A_268 = tpu.memref_squeeze %dma_start3A_267 : memref<1x200x128xf32, #tpu.memory_space<vmem>> -> memref<200x128xf32, #tpu.memory_space<vmem>>
    %dma_start3A_269 = arith.constant 0 : i32
    %dma_start3A_270 = tpu.memref_slice %arg4[%add3A_263, %dma_start3A_269] : memref<819200x128xf32, #tpu.memory_space<hbm>> -> memref<200x128xf32, #tpu.memory_space<hbm>>
    %dma_start3A_271 = arith.constant 0 : i32
    %dma_start3A_272 = tpu.memref_slice %arg4[%add3A_263, %dma_start3A_271] : memref<819200x128xf32, #tpu.memory_space<hbm>> -> memref<200x128xf32, #tpu.memory_space<hbm>>
    %dma_start3A_273 = arith.constant 0 : i32
    %dma_start3A_274 = arith.constant 0 : i32
    %dma_start3A_275 = tpu.memref_slice %arg6[%dma_start3A_264, %dma_start3A_273, %dma_start3A_274] : memref<4x200x128xf32, #tpu.memory_space<vmem>> -> memref<1x200x128xf32, #tpu.memory_space<vmem>>
    %dma_start3A_276 = tpu.memref_squeeze %dma_start3A_275 : memref<1x200x128xf32, #tpu.memory_space<vmem>> -> memref<200x128xf32, #tpu.memory_space<vmem>>
    tpu.enqueue_dma source(%dma_start3A_276 : memref<200x128xf32, #tpu.memory_space<vmem>>) target(%dma_start3A_272 : memref<200x128xf32, #tpu.memory_space<hbm>>) target_semaphore(%arg16 : memref<!tpu.dma_semaphore, #tpu.memory_space<semaphore_mem>>)
    %add3A_277 = arith.constant 0 : i32
    %add3A_278 = arith.addi %mul3A_2, %add3A_277 : i32
    %dma_wait3A_279 = arith.constant 0 : i32
    %dma_wait3A_280 = arith.constant 0 : i32
    %dma_wait3A_281 = arith.constant 0 : i32
    %dma_wait3A_282 = tpu.memref_slice %arg6[%dma_wait3A_279, %dma_wait3A_280, %dma_wait3A_281] : memref<4x200x128xf32, #tpu.memory_space<vmem>> -> memref<1x200x128xf32, #tpu.memory_space<vmem>>
    %dma_wait3A_283 = tpu.memref_squeeze %dma_wait3A_282 : memref<1x200x128xf32, #tpu.memory_space<vmem>> -> memref<200x128xf32, #tpu.memory_space<vmem>>
    %dma_wait3A_284 = arith.constant 0 : i32
    %dma_wait3A_285 = tpu.memref_slice %arg4[%add3A_278, %dma_wait3A_284] : memref<819200x128xf32, #tpu.memory_space<hbm>> -> memref<200x128xf32, #tpu.memory_space<hbm>>
    %dma_wait3A_286 = arith.constant 0 : i32
    %dma_wait3A_287 = tpu.memref_slice %arg4[%add3A_278, %dma_wait3A_286] : memref<819200x128xf32, #tpu.memory_space<hbm>> -> memref<200x128xf32, #tpu.memory_space<hbm>>
    %dma_wait3A_288 = arith.constant 0 : i32
    %dma_wait3A_289 = arith.constant 0 : i32
    %dma_wait3A_290 = tpu.memref_slice %arg6[%dma_wait3A_279, %dma_wait3A_288, %dma_wait3A_289] : memref<4x200x128xf32, #tpu.memory_space<vmem>> -> memref<1x200x128xf32, #tpu.memory_space<vmem>>
    %dma_wait3A_291 = tpu.memref_squeeze %dma_wait3A_290 : memref<1x200x128xf32, #tpu.memory_space<vmem>> -> memref<200x128xf32, #tpu.memory_space<vmem>>
    tpu.wait_dma2 semaphore(%arg14 : memref<!tpu.dma_semaphore, #tpu.memory_space<semaphore_mem>>) src(%dma_wait3A_291 : memref<200x128xf32, #tpu.memory_space<vmem>>) dst(%dma_wait3A_287 : memref<200x128xf32, #tpu.memory_space<hbm>>)
    %dma_start3A_292 = arith.constant 0 : i32
    %dma_start3A_293 = arith.constant 4 : i32
    %dma_start3A_294 = arith.constant 0 : i32
    %dma_start3A_295 = arith.constant 0 : i32
    %dma_start3A_296 = arith.constant 0 : i32
    %dma_start3A_297 = tpu.memref_slice %arg6[%dma_start3A_294, %dma_start3A_295, %dma_start3A_296] : memref<4x200x128xf32, #tpu.memory_space<vmem>> -> memref<1x128x128xf32, #tpu.memory_space<vmem>>
    %dma_start3A_298 = tpu.memref_squeeze %dma_start3A_297 : memref<1x128x128xf32, #tpu.memory_space<vmem>> -> memref<128x128xf32, #tpu.memory_space<vmem>>
    %dma_start3A_299 = arith.constant 0 : i32
    %dma_start3A_300 = tpu.memref_slice %arg5[%dma_start3A_292, %dma_start3A_293, %dma_start3A_299] : memref<2x32x200xi32, #tpu.memory_space<vmem>> -> memref<1x1x128xi32, #tpu.memory_space<vmem>>
    %dma_start3A_301 = tpu.memref_squeeze %dma_start3A_300 : memref<1x1x128xi32, #tpu.memory_space<vmem>> -> memref<128xi32, #tpu.memory_space<vmem>>
    %dma_start3A_302 = arith.constant 0 : i32
    %dma_start3A_303 = arith.constant 0 : i32
    %dma_start3A_304 = tpu.memref_slice %arg7[%dma_start3A_302, %dma_start3A_303] : memref<1000x128xf32, #tpu.memory_space<vmem_shared>> -> memref<1000x128xf32, #tpu.memory_space<vmem_shared>>
    tpu.enqueue_indirect_dma source(%dma_start3A_304 : memref<1000x128xf32, #tpu.memory_space<vmem_shared>>) target(%dma_start3A_298 : memref<128x128xf32, #tpu.memory_space<vmem>>) offsets(%dma_start3A_301 : memref<128xi32, #tpu.memory_space<vmem>>) semaphore(%arg10 : memref<!tpu.dma_semaphore, #tpu.memory_space<semaphore_mem>>)
    %dma_start3A_305 = arith.constant 0 : i32
    %dma_start3A_306 = arith.constant 4 : i32
    %dma_start3A_307 = arith.constant 0 : i32
    %dma_start3A_308 = arith.constant 128 : i32
    %dma_start3A_309 = arith.constant 0 : i32
    %dma_start3A_310 = tpu.memref_slice %arg6[%dma_start3A_307, %dma_start3A_308, %dma_start3A_309] : memref<4x200x128xf32, #tpu.memory_space<vmem>> -> memref<1x72x128xf32, #tpu.memory_space<vmem>>
    %dma_start3A_311 = tpu.memref_squeeze %dma_start3A_310 : memref<1x72x128xf32, #tpu.memory_space<vmem>> -> memref<72x128xf32, #tpu.memory_space<vmem>>
    %dma_start3A_312 = arith.constant 128 : i32
    %dma_start3A_313 = tpu.memref_slice %arg5[%dma_start3A_305, %dma_start3A_306, %dma_start3A_312] : memref<2x32x200xi32, #tpu.memory_space<vmem>> -> memref<1x1x72xi32, #tpu.memory_space<vmem>>
    %dma_start3A_314 = tpu.memref_squeeze %dma_start3A_313 : memref<1x1x72xi32, #tpu.memory_space<vmem>> -> memref<72xi32, #tpu.memory_space<vmem>>
    %dma_start3A_315 = arith.constant 0 : i32
    %dma_start3A_316 = arith.constant 0 : i32
    %dma_start3A_317 = tpu.memref_slice %arg7[%dma_start3A_315, %dma_start3A_316] : memref<1000x128xf32, #tpu.memory_space<vmem_shared>> -> memref<1000x128xf32, #tpu.memory_space<vmem_shared>>
    tpu.enqueue_indirect_dma source(%dma_start3A_317 : memref<1000x128xf32, #tpu.memory_space<vmem_shared>>) target(%dma_start3A_311 : memref<72x128xf32, #tpu.memory_space<vmem>>) offsets(%dma_start3A_314 : memref<72xi32, #tpu.memory_space<vmem>>) semaphore(%arg10 : memref<!tpu.dma_semaphore, #tpu.memory_space<semaphore_mem>>)
    %dma_wait3A_318 = arith.constant 0 : i32
    %dma_wait3A_319 = arith.constant 3 : i32
    %dma_wait3A_320 = arith.constant 3 : i32
    %dma_wait3A_321 = arith.constant 0 : i32
    %dma_wait3A_322 = arith.constant 0 : i32
    %dma_wait3A_323 = tpu.memref_slice %arg6[%dma_wait3A_320, %dma_wait3A_321, %dma_wait3A_322] : memref<4x200x128xf32, #tpu.memory_space<vmem>> -> memref<1x128x128xf32, #tpu.memory_space<vmem>>
    %dma_wait3A_324 = tpu.memref_squeeze %dma_wait3A_323 : memref<1x128x128xf32, #tpu.memory_space<vmem>> -> memref<128x128xf32, #tpu.memory_space<vmem>>
    %dma_wait3A_325 = arith.constant 0 : i32
    %dma_wait3A_326 = tpu.memref_slice %arg5[%dma_wait3A_318, %dma_wait3A_319, %dma_wait3A_325] : memref<2x32x200xi32, #tpu.memory_space<vmem>> -> memref<1x1x128xi32, #tpu.memory_space<vmem>>
    %dma_wait3A_327 = tpu.memref_squeeze %dma_wait3A_326 : memref<1x1x128xi32, #tpu.memory_space<vmem>> -> memref<128xi32, #tpu.memory_space<vmem>>
    %dma_wait3A_328 = arith.constant 0 : i32
    %dma_wait3A_329 = arith.constant 0 : i32
    %dma_wait3A_330 = tpu.memref_slice %arg7[%dma_wait3A_328, %dma_wait3A_329] : memref<1000x128xf32, #tpu.memory_space<vmem_shared>> -> memref<1000x128xf32, #tpu.memory_space<vmem_shared>>
    tpu.wait_indirect_dma semaphore(%arg13 : memref<!tpu.dma_semaphore, #tpu.memory_space<semaphore_mem>>) src(%dma_wait3A_330 : memref<1000x128xf32, #tpu.memory_space<vmem_shared>>) dst(%dma_wait3A_324 : memref<128x128xf32, #tpu.memory_space<vmem>>)
    %dma_wait3A_331 = arith.constant 0 : i32
    %dma_wait3A_332 = arith.constant 3 : i32
    %dma_wait3A_333 = arith.constant 3 : i32
    %dma_wait3A_334 = arith.constant 128 : i32
    %dma_wait3A_335 = arith.constant 0 : i32
    %dma_wait3A_336 = tpu.memref_slice %arg6[%dma_wait3A_333, %dma_wait3A_334, %dma_wait3A_335] : memref<4x200x128xf32, #tpu.memory_space<vmem>> -> memref<1x72x128xf32, #tpu.memory_space<vmem>>
    %dma_wait3A_337 = tpu.memref_squeeze %dma_wait3A_336 : memref<1x72x128xf32, #tpu.memory_space<vmem>> -> memref<72x128xf32, #tpu.memory_space<vmem>>
    %dma_wait3A_338 = arith.constant 128 : i32
    %dma_wait3A_339 = tpu.memref_slice %arg5[%dma_wait3A_331, %dma_wait3A_332, %dma_wait3A_338] : memref<2x32x200xi32, #tpu.memory_space<vmem>> -> memref<1x1x72xi32, #tpu.memory_space<vmem>>
    %dma_wait3A_340 = tpu.memref_squeeze %dma_wait3A_339 : memref<1x1x72xi32, #tpu.memory_space<vmem>> -> memref<72xi32, #tpu.memory_space<vmem>>
    %dma_wait3A_341 = arith.constant 0 : i32
    %dma_wait3A_342 = arith.constant 0 : i32
    %dma_wait3A_343 = tpu.memref_slice %arg7[%dma_wait3A_341, %dma_wait3A_342] : memref<1000x128xf32, #tpu.memory_space<vmem_shared>> -> memref<1000x128xf32, #tpu.memory_space<vmem_shared>>
    tpu.wait_indirect_dma semaphore(%arg13 : memref<!tpu.dma_semaphore, #tpu.memory_space<semaphore_mem>>) src(%dma_wait3A_343 : memref<1000x128xf32, #tpu.memory_space<vmem_shared>>) dst(%dma_wait3A_337 : memref<72x128xf32, #tpu.memory_space<vmem>>)
    %add3A_344 = arith.constant 600 : i32
    %add3A_345 = arith.addi %mul3A_2, %add3A_344 : i32
    %dma_start3A_346 = arith.constant 3 : i32
    %dma_start3A_347 = arith.constant 0 : i32
    %dma_start3A_348 = arith.constant 0 : i32
    %dma_start3A_349 = tpu.memref_slice %arg6[%dma_start3A_346, %dma_start3A_347, %dma_start3A_348] : memref<4x200x128xf32, #tpu.memory_space<vmem>> -> memref<1x200x128xf32, #tpu.memory_space<vmem>>
    %dma_start3A_350 = tpu.memref_squeeze %dma_start3A_349 : memref<1x200x128xf32, #tpu.memory_space<vmem>> -> memref<200x128xf32, #tpu.memory_space<vmem>>
    %dma_start3A_351 = arith.constant 0 : i32
    %dma_start3A_352 = tpu.memref_slice %arg4[%add3A_345, %dma_start3A_351] : memref<819200x128xf32, #tpu.memory_space<hbm>> -> memref<200x128xf32, #tpu.memory_space<hbm>>
    %dma_start3A_353 = arith.constant 0 : i32
    %dma_start3A_354 = tpu.memref_slice %arg4[%add3A_345, %dma_start3A_353] : memref<819200x128xf32, #tpu.memory_space<hbm>> -> memref<200x128xf32, #tpu.memory_space<hbm>>
    %dma_start3A_355 = arith.constant 0 : i32
    %dma_start3A_356 = arith.constant 0 : i32
    %dma_start3A_357 = tpu.memref_slice %arg6[%dma_start3A_346, %dma_start3A_355, %dma_start3A_356] : memref<4x200x128xf32, #tpu.memory_space<vmem>> -> memref<1x200x128xf32, #tpu.memory_space<vmem>>
    %dma_start3A_358 = tpu.memref_squeeze %dma_start3A_357 : memref<1x200x128xf32, #tpu.memory_space<vmem>> -> memref<200x128xf32, #tpu.memory_space<vmem>>
    tpu.enqueue_dma source(%dma_start3A_358 : memref<200x128xf32, #tpu.memory_space<vmem>>) target(%dma_start3A_354 : memref<200x128xf32, #tpu.memory_space<hbm>>) target_semaphore(%arg17 : memref<!tpu.dma_semaphore, #tpu.memory_space<semaphore_mem>>)
    %add3A_359 = arith.constant 200 : i32
    %add3A_360 = arith.addi %mul3A_2, %add3A_359 : i32
    %dma_wait3A_361 = arith.constant 1 : i32
    %dma_wait3A_362 = arith.constant 0 : i32
    %dma_wait3A_363 = arith.constant 0 : i32
    %dma_wait3A_364 = tpu.memref_slice %arg6[%dma_wait3A_361, %dma_wait3A_362, %dma_wait3A_363] : memref<4x200x128xf32, #tpu.memory_space<vmem>> -> memref<1x200x128xf32, #tpu.memory_space<vmem>>
    %dma_wait3A_365 = tpu.memref_squeeze %dma_wait3A_364 : memref<1x200x128xf32, #tpu.memory_space<vmem>> -> memref<200x128xf32, #tpu.memory_space<vmem>>
    %dma_wait3A_366 = arith.constant 0 : i32
    %dma_wait3A_367 = tpu.memref_slice %arg4[%add3A_360, %dma_wait3A_366] : memref<819200x128xf32, #tpu.memory_space<hbm>> -> memref<200x128xf32, #tpu.memory_space<hbm>>
    %dma_wait3A_368 = arith.constant 0 : i32
    %dma_wait3A_369 = tpu.memref_slice %arg4[%add3A_360, %dma_wait3A_368] : memref<819200x128xf32, #tpu.memory_space<hbm>> -> memref<200x128xf32, #tpu.memory_space<hbm>>
    %dma_wait3A_370 = arith.constant 0 : i32
    %dma_wait3A_371 = arith.constant 0 : i32
    %dma_wait3A_372 = tpu.memref_slice %arg6[%dma_wait3A_361, %dma_wait3A_370, %dma_wait3A_371] : memref<4x200x128xf32, #tpu.memory_space<vmem>> -> memref<1x200x128xf32, #tpu.memory_space<vmem>>
    %dma_wait3A_373 = tpu.memref_squeeze %dma_wait3A_372 : memref<1x200x128xf32, #tpu.memory_space<vmem>> -> memref<200x128xf32, #tpu.memory_space<vmem>>
    tpu.wait_dma2 semaphore(%arg15 : memref<!tpu.dma_semaphore, #tpu.memory_space<semaphore_mem>>) src(%dma_wait3A_373 : memref<200x128xf32, #tpu.memory_space<vmem>>) dst(%dma_wait3A_369 : memref<200x128xf32, #tpu.memory_space<hbm>>)
    %dma_start3A_374 = arith.constant 0 : i32
    %dma_start3A_375 = arith.constant 5 : i32
    %dma_start3A_376 = arith.constant 1 : i32
    %dma_start3A_377 = arith.constant 0 : i32
    %dma_start3A_378 = arith.constant 0 : i32
    %dma_start3A_379 = tpu.memref_slice %arg6[%dma_start3A_376, %dma_start3A_377, %dma_start3A_378] : memref<4x200x128xf32, #tpu.memory_space<vmem>> -> memref<1x128x128xf32, #tpu.memory_space<vmem>>
    %dma_start3A_380 = tpu.memref_squeeze %dma_start3A_379 : memref<1x128x128xf32, #tpu.memory_space<vmem>> -> memref<128x128xf32, #tpu.memory_space<vmem>>
    %dma_start3A_381 = arith.constant 0 : i32
    %dma_start3A_382 = tpu.memref_slice %arg5[%dma_start3A_374, %dma_start3A_375, %dma_start3A_381] : memref<2x32x200xi32, #tpu.memory_space<vmem>> -> memref<1x1x128xi32, #tpu.memory_space<vmem>>
    %dma_start3A_383 = tpu.memref_squeeze %dma_start3A_382 : memref<1x1x128xi32, #tpu.memory_space<vmem>> -> memref<128xi32, #tpu.memory_space<vmem>>
    %dma_start3A_384 = arith.constant 0 : i32
    %dma_start3A_385 = arith.constant 0 : i32
    %dma_start3A_386 = tpu.memref_slice %arg7[%dma_start3A_384, %dma_start3A_385] : memref<1000x128xf32, #tpu.memory_space<vmem_shared>> -> memref<1000x128xf32, #tpu.memory_space<vmem_shared>>
    tpu.enqueue_indirect_dma source(%dma_start3A_386 : memref<1000x128xf32, #tpu.memory_space<vmem_shared>>) target(%dma_start3A_380 : memref<128x128xf32, #tpu.memory_space<vmem>>) offsets(%dma_start3A_383 : memref<128xi32, #tpu.memory_space<vmem>>) semaphore(%arg11 : memref<!tpu.dma_semaphore, #tpu.memory_space<semaphore_mem>>)
    %dma_start3A_387 = arith.constant 0 : i32
    %dma_start3A_388 = arith.constant 5 : i32
    %dma_start3A_389 = arith.constant 1 : i32
    %dma_start3A_390 = arith.constant 128 : i32
    %dma_start3A_391 = arith.constant 0 : i32
    %dma_start3A_392 = tpu.memref_slice %arg6[%dma_start3A_389, %dma_start3A_390, %dma_start3A_391] : memref<4x200x128xf32, #tpu.memory_space<vmem>> -> memref<1x72x128xf32, #tpu.memory_space<vmem>>
    %dma_start3A_393 = tpu.memref_squeeze %dma_start3A_392 : memref<1x72x128xf32, #tpu.memory_space<vmem>> -> memref<72x128xf32, #tpu.memory_space<vmem>>
    %dma_start3A_394 = arith.constant 128 : i32
    %dma_start3A_395 = tpu.memref_slice %arg5[%dma_start3A_387, %dma_start3A_388, %dma_start3A_394] : memref<2x32x200xi32, #tpu.memory_space<vmem>> -> memref<1x1x72xi32, #tpu.memory_space<vmem>>
    %dma_start3A_396 = tpu.memref_squeeze %dma_start3A_395 : memref<1x1x72xi32, #tpu.memory_space<vmem>> -> memref<72xi32, #tpu.memory_space<vmem>>
    %dma_start3A_397 = arith.constant 0 : i32
    %dma_start3A_398 = arith.constant 0 : i32
    %dma_start3A_399 = tpu.memref_slice %arg7[%dma_start3A_397, %dma_start3A_398] : memref<1000x128xf32, #tpu.memory_space<vmem_shared>> -> memref<1000x128xf32, #tpu.memory_space<vmem_shared>>
    tpu.enqueue_indirect_dma source(%dma_start3A_399 : memref<1000x128xf32, #tpu.memory_space<vmem_shared>>) target(%dma_start3A_393 : memref<72x128xf32, #tpu.memory_space<vmem>>) offsets(%dma_start3A_396 : memref<72xi32, #tpu.memory_space<vmem>>) semaphore(%arg11 : memref<!tpu.dma_semaphore, #tpu.memory_space<semaphore_mem>>)
    %scan3A = arith.constant 0 : i32
    %scan3A_400 = arith.constant 1 : i32
    %scan3A_401 = arith.constant 6 : i32
    %scan3A_402 = arith.addi %scan3A_400, %scan3A_401 : i32
    %scan3A_403 = arith.constant 1 : i32
    scf.for %scan3A_1788 = %scan3A_400 to %scan3A_402 step %scan3A_403  : i32 {
      %mul3A_1789 = arith.constant 4 : i32
      %mul3A_1790 = arith.muli %scan3A_1788, %mul3A_1789 : i32
      %add3A_1791 = arith.constant 0 : i32
      %add3A_1792 = arith.addi %mul3A_1790, %add3A_1791 : i32
      %add3A_1793 = arith.constant 0 : i32
      %add3A_1794 = arith.addi %mul3A_1790, %add3A_1793 : i32
      %add3A_1795 = arith.constant 2 : i32
      %add3A_1796 = arith.addi %add3A_1794, %add3A_1795 : i32
      %add3A_1797 = arith.constant 0 : i32
      %add3A_1798 = arith.addi %add3A_1797, %add3A_1792 : i32
      %dma_wait3A_1799 = arith.constant 0 : i32
      %dma_wait3A_1800 = arith.constant 0 : i32
      %dma_wait3A_1801 = arith.constant 0 : i32
      %dma_wait3A_1802 = arith.constant 0 : i32
      %dma_wait3A_1803 = tpu.memref_slice %arg6[%dma_wait3A_1800, %dma_wait3A_1801, %dma_wait3A_1802] : memref<4x200x128xf32, #tpu.memory_space<vmem>> -> memref<1x128x128xf32, #tpu.memory_space<vmem>>
      %dma_wait3A_1804 = tpu.memref_squeeze %dma_wait3A_1803 : memref<1x128x128xf32, #tpu.memory_space<vmem>> -> memref<128x128xf32, #tpu.memory_space<vmem>>
      %dma_wait3A_1805 = arith.constant 0 : i32
      %dma_wait3A_1806 = tpu.memref_slice %arg5[%dma_wait3A_1799, %add3A_1792, %dma_wait3A_1805] : memref<2x32x200xi32, #tpu.memory_space<vmem>> -> memref<1x1x128xi32, #tpu.memory_space<vmem>>
      %dma_wait3A_1807 = tpu.memref_squeeze %dma_wait3A_1806 : memref<1x1x128xi32, #tpu.memory_space<vmem>> -> memref<128xi32, #tpu.memory_space<vmem>>
      %dma_wait3A_1808 = arith.constant 0 : i32
      %dma_wait3A_1809 = arith.constant 0 : i32
      %dma_wait3A_1810 = tpu.memref_slice %arg7[%dma_wait3A_1808, %dma_wait3A_1809] : memref<1000x128xf32, #tpu.memory_space<vmem_shared>> -> memref<1000x128xf32, #tpu.memory_space<vmem_shared>>
      tpu.wait_indirect_dma semaphore(%arg10 : memref<!tpu.dma_semaphore, #tpu.memory_space<semaphore_mem>>) src(%dma_wait3A_1810 : memref<1000x128xf32, #tpu.memory_space<vmem_shared>>) dst(%dma_wait3A_1804 : memref<128x128xf32, #tpu.memory_space<vmem>>)
      %dma_wait3A_1811 = arith.constant 0 : i32
      %dma_wait3A_1812 = arith.constant 0 : i32
      %dma_wait3A_1813 = arith.constant 128 : i32
      %dma_wait3A_1814 = arith.constant 0 : i32
      %dma_wait3A_1815 = tpu.memref_slice %arg6[%dma_wait3A_1812, %dma_wait3A_1813, %dma_wait3A_1814] : memref<4x200x128xf32, #tpu.memory_space<vmem>> -> memref<1x72x128xf32, #tpu.memory_space<vmem>>
      %dma_wait3A_1816 = tpu.memref_squeeze %dma_wait3A_1815 : memref<1x72x128xf32, #tpu.memory_space<vmem>> -> memref<72x128xf32, #tpu.memory_space<vmem>>
      %dma_wait3A_1817 = arith.constant 128 : i32
      %dma_wait3A_1818 = tpu.memref_slice %arg5[%dma_wait3A_1811, %add3A_1792, %dma_wait3A_1817] : memref<2x32x200xi32, #tpu.memory_space<vmem>> -> memref<1x1x72xi32, #tpu.memory_space<vmem>>
      %dma_wait3A_1819 = tpu.memref_squeeze %dma_wait3A_1818 : memref<1x1x72xi32, #tpu.memory_space<vmem>> -> memref<72xi32, #tpu.memory_space<vmem>>
      %dma_wait3A_1820 = arith.constant 0 : i32
      %dma_wait3A_1821 = arith.constant 0 : i32
      %dma_wait3A_1822 = tpu.memref_slice %arg7[%dma_wait3A_1820, %dma_wait3A_1821] : memref<1000x128xf32, #tpu.memory_space<vmem_shared>> -> memref<1000x128xf32, #tpu.memory_space<vmem_shared>>
      tpu.wait_indirect_dma semaphore(%arg10 : memref<!tpu.dma_semaphore, #tpu.memory_space<semaphore_mem>>) src(%dma_wait3A_1822 : memref<1000x128xf32, #tpu.memory_space<vmem_shared>>) dst(%dma_wait3A_1816 : memref<72x128xf32, #tpu.memory_space<vmem>>)
      %mul3A_1823 = arith.constant 200 : i32
      %mul3A_1824 = arith.muli %add3A_1798, %mul3A_1823 : i32
      %add3A_1825 = arith.addi %mul3A_2, %mul3A_1824 : i32
      %dma_start3A_1826 = arith.constant 0 : i32
      %dma_start3A_1827 = arith.constant 0 : i32
      %dma_start3A_1828 = arith.constant 0 : i32
      %dma_start3A_1829 = tpu.memref_slice %arg6[%dma_start3A_1826, %dma_start3A_1827, %dma_start3A_1828] : memref<4x200x128xf32, #tpu.memory_space<vmem>> -> memref<1x200x128xf32, #tpu.memory_space<vmem>>
      %dma_start3A_1830 = tpu.memref_squeeze %dma_start3A_1829 : memref<1x200x128xf32, #tpu.memory_space<vmem>> -> memref<200x128xf32, #tpu.memory_space<vmem>>
      %dma_start3A_1831 = arith.constant 0 : i32
      %dma_start3A_1832 = tpu.memref_slice %arg4[%add3A_1825, %dma_start3A_1831] : memref<819200x128xf32, #tpu.memory_space<hbm>> -> memref<200x128xf32, #tpu.memory_space<hbm>>
      %dma_start3A_1833 = arith.constant 0 : i32
      %dma_start3A_1834 = tpu.memref_slice %arg4[%add3A_1825, %dma_start3A_1833] : memref<819200x128xf32, #tpu.memory_space<hbm>> -> memref<200x128xf32, #tpu.memory_space<hbm>>
      %dma_start3A_1835 = arith.constant 0 : i32
      %dma_start3A_1836 = arith.constant 0 : i32
      %dma_start3A_1837 = tpu.memref_slice %arg6[%dma_start3A_1826, %dma_start3A_1835, %dma_start3A_1836] : memref<4x200x128xf32, #tpu.memory_space<vmem>> -> memref<1x200x128xf32, #tpu.memory_space<vmem>>
      %dma_start3A_1838 = tpu.memref_squeeze %dma_start3A_1837 : memref<1x200x128xf32, #tpu.memory_space<vmem>> -> memref<200x128xf32, #tpu.memory_space<vmem>>
      tpu.enqueue_dma source(%dma_start3A_1838 : memref<200x128xf32, #tpu.memory_space<vmem>>) target(%dma_start3A_1834 : memref<200x128xf32, #tpu.memory_space<hbm>>) target_semaphore(%arg14 : memref<!tpu.dma_semaphore, #tpu.memory_space<semaphore_mem>>)
      %sub3A = arith.constant 2 : i32
      %sub3A_1839 = arith.subi %add3A_1798, %sub3A : i32
      %mul3A_1840 = arith.constant 200 : i32
      %mul3A_1841 = arith.muli %sub3A_1839, %mul3A_1840 : i32
      %add3A_1842 = arith.addi %mul3A_2, %mul3A_1841 : i32
      %dma_wait3A_1843 = arith.constant 2 : i32
      %dma_wait3A_1844 = arith.constant 0 : i32
      %dma_wait3A_1845 = arith.constant 0 : i32
      %dma_wait3A_1846 = tpu.memref_slice %arg6[%dma_wait3A_1843, %dma_wait3A_1844, %dma_wait3A_1845] : memref<4x200x128xf32, #tpu.memory_space<vmem>> -> memref<1x200x128xf32, #tpu.memory_space<vmem>>
      %dma_wait3A_1847 = tpu.memref_squeeze %dma_wait3A_1846 : memref<1x200x128xf32, #tpu.memory_space<vmem>> -> memref<200x128xf32, #tpu.memory_space<vmem>>
      %dma_wait3A_1848 = arith.constant 0 : i32
      %dma_wait3A_1849 = tpu.memref_slice %arg4[%add3A_1842, %dma_wait3A_1848] : memref<819200x128xf32, #tpu.memory_space<hbm>> -> memref<200x128xf32, #tpu.memory_space<hbm>>
      %dma_wait3A_1850 = arith.constant 0 : i32
      %dma_wait3A_1851 = tpu.memref_slice %arg4[%add3A_1842, %dma_wait3A_1850] : memref<819200x128xf32, #tpu.memory_space<hbm>> -> memref<200x128xf32, #tpu.memory_space<hbm>>
      %dma_wait3A_1852 = arith.constant 0 : i32
      %dma_wait3A_1853 = arith.constant 0 : i32
      %dma_wait3A_1854 = tpu.memref_slice %arg6[%dma_wait3A_1843, %dma_wait3A_1852, %dma_wait3A_1853] : memref<4x200x128xf32, #tpu.memory_space<vmem>> -> memref<1x200x128xf32, #tpu.memory_space<vmem>>
      %dma_wait3A_1855 = tpu.memref_squeeze %dma_wait3A_1854 : memref<1x200x128xf32, #tpu.memory_space<vmem>> -> memref<200x128xf32, #tpu.memory_space<vmem>>
      tpu.wait_dma2 semaphore(%arg16 : memref<!tpu.dma_semaphore, #tpu.memory_space<semaphore_mem>>) src(%dma_wait3A_1855 : memref<200x128xf32, #tpu.memory_space<vmem>>) dst(%dma_wait3A_1851 : memref<200x128xf32, #tpu.memory_space<hbm>>)
      %dma_start3A_1856 = arith.constant 0 : i32
      %dma_start3A_1857 = arith.constant 2 : i32
      %dma_start3A_1858 = arith.constant 0 : i32
      %dma_start3A_1859 = arith.constant 0 : i32
      %dma_start3A_1860 = tpu.memref_slice %arg6[%dma_start3A_1857, %dma_start3A_1858, %dma_start3A_1859] : memref<4x200x128xf32, #tpu.memory_space<vmem>> -> memref<1x128x128xf32, #tpu.memory_space<vmem>>
      %dma_start3A_1861 = tpu.memref_squeeze %dma_start3A_1860 : memref<1x128x128xf32, #tpu.memory_space<vmem>> -> memref<128x128xf32, #tpu.memory_space<vmem>>
      %dma_start3A_1862 = arith.constant 0 : i32
      %dma_start3A_1863 = tpu.memref_slice %arg5[%dma_start3A_1856, %add3A_1796, %dma_start3A_1862] : memref<2x32x200xi32, #tpu.memory_space<vmem>> -> memref<1x1x128xi32, #tpu.memory_space<vmem>>
      %dma_start3A_1864 = tpu.memref_squeeze %dma_start3A_1863 : memref<1x1x128xi32, #tpu.memory_space<vmem>> -> memref<128xi32, #tpu.memory_space<vmem>>
      %dma_start3A_1865 = arith.constant 0 : i32
      %dma_start3A_1866 = arith.constant 0 : i32
      %dma_start3A_1867 = tpu.memref_slice %arg7[%dma_start3A_1865, %dma_start3A_1866] : memref<1000x128xf32, #tpu.memory_space<vmem_shared>> -> memref<1000x128xf32, #tpu.memory_space<vmem_shared>>
      tpu.enqueue_indirect_dma source(%dma_start3A_1867 : memref<1000x128xf32, #tpu.memory_space<vmem_shared>>) target(%dma_start3A_1861 : memref<128x128xf32, #tpu.memory_space<vmem>>) offsets(%dma_start3A_1864 : memref<128xi32, #tpu.memory_space<vmem>>) semaphore(%arg12 : memref<!tpu.dma_semaphore, #tpu.memory_space<semaphore_mem>>)
      %dma_start3A_1868 = arith.constant 0 : i32
      %dma_start3A_1869 = arith.constant 2 : i32
      %dma_start3A_1870 = arith.constant 128 : i32
      %dma_start3A_1871 = arith.constant 0 : i32
      %dma_start3A_1872 = tpu.memref_slice %arg6[%dma_start3A_1869, %dma_start3A_1870, %dma_start3A_1871] : memref<4x200x128xf32, #tpu.memory_space<vmem>> -> memref<1x72x128xf32, #tpu.memory_space<vmem>>
      %dma_start3A_1873 = tpu.memref_squeeze %dma_start3A_1872 : memref<1x72x128xf32, #tpu.memory_space<vmem>> -> memref<72x128xf32, #tpu.memory_space<vmem>>
      %dma_start3A_1874 = arith.constant 128 : i32
      %dma_start3A_1875 = tpu.memref_slice %arg5[%dma_start3A_1868, %add3A_1796, %dma_start3A_1874] : memref<2x32x200xi32, #tpu.memory_space<vmem>> -> memref<1x1x72xi32, #tpu.memory_space<vmem>>
      %dma_start3A_1876 = tpu.memref_squeeze %dma_start3A_1875 : memref<1x1x72xi32, #tpu.memory_space<vmem>> -> memref<72xi32, #tpu.memory_space<vmem>>
      %dma_start3A_1877 = arith.constant 0 : i32
      %dma_start3A_1878 = arith.constant 0 : i32
      %dma_start3A_1879 = tpu.memref_slice %arg7[%dma_start3A_1877, %dma_start3A_1878] : memref<1000x128xf32, #tpu.memory_space<vmem_shared>> -> memref<1000x128xf32, #tpu.memory_space<vmem_shared>>
      tpu.enqueue_indirect_dma source(%dma_start3A_1879 : memref<1000x128xf32, #tpu.memory_space<vmem_shared>>) target(%dma_start3A_1873 : memref<72x128xf32, #tpu.memory_space<vmem>>) offsets(%dma_start3A_1876 : memref<72xi32, #tpu.memory_space<vmem>>) semaphore(%arg12 : memref<!tpu.dma_semaphore, #tpu.memory_space<semaphore_mem>>)
      %add3A_1880 = arith.constant 1 : i32
      %add3A_1881 = arith.addi %mul3A_1790, %add3A_1880 : i32
      %add3A_1882 = arith.constant 1 : i32
      %add3A_1883 = arith.addi %mul3A_1790, %add3A_1882 : i32
      %add3A_1884 = arith.constant 2 : i32
      %add3A_1885 = arith.addi %add3A_1883, %add3A_1884 : i32
      %add3A_1886 = arith.constant 0 : i32
      %add3A_1887 = arith.addi %add3A_1886, %add3A_1881 : i32
      %dma_wait3A_1888 = arith.constant 0 : i32
      %dma_wait3A_1889 = arith.constant 1 : i32
      %dma_wait3A_1890 = arith.constant 0 : i32
      %dma_wait3A_1891 = arith.constant 0 : i32
      %dma_wait3A_1892 = tpu.memref_slice %arg6[%dma_wait3A_1889, %dma_wait3A_1890, %dma_wait3A_1891] : memref<4x200x128xf32, #tpu.memory_space<vmem>> -> memref<1x128x128xf32, #tpu.memory_space<vmem>>
      %dma_wait3A_1893 = tpu.memref_squeeze %dma_wait3A_1892 : memref<1x128x128xf32, #tpu.memory_space<vmem>> -> memref<128x128xf32, #tpu.memory_space<vmem>>
      %dma_wait3A_1894 = arith.constant 0 : i32
      %dma_wait3A_1895 = tpu.memref_slice %arg5[%dma_wait3A_1888, %add3A_1881, %dma_wait3A_1894] : memref<2x32x200xi32, #tpu.memory_space<vmem>> -> memref<1x1x128xi32, #tpu.memory_space<vmem>>
      %dma_wait3A_1896 = tpu.memref_squeeze %dma_wait3A_1895 : memref<1x1x128xi32, #tpu.memory_space<vmem>> -> memref<128xi32, #tpu.memory_space<vmem>>
      %dma_wait3A_1897 = arith.constant 0 : i32
      %dma_wait3A_1898 = arith.constant 0 : i32
      %dma_wait3A_1899 = tpu.memref_slice %arg7[%dma_wait3A_1897, %dma_wait3A_1898] : memref<1000x128xf32, #tpu.memory_space<vmem_shared>> -> memref<1000x128xf32, #tpu.memory_space<vmem_shared>>
      tpu.wait_indirect_dma semaphore(%arg11 : memref<!tpu.dma_semaphore, #tpu.memory_space<semaphore_mem>>) src(%dma_wait3A_1899 : memref<1000x128xf32, #tpu.memory_space<vmem_shared>>) dst(%dma_wait3A_1893 : memref<128x128xf32, #tpu.memory_space<vmem>>)
      %dma_wait3A_1900 = arith.constant 0 : i32
      %dma_wait3A_1901 = arith.constant 1 : i32
      %dma_wait3A_1902 = arith.constant 128 : i32
      %dma_wait3A_1903 = arith.constant 0 : i32
      %dma_wait3A_1904 = tpu.memref_slice %arg6[%dma_wait3A_1901, %dma_wait3A_1902, %dma_wait3A_1903] : memref<4x200x128xf32, #tpu.memory_space<vmem>> -> memref<1x72x128xf32, #tpu.memory_space<vmem>>
      %dma_wait3A_1905 = tpu.memref_squeeze %dma_wait3A_1904 : memref<1x72x128xf32, #tpu.memory_space<vmem>> -> memref<72x128xf32, #tpu.memory_space<vmem>>
      %dma_wait3A_1906 = arith.constant 128 : i32
      %dma_wait3A_1907 = tpu.memref_slice %arg5[%dma_wait3A_1900, %add3A_1881, %dma_wait3A_1906] : memref<2x32x200xi32, #tpu.memory_space<vmem>> -> memref<1x1x72xi32, #tpu.memory_space<vmem>>
      %dma_wait3A_1908 = tpu.memref_squeeze %dma_wait3A_1907 : memref<1x1x72xi32, #tpu.memory_space<vmem>> -> memref<72xi32, #tpu.memory_space<vmem>>
      %dma_wait3A_1909 = arith.constant 0 : i32
      %dma_wait3A_1910 = arith.constant 0 : i32
      %dma_wait3A_1911 = tpu.memref_slice %arg7[%dma_wait3A_1909, %dma_wait3A_1910] : memref<1000x128xf32, #tpu.memory_space<vmem_shared>> -> memref<1000x128xf32, #tpu.memory_space<vmem_shared>>
      tpu.wait_indirect_dma semaphore(%arg11 : memref<!tpu.dma_semaphore, #tpu.memory_space<semaphore_mem>>) src(%dma_wait3A_1911 : memref<1000x128xf32, #tpu.memory_space<vmem_shared>>) dst(%dma_wait3A_1905 : memref<72x128xf32, #tpu.memory_space<vmem>>)
      %mul3A_1912 = arith.constant 200 : i32
      %mul3A_1913 = arith.muli %add3A_1887, %mul3A_1912 : i32
      %add3A_1914 = arith.addi %mul3A_2, %mul3A_1913 : i32
      %dma_start3A_1915 = arith.constant 1 : i32
      %dma_start3A_1916 = arith.constant 0 : i32
      %dma_start3A_1917 = arith.constant 0 : i32
      %dma_start3A_1918 = tpu.memref_slice %arg6[%dma_start3A_1915, %dma_start3A_1916, %dma_start3A_1917] : memref<4x200x128xf32, #tpu.memory_space<vmem>> -> memref<1x200x128xf32, #tpu.memory_space<vmem>>
      %dma_start3A_1919 = tpu.memref_squeeze %dma_start3A_1918 : memref<1x200x128xf32, #tpu.memory_space<vmem>> -> memref<200x128xf32, #tpu.memory_space<vmem>>
      %dma_start3A_1920 = arith.constant 0 : i32
      %dma_start3A_1921 = tpu.memref_slice %arg4[%add3A_1914, %dma_start3A_1920] : memref<819200x128xf32, #tpu.memory_space<hbm>> -> memref<200x128xf32, #tpu.memory_space<hbm>>
      %dma_start3A_1922 = arith.constant 0 : i32
      %dma_start3A_1923 = tpu.memref_slice %arg4[%add3A_1914, %dma_start3A_1922] : memref<819200x128xf32, #tpu.memory_space<hbm>> -> memref<200x128xf32, #tpu.memory_space<hbm>>
      %dma_start3A_1924 = arith.constant 0 : i32
      %dma_start3A_1925 = arith.constant 0 : i32
      %dma_start3A_1926 = tpu.memref_slice %arg6[%dma_start3A_1915, %dma_start3A_1924, %dma_start3A_1925] : memref<4x200x128xf32, #tpu.memory_space<vmem>> -> memref<1x200x128xf32, #tpu.memory_space<vmem>>
      %dma_start3A_1927 = tpu.memref_squeeze %dma_start3A_1926 : memref<1x200x128xf32, #tpu.memory_space<vmem>> -> memref<200x128xf32, #tpu.memory_space<vmem>>
      tpu.enqueue_dma source(%dma_start3A_1927 : memref<200x128xf32, #tpu.memory_space<vmem>>) target(%dma_start3A_1923 : memref<200x128xf32, #tpu.memory_space<hbm>>) target_semaphore(%arg15 : memref<!tpu.dma_semaphore, #tpu.memory_space<semaphore_mem>>)
      %sub3A_1928 = arith.constant 2 : i32
      %sub3A_1929 = arith.subi %add3A_1887, %sub3A_1928 : i32
      %mul3A_1930 = arith.constant 200 : i32
      %mul3A_1931 = arith.muli %sub3A_1929, %mul3A_1930 : i32
      %add3A_1932 = arith.addi %mul3A_2, %mul3A_1931 : i32
      %dma_wait3A_1933 = arith.constant 3 : i32
      %dma_wait3A_1934 = arith.constant 0 : i32
      %dma_wait3A_1935 = arith.constant 0 : i32
      %dma_wait3A_1936 = tpu.memref_slice %arg6[%dma_wait3A_1933, %dma_wait3A_1934, %dma_wait3A_1935] : memref<4x200x128xf32, #tpu.memory_space<vmem>> -> memref<1x200x128xf32, #tpu.memory_space<vmem>>
      %dma_wait3A_1937 = tpu.memref_squeeze %dma_wait3A_1936 : memref<1x200x128xf32, #tpu.memory_space<vmem>> -> memref<200x128xf32, #tpu.memory_space<vmem>>
      %dma_wait3A_1938 = arith.constant 0 : i32
      %dma_wait3A_1939 = tpu.memref_slice %arg4[%add3A_1932, %dma_wait3A_1938] : memref<819200x128xf32, #tpu.memory_space<hbm>> -> memref<200x128xf32, #tpu.memory_space<hbm>>
      %dma_wait3A_1940 = arith.constant 0 : i32
      %dma_wait3A_1941 = tpu.memref_slice %arg4[%add3A_1932, %dma_wait3A_1940] : memref<819200x128xf32, #tpu.memory_space<hbm>> -> memref<200x128xf32, #tpu.memory_space<hbm>>
      %dma_wait3A_1942 = arith.constant 0 : i32
      %dma_wait3A_1943 = arith.constant 0 : i32
      %dma_wait3A_1944 = tpu.memref_slice %arg6[%dma_wait3A_1933, %dma_wait3A_1942, %dma_wait3A_1943] : memref<4x200x128xf32, #tpu.memory_space<vmem>> -> memref<1x200x128xf32, #tpu.memory_space<vmem>>
      %dma_wait3A_1945 = tpu.memref_squeeze %dma_wait3A_1944 : memref<1x200x128xf32, #tpu.memory_space<vmem>> -> memref<200x128xf32, #tpu.memory_space<vmem>>
      tpu.wait_dma2 semaphore(%arg17 : memref<!tpu.dma_semaphore, #tpu.memory_space<semaphore_mem>>) src(%dma_wait3A_1945 : memref<200x128xf32, #tpu.memory_space<vmem>>) dst(%dma_wait3A_1941 : memref<200x128xf32, #tpu.memory_space<hbm>>)
      %dma_start3A_1946 = arith.constant 0 : i32
      %dma_start3A_1947 = arith.constant 3 : i32
      %dma_start3A_1948 = arith.constant 0 : i32
      %dma_start3A_1949 = arith.constant 0 : i32
      %dma_start3A_1950 = tpu.memref_slice %arg6[%dma_start3A_1947, %dma_start3A_1948, %dma_start3A_1949] : memref<4x200x128xf32, #tpu.memory_space<vmem>> -> memref<1x128x128xf32, #tpu.memory_space<vmem>>
      %dma_start3A_1951 = tpu.memref_squeeze %dma_start3A_1950 : memref<1x128x128xf32, #tpu.memory_space<vmem>> -> memref<128x128xf32, #tpu.memory_space<vmem>>
      %dma_start3A_1952 = arith.constant 0 : i32
      %dma_start3A_1953 = tpu.memref_slice %arg5[%dma_start3A_1946, %add3A_1885, %dma_start3A_1952] : memref<2x32x200xi32, #tpu.memory_space<vmem>> -> memref<1x1x128xi32, #tpu.memory_space<vmem>>
      %dma_start3A_1954 = tpu.memref_squeeze %dma_start3A_1953 : memref<1x1x128xi32, #tpu.memory_space<vmem>> -> memref<128xi32, #tpu.memory_space<vmem>>
      %dma_start3A_1955 = arith.constant 0 : i32
      %dma_start3A_1956 = arith.constant 0 : i32
      %dma_start3A_1957 = tpu.memref_slice %arg7[%dma_start3A_1955, %dma_start3A_1956] : memref<1000x128xf32, #tpu.memory_space<vmem_shared>> -> memref<1000x128xf32, #tpu.memory_space<vmem_shared>>
      tpu.enqueue_indirect_dma source(%dma_start3A_1957 : memref<1000x128xf32, #tpu.memory_space<vmem_shared>>) target(%dma_start3A_1951 : memref<128x128xf32, #tpu.memory_space<vmem>>) offsets(%dma_start3A_1954 : memref<128xi32, #tpu.memory_space<vmem>>) semaphore(%arg13 : memref<!tpu.dma_semaphore, #tpu.memory_space<semaphore_mem>>)
      %dma_start3A_1958 = arith.constant 0 : i32
      %dma_start3A_1959 = arith.constant 3 : i32
      %dma_start3A_1960 = arith.constant 128 : i32
      %dma_start3A_1961 = arith.constant 0 : i32
      %dma_start3A_1962 = tpu.memref_slice %arg6[%dma_start3A_1959, %dma_start3A_1960, %dma_start3A_1961] : memref<4x200x128xf32, #tpu.memory_space<vmem>> -> memref<1x72x128xf32, #tpu.memory_space<vmem>>
      %dma_start3A_1963 = tpu.memref_squeeze %dma_start3A_1962 : memref<1x72x128xf32, #tpu.memory_space<vmem>> -> memref<72x128xf32, #tpu.memory_space<vmem>>
      %dma_start3A_1964 = arith.constant 128 : i32
      %dma_start3A_1965 = tpu.memref_slice %arg5[%dma_start3A_1958, %add3A_1885, %dma_start3A_1964] : memref<2x32x200xi32, #tpu.memory_space<vmem>> -> memref<1x1x72xi32, #tpu.memory_space<vmem>>
      %dma_start3A_1966 = tpu.memref_squeeze %dma_start3A_1965 : memref<1x1x72xi32, #tpu.memory_space<vmem>> -> memref<72xi32, #tpu.memory_space<vmem>>
      %dma_start3A_1967 = arith.constant 0 : i32
      %dma_start3A_1968 = arith.constant 0 : i32
      %dma_start3A_1969 = tpu.memref_slice %arg7[%dma_start3A_1967, %dma_start3A_1968] : memref<1000x128xf32, #tpu.memory_space<vmem_shared>> -> memref<1000x128xf32, #tpu.memory_space<vmem_shared>>
      tpu.enqueue_indirect_dma source(%dma_start3A_1969 : memref<1000x128xf32, #tpu.memory_space<vmem_shared>>) target(%dma_start3A_1963 : memref<72x128xf32, #tpu.memory_space<vmem>>) offsets(%dma_start3A_1966 : memref<72xi32, #tpu.memory_space<vmem>>) semaphore(%arg13 : memref<!tpu.dma_semaphore, #tpu.memory_space<semaphore_mem>>)
      %add3A_1970 = arith.constant 2 : i32
      %add3A_1971 = arith.addi %mul3A_1790, %add3A_1970 : i32
      %add3A_1972 = arith.constant 2 : i32
      %add3A_1973 = arith.addi %mul3A_1790, %add3A_1972 : i32
      %add3A_1974 = arith.constant 2 : i32
      %add3A_1975 = arith.addi %add3A_1973, %add3A_1974 : i32
      %add3A_1976 = arith.constant 0 : i32
      %add3A_1977 = arith.addi %add3A_1976, %add3A_1971 : i32
      %dma_wait3A_1978 = arith.constant 0 : i32
      %dma_wait3A_1979 = arith.constant 2 : i32
      %dma_wait3A_1980 = arith.constant 0 : i32
      %dma_wait3A_1981 = arith.constant 0 : i32
      %dma_wait3A_1982 = tpu.memref_slice %arg6[%dma_wait3A_1979, %dma_wait3A_1980, %dma_wait3A_1981] : memref<4x200x128xf32, #tpu.memory_space<vmem>> -> memref<1x128x128xf32, #tpu.memory_space<vmem>>
      %dma_wait3A_1983 = tpu.memref_squeeze %dma_wait3A_1982 : memref<1x128x128xf32, #tpu.memory_space<vmem>> -> memref<128x128xf32, #tpu.memory_space<vmem>>
      %dma_wait3A_1984 = arith.constant 0 : i32
      %dma_wait3A_1985 = tpu.memref_slice %arg5[%dma_wait3A_1978, %add3A_1971, %dma_wait3A_1984] : memref<2x32x200xi32, #tpu.memory_space<vmem>> -> memref<1x1x128xi32, #tpu.memory_space<vmem>>
      %dma_wait3A_1986 = tpu.memref_squeeze %dma_wait3A_1985 : memref<1x1x128xi32, #tpu.memory_space<vmem>> -> memref<128xi32, #tpu.memory_space<vmem>>
      %dma_wait3A_1987 = arith.constant 0 : i32
      %dma_wait3A_1988 = arith.constant 0 : i32
      %dma_wait3A_1989 = tpu.memref_slice %arg7[%dma_wait3A_1987, %dma_wait3A_1988] : memref<1000x128xf32, #tpu.memory_space<vmem_shared>> -> memref<1000x128xf32, #tpu.memory_space<vmem_shared>>
      tpu.wait_indirect_dma semaphore(%arg12 : memref<!tpu.dma_semaphore, #tpu.memory_space<semaphore_mem>>) src(%dma_wait3A_1989 : memref<1000x128xf32, #tpu.memory_space<vmem_shared>>) dst(%dma_wait3A_1983 : memref<128x128xf32, #tpu.memory_space<vmem>>)
      %dma_wait3A_1990 = arith.constant 0 : i32
      %dma_wait3A_1991 = arith.constant 2 : i32
      %dma_wait3A_1992 = arith.constant 128 : i32
      %dma_wait3A_1993 = arith.constant 0 : i32
      %dma_wait3A_1994 = tpu.memref_slice %arg6[%dma_wait3A_1991, %dma_wait3A_1992, %dma_wait3A_1993] : memref<4x200x128xf32, #tpu.memory_space<vmem>> -> memref<1x72x128xf32, #tpu.memory_space<vmem>>
      %dma_wait3A_1995 = tpu.memref_squeeze %dma_wait3A_1994 : memref<1x72x128xf32, #tpu.memory_space<vmem>> -> memref<72x128xf32, #tpu.memory_space<vmem>>
      %dma_wait3A_1996 = arith.constant 128 : i32
      %dma_wait3A_1997 = tpu.memref_slice %arg5[%dma_wait3A_1990, %add3A_1971, %dma_wait3A_1996] : memref<2x32x200xi32, #tpu.memory_space<vmem>> -> memref<1x1x72xi32, #tpu.memory_space<vmem>>
      %dma_wait3A_1998 = tpu.memref_squeeze %dma_wait3A_1997 : memref<1x1x72xi32, #tpu.memory_space<vmem>> -> memref<72xi32, #tpu.memory_space<vmem>>
      %dma_wait3A_1999 = arith.constant 0 : i32
      %dma_wait3A_2000 = arith.constant 0 : i32
      %dma_wait3A_2001 = tpu.memref_slice %arg7[%dma_wait3A_1999, %dma_wait3A_2000] : memref<1000x128xf32, #tpu.memory_space<vmem_shared>> -> memref<1000x128xf32, #tpu.memory_space<vmem_shared>>
      tpu.wait_indirect_dma semaphore(%arg12 : memref<!tpu.dma_semaphore, #tpu.memory_space<semaphore_mem>>) src(%dma_wait3A_2001 : memref<1000x128xf32, #tpu.memory_space<vmem_shared>>) dst(%dma_wait3A_1995 : memref<72x128xf32, #tpu.memory_space<vmem>>)
      %mul3A_2002 = arith.constant 200 : i32
      %mul3A_2003 = arith.muli %add3A_1977, %mul3A_2002 : i32
      %add3A_2004 = arith.addi %mul3A_2, %mul3A_2003 : i32
      %dma_start3A_2005 = arith.constant 2 : i32
      %dma_start3A_2006 = arith.constant 0 : i32
      %dma_start3A_2007 = arith.constant 0 : i32
      %dma_start3A_2008 = tpu.memref_slice %arg6[%dma_start3A_2005, %dma_start3A_2006, %dma_start3A_2007] : memref<4x200x128xf32, #tpu.memory_space<vmem>> -> memref<1x200x128xf32, #tpu.memory_space<vmem>>
      %dma_start3A_2009 = tpu.memref_squeeze %dma_start3A_2008 : memref<1x200x128xf32, #tpu.memory_space<vmem>> -> memref<200x128xf32, #tpu.memory_space<vmem>>
      %dma_start3A_2010 = arith.constant 0 : i32
      %dma_start3A_2011 = tpu.memref_slice %arg4[%add3A_2004, %dma_start3A_2010] : memref<819200x128xf32, #tpu.memory_space<hbm>> -> memref<200x128xf32, #tpu.memory_space<hbm>>
      %dma_start3A_2012 = arith.constant 0 : i32
      %dma_start3A_2013 = tpu.memref_slice %arg4[%add3A_2004, %dma_start3A_2012] : memref<819200x128xf32, #tpu.memory_space<hbm>> -> memref<200x128xf32, #tpu.memory_space<hbm>>
      %dma_start3A_2014 = arith.constant 0 : i32
      %dma_start3A_2015 = arith.constant 0 : i32
      %dma_start3A_2016 = tpu.memref_slice %arg6[%dma_start3A_2005, %dma_start3A_2014, %dma_start3A_2015] : memref<4x200x128xf32, #tpu.memory_space<vmem>> -> memref<1x200x128xf32, #tpu.memory_space<vmem>>
      %dma_start3A_2017 = tpu.memref_squeeze %dma_start3A_2016 : memref<1x200x128xf32, #tpu.memory_space<vmem>> -> memref<200x128xf32, #tpu.memory_space<vmem>>
      tpu.enqueue_dma source(%dma_start3A_2017 : memref<200x128xf32, #tpu.memory_space<vmem>>) target(%dma_start3A_2013 : memref<200x128xf32, #tpu.memory_space<hbm>>) target_semaphore(%arg16 : memref<!tpu.dma_semaphore, #tpu.memory_space<semaphore_mem>>)
      %sub3A_2018 = arith.constant 2 : i32
      %sub3A_2019 = arith.subi %add3A_1977, %sub3A_2018 : i32
      %mul3A_2020 = arith.constant 200 : i32
      %mul3A_2021 = arith.muli %sub3A_2019, %mul3A_2020 : i32
      %add3A_2022 = arith.addi %mul3A_2, %mul3A_2021 : i32
      %dma_wait3A_2023 = arith.constant 0 : i32
      %dma_wait3A_2024 = arith.constant 0 : i32
      %dma_wait3A_2025 = arith.constant 0 : i32
      %dma_wait3A_2026 = tpu.memref_slice %arg6[%dma_wait3A_2023, %dma_wait3A_2024, %dma_wait3A_2025] : memref<4x200x128xf32, #tpu.memory_space<vmem>> -> memref<1x200x128xf32, #tpu.memory_space<vmem>>
      %dma_wait3A_2027 = tpu.memref_squeeze %dma_wait3A_2026 : memref<1x200x128xf32, #tpu.memory_space<vmem>> -> memref<200x128xf32, #tpu.memory_space<vmem>>
      %dma_wait3A_2028 = arith.constant 0 : i32
      %dma_wait3A_2029 = tpu.memref_slice %arg4[%add3A_2022, %dma_wait3A_2028] : memref<819200x128xf32, #tpu.memory_space<hbm>> -> memref<200x128xf32, #tpu.memory_space<hbm>>
      %dma_wait3A_2030 = arith.constant 0 : i32
      %dma_wait3A_2031 = tpu.memref_slice %arg4[%add3A_2022, %dma_wait3A_2030] : memref<819200x128xf32, #tpu.memory_space<hbm>> -> memref<200x128xf32, #tpu.memory_space<hbm>>
      %dma_wait3A_2032 = arith.constant 0 : i32
      %dma_wait3A_2033 = arith.constant 0 : i32
      %dma_wait3A_2034 = tpu.memref_slice %arg6[%dma_wait3A_2023, %dma_wait3A_2032, %dma_wait3A_2033] : memref<4x200x128xf32, #tpu.memory_space<vmem>> -> memref<1x200x128xf32, #tpu.memory_space<vmem>>
      %dma_wait3A_2035 = tpu.memref_squeeze %dma_wait3A_2034 : memref<1x200x128xf32, #tpu.memory_space<vmem>> -> memref<200x128xf32, #tpu.memory_space<vmem>>
      tpu.wait_dma2 semaphore(%arg14 : memref<!tpu.dma_semaphore, #tpu.memory_space<semaphore_mem>>) src(%dma_wait3A_2035 : memref<200x128xf32, #tpu.memory_space<vmem>>) dst(%dma_wait3A_2031 : memref<200x128xf32, #tpu.memory_space<hbm>>)
      %dma_start3A_2036 = arith.constant 0 : i32
      %dma_start3A_2037 = arith.constant 0 : i32
      %dma_start3A_2038 = arith.constant 0 : i32
      %dma_start3A_2039 = arith.constant 0 : i32
      %dma_start3A_2040 = tpu.memref_slice %arg6[%dma_start3A_2037, %dma_start3A_2038, %dma_start3A_2039] : memref<4x200x128xf32, #tpu.memory_space<vmem>> -> memref<1x128x128xf32, #tpu.memory_space<vmem>>
      %dma_start3A_2041 = tpu.memref_squeeze %dma_start3A_2040 : memref<1x128x128xf32, #tpu.memory_space<vmem>> -> memref<128x128xf32, #tpu.memory_space<vmem>>
      %dma_start3A_2042 = arith.constant 0 : i32
      %dma_start3A_2043 = tpu.memref_slice %arg5[%dma_start3A_2036, %add3A_1975, %dma_start3A_2042] : memref<2x32x200xi32, #tpu.memory_space<vmem>> -> memref<1x1x128xi32, #tpu.memory_space<vmem>>
      %dma_start3A_2044 = tpu.memref_squeeze %dma_start3A_2043 : memref<1x1x128xi32, #tpu.memory_space<vmem>> -> memref<128xi32, #tpu.memory_space<vmem>>
      %dma_start3A_2045 = arith.constant 0 : i32
      %dma_start3A_2046 = arith.constant 0 : i32
      %dma_start3A_2047 = tpu.memref_slice %arg7[%dma_start3A_2045, %dma_start3A_2046] : memref<1000x128xf32, #tpu.memory_space<vmem_shared>> -> memref<1000x128xf32, #tpu.memory_space<vmem_shared>>
      tpu.enqueue_indirect_dma source(%dma_start3A_2047 : memref<1000x128xf32, #tpu.memory_space<vmem_shared>>) target(%dma_start3A_2041 : memref<128x128xf32, #tpu.memory_space<vmem>>) offsets(%dma_start3A_2044 : memref<128xi32, #tpu.memory_space<vmem>>) semaphore(%arg10 : memref<!tpu.dma_semaphore, #tpu.memory_space<semaphore_mem>>)
      %dma_start3A_2048 = arith.constant 0 : i32
      %dma_start3A_2049 = arith.constant 0 : i32
      %dma_start3A_2050 = arith.constant 128 : i32
      %dma_start3A_2051 = arith.constant 0 : i32
      %dma_start3A_2052 = tpu.memref_slice %arg6[%dma_start3A_2049, %dma_start3A_2050, %dma_start3A_2051] : memref<4x200x128xf32, #tpu.memory_space<vmem>> -> memref<1x72x128xf32, #tpu.memory_space<vmem>>
      %dma_start3A_2053 = tpu.memref_squeeze %dma_start3A_2052 : memref<1x72x128xf32, #tpu.memory_space<vmem>> -> memref<72x128xf32, #tpu.memory_space<vmem>>
      %dma_start3A_2054 = arith.constant 128 : i32
      %dma_start3A_2055 = tpu.memref_slice %arg5[%dma_start3A_2048, %add3A_1975, %dma_start3A_2054] : memref<2x32x200xi32, #tpu.memory_space<vmem>> -> memref<1x1x72xi32, #tpu.memory_space<vmem>>
      %dma_start3A_2056 = tpu.memref_squeeze %dma_start3A_2055 : memref<1x1x72xi32, #tpu.memory_space<vmem>> -> memref<72xi32, #tpu.memory_space<vmem>>
      %dma_start3A_2057 = arith.constant 0 : i32
      %dma_start3A_2058 = arith.constant 0 : i32
      %dma_start3A_2059 = tpu.memref_slice %arg7[%dma_start3A_2057, %dma_start3A_2058] : memref<1000x128xf32, #tpu.memory_space<vmem_shared>> -> memref<1000x128xf32, #tpu.memory_space<vmem_shared>>
      tpu.enqueue_indirect_dma source(%dma_start3A_2059 : memref<1000x128xf32, #tpu.memory_space<vmem_shared>>) target(%dma_start3A_2053 : memref<72x128xf32, #tpu.memory_space<vmem>>) offsets(%dma_start3A_2056 : memref<72xi32, #tpu.memory_space<vmem>>) semaphore(%arg10 : memref<!tpu.dma_semaphore, #tpu.memory_space<semaphore_mem>>)
      %add3A_2060 = arith.constant 3 : i32
      %add3A_2061 = arith.addi %mul3A_1790, %add3A_2060 : i32
      %add3A_2062 = arith.constant 3 : i32
      %add3A_2063 = arith.addi %mul3A_1790, %add3A_2062 : i32
      %add3A_2064 = arith.constant 2 : i32
      %add3A_2065 = arith.addi %add3A_2063, %add3A_2064 : i32
      %add3A_2066 = arith.constant 0 : i32
      %add3A_2067 = arith.addi %add3A_2066, %add3A_2061 : i32
      %dma_wait3A_2068 = arith.constant 0 : i32
      %dma_wait3A_2069 = arith.constant 3 : i32
      %dma_wait3A_2070 = arith.constant 0 : i32
      %dma_wait3A_2071 = arith.constant 0 : i32
      %dma_wait3A_2072 = tpu.memref_slice %arg6[%dma_wait3A_2069, %dma_wait3A_2070, %dma_wait3A_2071] : memref<4x200x128xf32, #tpu.memory_space<vmem>> -> memref<1x128x128xf32, #tpu.memory_space<vmem>>
      %dma_wait3A_2073 = tpu.memref_squeeze %dma_wait3A_2072 : memref<1x128x128xf32, #tpu.memory_space<vmem>> -> memref<128x128xf32, #tpu.memory_space<vmem>>
      %dma_wait3A_2074 = arith.constant 0 : i32
      %dma_wait3A_2075 = tpu.memref_slice %arg5[%dma_wait3A_2068, %add3A_2061, %dma_wait3A_2074] : memref<2x32x200xi32, #tpu.memory_space<vmem>> -> memref<1x1x128xi32, #tpu.memory_space<vmem>>
      %dma_wait3A_2076 = tpu.memref_squeeze %dma_wait3A_2075 : memref<1x1x128xi32, #tpu.memory_space<vmem>> -> memref<128xi32, #tpu.memory_space<vmem>>
      %dma_wait3A_2077 = arith.constant 0 : i32
      %dma_wait3A_2078 = arith.constant 0 : i32
      %dma_wait3A_2079 = tpu.memref_slice %arg7[%dma_wait3A_2077, %dma_wait3A_2078] : memref<1000x128xf32, #tpu.memory_space<vmem_shared>> -> memref<1000x128xf32, #tpu.memory_space<vmem_shared>>
      tpu.wait_indirect_dma semaphore(%arg13 : memref<!tpu.dma_semaphore, #tpu.memory_space<semaphore_mem>>) src(%dma_wait3A_2079 : memref<1000x128xf32, #tpu.memory_space<vmem_shared>>) dst(%dma_wait3A_2073 : memref<128x128xf32, #tpu.memory_space<vmem>>)
      %dma_wait3A_2080 = arith.constant 0 : i32
      %dma_wait3A_2081 = arith.constant 3 : i32
      %dma_wait3A_2082 = arith.constant 128 : i32
      %dma_wait3A_2083 = arith.constant 0 : i32
      %dma_wait3A_2084 = tpu.memref_slice %arg6[%dma_wait3A_2081, %dma_wait3A_2082, %dma_wait3A_2083] : memref<4x200x128xf32, #tpu.memory_space<vmem>> -> memref<1x72x128xf32, #tpu.memory_space<vmem>>
      %dma_wait3A_2085 = tpu.memref_squeeze %dma_wait3A_2084 : memref<1x72x128xf32, #tpu.memory_space<vmem>> -> memref<72x128xf32, #tpu.memory_space<vmem>>
      %dma_wait3A_2086 = arith.constant 128 : i32
      %dma_wait3A_2087 = tpu.memref_slice %arg5[%dma_wait3A_2080, %add3A_2061, %dma_wait3A_2086] : memref<2x32x200xi32, #tpu.memory_space<vmem>> -> memref<1x1x72xi32, #tpu.memory_space<vmem>>
      %dma_wait3A_2088 = tpu.memref_squeeze %dma_wait3A_2087 : memref<1x1x72xi32, #tpu.memory_space<vmem>> -> memref<72xi32, #tpu.memory_space<vmem>>
      %dma_wait3A_2089 = arith.constant 0 : i32
      %dma_wait3A_2090 = arith.constant 0 : i32
      %dma_wait3A_2091 = tpu.memref_slice %arg7[%dma_wait3A_2089, %dma_wait3A_2090] : memref<1000x128xf32, #tpu.memory_space<vmem_shared>> -> memref<1000x128xf32, #tpu.memory_space<vmem_shared>>
      tpu.wait_indirect_dma semaphore(%arg13 : memref<!tpu.dma_semaphore, #tpu.memory_space<semaphore_mem>>) src(%dma_wait3A_2091 : memref<1000x128xf32, #tpu.memory_space<vmem_shared>>) dst(%dma_wait3A_2085 : memref<72x128xf32, #tpu.memory_space<vmem>>)
      %mul3A_2092 = arith.constant 200 : i32
      %mul3A_2093 = arith.muli %add3A_2067, %mul3A_2092 : i32
      %add3A_2094 = arith.addi %mul3A_2, %mul3A_2093 : i32
      %dma_start3A_2095 = arith.constant 3 : i32
      %dma_start3A_2096 = arith.constant 0 : i32
      %dma_start3A_2097 = arith.constant 0 : i32
      %dma_start3A_2098 = tpu.memref_slice %arg6[%dma_start3A_2095, %dma_start3A_2096, %dma_start3A_2097] : memref<4x200x128xf32, #tpu.memory_space<vmem>> -> memref<1x200x128xf32, #tpu.memory_space<vmem>>
      %dma_start3A_2099 = tpu.memref_squeeze %dma_start3A_2098 : memref<1x200x128xf32, #tpu.memory_space<vmem>> -> memref<200x128xf32, #tpu.memory_space<vmem>>
      %dma_start3A_2100 = arith.constant 0 : i32
      %dma_start3A_2101 = tpu.memref_slice %arg4[%add3A_2094, %dma_start3A_2100] : memref<819200x128xf32, #tpu.memory_space<hbm>> -> memref<200x128xf32, #tpu.memory_space<hbm>>
      %dma_start3A_2102 = arith.constant 0 : i32
      %dma_start3A_2103 = tpu.memref_slice %arg4[%add3A_2094, %dma_start3A_2102] : memref<819200x128xf32, #tpu.memory_space<hbm>> -> memref<200x128xf32, #tpu.memory_space<hbm>>
      %dma_start3A_2104 = arith.constant 0 : i32
      %dma_start3A_2105 = arith.constant 0 : i32
      %dma_start3A_2106 = tpu.memref_slice %arg6[%dma_start3A_2095, %dma_start3A_2104, %dma_start3A_2105] : memref<4x200x128xf32, #tpu.memory_space<vmem>> -> memref<1x200x128xf32, #tpu.memory_space<vmem>>
      %dma_start3A_2107 = tpu.memref_squeeze %dma_start3A_2106 : memref<1x200x128xf32, #tpu.memory_space<vmem>> -> memref<200x128xf32, #tpu.memory_space<vmem>>
      tpu.enqueue_dma source(%dma_start3A_2107 : memref<200x128xf32, #tpu.memory_space<vmem>>) target(%dma_start3A_2103 : memref<200x128xf32, #tpu.memory_space<hbm>>) target_semaphore(%arg17 : memref<!tpu.dma_semaphore, #tpu.memory_space<semaphore_mem>>)
      %sub3A_2108 = arith.constant 2 : i32
      %sub3A_2109 = arith.subi %add3A_2067, %sub3A_2108 : i32
      %mul3A_2110 = arith.constant 200 : i32
      %mul3A_2111 = arith.muli %sub3A_2109, %mul3A_2110 : i32
      %add3A_2112 = arith.addi %mul3A_2, %mul3A_2111 : i32
      %dma_wait3A_2113 = arith.constant 1 : i32
      %dma_wait3A_2114 = arith.constant 0 : i32
      %dma_wait3A_2115 = arith.constant 0 : i32
      %dma_wait3A_2116 = tpu.memref_slice %arg6[%dma_wait3A_2113, %dma_wait3A_2114, %dma_wait3A_2115] : memref<4x200x128xf32, #tpu.memory_space<vmem>> -> memref<1x200x128xf32, #tpu.memory_space<vmem>>
      %dma_wait3A_2117 = tpu.memref_squeeze %dma_wait3A_2116 : memref<1x200x128xf32, #tpu.memory_space<vmem>> -> memref<200x128xf32, #tpu.memory_space<vmem>>
      %dma_wait3A_2118 = arith.constant 0 : i32
      %dma_wait3A_2119 = tpu.memref_slice %arg4[%add3A_2112, %dma_wait3A_2118] : memref<819200x128xf32, #tpu.memory_space<hbm>> -> memref<200x128xf32, #tpu.memory_space<hbm>>
      %dma_wait3A_2120 = arith.constant 0 : i32
      %dma_wait3A_2121 = tpu.memref_slice %arg4[%add3A_2112, %dma_wait3A_2120] : memref<819200x128xf32, #tpu.memory_space<hbm>> -> memref<200x128xf32, #tpu.memory_space<hbm>>
      %dma_wait3A_2122 = arith.constant 0 : i32
      %dma_wait3A_2123 = arith.constant 0 : i32
      %dma_wait3A_2124 = tpu.memref_slice %arg6[%dma_wait3A_2113, %dma_wait3A_2122, %dma_wait3A_2123] : memref<4x200x128xf32, #tpu.memory_space<vmem>> -> memref<1x200x128xf32, #tpu.memory_space<vmem>>
      %dma_wait3A_2125 = tpu.memref_squeeze %dma_wait3A_2124 : memref<1x200x128xf32, #tpu.memory_space<vmem>> -> memref<200x128xf32, #tpu.memory_space<vmem>>
      tpu.wait_dma2 semaphore(%arg15 : memref<!tpu.dma_semaphore, #tpu.memory_space<semaphore_mem>>) src(%dma_wait3A_2125 : memref<200x128xf32, #tpu.memory_space<vmem>>) dst(%dma_wait3A_2121 : memref<200x128xf32, #tpu.memory_space<hbm>>)
      %dma_start3A_2126 = arith.constant 0 : i32
      %dma_start3A_2127 = arith.constant 1 : i32
      %dma_start3A_2128 = arith.constant 0 : i32
      %dma_start3A_2129 = arith.constant 0 : i32
      %dma_start3A_2130 = tpu.memref_slice %arg6[%dma_start3A_2127, %dma_start3A_2128, %dma_start3A_2129] : memref<4x200x128xf32, #tpu.memory_space<vmem>> -> memref<1x128x128xf32, #tpu.memory_space<vmem>>
      %dma_start3A_2131 = tpu.memref_squeeze %dma_start3A_2130 : memref<1x128x128xf32, #tpu.memory_space<vmem>> -> memref<128x128xf32, #tpu.memory_space<vmem>>
      %dma_start3A_2132 = arith.constant 0 : i32
      %dma_start3A_2133 = tpu.memref_slice %arg5[%dma_start3A_2126, %add3A_2065, %dma_start3A_2132] : memref<2x32x200xi32, #tpu.memory_space<vmem>> -> memref<1x1x128xi32, #tpu.memory_space<vmem>>
      %dma_start3A_2134 = tpu.memref_squeeze %dma_start3A_2133 : memref<1x1x128xi32, #tpu.memory_space<vmem>> -> memref<128xi32, #tpu.memory_space<vmem>>
      %dma_start3A_2135 = arith.constant 0 : i32
      %dma_start3A_2136 = arith.constant 0 : i32
      %dma_start3A_2137 = tpu.memref_slice %arg7[%dma_start3A_2135, %dma_start3A_2136] : memref<1000x128xf32, #tpu.memory_space<vmem_shared>> -> memref<1000x128xf32, #tpu.memory_space<vmem_shared>>
      tpu.enqueue_indirect_dma source(%dma_start3A_2137 : memref<1000x128xf32, #tpu.memory_space<vmem_shared>>) target(%dma_start3A_2131 : memref<128x128xf32, #tpu.memory_space<vmem>>) offsets(%dma_start3A_2134 : memref<128xi32, #tpu.memory_space<vmem>>) semaphore(%arg11 : memref<!tpu.dma_semaphore, #tpu.memory_space<semaphore_mem>>)
      %dma_start3A_2138 = arith.constant 0 : i32
      %dma_start3A_2139 = arith.constant 1 : i32
      %dma_start3A_2140 = arith.constant 128 : i32
      %dma_start3A_2141 = arith.constant 0 : i32
      %dma_start3A_2142 = tpu.memref_slice %arg6[%dma_start3A_2139, %dma_start3A_2140, %dma_start3A_2141] : memref<4x200x128xf32, #tpu.memory_space<vmem>> -> memref<1x72x128xf32, #tpu.memory_space<vmem>>
      %dma_start3A_2143 = tpu.memref_squeeze %dma_start3A_2142 : memref<1x72x128xf32, #tpu.memory_space<vmem>> -> memref<72x128xf32, #tpu.memory_space<vmem>>
      %dma_start3A_2144 = arith.constant 128 : i32
      %dma_start3A_2145 = tpu.memref_slice %arg5[%dma_start3A_2138, %add3A_2065, %dma_start3A_2144] : memref<2x32x200xi32, #tpu.memory_space<vmem>> -> memref<1x1x72xi32, #tpu.memory_space<vmem>>
      %dma_start3A_2146 = tpu.memref_squeeze %dma_start3A_2145 : memref<1x1x72xi32, #tpu.memory_space<vmem>> -> memref<72xi32, #tpu.memory_space<vmem>>
      %dma_start3A_2147 = arith.constant 0 : i32
      %dma_start3A_2148 = arith.constant 0 : i32
      %dma_start3A_2149 = tpu.memref_slice %arg7[%dma_start3A_2147, %dma_start3A_2148] : memref<1000x128xf32, #tpu.memory_space<vmem_shared>> -> memref<1000x128xf32, #tpu.memory_space<vmem_shared>>
      tpu.enqueue_indirect_dma source(%dma_start3A_2149 : memref<1000x128xf32, #tpu.memory_space<vmem_shared>>) target(%dma_start3A_2143 : memref<72x128xf32, #tpu.memory_space<vmem>>) offsets(%dma_start3A_2146 : memref<72xi32, #tpu.memory_space<vmem>>) semaphore(%arg11 : memref<!tpu.dma_semaphore, #tpu.memory_space<semaphore_mem>>)
    }
    %scan3A_404 = arith.constant 6 : i32
    %dma_wait3A_405 = arith.constant 0 : i32
    %dma_wait3A_406 = arith.constant 28 : i32
    %dma_wait3A_407 = arith.constant 0 : i32
    %dma_wait3A_408 = arith.constant 0 : i32
    %dma_wait3A_409 = arith.constant 0 : i32
    %dma_wait3A_410 = tpu.memref_slice %arg6[%dma_wait3A_407, %dma_wait3A_408, %dma_wait3A_409] : memref<4x200x128xf32, #tpu.memory_space<vmem>> -> memref<1x128x128xf32, #tpu.memory_space<vmem>>
    %dma_wait3A_411 = tpu.memref_squeeze %dma_wait3A_410 : memref<1x128x128xf32, #tpu.memory_space<vmem>> -> memref<128x128xf32, #tpu.memory_space<vmem>>
    %dma_wait3A_412 = arith.constant 0 : i32
    %dma_wait3A_413 = tpu.memref_slice %arg5[%dma_wait3A_405, %dma_wait3A_406, %dma_wait3A_412] : memref<2x32x200xi32, #tpu.memory_space<vmem>> -> memref<1x1x128xi32, #tpu.memory_space<vmem>>
    %dma_wait3A_414 = tpu.memref_squeeze %dma_wait3A_413 : memref<1x1x128xi32, #tpu.memory_space<vmem>> -> memref<128xi32, #tpu.memory_space<vmem>>
    %dma_wait3A_415 = arith.constant 0 : i32
    %dma_wait3A_416 = arith.constant 0 : i32
    %dma_wait3A_417 = tpu.memref_slice %arg7[%dma_wait3A_415, %dma_wait3A_416] : memref<1000x128xf32, #tpu.memory_space<vmem_shared>> -> memref<1000x128xf32, #tpu.memory_space<vmem_shared>>
    tpu.wait_indirect_dma semaphore(%arg10 : memref<!tpu.dma_semaphore, #tpu.memory_space<semaphore_mem>>) src(%dma_wait3A_417 : memref<1000x128xf32, #tpu.memory_space<vmem_shared>>) dst(%dma_wait3A_411 : memref<128x128xf32, #tpu.memory_space<vmem>>)
    %dma_wait3A_418 = arith.constant 0 : i32
    %dma_wait3A_419 = arith.constant 28 : i32
    %dma_wait3A_420 = arith.constant 0 : i32
    %dma_wait3A_421 = arith.constant 128 : i32
    %dma_wait3A_422 = arith.constant 0 : i32
    %dma_wait3A_423 = tpu.memref_slice %arg6[%dma_wait3A_420, %dma_wait3A_421, %dma_wait3A_422] : memref<4x200x128xf32, #tpu.memory_space<vmem>> -> memref<1x72x128xf32, #tpu.memory_space<vmem>>
    %dma_wait3A_424 = tpu.memref_squeeze %dma_wait3A_423 : memref<1x72x128xf32, #tpu.memory_space<vmem>> -> memref<72x128xf32, #tpu.memory_space<vmem>>
    %dma_wait3A_425 = arith.constant 128 : i32
    %dma_wait3A_426 = tpu.memref_slice %arg5[%dma_wait3A_418, %dma_wait3A_419, %dma_wait3A_425] : memref<2x32x200xi32, #tpu.memory_space<vmem>> -> memref<1x1x72xi32, #tpu.memory_space<vmem>>
    %dma_wait3A_427 = tpu.memref_squeeze %dma_wait3A_426 : memref<1x1x72xi32, #tpu.memory_space<vmem>> -> memref<72xi32, #tpu.memory_space<vmem>>
    %dma_wait3A_428 = arith.constant 0 : i32
    %dma_wait3A_429 = arith.constant 0 : i32
    %dma_wait3A_430 = tpu.memref_slice %arg7[%dma_wait3A_428, %dma_wait3A_429] : memref<1000x128xf32, #tpu.memory_space<vmem_shared>> -> memref<1000x128xf32, #tpu.memory_space<vmem_shared>>
    tpu.wait_indirect_dma semaphore(%arg10 : memref<!tpu.dma_semaphore, #tpu.memory_space<semaphore_mem>>) src(%dma_wait3A_430 : memref<1000x128xf32, #tpu.memory_space<vmem_shared>>) dst(%dma_wait3A_424 : memref<72x128xf32, #tpu.memory_space<vmem>>)
    %add3A_431 = arith.constant 5600 : i32
    %add3A_432 = arith.addi %mul3A_2, %add3A_431 : i32
    %dma_start3A_433 = arith.constant 0 : i32
    %dma_start3A_434 = arith.constant 0 : i32
    %dma_start3A_435 = arith.constant 0 : i32
    %dma_start3A_436 = tpu.memref_slice %arg6[%dma_start3A_433, %dma_start3A_434, %dma_start3A_435] : memref<4x200x128xf32, #tpu.memory_space<vmem>> -> memref<1x200x128xf32, #tpu.memory_space<vmem>>
    %dma_start3A_437 = tpu.memref_squeeze %dma_start3A_436 : memref<1x200x128xf32, #tpu.memory_space<vmem>> -> memref<200x128xf32, #tpu.memory_space<vmem>>
    %dma_start3A_438 = arith.constant 0 : i32
    %dma_start3A_439 = tpu.memref_slice %arg4[%add3A_432, %dma_start3A_438] : memref<819200x128xf32, #tpu.memory_space<hbm>> -> memref<200x128xf32, #tpu.memory_space<hbm>>
    %dma_start3A_440 = arith.constant 0 : i32
    %dma_start3A_441 = tpu.memref_slice %arg4[%add3A_432, %dma_start3A_440] : memref<819200x128xf32, #tpu.memory_space<hbm>> -> memref<200x128xf32, #tpu.memory_space<hbm>>
    %dma_start3A_442 = arith.constant 0 : i32
    %dma_start3A_443 = arith.constant 0 : i32
    %dma_start3A_444 = tpu.memref_slice %arg6[%dma_start3A_433, %dma_start3A_442, %dma_start3A_443] : memref<4x200x128xf32, #tpu.memory_space<vmem>> -> memref<1x200x128xf32, #tpu.memory_space<vmem>>
    %dma_start3A_445 = tpu.memref_squeeze %dma_start3A_444 : memref<1x200x128xf32, #tpu.memory_space<vmem>> -> memref<200x128xf32, #tpu.memory_space<vmem>>
    tpu.enqueue_dma source(%dma_start3A_445 : memref<200x128xf32, #tpu.memory_space<vmem>>) target(%dma_start3A_441 : memref<200x128xf32, #tpu.memory_space<hbm>>) target_semaphore(%arg14 : memref<!tpu.dma_semaphore, #tpu.memory_space<semaphore_mem>>)
    %add3A_446 = arith.constant 5200 : i32
    %add3A_447 = arith.addi %mul3A_2, %add3A_446 : i32
    %dma_wait3A_448 = arith.constant 2 : i32
    %dma_wait3A_449 = arith.constant 0 : i32
    %dma_wait3A_450 = arith.constant 0 : i32
    %dma_wait3A_451 = tpu.memref_slice %arg6[%dma_wait3A_448, %dma_wait3A_449, %dma_wait3A_450] : memref<4x200x128xf32, #tpu.memory_space<vmem>> -> memref<1x200x128xf32, #tpu.memory_space<vmem>>
    %dma_wait3A_452 = tpu.memref_squeeze %dma_wait3A_451 : memref<1x200x128xf32, #tpu.memory_space<vmem>> -> memref<200x128xf32, #tpu.memory_space<vmem>>
    %dma_wait3A_453 = arith.constant 0 : i32
    %dma_wait3A_454 = tpu.memref_slice %arg4[%add3A_447, %dma_wait3A_453] : memref<819200x128xf32, #tpu.memory_space<hbm>> -> memref<200x128xf32, #tpu.memory_space<hbm>>
    %dma_wait3A_455 = arith.constant 0 : i32
    %dma_wait3A_456 = tpu.memref_slice %arg4[%add3A_447, %dma_wait3A_455] : memref<819200x128xf32, #tpu.memory_space<hbm>> -> memref<200x128xf32, #tpu.memory_space<hbm>>
    %dma_wait3A_457 = arith.constant 0 : i32
    %dma_wait3A_458 = arith.constant 0 : i32
    %dma_wait3A_459 = tpu.memref_slice %arg6[%dma_wait3A_448, %dma_wait3A_457, %dma_wait3A_458] : memref<4x200x128xf32, #tpu.memory_space<vmem>> -> memref<1x200x128xf32, #tpu.memory_space<vmem>>
    %dma_wait3A_460 = tpu.memref_squeeze %dma_wait3A_459 : memref<1x200x128xf32, #tpu.memory_space<vmem>> -> memref<200x128xf32, #tpu.memory_space<vmem>>
    tpu.wait_dma2 semaphore(%arg16 : memref<!tpu.dma_semaphore, #tpu.memory_space<semaphore_mem>>) src(%dma_wait3A_460 : memref<200x128xf32, #tpu.memory_space<vmem>>) dst(%dma_wait3A_456 : memref<200x128xf32, #tpu.memory_space<hbm>>)
    %dma_start3A_461 = arith.constant 0 : i32
    %dma_start3A_462 = arith.constant 30 : i32
    %dma_start3A_463 = arith.constant 2 : i32
    %dma_start3A_464 = arith.constant 0 : i32
    %dma_start3A_465 = arith.constant 0 : i32
    %dma_start3A_466 = tpu.memref_slice %arg6[%dma_start3A_463, %dma_start3A_464, %dma_start3A_465] : memref<4x200x128xf32, #tpu.memory_space<vmem>> -> memref<1x128x128xf32, #tpu.memory_space<vmem>>
    %dma_start3A_467 = tpu.memref_squeeze %dma_start3A_466 : memref<1x128x128xf32, #tpu.memory_space<vmem>> -> memref<128x128xf32, #tpu.memory_space<vmem>>
    %dma_start3A_468 = arith.constant 0 : i32
    %dma_start3A_469 = tpu.memref_slice %arg5[%dma_start3A_461, %dma_start3A_462, %dma_start3A_468] : memref<2x32x200xi32, #tpu.memory_space<vmem>> -> memref<1x1x128xi32, #tpu.memory_space<vmem>>
    %dma_start3A_470 = tpu.memref_squeeze %dma_start3A_469 : memref<1x1x128xi32, #tpu.memory_space<vmem>> -> memref<128xi32, #tpu.memory_space<vmem>>
    %dma_start3A_471 = arith.constant 0 : i32
    %dma_start3A_472 = arith.constant 0 : i32
    %dma_start3A_473 = tpu.memref_slice %arg7[%dma_start3A_471, %dma_start3A_472] : memref<1000x128xf32, #tpu.memory_space<vmem_shared>> -> memref<1000x128xf32, #tpu.memory_space<vmem_shared>>
    tpu.enqueue_indirect_dma source(%dma_start3A_473 : memref<1000x128xf32, #tpu.memory_space<vmem_shared>>) target(%dma_start3A_467 : memref<128x128xf32, #tpu.memory_space<vmem>>) offsets(%dma_start3A_470 : memref<128xi32, #tpu.memory_space<vmem>>) semaphore(%arg12 : memref<!tpu.dma_semaphore, #tpu.memory_space<semaphore_mem>>)
    %dma_start3A_474 = arith.constant 0 : i32
    %dma_start3A_475 = arith.constant 30 : i32
    %dma_start3A_476 = arith.constant 2 : i32
    %dma_start3A_477 = arith.constant 128 : i32
    %dma_start3A_478 = arith.constant 0 : i32
    %dma_start3A_479 = tpu.memref_slice %arg6[%dma_start3A_476, %dma_start3A_477, %dma_start3A_478] : memref<4x200x128xf32, #tpu.memory_space<vmem>> -> memref<1x72x128xf32, #tpu.memory_space<vmem>>
    %dma_start3A_480 = tpu.memref_squeeze %dma_start3A_479 : memref<1x72x128xf32, #tpu.memory_space<vmem>> -> memref<72x128xf32, #tpu.memory_space<vmem>>
    %dma_start3A_481 = arith.constant 128 : i32
    %dma_start3A_482 = tpu.memref_slice %arg5[%dma_start3A_474, %dma_start3A_475, %dma_start3A_481] : memref<2x32x200xi32, #tpu.memory_space<vmem>> -> memref<1x1x72xi32, #tpu.memory_space<vmem>>
    %dma_start3A_483 = tpu.memref_squeeze %dma_start3A_482 : memref<1x1x72xi32, #tpu.memory_space<vmem>> -> memref<72xi32, #tpu.memory_space<vmem>>
    %dma_start3A_484 = arith.constant 0 : i32
    %dma_start3A_485 = arith.constant 0 : i32
    %dma_start3A_486 = tpu.memref_slice %arg7[%dma_start3A_484, %dma_start3A_485] : memref<1000x128xf32, #tpu.memory_space<vmem_shared>> -> memref<1000x128xf32, #tpu.memory_space<vmem_shared>>
    tpu.enqueue_indirect_dma source(%dma_start3A_486 : memref<1000x128xf32, #tpu.memory_space<vmem_shared>>) target(%dma_start3A_480 : memref<72x128xf32, #tpu.memory_space<vmem>>) offsets(%dma_start3A_483 : memref<72xi32, #tpu.memory_space<vmem>>) semaphore(%arg12 : memref<!tpu.dma_semaphore, #tpu.memory_space<semaphore_mem>>)
    %dma_wait3A_487 = arith.constant 0 : i32
    %dma_wait3A_488 = arith.constant 29 : i32
    %dma_wait3A_489 = arith.constant 1 : i32
    %dma_wait3A_490 = arith.constant 0 : i32
    %dma_wait3A_491 = arith.constant 0 : i32
    %dma_wait3A_492 = tpu.memref_slice %arg6[%dma_wait3A_489, %dma_wait3A_490, %dma_wait3A_491] : memref<4x200x128xf32, #tpu.memory_space<vmem>> -> memref<1x128x128xf32, #tpu.memory_space<vmem>>
    %dma_wait3A_493 = tpu.memref_squeeze %dma_wait3A_492 : memref<1x128x128xf32, #tpu.memory_space<vmem>> -> memref<128x128xf32, #tpu.memory_space<vmem>>
    %dma_wait3A_494 = arith.constant 0 : i32
    %dma_wait3A_495 = tpu.memref_slice %arg5[%dma_wait3A_487, %dma_wait3A_488, %dma_wait3A_494] : memref<2x32x200xi32, #tpu.memory_space<vmem>> -> memref<1x1x128xi32, #tpu.memory_space<vmem>>
    %dma_wait3A_496 = tpu.memref_squeeze %dma_wait3A_495 : memref<1x1x128xi32, #tpu.memory_space<vmem>> -> memref<128xi32, #tpu.memory_space<vmem>>
    %dma_wait3A_497 = arith.constant 0 : i32
    %dma_wait3A_498 = arith.constant 0 : i32
    %dma_wait3A_499 = tpu.memref_slice %arg7[%dma_wait3A_497, %dma_wait3A_498] : memref<1000x128xf32, #tpu.memory_space<vmem_shared>> -> memref<1000x128xf32, #tpu.memory_space<vmem_shared>>
    tpu.wait_indirect_dma semaphore(%arg11 : memref<!tpu.dma_semaphore, #tpu.memory_space<semaphore_mem>>) src(%dma_wait3A_499 : memref<1000x128xf32, #tpu.memory_space<vmem_shared>>) dst(%dma_wait3A_493 : memref<128x128xf32, #tpu.memory_space<vmem>>)
    %dma_wait3A_500 = arith.constant 0 : i32
    %dma_wait3A_501 = arith.constant 29 : i32
    %dma_wait3A_502 = arith.constant 1 : i32
    %dma_wait3A_503 = arith.constant 128 : i32
    %dma_wait3A_504 = arith.constant 0 : i32
    %dma_wait3A_505 = tpu.memref_slice %arg6[%dma_wait3A_502, %dma_wait3A_503, %dma_wait3A_504] : memref<4x200x128xf32, #tpu.memory_space<vmem>> -> memref<1x72x128xf32, #tpu.memory_space<vmem>>
    %dma_wait3A_506 = tpu.memref_squeeze %dma_wait3A_505 : memref<1x72x128xf32, #tpu.memory_space<vmem>> -> memref<72x128xf32, #tpu.memory_space<vmem>>
    %dma_wait3A_507 = arith.constant 128 : i32
    %dma_wait3A_508 = tpu.memref_slice %arg5[%dma_wait3A_500, %dma_wait3A_501, %dma_wait3A_507] : memref<2x32x200xi32, #tpu.memory_space<vmem>> -> memref<1x1x72xi32, #tpu.memory_space<vmem>>
    %dma_wait3A_509 = tpu.memref_squeeze %dma_wait3A_508 : memref<1x1x72xi32, #tpu.memory_space<vmem>> -> memref<72xi32, #tpu.memory_space<vmem>>
    %dma_wait3A_510 = arith.constant 0 : i32
    %dma_wait3A_511 = arith.constant 0 : i32
    %dma_wait3A_512 = tpu.memref_slice %arg7[%dma_wait3A_510, %dma_wait3A_511] : memref<1000x128xf32, #tpu.memory_space<vmem_shared>> -> memref<1000x128xf32, #tpu.memory_space<vmem_shared>>
    tpu.wait_indirect_dma semaphore(%arg11 : memref<!tpu.dma_semaphore, #tpu.memory_space<semaphore_mem>>) src(%dma_wait3A_512 : memref<1000x128xf32, #tpu.memory_space<vmem_shared>>) dst(%dma_wait3A_506 : memref<72x128xf32, #tpu.memory_space<vmem>>)
    %add3A_513 = arith.constant 5800 : i32
    %add3A_514 = arith.addi %mul3A_2, %add3A_513 : i32
    %dma_start3A_515 = arith.constant 1 : i32
    %dma_start3A_516 = arith.constant 0 : i32
    %dma_start3A_517 = arith.constant 0 : i32
    %dma_start3A_518 = tpu.memref_slice %arg6[%dma_start3A_515, %dma_start3A_516, %dma_start3A_517] : memref<4x200x128xf32, #tpu.memory_space<vmem>> -> memref<1x200x128xf32, #tpu.memory_space<vmem>>
    %dma_start3A_519 = tpu.memref_squeeze %dma_start3A_518 : memref<1x200x128xf32, #tpu.memory_space<vmem>> -> memref<200x128xf32, #tpu.memory_space<vmem>>
    %dma_start3A_520 = arith.constant 0 : i32
    %dma_start3A_521 = tpu.memref_slice %arg4[%add3A_514, %dma_start3A_520] : memref<819200x128xf32, #tpu.memory_space<hbm>> -> memref<200x128xf32, #tpu.memory_space<hbm>>
    %dma_start3A_522 = arith.constant 0 : i32
    %dma_start3A_523 = tpu.memref_slice %arg4[%add3A_514, %dma_start3A_522] : memref<819200x128xf32, #tpu.memory_space<hbm>> -> memref<200x128xf32, #tpu.memory_space<hbm>>
    %dma_start3A_524 = arith.constant 0 : i32
    %dma_start3A_525 = arith.constant 0 : i32
    %dma_start3A_526 = tpu.memref_slice %arg6[%dma_start3A_515, %dma_start3A_524, %dma_start3A_525] : memref<4x200x128xf32, #tpu.memory_space<vmem>> -> memref<1x200x128xf32, #tpu.memory_space<vmem>>
    %dma_start3A_527 = tpu.memref_squeeze %dma_start3A_526 : memref<1x200x128xf32, #tpu.memory_space<vmem>> -> memref<200x128xf32, #tpu.memory_space<vmem>>
    tpu.enqueue_dma source(%dma_start3A_527 : memref<200x128xf32, #tpu.memory_space<vmem>>) target(%dma_start3A_523 : memref<200x128xf32, #tpu.memory_space<hbm>>) target_semaphore(%arg15 : memref<!tpu.dma_semaphore, #tpu.memory_space<semaphore_mem>>)
    %add3A_528 = arith.constant 5400 : i32
    %add3A_529 = arith.addi %mul3A_2, %add3A_528 : i32
    %dma_wait3A_530 = arith.constant 3 : i32
    %dma_wait3A_531 = arith.constant 0 : i32
    %dma_wait3A_532 = arith.constant 0 : i32
    %dma_wait3A_533 = tpu.memref_slice %arg6[%dma_wait3A_530, %dma_wait3A_531, %dma_wait3A_532] : memref<4x200x128xf32, #tpu.memory_space<vmem>> -> memref<1x200x128xf32, #tpu.memory_space<vmem>>
    %dma_wait3A_534 = tpu.memref_squeeze %dma_wait3A_533 : memref<1x200x128xf32, #tpu.memory_space<vmem>> -> memref<200x128xf32, #tpu.memory_space<vmem>>
    %dma_wait3A_535 = arith.constant 0 : i32
    %dma_wait3A_536 = tpu.memref_slice %arg4[%add3A_529, %dma_wait3A_535] : memref<819200x128xf32, #tpu.memory_space<hbm>> -> memref<200x128xf32, #tpu.memory_space<hbm>>
    %dma_wait3A_537 = arith.constant 0 : i32
    %dma_wait3A_538 = tpu.memref_slice %arg4[%add3A_529, %dma_wait3A_537] : memref<819200x128xf32, #tpu.memory_space<hbm>> -> memref<200x128xf32, #tpu.memory_space<hbm>>
    %dma_wait3A_539 = arith.constant 0 : i32
    %dma_wait3A_540 = arith.constant 0 : i32
    %dma_wait3A_541 = tpu.memref_slice %arg6[%dma_wait3A_530, %dma_wait3A_539, %dma_wait3A_540] : memref<4x200x128xf32, #tpu.memory_space<vmem>> -> memref<1x200x128xf32, #tpu.memory_space<vmem>>
    %dma_wait3A_542 = tpu.memref_squeeze %dma_wait3A_541 : memref<1x200x128xf32, #tpu.memory_space<vmem>> -> memref<200x128xf32, #tpu.memory_space<vmem>>
    tpu.wait_dma2 semaphore(%arg17 : memref<!tpu.dma_semaphore, #tpu.memory_space<semaphore_mem>>) src(%dma_wait3A_542 : memref<200x128xf32, #tpu.memory_space<vmem>>) dst(%dma_wait3A_538 : memref<200x128xf32, #tpu.memory_space<hbm>>)
    %dma_start3A_543 = arith.constant 0 : i32
    %dma_start3A_544 = arith.constant 31 : i32
    %dma_start3A_545 = arith.constant 3 : i32
    %dma_start3A_546 = arith.constant 0 : i32
    %dma_start3A_547 = arith.constant 0 : i32
    %dma_start3A_548 = tpu.memref_slice %arg6[%dma_start3A_545, %dma_start3A_546, %dma_start3A_547] : memref<4x200x128xf32, #tpu.memory_space<vmem>> -> memref<1x128x128xf32, #tpu.memory_space<vmem>>
    %dma_start3A_549 = tpu.memref_squeeze %dma_start3A_548 : memref<1x128x128xf32, #tpu.memory_space<vmem>> -> memref<128x128xf32, #tpu.memory_space<vmem>>
    %dma_start3A_550 = arith.constant 0 : i32
    %dma_start3A_551 = tpu.memref_slice %arg5[%dma_start3A_543, %dma_start3A_544, %dma_start3A_550] : memref<2x32x200xi32, #tpu.memory_space<vmem>> -> memref<1x1x128xi32, #tpu.memory_space<vmem>>
    %dma_start3A_552 = tpu.memref_squeeze %dma_start3A_551 : memref<1x1x128xi32, #tpu.memory_space<vmem>> -> memref<128xi32, #tpu.memory_space<vmem>>
    %dma_start3A_553 = arith.constant 0 : i32
    %dma_start3A_554 = arith.constant 0 : i32
    %dma_start3A_555 = tpu.memref_slice %arg7[%dma_start3A_553, %dma_start3A_554] : memref<1000x128xf32, #tpu.memory_space<vmem_shared>> -> memref<1000x128xf32, #tpu.memory_space<vmem_shared>>
    tpu.enqueue_indirect_dma source(%dma_start3A_555 : memref<1000x128xf32, #tpu.memory_space<vmem_shared>>) target(%dma_start3A_549 : memref<128x128xf32, #tpu.memory_space<vmem>>) offsets(%dma_start3A_552 : memref<128xi32, #tpu.memory_space<vmem>>) semaphore(%arg13 : memref<!tpu.dma_semaphore, #tpu.memory_space<semaphore_mem>>)
    %dma_start3A_556 = arith.constant 0 : i32
    %dma_start3A_557 = arith.constant 31 : i32
    %dma_start3A_558 = arith.constant 3 : i32
    %dma_start3A_559 = arith.constant 128 : i32
    %dma_start3A_560 = arith.constant 0 : i32
    %dma_start3A_561 = tpu.memref_slice %arg6[%dma_start3A_558, %dma_start3A_559, %dma_start3A_560] : memref<4x200x128xf32, #tpu.memory_space<vmem>> -> memref<1x72x128xf32, #tpu.memory_space<vmem>>
    %dma_start3A_562 = tpu.memref_squeeze %dma_start3A_561 : memref<1x72x128xf32, #tpu.memory_space<vmem>> -> memref<72x128xf32, #tpu.memory_space<vmem>>
    %dma_start3A_563 = arith.constant 128 : i32
    %dma_start3A_564 = tpu.memref_slice %arg5[%dma_start3A_556, %dma_start3A_557, %dma_start3A_563] : memref<2x32x200xi32, #tpu.memory_space<vmem>> -> memref<1x1x72xi32, #tpu.memory_space<vmem>>
    %dma_start3A_565 = tpu.memref_squeeze %dma_start3A_564 : memref<1x1x72xi32, #tpu.memory_space<vmem>> -> memref<72xi32, #tpu.memory_space<vmem>>
    %dma_start3A_566 = arith.constant 0 : i32
    %dma_start3A_567 = arith.constant 0 : i32
    %dma_start3A_568 = tpu.memref_slice %arg7[%dma_start3A_566, %dma_start3A_567] : memref<1000x128xf32, #tpu.memory_space<vmem_shared>> -> memref<1000x128xf32, #tpu.memory_space<vmem_shared>>
    tpu.enqueue_indirect_dma source(%dma_start3A_568 : memref<1000x128xf32, #tpu.memory_space<vmem_shared>>) target(%dma_start3A_562 : memref<72x128xf32, #tpu.memory_space<vmem>>) offsets(%dma_start3A_565 : memref<72xi32, #tpu.memory_space<vmem>>) semaphore(%arg13 : memref<!tpu.dma_semaphore, #tpu.memory_space<semaphore_mem>>)
    %add3A_569 = arith.constant 32 : i32
    %add3A_570 = arith.addi %mul3A_4, %add3A_569 : i32
    %dma_wait3A_571 = arith.constant 1 : i32
    %dma_wait3A_572 = arith.constant 0 : i32
    %dma_wait3A_573 = arith.constant 0 : i32
    %dma_wait3A_574 = tpu.memref_slice %arg5[%dma_wait3A_571, %dma_wait3A_572, %dma_wait3A_573] : memref<2x32x200xi32, #tpu.memory_space<vmem>> -> memref<1x32x200xi32, #tpu.memory_space<vmem>>
    %dma_wait3A_575 = tpu.memref_squeeze %dma_wait3A_574 : memref<1x32x200xi32, #tpu.memory_space<vmem>> -> memref<32x200xi32, #tpu.memory_space<vmem>>
    %dma_wait3A_576 = arith.constant 0 : i32
    %dma_wait3A_577 = tpu.memref_slice %arg2[%add3A_570, %dma_wait3A_576] : memref<4096x200xi32, #tpu.memory_space<hbm>> -> memref<32x200xi32, #tpu.memory_space<hbm>>
    %dma_wait3A_578 = arith.constant 0 : i32
    %dma_wait3A_579 = arith.constant 0 : i32
    %dma_wait3A_580 = tpu.memref_slice %arg5[%dma_wait3A_571, %dma_wait3A_578, %dma_wait3A_579] : memref<2x32x200xi32, #tpu.memory_space<vmem>> -> memref<1x32x200xi32, #tpu.memory_space<vmem>>
    %dma_wait3A_581 = tpu.memref_squeeze %dma_wait3A_580 : memref<1x32x200xi32, #tpu.memory_space<vmem>> -> memref<32x200xi32, #tpu.memory_space<vmem>>
    %dma_wait3A_582 = arith.constant 0 : i32
    %dma_wait3A_583 = tpu.memref_slice %arg2[%add3A_570, %dma_wait3A_582] : memref<4096x200xi32, #tpu.memory_space<hbm>> -> memref<32x200xi32, #tpu.memory_space<hbm>>
    tpu.wait_dma2 semaphore(%arg9 : memref<!tpu.dma_semaphore, #tpu.memory_space<semaphore_mem>>) src(%dma_wait3A_583 : memref<32x200xi32, #tpu.memory_space<hbm>>) dst(%dma_wait3A_581 : memref<32x200xi32, #tpu.memory_space<vmem>>)
    %dma_wait3A_584 = arith.constant 0 : i32
    %dma_wait3A_585 = arith.constant 30 : i32
    %dma_wait3A_586 = arith.constant 2 : i32
    %dma_wait3A_587 = arith.constant 0 : i32
    %dma_wait3A_588 = arith.constant 0 : i32
    %dma_wait3A_589 = tpu.memref_slice %arg6[%dma_wait3A_586, %dma_wait3A_587, %dma_wait3A_588] : memref<4x200x128xf32, #tpu.memory_space<vmem>> -> memref<1x128x128xf32, #tpu.memory_space<vmem>>
    %dma_wait3A_590 = tpu.memref_squeeze %dma_wait3A_589 : memref<1x128x128xf32, #tpu.memory_space<vmem>> -> memref<128x128xf32, #tpu.memory_space<vmem>>
    %dma_wait3A_591 = arith.constant 0 : i32
    %dma_wait3A_592 = tpu.memref_slice %arg5[%dma_wait3A_584, %dma_wait3A_585, %dma_wait3A_591] : memref<2x32x200xi32, #tpu.memory_space<vmem>> -> memref<1x1x128xi32, #tpu.memory_space<vmem>>
    %dma_wait3A_593 = tpu.memref_squeeze %dma_wait3A_592 : memref<1x1x128xi32, #tpu.memory_space<vmem>> -> memref<128xi32, #tpu.memory_space<vmem>>
    %dma_wait3A_594 = arith.constant 0 : i32
    %dma_wait3A_595 = arith.constant 0 : i32
    %dma_wait3A_596 = tpu.memref_slice %arg7[%dma_wait3A_594, %dma_wait3A_595] : memref<1000x128xf32, #tpu.memory_space<vmem_shared>> -> memref<1000x128xf32, #tpu.memory_space<vmem_shared>>
    tpu.wait_indirect_dma semaphore(%arg12 : memref<!tpu.dma_semaphore, #tpu.memory_space<semaphore_mem>>) src(%dma_wait3A_596 : memref<1000x128xf32, #tpu.memory_space<vmem_shared>>) dst(%dma_wait3A_590 : memref<128x128xf32, #tpu.memory_space<vmem>>)
    %dma_wait3A_597 = arith.constant 0 : i32
    %dma_wait3A_598 = arith.constant 30 : i32
    %dma_wait3A_599 = arith.constant 2 : i32
    %dma_wait3A_600 = arith.constant 128 : i32
    %dma_wait3A_601 = arith.constant 0 : i32
    %dma_wait3A_602 = tpu.memref_slice %arg6[%dma_wait3A_599, %dma_wait3A_600, %dma_wait3A_601] : memref<4x200x128xf32, #tpu.memory_space<vmem>> -> memref<1x72x128xf32, #tpu.memory_space<vmem>>
    %dma_wait3A_603 = tpu.memref_squeeze %dma_wait3A_602 : memref<1x72x128xf32, #tpu.memory_space<vmem>> -> memref<72x128xf32, #tpu.memory_space<vmem>>
    %dma_wait3A_604 = arith.constant 128 : i32
    %dma_wait3A_605 = tpu.memref_slice %arg5[%dma_wait3A_597, %dma_wait3A_598, %dma_wait3A_604] : memref<2x32x200xi32, #tpu.memory_space<vmem>> -> memref<1x1x72xi32, #tpu.memory_space<vmem>>
    %dma_wait3A_606 = tpu.memref_squeeze %dma_wait3A_605 : memref<1x1x72xi32, #tpu.memory_space<vmem>> -> memref<72xi32, #tpu.memory_space<vmem>>
    %dma_wait3A_607 = arith.constant 0 : i32
    %dma_wait3A_608 = arith.constant 0 : i32
    %dma_wait3A_609 = tpu.memref_slice %arg7[%dma_wait3A_607, %dma_wait3A_608] : memref<1000x128xf32, #tpu.memory_space<vmem_shared>> -> memref<1000x128xf32, #tpu.memory_space<vmem_shared>>
    tpu.wait_indirect_dma semaphore(%arg12 : memref<!tpu.dma_semaphore, #tpu.memory_space<semaphore_mem>>) src(%dma_wait3A_609 : memref<1000x128xf32, #tpu.memory_space<vmem_shared>>) dst(%dma_wait3A_603 : memref<72x128xf32, #tpu.memory_space<vmem>>)
    %add3A_610 = arith.constant 6000 : i32
    %add3A_611 = arith.addi %mul3A_2, %add3A_610 : i32
    %dma_start3A_612 = arith.constant 2 : i32
    %dma_start3A_613 = arith.constant 0 : i32
    %dma_start3A_614 = arith.constant 0 : i32
    %dma_start3A_615 = tpu.memref_slice %arg6[%dma_start3A_612, %dma_start3A_613, %dma_start3A_614] : memref<4x200x128xf32, #tpu.memory_space<vmem>> -> memref<1x200x128xf32, #tpu.memory_space<vmem>>
    %dma_start3A_616 = tpu.memref_squeeze %dma_start3A_615 : memref<1x200x128xf32, #tpu.memory_space<vmem>> -> memref<200x128xf32, #tpu.memory_space<vmem>>
    %dma_start3A_617 = arith.constant 0 : i32
    %dma_start3A_618 = tpu.memref_slice %arg4[%add3A_611, %dma_start3A_617] : memref<819200x128xf32, #tpu.memory_space<hbm>> -> memref<200x128xf32, #tpu.memory_space<hbm>>
    %dma_start3A_619 = arith.constant 0 : i32
    %dma_start3A_620 = tpu.memref_slice %arg4[%add3A_611, %dma_start3A_619] : memref<819200x128xf32, #tpu.memory_space<hbm>> -> memref<200x128xf32, #tpu.memory_space<hbm>>
    %dma_start3A_621 = arith.constant 0 : i32
    %dma_start3A_622 = arith.constant 0 : i32
    %dma_start3A_623 = tpu.memref_slice %arg6[%dma_start3A_612, %dma_start3A_621, %dma_start3A_622] : memref<4x200x128xf32, #tpu.memory_space<vmem>> -> memref<1x200x128xf32, #tpu.memory_space<vmem>>
    %dma_start3A_624 = tpu.memref_squeeze %dma_start3A_623 : memref<1x200x128xf32, #tpu.memory_space<vmem>> -> memref<200x128xf32, #tpu.memory_space<vmem>>
    tpu.enqueue_dma source(%dma_start3A_624 : memref<200x128xf32, #tpu.memory_space<vmem>>) target(%dma_start3A_620 : memref<200x128xf32, #tpu.memory_space<hbm>>) target_semaphore(%arg16 : memref<!tpu.dma_semaphore, #tpu.memory_space<semaphore_mem>>)
    %add3A_625 = arith.constant 5600 : i32
    %add3A_626 = arith.addi %mul3A_2, %add3A_625 : i32
    %dma_wait3A_627 = arith.constant 0 : i32
    %dma_wait3A_628 = arith.constant 0 : i32
    %dma_wait3A_629 = arith.constant 0 : i32
    %dma_wait3A_630 = tpu.memref_slice %arg6[%dma_wait3A_627, %dma_wait3A_628, %dma_wait3A_629] : memref<4x200x128xf32, #tpu.memory_space<vmem>> -> memref<1x200x128xf32, #tpu.memory_space<vmem>>
    %dma_wait3A_631 = tpu.memref_squeeze %dma_wait3A_630 : memref<1x200x128xf32, #tpu.memory_space<vmem>> -> memref<200x128xf32, #tpu.memory_space<vmem>>
    %dma_wait3A_632 = arith.constant 0 : i32
    %dma_wait3A_633 = tpu.memref_slice %arg4[%add3A_626, %dma_wait3A_632] : memref<819200x128xf32, #tpu.memory_space<hbm>> -> memref<200x128xf32, #tpu.memory_space<hbm>>
    %dma_wait3A_634 = arith.constant 0 : i32
    %dma_wait3A_635 = tpu.memref_slice %arg4[%add3A_626, %dma_wait3A_634] : memref<819200x128xf32, #tpu.memory_space<hbm>> -> memref<200x128xf32, #tpu.memory_space<hbm>>
    %dma_wait3A_636 = arith.constant 0 : i32
    %dma_wait3A_637 = arith.constant 0 : i32
    %dma_wait3A_638 = tpu.memref_slice %arg6[%dma_wait3A_627, %dma_wait3A_636, %dma_wait3A_637] : memref<4x200x128xf32, #tpu.memory_space<vmem>> -> memref<1x200x128xf32, #tpu.memory_space<vmem>>
    %dma_wait3A_639 = tpu.memref_squeeze %dma_wait3A_638 : memref<1x200x128xf32, #tpu.memory_space<vmem>> -> memref<200x128xf32, #tpu.memory_space<vmem>>
    tpu.wait_dma2 semaphore(%arg14 : memref<!tpu.dma_semaphore, #tpu.memory_space<semaphore_mem>>) src(%dma_wait3A_639 : memref<200x128xf32, #tpu.memory_space<vmem>>) dst(%dma_wait3A_635 : memref<200x128xf32, #tpu.memory_space<hbm>>)
    %dma_start3A_640 = arith.constant 1 : i32
    %dma_start3A_641 = arith.constant 0 : i32
    %dma_start3A_642 = arith.constant 0 : i32
    %dma_start3A_643 = arith.constant 0 : i32
    %dma_start3A_644 = arith.constant 0 : i32
    %dma_start3A_645 = tpu.memref_slice %arg6[%dma_start3A_642, %dma_start3A_643, %dma_start3A_644] : memref<4x200x128xf32, #tpu.memory_space<vmem>> -> memref<1x128x128xf32, #tpu.memory_space<vmem>>
    %dma_start3A_646 = tpu.memref_squeeze %dma_start3A_645 : memref<1x128x128xf32, #tpu.memory_space<vmem>> -> memref<128x128xf32, #tpu.memory_space<vmem>>
    %dma_start3A_647 = arith.constant 0 : i32
    %dma_start3A_648 = tpu.memref_slice %arg5[%dma_start3A_640, %dma_start3A_641, %dma_start3A_647] : memref<2x32x200xi32, #tpu.memory_space<vmem>> -> memref<1x1x128xi32, #tpu.memory_space<vmem>>
    %dma_start3A_649 = tpu.memref_squeeze %dma_start3A_648 : memref<1x1x128xi32, #tpu.memory_space<vmem>> -> memref<128xi32, #tpu.memory_space<vmem>>
    %dma_start3A_650 = arith.constant 0 : i32
    %dma_start3A_651 = arith.constant 0 : i32
    %dma_start3A_652 = tpu.memref_slice %arg7[%dma_start3A_650, %dma_start3A_651] : memref<1000x128xf32, #tpu.memory_space<vmem_shared>> -> memref<1000x128xf32, #tpu.memory_space<vmem_shared>>
    tpu.enqueue_indirect_dma source(%dma_start3A_652 : memref<1000x128xf32, #tpu.memory_space<vmem_shared>>) target(%dma_start3A_646 : memref<128x128xf32, #tpu.memory_space<vmem>>) offsets(%dma_start3A_649 : memref<128xi32, #tpu.memory_space<vmem>>) semaphore(%arg10 : memref<!tpu.dma_semaphore, #tpu.memory_space<semaphore_mem>>)
    %dma_start3A_653 = arith.constant 1 : i32
    %dma_start3A_654 = arith.constant 0 : i32
    %dma_start3A_655 = arith.constant 0 : i32
    %dma_start3A_656 = arith.constant 128 : i32
    %dma_start3A_657 = arith.constant 0 : i32
    %dma_start3A_658 = tpu.memref_slice %arg6[%dma_start3A_655, %dma_start3A_656, %dma_start3A_657] : memref<4x200x128xf32, #tpu.memory_space<vmem>> -> memref<1x72x128xf32, #tpu.memory_space<vmem>>
    %dma_start3A_659 = tpu.memref_squeeze %dma_start3A_658 : memref<1x72x128xf32, #tpu.memory_space<vmem>> -> memref<72x128xf32, #tpu.memory_space<vmem>>
    %dma_start3A_660 = arith.constant 128 : i32
    %dma_start3A_661 = tpu.memref_slice %arg5[%dma_start3A_653, %dma_start3A_654, %dma_start3A_660] : memref<2x32x200xi32, #tpu.memory_space<vmem>> -> memref<1x1x72xi32, #tpu.memory_space<vmem>>
    %dma_start3A_662 = tpu.memref_squeeze %dma_start3A_661 : memref<1x1x72xi32, #tpu.memory_space<vmem>> -> memref<72xi32, #tpu.memory_space<vmem>>
    %dma_start3A_663 = arith.constant 0 : i32
    %dma_start3A_664 = arith.constant 0 : i32
    %dma_start3A_665 = tpu.memref_slice %arg7[%dma_start3A_663, %dma_start3A_664] : memref<1000x128xf32, #tpu.memory_space<vmem_shared>> -> memref<1000x128xf32, #tpu.memory_space<vmem_shared>>
    tpu.enqueue_indirect_dma source(%dma_start3A_665 : memref<1000x128xf32, #tpu.memory_space<vmem_shared>>) target(%dma_start3A_659 : memref<72x128xf32, #tpu.memory_space<vmem>>) offsets(%dma_start3A_662 : memref<72xi32, #tpu.memory_space<vmem>>) semaphore(%arg10 : memref<!tpu.dma_semaphore, #tpu.memory_space<semaphore_mem>>)
    %dma_wait3A_666 = arith.constant 0 : i32
    %dma_wait3A_667 = arith.constant 31 : i32
    %dma_wait3A_668 = arith.constant 3 : i32
    %dma_wait3A_669 = arith.constant 0 : i32
    %dma_wait3A_670 = arith.constant 0 : i32
    %dma_wait3A_671 = tpu.memref_slice %arg6[%dma_wait3A_668, %dma_wait3A_669, %dma_wait3A_670] : memref<4x200x128xf32, #tpu.memory_space<vmem>> -> memref<1x128x128xf32, #tpu.memory_space<vmem>>
    %dma_wait3A_672 = tpu.memref_squeeze %dma_wait3A_671 : memref<1x128x128xf32, #tpu.memory_space<vmem>> -> memref<128x128xf32, #tpu.memory_space<vmem>>
    %dma_wait3A_673 = arith.constant 0 : i32
    %dma_wait3A_674 = tpu.memref_slice %arg5[%dma_wait3A_666, %dma_wait3A_667, %dma_wait3A_673] : memref<2x32x200xi32, #tpu.memory_space<vmem>> -> memref<1x1x128xi32, #tpu.memory_space<vmem>>
    %dma_wait3A_675 = tpu.memref_squeeze %dma_wait3A_674 : memref<1x1x128xi32, #tpu.memory_space<vmem>> -> memref<128xi32, #tpu.memory_space<vmem>>
    %dma_wait3A_676 = arith.constant 0 : i32
    %dma_wait3A_677 = arith.constant 0 : i32
    %dma_wait3A_678 = tpu.memref_slice %arg7[%dma_wait3A_676, %dma_wait3A_677] : memref<1000x128xf32, #tpu.memory_space<vmem_shared>> -> memref<1000x128xf32, #tpu.memory_space<vmem_shared>>
    tpu.wait_indirect_dma semaphore(%arg13 : memref<!tpu.dma_semaphore, #tpu.memory_space<semaphore_mem>>) src(%dma_wait3A_678 : memref<1000x128xf32, #tpu.memory_space<vmem_shared>>) dst(%dma_wait3A_672 : memref<128x128xf32, #tpu.memory_space<vmem>>)
    %dma_wait3A_679 = arith.constant 0 : i32
    %dma_wait3A_680 = arith.constant 31 : i32
    %dma_wait3A_681 = arith.constant 3 : i32
    %dma_wait3A_682 = arith.constant 128 : i32
    %dma_wait3A_683 = arith.constant 0 : i32
    %dma_wait3A_684 = tpu.memref_slice %arg6[%dma_wait3A_681, %dma_wait3A_682, %dma_wait3A_683] : memref<4x200x128xf32, #tpu.memory_space<vmem>> -> memref<1x72x128xf32, #tpu.memory_space<vmem>>
    %dma_wait3A_685 = tpu.memref_squeeze %dma_wait3A_684 : memref<1x72x128xf32, #tpu.memory_space<vmem>> -> memref<72x128xf32, #tpu.memory_space<vmem>>
    %dma_wait3A_686 = arith.constant 128 : i32
    %dma_wait3A_687 = tpu.memref_slice %arg5[%dma_wait3A_679, %dma_wait3A_680, %dma_wait3A_686] : memref<2x32x200xi32, #tpu.memory_space<vmem>> -> memref<1x1x72xi32, #tpu.memory_space<vmem>>
    %dma_wait3A_688 = tpu.memref_squeeze %dma_wait3A_687 : memref<1x1x72xi32, #tpu.memory_space<vmem>> -> memref<72xi32, #tpu.memory_space<vmem>>
    %dma_wait3A_689 = arith.constant 0 : i32
    %dma_wait3A_690 = arith.constant 0 : i32
    %dma_wait3A_691 = tpu.memref_slice %arg7[%dma_wait3A_689, %dma_wait3A_690] : memref<1000x128xf32, #tpu.memory_space<vmem_shared>> -> memref<1000x128xf32, #tpu.memory_space<vmem_shared>>
    tpu.wait_indirect_dma semaphore(%arg13 : memref<!tpu.dma_semaphore, #tpu.memory_space<semaphore_mem>>) src(%dma_wait3A_691 : memref<1000x128xf32, #tpu.memory_space<vmem_shared>>) dst(%dma_wait3A_685 : memref<72x128xf32, #tpu.memory_space<vmem>>)
    %add3A_692 = arith.constant 6200 : i32
    %add3A_693 = arith.addi %mul3A_2, %add3A_692 : i32
    %dma_start3A_694 = arith.constant 3 : i32
    %dma_start3A_695 = arith.constant 0 : i32
    %dma_start3A_696 = arith.constant 0 : i32
    %dma_start3A_697 = tpu.memref_slice %arg6[%dma_start3A_694, %dma_start3A_695, %dma_start3A_696] : memref<4x200x128xf32, #tpu.memory_space<vmem>> -> memref<1x200x128xf32, #tpu.memory_space<vmem>>
    %dma_start3A_698 = tpu.memref_squeeze %dma_start3A_697 : memref<1x200x128xf32, #tpu.memory_space<vmem>> -> memref<200x128xf32, #tpu.memory_space<vmem>>
    %dma_start3A_699 = arith.constant 0 : i32
    %dma_start3A_700 = tpu.memref_slice %arg4[%add3A_693, %dma_start3A_699] : memref<819200x128xf32, #tpu.memory_space<hbm>> -> memref<200x128xf32, #tpu.memory_space<hbm>>
    %dma_start3A_701 = arith.constant 0 : i32
    %dma_start3A_702 = tpu.memref_slice %arg4[%add3A_693, %dma_start3A_701] : memref<819200x128xf32, #tpu.memory_space<hbm>> -> memref<200x128xf32, #tpu.memory_space<hbm>>
    %dma_start3A_703 = arith.constant 0 : i32
    %dma_start3A_704 = arith.constant 0 : i32
    %dma_start3A_705 = tpu.memref_slice %arg6[%dma_start3A_694, %dma_start3A_703, %dma_start3A_704] : memref<4x200x128xf32, #tpu.memory_space<vmem>> -> memref<1x200x128xf32, #tpu.memory_space<vmem>>
    %dma_start3A_706 = tpu.memref_squeeze %dma_start3A_705 : memref<1x200x128xf32, #tpu.memory_space<vmem>> -> memref<200x128xf32, #tpu.memory_space<vmem>>
    tpu.enqueue_dma source(%dma_start3A_706 : memref<200x128xf32, #tpu.memory_space<vmem>>) target(%dma_start3A_702 : memref<200x128xf32, #tpu.memory_space<hbm>>) target_semaphore(%arg17 : memref<!tpu.dma_semaphore, #tpu.memory_space<semaphore_mem>>)
    %add3A_707 = arith.constant 5800 : i32
    %add3A_708 = arith.addi %mul3A_2, %add3A_707 : i32
    %dma_wait3A_709 = arith.constant 1 : i32
    %dma_wait3A_710 = arith.constant 0 : i32
    %dma_wait3A_711 = arith.constant 0 : i32
    %dma_wait3A_712 = tpu.memref_slice %arg6[%dma_wait3A_709, %dma_wait3A_710, %dma_wait3A_711] : memref<4x200x128xf32, #tpu.memory_space<vmem>> -> memref<1x200x128xf32, #tpu.memory_space<vmem>>
    %dma_wait3A_713 = tpu.memref_squeeze %dma_wait3A_712 : memref<1x200x128xf32, #tpu.memory_space<vmem>> -> memref<200x128xf32, #tpu.memory_space<vmem>>
    %dma_wait3A_714 = arith.constant 0 : i32
    %dma_wait3A_715 = tpu.memref_slice %arg4[%add3A_708, %dma_wait3A_714] : memref<819200x128xf32, #tpu.memory_space<hbm>> -> memref<200x128xf32, #tpu.memory_space<hbm>>
    %dma_wait3A_716 = arith.constant 0 : i32
    %dma_wait3A_717 = tpu.memref_slice %arg4[%add3A_708, %dma_wait3A_716] : memref<819200x128xf32, #tpu.memory_space<hbm>> -> memref<200x128xf32, #tpu.memory_space<hbm>>
    %dma_wait3A_718 = arith.constant 0 : i32
    %dma_wait3A_719 = arith.constant 0 : i32
    %dma_wait3A_720 = tpu.memref_slice %arg6[%dma_wait3A_709, %dma_wait3A_718, %dma_wait3A_719] : memref<4x200x128xf32, #tpu.memory_space<vmem>> -> memref<1x200x128xf32, #tpu.memory_space<vmem>>
    %dma_wait3A_721 = tpu.memref_squeeze %dma_wait3A_720 : memref<1x200x128xf32, #tpu.memory_space<vmem>> -> memref<200x128xf32, #tpu.memory_space<vmem>>
    tpu.wait_dma2 semaphore(%arg15 : memref<!tpu.dma_semaphore, #tpu.memory_space<semaphore_mem>>) src(%dma_wait3A_721 : memref<200x128xf32, #tpu.memory_space<vmem>>) dst(%dma_wait3A_717 : memref<200x128xf32, #tpu.memory_space<hbm>>)
    %dma_start3A_722 = arith.constant 1 : i32
    %dma_start3A_723 = arith.constant 1 : i32
    %dma_start3A_724 = arith.constant 1 : i32
    %dma_start3A_725 = arith.constant 0 : i32
    %dma_start3A_726 = arith.constant 0 : i32
    %dma_start3A_727 = tpu.memref_slice %arg6[%dma_start3A_724, %dma_start3A_725, %dma_start3A_726] : memref<4x200x128xf32, #tpu.memory_space<vmem>> -> memref<1x128x128xf32, #tpu.memory_space<vmem>>
    %dma_start3A_728 = tpu.memref_squeeze %dma_start3A_727 : memref<1x128x128xf32, #tpu.memory_space<vmem>> -> memref<128x128xf32, #tpu.memory_space<vmem>>
    %dma_start3A_729 = arith.constant 0 : i32
    %dma_start3A_730 = tpu.memref_slice %arg5[%dma_start3A_722, %dma_start3A_723, %dma_start3A_729] : memref<2x32x200xi32, #tpu.memory_space<vmem>> -> memref<1x1x128xi32, #tpu.memory_space<vmem>>
    %dma_start3A_731 = tpu.memref_squeeze %dma_start3A_730 : memref<1x1x128xi32, #tpu.memory_space<vmem>> -> memref<128xi32, #tpu.memory_space<vmem>>
    %dma_start3A_732 = arith.constant 0 : i32
    %dma_start3A_733 = arith.constant 0 : i32
    %dma_start3A_734 = tpu.memref_slice %arg7[%dma_start3A_732, %dma_start3A_733] : memref<1000x128xf32, #tpu.memory_space<vmem_shared>> -> memref<1000x128xf32, #tpu.memory_space<vmem_shared>>
    tpu.enqueue_indirect_dma source(%dma_start3A_734 : memref<1000x128xf32, #tpu.memory_space<vmem_shared>>) target(%dma_start3A_728 : memref<128x128xf32, #tpu.memory_space<vmem>>) offsets(%dma_start3A_731 : memref<128xi32, #tpu.memory_space<vmem>>) semaphore(%arg11 : memref<!tpu.dma_semaphore, #tpu.memory_space<semaphore_mem>>)
    %dma_start3A_735 = arith.constant 1 : i32
    %dma_start3A_736 = arith.constant 1 : i32
    %dma_start3A_737 = arith.constant 1 : i32
    %dma_start3A_738 = arith.constant 128 : i32
    %dma_start3A_739 = arith.constant 0 : i32
    %dma_start3A_740 = tpu.memref_slice %arg6[%dma_start3A_737, %dma_start3A_738, %dma_start3A_739] : memref<4x200x128xf32, #tpu.memory_space<vmem>> -> memref<1x72x128xf32, #tpu.memory_space<vmem>>
    %dma_start3A_741 = tpu.memref_squeeze %dma_start3A_740 : memref<1x72x128xf32, #tpu.memory_space<vmem>> -> memref<72x128xf32, #tpu.memory_space<vmem>>
    %dma_start3A_742 = arith.constant 128 : i32
    %dma_start3A_743 = tpu.memref_slice %arg5[%dma_start3A_735, %dma_start3A_736, %dma_start3A_742] : memref<2x32x200xi32, #tpu.memory_space<vmem>> -> memref<1x1x72xi32, #tpu.memory_space<vmem>>
    %dma_start3A_744 = tpu.memref_squeeze %dma_start3A_743 : memref<1x1x72xi32, #tpu.memory_space<vmem>> -> memref<72xi32, #tpu.memory_space<vmem>>
    %dma_start3A_745 = arith.constant 0 : i32
    %dma_start3A_746 = arith.constant 0 : i32
    %dma_start3A_747 = tpu.memref_slice %arg7[%dma_start3A_745, %dma_start3A_746] : memref<1000x128xf32, #tpu.memory_space<vmem_shared>> -> memref<1000x128xf32, #tpu.memory_space<vmem_shared>>
    tpu.enqueue_indirect_dma source(%dma_start3A_747 : memref<1000x128xf32, #tpu.memory_space<vmem_shared>>) target(%dma_start3A_741 : memref<72x128xf32, #tpu.memory_space<vmem>>) offsets(%dma_start3A_744 : memref<72xi32, #tpu.memory_space<vmem>>) semaphore(%arg11 : memref<!tpu.dma_semaphore, #tpu.memory_space<semaphore_mem>>)
    %add3A_748 = arith.constant 64 : i32
    %add3A_749 = arith.addi %mul3A_4, %add3A_748 : i32
    %dma_start3A_750 = arith.constant 0 : i32
    %dma_start3A_751 = arith.constant 0 : i32
    %dma_start3A_752 = arith.constant 0 : i32
    %dma_start3A_753 = tpu.memref_slice %arg5[%dma_start3A_750, %dma_start3A_751, %dma_start3A_752] : memref<2x32x200xi32, #tpu.memory_space<vmem>> -> memref<1x32x200xi32, #tpu.memory_space<vmem>>
    %dma_start3A_754 = tpu.memref_squeeze %dma_start3A_753 : memref<1x32x200xi32, #tpu.memory_space<vmem>> -> memref<32x200xi32, #tpu.memory_space<vmem>>
    %dma_start3A_755 = arith.constant 0 : i32
    %dma_start3A_756 = tpu.memref_slice %arg2[%add3A_749, %dma_start3A_755] : memref<4096x200xi32, #tpu.memory_space<hbm>> -> memref<32x200xi32, #tpu.memory_space<hbm>>
    %dma_start3A_757 = arith.constant 0 : i32
    %dma_start3A_758 = arith.constant 0 : i32
    %dma_start3A_759 = tpu.memref_slice %arg5[%dma_start3A_750, %dma_start3A_757, %dma_start3A_758] : memref<2x32x200xi32, #tpu.memory_space<vmem>> -> memref<1x32x200xi32, #tpu.memory_space<vmem>>
    %dma_start3A_760 = tpu.memref_squeeze %dma_start3A_759 : memref<1x32x200xi32, #tpu.memory_space<vmem>> -> memref<32x200xi32, #tpu.memory_space<vmem>>
    %dma_start3A_761 = arith.constant 0 : i32
    %dma_start3A_762 = tpu.memref_slice %arg2[%add3A_749, %dma_start3A_761] : memref<4096x200xi32, #tpu.memory_space<hbm>> -> memref<32x200xi32, #tpu.memory_space<hbm>>
    tpu.enqueue_dma source(%dma_start3A_762 : memref<32x200xi32, #tpu.memory_space<hbm>>) target(%dma_start3A_760 : memref<32x200xi32, #tpu.memory_space<vmem>>) target_semaphore(%arg8 : memref<!tpu.dma_semaphore, #tpu.memory_space<semaphore_mem>>)
    %scan3A_763 = arith.constant 0 : i32
    %scan3A_764 = arith.constant 0 : i32
    %scan3A_765 = arith.constant 7 : i32
    %scan3A_766 = arith.addi %scan3A_764, %scan3A_765 : i32
    %scan3A_767 = arith.constant 1 : i32
    scf.for %scan3A_1788 = %scan3A_764 to %scan3A_766 step %scan3A_767  : i32 {
      %mul3A_1789 = arith.constant 4 : i32
      %mul3A_1790 = arith.muli %scan3A_1788, %mul3A_1789 : i32
      %add3A_1791 = arith.constant 0 : i32
      %add3A_1792 = arith.addi %mul3A_1790, %add3A_1791 : i32
      %add3A_1793 = arith.constant 0 : i32
      %add3A_1794 = arith.addi %mul3A_1790, %add3A_1793 : i32
      %add3A_1795 = arith.constant 2 : i32
      %add3A_1796 = arith.addi %add3A_1794, %add3A_1795 : i32
      %add3A_1797 = arith.constant 32 : i32
      %add3A_1798 = arith.addi %add3A_1797, %add3A_1792 : i32
      %dma_wait3A_1799 = arith.constant 1 : i32
      %dma_wait3A_1800 = arith.constant 0 : i32
      %dma_wait3A_1801 = arith.constant 0 : i32
      %dma_wait3A_1802 = arith.constant 0 : i32
      %dma_wait3A_1803 = tpu.memref_slice %arg6[%dma_wait3A_1800, %dma_wait3A_1801, %dma_wait3A_1802] : memref<4x200x128xf32, #tpu.memory_space<vmem>> -> memref<1x128x128xf32, #tpu.memory_space<vmem>>
      %dma_wait3A_1804 = tpu.memref_squeeze %dma_wait3A_1803 : memref<1x128x128xf32, #tpu.memory_space<vmem>> -> memref<128x128xf32, #tpu.memory_space<vmem>>
      %dma_wait3A_1805 = arith.constant 0 : i32
      %dma_wait3A_1806 = tpu.memref_slice %arg5[%dma_wait3A_1799, %add3A_1792, %dma_wait3A_1805] : memref<2x32x200xi32, #tpu.memory_space<vmem>> -> memref<1x1x128xi32, #tpu.memory_space<vmem>>
      %dma_wait3A_1807 = tpu.memref_squeeze %dma_wait3A_1806 : memref<1x1x128xi32, #tpu.memory_space<vmem>> -> memref<128xi32, #tpu.memory_space<vmem>>
      %dma_wait3A_1808 = arith.constant 0 : i32
      %dma_wait3A_1809 = arith.constant 0 : i32
      %dma_wait3A_1810 = tpu.memref_slice %arg7[%dma_wait3A_1808, %dma_wait3A_1809] : memref<1000x128xf32, #tpu.memory_space<vmem_shared>> -> memref<1000x128xf32, #tpu.memory_space<vmem_shared>>
      tpu.wait_indirect_dma semaphore(%arg10 : memref<!tpu.dma_semaphore, #tpu.memory_space<semaphore_mem>>) src(%dma_wait3A_1810 : memref<1000x128xf32, #tpu.memory_space<vmem_shared>>) dst(%dma_wait3A_1804 : memref<128x128xf32, #tpu.memory_space<vmem>>)
      %dma_wait3A_1811 = arith.constant 1 : i32
      %dma_wait3A_1812 = arith.constant 0 : i32
      %dma_wait3A_1813 = arith.constant 128 : i32
      %dma_wait3A_1814 = arith.constant 0 : i32
      %dma_wait3A_1815 = tpu.memref_slice %arg6[%dma_wait3A_1812, %dma_wait3A_1813, %dma_wait3A_1814] : memref<4x200x128xf32, #tpu.memory_space<vmem>> -> memref<1x72x128xf32, #tpu.memory_space<vmem>>
      %dma_wait3A_1816 = tpu.memref_squeeze %dma_wait3A_1815 : memref<1x72x128xf32, #tpu.memory_space<vmem>> -> memref<72x128xf32, #tpu.memory_space<vmem>>
      %dma_wait3A_1817 = arith.constant 128 : i32
      %dma_wait3A_1818 = tpu.memref_slice %arg5[%dma_wait3A_1811, %add3A_1792, %dma_wait3A_1817] : memref<2x32x200xi32, #tpu.memory_space<vmem>> -> memref<1x1x72xi32, #tpu.memory_space<vmem>>
      %dma_wait3A_1819 = tpu.memref_squeeze %dma_wait3A_1818 : memref<1x1x72xi32, #tpu.memory_space<vmem>> -> memref<72xi32, #tpu.memory_space<vmem>>
      %dma_wait3A_1820 = arith.constant 0 : i32
      %dma_wait3A_1821 = arith.constant 0 : i32
      %dma_wait3A_1822 = tpu.memref_slice %arg7[%dma_wait3A_1820, %dma_wait3A_1821] : memref<1000x128xf32, #tpu.memory_space<vmem_shared>> -> memref<1000x128xf32, #tpu.memory_space<vmem_shared>>
      tpu.wait_indirect_dma semaphore(%arg10 : memref<!tpu.dma_semaphore, #tpu.memory_space<semaphore_mem>>) src(%dma_wait3A_1822 : memref<1000x128xf32, #tpu.memory_space<vmem_shared>>) dst(%dma_wait3A_1816 : memref<72x128xf32, #tpu.memory_space<vmem>>)
      %mul3A_1823 = arith.constant 200 : i32
      %mul3A_1824 = arith.muli %add3A_1798, %mul3A_1823 : i32
      %add3A_1825 = arith.addi %mul3A_2, %mul3A_1824 : i32
      %dma_start3A_1826 = arith.constant 0 : i32
      %dma_start3A_1827 = arith.constant 0 : i32
      %dma_start3A_1828 = arith.constant 0 : i32
      %dma_start3A_1829 = tpu.memref_slice %arg6[%dma_start3A_1826, %dma_start3A_1827, %dma_start3A_1828] : memref<4x200x128xf32, #tpu.memory_space<vmem>> -> memref<1x200x128xf32, #tpu.memory_space<vmem>>
      %dma_start3A_1830 = tpu.memref_squeeze %dma_start3A_1829 : memref<1x200x128xf32, #tpu.memory_space<vmem>> -> memref<200x128xf32, #tpu.memory_space<vmem>>
      %dma_start3A_1831 = arith.constant 0 : i32
      %dma_start3A_1832 = tpu.memref_slice %arg4[%add3A_1825, %dma_start3A_1831] : memref<819200x128xf32, #tpu.memory_space<hbm>> -> memref<200x128xf32, #tpu.memory_space<hbm>>
      %dma_start3A_1833 = arith.constant 0 : i32
      %dma_start3A_1834 = tpu.memref_slice %arg4[%add3A_1825, %dma_start3A_1833] : memref<819200x128xf32, #tpu.memory_space<hbm>> -> memref<200x128xf32, #tpu.memory_space<hbm>>
      %dma_start3A_1835 = arith.constant 0 : i32
      %dma_start3A_1836 = arith.constant 0 : i32
      %dma_start3A_1837 = tpu.memref_slice %arg6[%dma_start3A_1826, %dma_start3A_1835, %dma_start3A_1836] : memref<4x200x128xf32, #tpu.memory_space<vmem>> -> memref<1x200x128xf32, #tpu.memory_space<vmem>>
      %dma_start3A_1838 = tpu.memref_squeeze %dma_start3A_1837 : memref<1x200x128xf32, #tpu.memory_space<vmem>> -> memref<200x128xf32, #tpu.memory_space<vmem>>
      tpu.enqueue_dma source(%dma_start3A_1838 : memref<200x128xf32, #tpu.memory_space<vmem>>) target(%dma_start3A_1834 : memref<200x128xf32, #tpu.memory_space<hbm>>) target_semaphore(%arg14 : memref<!tpu.dma_semaphore, #tpu.memory_space<semaphore_mem>>)
      %sub3A = arith.constant 2 : i32
      %sub3A_1839 = arith.subi %add3A_1798, %sub3A : i32
      %mul3A_1840 = arith.constant 200 : i32
      %mul3A_1841 = arith.muli %sub3A_1839, %mul3A_1840 : i32
      %add3A_1842 = arith.addi %mul3A_2, %mul3A_1841 : i32
      %dma_wait3A_1843 = arith.constant 2 : i32
      %dma_wait3A_1844 = arith.constant 0 : i32
      %dma_wait3A_1845 = arith.constant 0 : i32
      %dma_wait3A_1846 = tpu.memref_slice %arg6[%dma_wait3A_1843, %dma_wait3A_1844, %dma_wait3A_1845] : memref<4x200x128xf32, #tpu.memory_space<vmem>> -> memref<1x200x128xf32, #tpu.memory_space<vmem>>
      %dma_wait3A_1847 = tpu.memref_squeeze %dma_wait3A_1846 : memref<1x200x128xf32, #tpu.memory_space<vmem>> -> memref<200x128xf32, #tpu.memory_space<vmem>>
      %dma_wait3A_1848 = arith.constant 0 : i32
      %dma_wait3A_1849 = tpu.memref_slice %arg4[%add3A_1842, %dma_wait3A_1848] : memref<819200x128xf32, #tpu.memory_space<hbm>> -> memref<200x128xf32, #tpu.memory_space<hbm>>
      %dma_wait3A_1850 = arith.constant 0 : i32
      %dma_wait3A_1851 = tpu.memref_slice %arg4[%add3A_1842, %dma_wait3A_1850] : memref<819200x128xf32, #tpu.memory_space<hbm>> -> memref<200x128xf32, #tpu.memory_space<hbm>>
      %dma_wait3A_1852 = arith.constant 0 : i32
      %dma_wait3A_1853 = arith.constant 0 : i32
      %dma_wait3A_1854 = tpu.memref_slice %arg6[%dma_wait3A_1843, %dma_wait3A_1852, %dma_wait3A_1853] : memref<4x200x128xf32, #tpu.memory_space<vmem>> -> memref<1x200x128xf32, #tpu.memory_space<vmem>>
      %dma_wait3A_1855 = tpu.memref_squeeze %dma_wait3A_1854 : memref<1x200x128xf32, #tpu.memory_space<vmem>> -> memref<200x128xf32, #tpu.memory_space<vmem>>
      tpu.wait_dma2 semaphore(%arg16 : memref<!tpu.dma_semaphore, #tpu.memory_space<semaphore_mem>>) src(%dma_wait3A_1855 : memref<200x128xf32, #tpu.memory_space<vmem>>) dst(%dma_wait3A_1851 : memref<200x128xf32, #tpu.memory_space<hbm>>)
      %dma_start3A_1856 = arith.constant 1 : i32
      %dma_start3A_1857 = arith.constant 2 : i32
      %dma_start3A_1858 = arith.constant 0 : i32
      %dma_start3A_1859 = arith.constant 0 : i32
      %dma_start3A_1860 = tpu.memref_slice %arg6[%dma_start3A_1857, %dma_start3A_1858, %dma_start3A_1859] : memref<4x200x128xf32, #tpu.memory_space<vmem>> -> memref<1x128x128xf32, #tpu.memory_space<vmem>>
      %dma_start3A_1861 = tpu.memref_squeeze %dma_start3A_1860 : memref<1x128x128xf32, #tpu.memory_space<vmem>> -> memref<128x128xf32, #tpu.memory_space<vmem>>
      %dma_start3A_1862 = arith.constant 0 : i32
      %dma_start3A_1863 = tpu.memref_slice %arg5[%dma_start3A_1856, %add3A_1796, %dma_start3A_1862] : memref<2x32x200xi32, #tpu.memory_space<vmem>> -> memref<1x1x128xi32, #tpu.memory_space<vmem>>
      %dma_start3A_1864 = tpu.memref_squeeze %dma_start3A_1863 : memref<1x1x128xi32, #tpu.memory_space<vmem>> -> memref<128xi32, #tpu.memory_space<vmem>>
      %dma_start3A_1865 = arith.constant 0 : i32
      %dma_start3A_1866 = arith.constant 0 : i32
      %dma_start3A_1867 = tpu.memref_slice %arg7[%dma_start3A_1865, %dma_start3A_1866] : memref<1000x128xf32, #tpu.memory_space<vmem_shared>> -> memref<1000x128xf32, #tpu.memory_space<vmem_shared>>
      tpu.enqueue_indirect_dma source(%dma_start3A_1867 : memref<1000x128xf32, #tpu.memory_space<vmem_shared>>) target(%dma_start3A_1861 : memref<128x128xf32, #tpu.memory_space<vmem>>) offsets(%dma_start3A_1864 : memref<128xi32, #tpu.memory_space<vmem>>) semaphore(%arg12 : memref<!tpu.dma_semaphore, #tpu.memory_space<semaphore_mem>>)
      %dma_start3A_1868 = arith.constant 1 : i32
      %dma_start3A_1869 = arith.constant 2 : i32
      %dma_start3A_1870 = arith.constant 128 : i32
      %dma_start3A_1871 = arith.constant 0 : i32
      %dma_start3A_1872 = tpu.memref_slice %arg6[%dma_start3A_1869, %dma_start3A_1870, %dma_start3A_1871] : memref<4x200x128xf32, #tpu.memory_space<vmem>> -> memref<1x72x128xf32, #tpu.memory_space<vmem>>
      %dma_start3A_1873 = tpu.memref_squeeze %dma_start3A_1872 : memref<1x72x128xf32, #tpu.memory_space<vmem>> -> memref<72x128xf32, #tpu.memory_space<vmem>>
      %dma_start3A_1874 = arith.constant 128 : i32
      %dma_start3A_1875 = tpu.memref_slice %arg5[%dma_start3A_1868, %add3A_1796, %dma_start3A_1874] : memref<2x32x200xi32, #tpu.memory_space<vmem>> -> memref<1x1x72xi32, #tpu.memory_space<vmem>>
      %dma_start3A_1876 = tpu.memref_squeeze %dma_start3A_1875 : memref<1x1x72xi32, #tpu.memory_space<vmem>> -> memref<72xi32, #tpu.memory_space<vmem>>
      %dma_start3A_1877 = arith.constant 0 : i32
      %dma_start3A_1878 = arith.constant 0 : i32
      %dma_start3A_1879 = tpu.memref_slice %arg7[%dma_start3A_1877, %dma_start3A_1878] : memref<1000x128xf32, #tpu.memory_space<vmem_shared>> -> memref<1000x128xf32, #tpu.memory_space<vmem_shared>>
      tpu.enqueue_indirect_dma source(%dma_start3A_1879 : memref<1000x128xf32, #tpu.memory_space<vmem_shared>>) target(%dma_start3A_1873 : memref<72x128xf32, #tpu.memory_space<vmem>>) offsets(%dma_start3A_1876 : memref<72xi32, #tpu.memory_space<vmem>>) semaphore(%arg12 : memref<!tpu.dma_semaphore, #tpu.memory_space<semaphore_mem>>)
      %add3A_1880 = arith.constant 1 : i32
      %add3A_1881 = arith.addi %mul3A_1790, %add3A_1880 : i32
      %add3A_1882 = arith.constant 1 : i32
      %add3A_1883 = arith.addi %mul3A_1790, %add3A_1882 : i32
      %add3A_1884 = arith.constant 2 : i32
      %add3A_1885 = arith.addi %add3A_1883, %add3A_1884 : i32
      %add3A_1886 = arith.constant 32 : i32
      %add3A_1887 = arith.addi %add3A_1886, %add3A_1881 : i32
      %dma_wait3A_1888 = arith.constant 1 : i32
      %dma_wait3A_1889 = arith.constant 1 : i32
      %dma_wait3A_1890 = arith.constant 0 : i32
      %dma_wait3A_1891 = arith.constant 0 : i32
      %dma_wait3A_1892 = tpu.memref_slice %arg6[%dma_wait3A_1889, %dma_wait3A_1890, %dma_wait3A_1891] : memref<4x200x128xf32, #tpu.memory_space<vmem>> -> memref<1x128x128xf32, #tpu.memory_space<vmem>>
      %dma_wait3A_1893 = tpu.memref_squeeze %dma_wait3A_1892 : memref<1x128x128xf32, #tpu.memory_space<vmem>> -> memref<128x128xf32, #tpu.memory_space<vmem>>
      %dma_wait3A_1894 = arith.constant 0 : i32
      %dma_wait3A_1895 = tpu.memref_slice %arg5[%dma_wait3A_1888, %add3A_1881, %dma_wait3A_1894] : memref<2x32x200xi32, #tpu.memory_space<vmem>> -> memref<1x1x128xi32, #tpu.memory_space<vmem>>
      %dma_wait3A_1896 = tpu.memref_squeeze %dma_wait3A_1895 : memref<1x1x128xi32, #tpu.memory_space<vmem>> -> memref<128xi32, #tpu.memory_space<vmem>>
      %dma_wait3A_1897 = arith.constant 0 : i32
      %dma_wait3A_1898 = arith.constant 0 : i32
      %dma_wait3A_1899 = tpu.memref_slice %arg7[%dma_wait3A_1897, %dma_wait3A_1898] : memref<1000x128xf32, #tpu.memory_space<vmem_shared>> -> memref<1000x128xf32, #tpu.memory_space<vmem_shared>>
      tpu.wait_indirect_dma semaphore(%arg11 : memref<!tpu.dma_semaphore, #tpu.memory_space<semaphore_mem>>) src(%dma_wait3A_1899 : memref<1000x128xf32, #tpu.memory_space<vmem_shared>>) dst(%dma_wait3A_1893 : memref<128x128xf32, #tpu.memory_space<vmem>>)
      %dma_wait3A_1900 = arith.constant 1 : i32
      %dma_wait3A_1901 = arith.constant 1 : i32
      %dma_wait3A_1902 = arith.constant 128 : i32
      %dma_wait3A_1903 = arith.constant 0 : i32
      %dma_wait3A_1904 = tpu.memref_slice %arg6[%dma_wait3A_1901, %dma_wait3A_1902, %dma_wait3A_1903] : memref<4x200x128xf32, #tpu.memory_space<vmem>> -> memref<1x72x128xf32, #tpu.memory_space<vmem>>
      %dma_wait3A_1905 = tpu.memref_squeeze %dma_wait3A_1904 : memref<1x72x128xf32, #tpu.memory_space<vmem>> -> memref<72x128xf32, #tpu.memory_space<vmem>>
      %dma_wait3A_1906 = arith.constant 128 : i32
      %dma_wait3A_1907 = tpu.memref_slice %arg5[%dma_wait3A_1900, %add3A_1881, %dma_wait3A_1906] : memref<2x32x200xi32, #tpu.memory_space<vmem>> -> memref<1x1x72xi32, #tpu.memory_space<vmem>>
      %dma_wait3A_1908 = tpu.memref_squeeze %dma_wait3A_1907 : memref<1x1x72xi32, #tpu.memory_space<vmem>> -> memref<72xi32, #tpu.memory_space<vmem>>
      %dma_wait3A_1909 = arith.constant 0 : i32
      %dma_wait3A_1910 = arith.constant 0 : i32
      %dma_wait3A_1911 = tpu.memref_slice %arg7[%dma_wait3A_1909, %dma_wait3A_1910] : memref<1000x128xf32, #tpu.memory_space<vmem_shared>> -> memref<1000x128xf32, #tpu.memory_space<vmem_shared>>
      tpu.wait_indirect_dma semaphore(%arg11 : memref<!tpu.dma_semaphore, #tpu.memory_space<semaphore_mem>>) src(%dma_wait3A_1911 : memref<1000x128xf32, #tpu.memory_space<vmem_shared>>) dst(%dma_wait3A_1905 : memref<72x128xf32, #tpu.memory_space<vmem>>)
      %mul3A_1912 = arith.constant 200 : i32
      %mul3A_1913 = arith.muli %add3A_1887, %mul3A_1912 : i32
      %add3A_1914 = arith.addi %mul3A_2, %mul3A_1913 : i32
      %dma_start3A_1915 = arith.constant 1 : i32
      %dma_start3A_1916 = arith.constant 0 : i32
      %dma_start3A_1917 = arith.constant 0 : i32
      %dma_start3A_1918 = tpu.memref_slice %arg6[%dma_start3A_1915, %dma_start3A_1916, %dma_start3A_1917] : memref<4x200x128xf32, #tpu.memory_space<vmem>> -> memref<1x200x128xf32, #tpu.memory_space<vmem>>
      %dma_start3A_1919 = tpu.memref_squeeze %dma_start3A_1918 : memref<1x200x128xf32, #tpu.memory_space<vmem>> -> memref<200x128xf32, #tpu.memory_space<vmem>>
      %dma_start3A_1920 = arith.constant 0 : i32
      %dma_start3A_1921 = tpu.memref_slice %arg4[%add3A_1914, %dma_start3A_1920] : memref<819200x128xf32, #tpu.memory_space<hbm>> -> memref<200x128xf32, #tpu.memory_space<hbm>>
      %dma_start3A_1922 = arith.constant 0 : i32
      %dma_start3A_1923 = tpu.memref_slice %arg4[%add3A_1914, %dma_start3A_1922] : memref<819200x128xf32, #tpu.memory_space<hbm>> -> memref<200x128xf32, #tpu.memory_space<hbm>>
      %dma_start3A_1924 = arith.constant 0 : i32
      %dma_start3A_1925 = arith.constant 0 : i32
      %dma_start3A_1926 = tpu.memref_slice %arg6[%dma_start3A_1915, %dma_start3A_1924, %dma_start3A_1925] : memref<4x200x128xf32, #tpu.memory_space<vmem>> -> memref<1x200x128xf32, #tpu.memory_space<vmem>>
      %dma_start3A_1927 = tpu.memref_squeeze %dma_start3A_1926 : memref<1x200x128xf32, #tpu.memory_space<vmem>> -> memref<200x128xf32, #tpu.memory_space<vmem>>
      tpu.enqueue_dma source(%dma_start3A_1927 : memref<200x128xf32, #tpu.memory_space<vmem>>) target(%dma_start3A_1923 : memref<200x128xf32, #tpu.memory_space<hbm>>) target_semaphore(%arg15 : memref<!tpu.dma_semaphore, #tpu.memory_space<semaphore_mem>>)
      %sub3A_1928 = arith.constant 2 : i32
      %sub3A_1929 = arith.subi %add3A_1887, %sub3A_1928 : i32
      %mul3A_1930 = arith.constant 200 : i32
      %mul3A_1931 = arith.muli %sub3A_1929, %mul3A_1930 : i32
      %add3A_1932 = arith.addi %mul3A_2, %mul3A_1931 : i32
      %dma_wait3A_1933 = arith.constant 3 : i32
      %dma_wait3A_1934 = arith.constant 0 : i32
      %dma_wait3A_1935 = arith.constant 0 : i32
      %dma_wait3A_1936 = tpu.memref_slice %arg6[%dma_wait3A_1933, %dma_wait3A_1934, %dma_wait3A_1935] : memref<4x200x128xf32, #tpu.memory_space<vmem>> -> memref<1x200x128xf32, #tpu.memory_space<vmem>>
      %dma_wait3A_1937 = tpu.memref_squeeze %dma_wait3A_1936 : memref<1x200x128xf32, #tpu.memory_space<vmem>> -> memref<200x128xf32, #tpu.memory_space<vmem>>
      %dma_wait3A_1938 = arith.constant 0 : i32
      %dma_wait3A_1939 = tpu.memref_slice %arg4[%add3A_1932, %dma_wait3A_1938] : memref<819200x128xf32, #tpu.memory_space<hbm>> -> memref<200x128xf32, #tpu.memory_space<hbm>>
      %dma_wait3A_1940 = arith.constant 0 : i32
      %dma_wait3A_1941 = tpu.memref_slice %arg4[%add3A_1932, %dma_wait3A_1940] : memref<819200x128xf32, #tpu.memory_space<hbm>> -> memref<200x128xf32, #tpu.memory_space<hbm>>
      %dma_wait3A_1942 = arith.constant 0 : i32
      %dma_wait3A_1943 = arith.constant 0 : i32
      %dma_wait3A_1944 = tpu.memref_slice %arg6[%dma_wait3A_1933, %dma_wait3A_1942, %dma_wait3A_1943] : memref<4x200x128xf32, #tpu.memory_space<vmem>> -> memref<1x200x128xf32, #tpu.memory_space<vmem>>
      %dma_wait3A_1945 = tpu.memref_squeeze %dma_wait3A_1944 : memref<1x200x128xf32, #tpu.memory_space<vmem>> -> memref<200x128xf32, #tpu.memory_space<vmem>>
      tpu.wait_dma2 semaphore(%arg17 : memref<!tpu.dma_semaphore, #tpu.memory_space<semaphore_mem>>) src(%dma_wait3A_1945 : memref<200x128xf32, #tpu.memory_space<vmem>>) dst(%dma_wait3A_1941 : memref<200x128xf32, #tpu.memory_space<hbm>>)
      %dma_start3A_1946 = arith.constant 1 : i32
      %dma_start3A_1947 = arith.constant 3 : i32
      %dma_start3A_1948 = arith.constant 0 : i32
      %dma_start3A_1949 = arith.constant 0 : i32
      %dma_start3A_1950 = tpu.memref_slice %arg6[%dma_start3A_1947, %dma_start3A_1948, %dma_start3A_1949] : memref<4x200x128xf32, #tpu.memory_space<vmem>> -> memref<1x128x128xf32, #tpu.memory_space<vmem>>
      %dma_start3A_1951 = tpu.memref_squeeze %dma_start3A_1950 : memref<1x128x128xf32, #tpu.memory_space<vmem>> -> memref<128x128xf32, #tpu.memory_space<vmem>>
      %dma_start3A_1952 = arith.constant 0 : i32
      %dma_start3A_1953 = tpu.memref_slice %arg5[%dma_start3A_1946, %add3A_1885, %dma_start3A_1952] : memref<2x32x200xi32, #tpu.memory_space<vmem>> -> memref<1x1x128xi32, #tpu.memory_space<vmem>>
      %dma_start3A_1954 = tpu.memref_squeeze %dma_start3A_1953 : memref<1x1x128xi32, #tpu.memory_space<vmem>> -> memref<128xi32, #tpu.memory_space<vmem>>
      %dma_start3A_1955 = arith.constant 0 : i32
      %dma_start3A_1956 = arith.constant 0 : i32
      %dma_start3A_1957 = tpu.memref_slice %arg7[%dma_start3A_1955, %dma_start3A_1956] : memref<1000x128xf32, #tpu.memory_space<vmem_shared>> -> memref<1000x128xf32, #tpu.memory_space<vmem_shared>>
      tpu.enqueue_indirect_dma source(%dma_start3A_1957 : memref<1000x128xf32, #tpu.memory_space<vmem_shared>>) target(%dma_start3A_1951 : memref<128x128xf32, #tpu.memory_space<vmem>>) offsets(%dma_start3A_1954 : memref<128xi32, #tpu.memory_space<vmem>>) semaphore(%arg13 : memref<!tpu.dma_semaphore, #tpu.memory_space<semaphore_mem>>)
      %dma_start3A_1958 = arith.constant 1 : i32
      %dma_start3A_1959 = arith.constant 3 : i32
      %dma_start3A_1960 = arith.constant 128 : i32
      %dma_start3A_1961 = arith.constant 0 : i32
      %dma_start3A_1962 = tpu.memref_slice %arg6[%dma_start3A_1959, %dma_start3A_1960, %dma_start3A_1961] : memref<4x200x128xf32, #tpu.memory_space<vmem>> -> memref<1x72x128xf32, #tpu.memory_space<vmem>>
      %dma_start3A_1963 = tpu.memref_squeeze %dma_start3A_1962 : memref<1x72x128xf32, #tpu.memory_space<vmem>> -> memref<72x128xf32, #tpu.memory_space<vmem>>
      %dma_start3A_1964 = arith.constant 128 : i32
      %dma_start3A_1965 = tpu.memref_slice %arg5[%dma_start3A_1958, %add3A_1885, %dma_start3A_1964] : memref<2x32x200xi32, #tpu.memory_space<vmem>> -> memref<1x1x72xi32, #tpu.memory_space<vmem>>
      %dma_start3A_1966 = tpu.memref_squeeze %dma_start3A_1965 : memref<1x1x72xi32, #tpu.memory_space<vmem>> -> memref<72xi32, #tpu.memory_space<vmem>>
      %dma_start3A_1967 = arith.constant 0 : i32
      %dma_start3A_1968 = arith.constant 0 : i32
      %dma_start3A_1969 = tpu.memref_slice %arg7[%dma_start3A_1967, %dma_start3A_1968] : memref<1000x128xf32, #tpu.memory_space<vmem_shared>> -> memref<1000x128xf32, #tpu.memory_space<vmem_shared>>
      tpu.enqueue_indirect_dma source(%dma_start3A_1969 : memref<1000x128xf32, #tpu.memory_space<vmem_shared>>) target(%dma_start3A_1963 : memref<72x128xf32, #tpu.memory_space<vmem>>) offsets(%dma_start3A_1966 : memref<72xi32, #tpu.memory_space<vmem>>) semaphore(%arg13 : memref<!tpu.dma_semaphore, #tpu.memory_space<semaphore_mem>>)
      %add3A_1970 = arith.constant 2 : i32
      %add3A_1971 = arith.addi %mul3A_1790, %add3A_1970 : i32
      %add3A_1972 = arith.constant 2 : i32
      %add3A_1973 = arith.addi %mul3A_1790, %add3A_1972 : i32
      %add3A_1974 = arith.constant 2 : i32
      %add3A_1975 = arith.addi %add3A_1973, %add3A_1974 : i32
      %add3A_1976 = arith.constant 32 : i32
      %add3A_1977 = arith.addi %add3A_1976, %add3A_1971 : i32
      %dma_wait3A_1978 = arith.constant 1 : i32
      %dma_wait3A_1979 = arith.constant 2 : i32
      %dma_wait3A_1980 = arith.constant 0 : i32
      %dma_wait3A_1981 = arith.constant 0 : i32
      %dma_wait3A_1982 = tpu.memref_slice %arg6[%dma_wait3A_1979, %dma_wait3A_1980, %dma_wait3A_1981] : memref<4x200x128xf32, #tpu.memory_space<vmem>> -> memref<1x128x128xf32, #tpu.memory_space<vmem>>
      %dma_wait3A_1983 = tpu.memref_squeeze %dma_wait3A_1982 : memref<1x128x128xf32, #tpu.memory_space<vmem>> -> memref<128x128xf32, #tpu.memory_space<vmem>>
      %dma_wait3A_1984 = arith.constant 0 : i32
      %dma_wait3A_1985 = tpu.memref_slice %arg5[%dma_wait3A_1978, %add3A_1971, %dma_wait3A_1984] : memref<2x32x200xi32, #tpu.memory_space<vmem>> -> memref<1x1x128xi32, #tpu.memory_space<vmem>>
      %dma_wait3A_1986 = tpu.memref_squeeze %dma_wait3A_1985 : memref<1x1x128xi32, #tpu.memory_space<vmem>> -> memref<128xi32, #tpu.memory_space<vmem>>
      %dma_wait3A_1987 = arith.constant 0 : i32
      %dma_wait3A_1988 = arith.constant 0 : i32
      %dma_wait3A_1989 = tpu.memref_slice %arg7[%dma_wait3A_1987, %dma_wait3A_1988] : memref<1000x128xf32, #tpu.memory_space<vmem_shared>> -> memref<1000x128xf32, #tpu.memory_space<vmem_shared>>
      tpu.wait_indirect_dma semaphore(%arg12 : memref<!tpu.dma_semaphore, #tpu.memory_space<semaphore_mem>>) src(%dma_wait3A_1989 : memref<1000x128xf32, #tpu.memory_space<vmem_shared>>) dst(%dma_wait3A_1983 : memref<128x128xf32, #tpu.memory_space<vmem>>)
      %dma_wait3A_1990 = arith.constant 1 : i32
      %dma_wait3A_1991 = arith.constant 2 : i32
      %dma_wait3A_1992 = arith.constant 128 : i32
      %dma_wait3A_1993 = arith.constant 0 : i32
      %dma_wait3A_1994 = tpu.memref_slice %arg6[%dma_wait3A_1991, %dma_wait3A_1992, %dma_wait3A_1993] : memref<4x200x128xf32, #tpu.memory_space<vmem>> -> memref<1x72x128xf32, #tpu.memory_space<vmem>>
      %dma_wait3A_1995 = tpu.memref_squeeze %dma_wait3A_1994 : memref<1x72x128xf32, #tpu.memory_space<vmem>> -> memref<72x128xf32, #tpu.memory_space<vmem>>
      %dma_wait3A_1996 = arith.constant 128 : i32
      %dma_wait3A_1997 = tpu.memref_slice %arg5[%dma_wait3A_1990, %add3A_1971, %dma_wait3A_1996] : memref<2x32x200xi32, #tpu.memory_space<vmem>> -> memref<1x1x72xi32, #tpu.memory_space<vmem>>
      %dma_wait3A_1998 = tpu.memref_squeeze %dma_wait3A_1997 : memref<1x1x72xi32, #tpu.memory_space<vmem>> -> memref<72xi32, #tpu.memory_space<vmem>>
      %dma_wait3A_1999 = arith.constant 0 : i32
      %dma_wait3A_2000 = arith.constant 0 : i32
      %dma_wait3A_2001 = tpu.memref_slice %arg7[%dma_wait3A_1999, %dma_wait3A_2000] : memref<1000x128xf32, #tpu.memory_space<vmem_shared>> -> memref<1000x128xf32, #tpu.memory_space<vmem_shared>>
      tpu.wait_indirect_dma semaphore(%arg12 : memref<!tpu.dma_semaphore, #tpu.memory_space<semaphore_mem>>) src(%dma_wait3A_2001 : memref<1000x128xf32, #tpu.memory_space<vmem_shared>>) dst(%dma_wait3A_1995 : memref<72x128xf32, #tpu.memory_space<vmem>>)
      %mul3A_2002 = arith.constant 200 : i32
      %mul3A_2003 = arith.muli %add3A_1977, %mul3A_2002 : i32
      %add3A_2004 = arith.addi %mul3A_2, %mul3A_2003 : i32
      %dma_start3A_2005 = arith.constant 2 : i32
      %dma_start3A_2006 = arith.constant 0 : i32
      %dma_start3A_2007 = arith.constant 0 : i32
      %dma_start3A_2008 = tpu.memref_slice %arg6[%dma_start3A_2005, %dma_start3A_2006, %dma_start3A_2007] : memref<4x200x128xf32, #tpu.memory_space<vmem>> -> memref<1x200x128xf32, #tpu.memory_space<vmem>>
      %dma_start3A_2009 = tpu.memref_squeeze %dma_start3A_2008 : memref<1x200x128xf32, #tpu.memory_space<vmem>> -> memref<200x128xf32, #tpu.memory_space<vmem>>
      %dma_start3A_2010 = arith.constant 0 : i32
      %dma_start3A_2011 = tpu.memref_slice %arg4[%add3A_2004, %dma_start3A_2010] : memref<819200x128xf32, #tpu.memory_space<hbm>> -> memref<200x128xf32, #tpu.memory_space<hbm>>
      %dma_start3A_2012 = arith.constant 0 : i32
      %dma_start3A_2013 = tpu.memref_slice %arg4[%add3A_2004, %dma_start3A_2012] : memref<819200x128xf32, #tpu.memory_space<hbm>> -> memref<200x128xf32, #tpu.memory_space<hbm>>
      %dma_start3A_2014 = arith.constant 0 : i32
      %dma_start3A_2015 = arith.constant 0 : i32
      %dma_start3A_2016 = tpu.memref_slice %arg6[%dma_start3A_2005, %dma_start3A_2014, %dma_start3A_2015] : memref<4x200x128xf32, #tpu.memory_space<vmem>> -> memref<1x200x128xf32, #tpu.memory_space<vmem>>
      %dma_start3A_2017 = tpu.memref_squeeze %dma_start3A_2016 : memref<1x200x128xf32, #tpu.memory_space<vmem>> -> memref<200x128xf32, #tpu.memory_space<vmem>>
      tpu.enqueue_dma source(%dma_start3A_2017 : memref<200x128xf32, #tpu.memory_space<vmem>>) target(%dma_start3A_2013 : memref<200x128xf32, #tpu.memory_space<hbm>>) target_semaphore(%arg16 : memref<!tpu.dma_semaphore, #tpu.memory_space<semaphore_mem>>)
      %sub3A_2018 = arith.constant 2 : i32
      %sub3A_2019 = arith.subi %add3A_1977, %sub3A_2018 : i32
      %mul3A_2020 = arith.constant 200 : i32
      %mul3A_2021 = arith.muli %sub3A_2019, %mul3A_2020 : i32
      %add3A_2022 = arith.addi %mul3A_2, %mul3A_2021 : i32
      %dma_wait3A_2023 = arith.constant 0 : i32
      %dma_wait3A_2024 = arith.constant 0 : i32
      %dma_wait3A_2025 = arith.constant 0 : i32
      %dma_wait3A_2026 = tpu.memref_slice %arg6[%dma_wait3A_2023, %dma_wait3A_2024, %dma_wait3A_2025] : memref<4x200x128xf32, #tpu.memory_space<vmem>> -> memref<1x200x128xf32, #tpu.memory_space<vmem>>
      %dma_wait3A_2027 = tpu.memref_squeeze %dma_wait3A_2026 : memref<1x200x128xf32, #tpu.memory_space<vmem>> -> memref<200x128xf32, #tpu.memory_space<vmem>>
      %dma_wait3A_2028 = arith.constant 0 : i32
      %dma_wait3A_2029 = tpu.memref_slice %arg4[%add3A_2022, %dma_wait3A_2028] : memref<819200x128xf32, #tpu.memory_space<hbm>> -> memref<200x128xf32, #tpu.memory_space<hbm>>
      %dma_wait3A_2030 = arith.constant 0 : i32
      %dma_wait3A_2031 = tpu.memref_slice %arg4[%add3A_2022, %dma_wait3A_2030] : memref<819200x128xf32, #tpu.memory_space<hbm>> -> memref<200x128xf32, #tpu.memory_space<hbm>>
      %dma_wait3A_2032 = arith.constant 0 : i32
      %dma_wait3A_2033 = arith.constant 0 : i32
      %dma_wait3A_2034 = tpu.memref_slice %arg6[%dma_wait3A_2023, %dma_wait3A_2032, %dma_wait3A_2033] : memref<4x200x128xf32, #tpu.memory_space<vmem>> -> memref<1x200x128xf32, #tpu.memory_space<vmem>>
      %dma_wait3A_2035 = tpu.memref_squeeze %dma_wait3A_2034 : memref<1x200x128xf32, #tpu.memory_space<vmem>> -> memref<200x128xf32, #tpu.memory_space<vmem>>
      tpu.wait_dma2 semaphore(%arg14 : memref<!tpu.dma_semaphore, #tpu.memory_space<semaphore_mem>>) src(%dma_wait3A_2035 : memref<200x128xf32, #tpu.memory_space<vmem>>) dst(%dma_wait3A_2031 : memref<200x128xf32, #tpu.memory_space<hbm>>)
      %dma_start3A_2036 = arith.constant 1 : i32
      %dma_start3A_2037 = arith.constant 0 : i32
      %dma_start3A_2038 = arith.constant 0 : i32
      %dma_start3A_2039 = arith.constant 0 : i32
      %dma_start3A_2040 = tpu.memref_slice %arg6[%dma_start3A_2037, %dma_start3A_2038, %dma_start3A_2039] : memref<4x200x128xf32, #tpu.memory_space<vmem>> -> memref<1x128x128xf32, #tpu.memory_space<vmem>>
      %dma_start3A_2041 = tpu.memref_squeeze %dma_start3A_2040 : memref<1x128x128xf32, #tpu.memory_space<vmem>> -> memref<128x128xf32, #tpu.memory_space<vmem>>
      %dma_start3A_2042 = arith.constant 0 : i32
      %dma_start3A_2043 = tpu.memref_slice %arg5[%dma_start3A_2036, %add3A_1975, %dma_start3A_2042] : memref<2x32x200xi32, #tpu.memory_space<vmem>> -> memref<1x1x128xi32, #tpu.memory_space<vmem>>
      %dma_start3A_2044 = tpu.memref_squeeze %dma_start3A_2043 : memref<1x1x128xi32, #tpu.memory_space<vmem>> -> memref<128xi32, #tpu.memory_space<vmem>>
      %dma_start3A_2045 = arith.constant 0 : i32
      %dma_start3A_2046 = arith.constant 0 : i32
      %dma_start3A_2047 = tpu.memref_slice %arg7[%dma_start3A_2045, %dma_start3A_2046] : memref<1000x128xf32, #tpu.memory_space<vmem_shared>> -> memref<1000x128xf32, #tpu.memory_space<vmem_shared>>
      tpu.enqueue_indirect_dma source(%dma_start3A_2047 : memref<1000x128xf32, #tpu.memory_space<vmem_shared>>) target(%dma_start3A_2041 : memref<128x128xf32, #tpu.memory_space<vmem>>) offsets(%dma_start3A_2044 : memref<128xi32, #tpu.memory_space<vmem>>) semaphore(%arg10 : memref<!tpu.dma_semaphore, #tpu.memory_space<semaphore_mem>>)
      %dma_start3A_2048 = arith.constant 1 : i32
      %dma_start3A_2049 = arith.constant 0 : i32
      %dma_start3A_2050 = arith.constant 128 : i32
      %dma_start3A_2051 = arith.constant 0 : i32
      %dma_start3A_2052 = tpu.memref_slice %arg6[%dma_start3A_2049, %dma_start3A_2050, %dma_start3A_2051] : memref<4x200x128xf32, #tpu.memory_space<vmem>> -> memref<1x72x128xf32, #tpu.memory_space<vmem>>
      %dma_start3A_2053 = tpu.memref_squeeze %dma_start3A_2052 : memref<1x72x128xf32, #tpu.memory_space<vmem>> -> memref<72x128xf32, #tpu.memory_space<vmem>>
      %dma_start3A_2054 = arith.constant 128 : i32
      %dma_start3A_2055 = tpu.memref_slice %arg5[%dma_start3A_2048, %add3A_1975, %dma_start3A_2054] : memref<2x32x200xi32, #tpu.memory_space<vmem>> -> memref<1x1x72xi32, #tpu.memory_space<vmem>>
      %dma_start3A_2056 = tpu.memref_squeeze %dma_start3A_2055 : memref<1x1x72xi32, #tpu.memory_space<vmem>> -> memref<72xi32, #tpu.memory_space<vmem>>
      %dma_start3A_2057 = arith.constant 0 : i32
      %dma_start3A_2058 = arith.constant 0 : i32
      %dma_start3A_2059 = tpu.memref_slice %arg7[%dma_start3A_2057, %dma_start3A_2058] : memref<1000x128xf32, #tpu.memory_space<vmem_shared>> -> memref<1000x128xf32, #tpu.memory_space<vmem_shared>>
      tpu.enqueue_indirect_dma source(%dma_start3A_2059 : memref<1000x128xf32, #tpu.memory_space<vmem_shared>>) target(%dma_start3A_2053 : memref<72x128xf32, #tpu.memory_space<vmem>>) offsets(%dma_start3A_2056 : memref<72xi32, #tpu.memory_space<vmem>>) semaphore(%arg10 : memref<!tpu.dma_semaphore, #tpu.memory_space<semaphore_mem>>)
      %add3A_2060 = arith.constant 3 : i32
      %add3A_2061 = arith.addi %mul3A_1790, %add3A_2060 : i32
      %add3A_2062 = arith.constant 3 : i32
      %add3A_2063 = arith.addi %mul3A_1790, %add3A_2062 : i32
      %add3A_2064 = arith.constant 2 : i32
      %add3A_2065 = arith.addi %add3A_2063, %add3A_2064 : i32
      %add3A_2066 = arith.constant 32 : i32
      %add3A_2067 = arith.addi %add3A_2066, %add3A_2061 : i32
      %dma_wait3A_2068 = arith.constant 1 : i32
      %dma_wait3A_2069 = arith.constant 3 : i32
      %dma_wait3A_2070 = arith.constant 0 : i32
      %dma_wait3A_2071 = arith.constant 0 : i32
      %dma_wait3A_2072 = tpu.memref_slice %arg6[%dma_wait3A_2069, %dma_wait3A_2070, %dma_wait3A_2071] : memref<4x200x128xf32, #tpu.memory_space<vmem>> -> memref<1x128x128xf32, #tpu.memory_space<vmem>>
      %dma_wait3A_2073 = tpu.memref_squeeze %dma_wait3A_2072 : memref<1x128x128xf32, #tpu.memory_space<vmem>> -> memref<128x128xf32, #tpu.memory_space<vmem>>
      %dma_wait3A_2074 = arith.constant 0 : i32
      %dma_wait3A_2075 = tpu.memref_slice %arg5[%dma_wait3A_2068, %add3A_2061, %dma_wait3A_2074] : memref<2x32x200xi32, #tpu.memory_space<vmem>> -> memref<1x1x128xi32, #tpu.memory_space<vmem>>
      %dma_wait3A_2076 = tpu.memref_squeeze %dma_wait3A_2075 : memref<1x1x128xi32, #tpu.memory_space<vmem>> -> memref<128xi32, #tpu.memory_space<vmem>>
      %dma_wait3A_2077 = arith.constant 0 : i32
      %dma_wait3A_2078 = arith.constant 0 : i32
      %dma_wait3A_2079 = tpu.memref_slice %arg7[%dma_wait3A_2077, %dma_wait3A_2078] : memref<1000x128xf32, #tpu.memory_space<vmem_shared>> -> memref<1000x128xf32, #tpu.memory_space<vmem_shared>>
      tpu.wait_indirect_dma semaphore(%arg13 : memref<!tpu.dma_semaphore, #tpu.memory_space<semaphore_mem>>) src(%dma_wait3A_2079 : memref<1000x128xf32, #tpu.memory_space<vmem_shared>>) dst(%dma_wait3A_2073 : memref<128x128xf32, #tpu.memory_space<vmem>>)
      %dma_wait3A_2080 = arith.constant 1 : i32
      %dma_wait3A_2081 = arith.constant 3 : i32
      %dma_wait3A_2082 = arith.constant 128 : i32
      %dma_wait3A_2083 = arith.constant 0 : i32
      %dma_wait3A_2084 = tpu.memref_slice %arg6[%dma_wait3A_2081, %dma_wait3A_2082, %dma_wait3A_2083] : memref<4x200x128xf32, #tpu.memory_space<vmem>> -> memref<1x72x128xf32, #tpu.memory_space<vmem>>
      %dma_wait3A_2085 = tpu.memref_squeeze %dma_wait3A_2084 : memref<1x72x128xf32, #tpu.memory_space<vmem>> -> memref<72x128xf32, #tpu.memory_space<vmem>>
      %dma_wait3A_2086 = arith.constant 128 : i32
      %dma_wait3A_2087 = tpu.memref_slice %arg5[%dma_wait3A_2080, %add3A_2061, %dma_wait3A_2086] : memref<2x32x200xi32, #tpu.memory_space<vmem>> -> memref<1x1x72xi32, #tpu.memory_space<vmem>>
      %dma_wait3A_2088 = tpu.memref_squeeze %dma_wait3A_2087 : memref<1x1x72xi32, #tpu.memory_space<vmem>> -> memref<72xi32, #tpu.memory_space<vmem>>
      %dma_wait3A_2089 = arith.constant 0 : i32
      %dma_wait3A_2090 = arith.constant 0 : i32
      %dma_wait3A_2091 = tpu.memref_slice %arg7[%dma_wait3A_2089, %dma_wait3A_2090] : memref<1000x128xf32, #tpu.memory_space<vmem_shared>> -> memref<1000x128xf32, #tpu.memory_space<vmem_shared>>
      tpu.wait_indirect_dma semaphore(%arg13 : memref<!tpu.dma_semaphore, #tpu.memory_space<semaphore_mem>>) src(%dma_wait3A_2091 : memref<1000x128xf32, #tpu.memory_space<vmem_shared>>) dst(%dma_wait3A_2085 : memref<72x128xf32, #tpu.memory_space<vmem>>)
      %mul3A_2092 = arith.constant 200 : i32
      %mul3A_2093 = arith.muli %add3A_2067, %mul3A_2092 : i32
      %add3A_2094 = arith.addi %mul3A_2, %mul3A_2093 : i32
      %dma_start3A_2095 = arith.constant 3 : i32
      %dma_start3A_2096 = arith.constant 0 : i32
      %dma_start3A_2097 = arith.constant 0 : i32
      %dma_start3A_2098 = tpu.memref_slice %arg6[%dma_start3A_2095, %dma_start3A_2096, %dma_start3A_2097] : memref<4x200x128xf32, #tpu.memory_space<vmem>> -> memref<1x200x128xf32, #tpu.memory_space<vmem>>
      %dma_start3A_2099 = tpu.memref_squeeze %dma_start3A_2098 : memref<1x200x128xf32, #tpu.memory_space<vmem>> -> memref<200x128xf32, #tpu.memory_space<vmem>>
      %dma_start3A_2100 = arith.constant 0 : i32
      %dma_start3A_2101 = tpu.memref_slice %arg4[%add3A_2094, %dma_start3A_2100] : memref<819200x128xf32, #tpu.memory_space<hbm>> -> memref<200x128xf32, #tpu.memory_space<hbm>>
      %dma_start3A_2102 = arith.constant 0 : i32
      %dma_start3A_2103 = tpu.memref_slice %arg4[%add3A_2094, %dma_start3A_2102] : memref<819200x128xf32, #tpu.memory_space<hbm>> -> memref<200x128xf32, #tpu.memory_space<hbm>>
      %dma_start3A_2104 = arith.constant 0 : i32
      %dma_start3A_2105 = arith.constant 0 : i32
      %dma_start3A_2106 = tpu.memref_slice %arg6[%dma_start3A_2095, %dma_start3A_2104, %dma_start3A_2105] : memref<4x200x128xf32, #tpu.memory_space<vmem>> -> memref<1x200x128xf32, #tpu.memory_space<vmem>>
      %dma_start3A_2107 = tpu.memref_squeeze %dma_start3A_2106 : memref<1x200x128xf32, #tpu.memory_space<vmem>> -> memref<200x128xf32, #tpu.memory_space<vmem>>
      tpu.enqueue_dma source(%dma_start3A_2107 : memref<200x128xf32, #tpu.memory_space<vmem>>) target(%dma_start3A_2103 : memref<200x128xf32, #tpu.memory_space<hbm>>) target_semaphore(%arg17 : memref<!tpu.dma_semaphore, #tpu.memory_space<semaphore_mem>>)
      %sub3A_2108 = arith.constant 2 : i32
      %sub3A_2109 = arith.subi %add3A_2067, %sub3A_2108 : i32
      %mul3A_2110 = arith.constant 200 : i32
      %mul3A_2111 = arith.muli %sub3A_2109, %mul3A_2110 : i32
      %add3A_2112 = arith.addi %mul3A_2, %mul3A_2111 : i32
      %dma_wait3A_2113 = arith.constant 1 : i32
      %dma_wait3A_2114 = arith.constant 0 : i32
      %dma_wait3A_2115 = arith.constant 0 : i32
      %dma_wait3A_2116 = tpu.memref_slice %arg6[%dma_wait3A_2113, %dma_wait3A_2114, %dma_wait3A_2115] : memref<4x200x128xf32, #tpu.memory_space<vmem>> -> memref<1x200x128xf32, #tpu.memory_space<vmem>>
      %dma_wait3A_2117 = tpu.memref_squeeze %dma_wait3A_2116 : memref<1x200x128xf32, #tpu.memory_space<vmem>> -> memref<200x128xf32, #tpu.memory_space<vmem>>
      %dma_wait3A_2118 = arith.constant 0 : i32
      %dma_wait3A_2119 = tpu.memref_slice %arg4[%add3A_2112, %dma_wait3A_2118] : memref<819200x128xf32, #tpu.memory_space<hbm>> -> memref<200x128xf32, #tpu.memory_space<hbm>>
      %dma_wait3A_2120 = arith.constant 0 : i32
      %dma_wait3A_2121 = tpu.memref_slice %arg4[%add3A_2112, %dma_wait3A_2120] : memref<819200x128xf32, #tpu.memory_space<hbm>> -> memref<200x128xf32, #tpu.memory_space<hbm>>
      %dma_wait3A_2122 = arith.constant 0 : i32
      %dma_wait3A_2123 = arith.constant 0 : i32
      %dma_wait3A_2124 = tpu.memref_slice %arg6[%dma_wait3A_2113, %dma_wait3A_2122, %dma_wait3A_2123] : memref<4x200x128xf32, #tpu.memory_space<vmem>> -> memref<1x200x128xf32, #tpu.memory_space<vmem>>
      %dma_wait3A_2125 = tpu.memref_squeeze %dma_wait3A_2124 : memref<1x200x128xf32, #tpu.memory_space<vmem>> -> memref<200x128xf32, #tpu.memory_space<vmem>>
      tpu.wait_dma2 semaphore(%arg15 : memref<!tpu.dma_semaphore, #tpu.memory_space<semaphore_mem>>) src(%dma_wait3A_2125 : memref<200x128xf32, #tpu.memory_space<vmem>>) dst(%dma_wait3A_2121 : memref<200x128xf32, #tpu.memory_space<hbm>>)
      %dma_start3A_2126 = arith.constant 1 : i32
      %dma_start3A_2127 = arith.constant 1 : i32
      %dma_start3A_2128 = arith.constant 0 : i32
      %dma_start3A_2129 = arith.constant 0 : i32
      %dma_start3A_2130 = tpu.memref_slice %arg6[%dma_start3A_2127, %dma_start3A_2128, %dma_start3A_2129] : memref<4x200x128xf32, #tpu.memory_space<vmem>> -> memref<1x128x128xf32, #tpu.memory_space<vmem>>
      %dma_start3A_2131 = tpu.memref_squeeze %dma_start3A_2130 : memref<1x128x128xf32, #tpu.memory_space<vmem>> -> memref<128x128xf32, #tpu.memory_space<vmem>>
      %dma_start3A_2132 = arith.constant 0 : i32
      %dma_start3A_2133 = tpu.memref_slice %arg5[%dma_start3A_2126, %add3A_2065, %dma_start3A_2132] : memref<2x32x200xi32, #tpu.memory_space<vmem>> -> memref<1x1x128xi32, #tpu.memory_space<vmem>>
      %dma_start3A_2134 = tpu.memref_squeeze %dma_start3A_2133 : memref<1x1x128xi32, #tpu.memory_space<vmem>> -> memref<128xi32, #tpu.memory_space<vmem>>
      %dma_start3A_2135 = arith.constant 0 : i32
      %dma_start3A_2136 = arith.constant 0 : i32
      %dma_start3A_2137 = tpu.memref_slice %arg7[%dma_start3A_2135, %dma_start3A_2136] : memref<1000x128xf32, #tpu.memory_space<vmem_shared>> -> memref<1000x128xf32, #tpu.memory_space<vmem_shared>>
      tpu.enqueue_indirect_dma source(%dma_start3A_2137 : memref<1000x128xf32, #tpu.memory_space<vmem_shared>>) target(%dma_start3A_2131 : memref<128x128xf32, #tpu.memory_space<vmem>>) offsets(%dma_start3A_2134 : memref<128xi32, #tpu.memory_space<vmem>>) semaphore(%arg11 : memref<!tpu.dma_semaphore, #tpu.memory_space<semaphore_mem>>)
      %dma_start3A_2138 = arith.constant 1 : i32
      %dma_start3A_2139 = arith.constant 1 : i32
      %dma_start3A_2140 = arith.constant 128 : i32
      %dma_start3A_2141 = arith.constant 0 : i32
      %dma_start3A_2142 = tpu.memref_slice %arg6[%dma_start3A_2139, %dma_start3A_2140, %dma_start3A_2141] : memref<4x200x128xf32, #tpu.memory_space<vmem>> -> memref<1x72x128xf32, #tpu.memory_space<vmem>>
      %dma_start3A_2143 = tpu.memref_squeeze %dma_start3A_2142 : memref<1x72x128xf32, #tpu.memory_space<vmem>> -> memref<72x128xf32, #tpu.memory_space<vmem>>
      %dma_start3A_2144 = arith.constant 128 : i32
      %dma_start3A_2145 = tpu.memref_slice %arg5[%dma_start3A_2138, %add3A_2065, %dma_start3A_2144] : memref<2x32x200xi32, #tpu.memory_space<vmem>> -> memref<1x1x72xi32, #tpu.memory_space<vmem>>
      %dma_start3A_2146 = tpu.memref_squeeze %dma_start3A_2145 : memref<1x1x72xi32, #tpu.memory_space<vmem>> -> memref<72xi32, #tpu.memory_space<vmem>>
      %dma_start3A_2147 = arith.constant 0 : i32
      %dma_start3A_2148 = arith.constant 0 : i32
      %dma_start3A_2149 = tpu.memref_slice %arg7[%dma_start3A_2147, %dma_start3A_2148] : memref<1000x128xf32, #tpu.memory_space<vmem_shared>> -> memref<1000x128xf32, #tpu.memory_space<vmem_shared>>
      tpu.enqueue_indirect_dma source(%dma_start3A_2149 : memref<1000x128xf32, #tpu.memory_space<vmem_shared>>) target(%dma_start3A_2143 : memref<72x128xf32, #tpu.memory_space<vmem>>) offsets(%dma_start3A_2146 : memref<72xi32, #tpu.memory_space<vmem>>) semaphore(%arg11 : memref<!tpu.dma_semaphore, #tpu.memory_space<semaphore_mem>>)
    }
    %scan3A_768 = arith.constant 7 : i32
    %dma_wait3A_769 = arith.constant 1 : i32
    %dma_wait3A_770 = arith.constant 28 : i32
    %dma_wait3A_771 = arith.constant 0 : i32
    %dma_wait3A_772 = arith.constant 0 : i32
    %dma_wait3A_773 = arith.constant 0 : i32
    %dma_wait3A_774 = tpu.memref_slice %arg6[%dma_wait3A_771, %dma_wait3A_772, %dma_wait3A_773] : memref<4x200x128xf32, #tpu.memory_space<vmem>> -> memref<1x128x128xf32, #tpu.memory_space<vmem>>
    %dma_wait3A_775 = tpu.memref_squeeze %dma_wait3A_774 : memref<1x128x128xf32, #tpu.memory_space<vmem>> -> memref<128x128xf32, #tpu.memory_space<vmem>>
    %dma_wait3A_776 = arith.constant 0 : i32
    %dma_wait3A_777 = tpu.memref_slice %arg5[%dma_wait3A_769, %dma_wait3A_770, %dma_wait3A_776] : memref<2x32x200xi32, #tpu.memory_space<vmem>> -> memref<1x1x128xi32, #tpu.memory_space<vmem>>
    %dma_wait3A_778 = tpu.memref_squeeze %dma_wait3A_777 : memref<1x1x128xi32, #tpu.memory_space<vmem>> -> memref<128xi32, #tpu.memory_space<vmem>>
    %dma_wait3A_779 = arith.constant 0 : i32
    %dma_wait3A_780 = arith.constant 0 : i32
    %dma_wait3A_781 = tpu.memref_slice %arg7[%dma_wait3A_779, %dma_wait3A_780] : memref<1000x128xf32, #tpu.memory_space<vmem_shared>> -> memref<1000x128xf32, #tpu.memory_space<vmem_shared>>
    tpu.wait_indirect_dma semaphore(%arg10 : memref<!tpu.dma_semaphore, #tpu.memory_space<semaphore_mem>>) src(%dma_wait3A_781 : memref<1000x128xf32, #tpu.memory_space<vmem_shared>>) dst(%dma_wait3A_775 : memref<128x128xf32, #tpu.memory_space<vmem>>)
    %dma_wait3A_782 = arith.constant 1 : i32
    %dma_wait3A_783 = arith.constant 28 : i32
    %dma_wait3A_784 = arith.constant 0 : i32
    %dma_wait3A_785 = arith.constant 128 : i32
    %dma_wait3A_786 = arith.constant 0 : i32
    %dma_wait3A_787 = tpu.memref_slice %arg6[%dma_wait3A_784, %dma_wait3A_785, %dma_wait3A_786] : memref<4x200x128xf32, #tpu.memory_space<vmem>> -> memref<1x72x128xf32, #tpu.memory_space<vmem>>
    %dma_wait3A_788 = tpu.memref_squeeze %dma_wait3A_787 : memref<1x72x128xf32, #tpu.memory_space<vmem>> -> memref<72x128xf32, #tpu.memory_space<vmem>>
    %dma_wait3A_789 = arith.constant 128 : i32
    %dma_wait3A_790 = tpu.memref_slice %arg5[%dma_wait3A_782, %dma_wait3A_783, %dma_wait3A_789] : memref<2x32x200xi32, #tpu.memory_space<vmem>> -> memref<1x1x72xi32, #tpu.memory_space<vmem>>
    %dma_wait3A_791 = tpu.memref_squeeze %dma_wait3A_790 : memref<1x1x72xi32, #tpu.memory_space<vmem>> -> memref<72xi32, #tpu.memory_space<vmem>>
    %dma_wait3A_792 = arith.constant 0 : i32
    %dma_wait3A_793 = arith.constant 0 : i32
    %dma_wait3A_794 = tpu.memref_slice %arg7[%dma_wait3A_792, %dma_wait3A_793] : memref<1000x128xf32, #tpu.memory_space<vmem_shared>> -> memref<1000x128xf32, #tpu.memory_space<vmem_shared>>
    tpu.wait_indirect_dma semaphore(%arg10 : memref<!tpu.dma_semaphore, #tpu.memory_space<semaphore_mem>>) src(%dma_wait3A_794 : memref<1000x128xf32, #tpu.memory_space<vmem_shared>>) dst(%dma_wait3A_788 : memref<72x128xf32, #tpu.memory_space<vmem>>)
    %add3A_795 = arith.constant 12000 : i32
    %add3A_796 = arith.addi %mul3A_2, %add3A_795 : i32
    %dma_start3A_797 = arith.constant 0 : i32
    %dma_start3A_798 = arith.constant 0 : i32
    %dma_start3A_799 = arith.constant 0 : i32
    %dma_start3A_800 = tpu.memref_slice %arg6[%dma_start3A_797, %dma_start3A_798, %dma_start3A_799] : memref<4x200x128xf32, #tpu.memory_space<vmem>> -> memref<1x200x128xf32, #tpu.memory_space<vmem>>
    %dma_start3A_801 = tpu.memref_squeeze %dma_start3A_800 : memref<1x200x128xf32, #tpu.memory_space<vmem>> -> memref<200x128xf32, #tpu.memory_space<vmem>>
    %dma_start3A_802 = arith.constant 0 : i32
    %dma_start3A_803 = tpu.memref_slice %arg4[%add3A_796, %dma_start3A_802] : memref<819200x128xf32, #tpu.memory_space<hbm>> -> memref<200x128xf32, #tpu.memory_space<hbm>>
    %dma_start3A_804 = arith.constant 0 : i32
    %dma_start3A_805 = tpu.memref_slice %arg4[%add3A_796, %dma_start3A_804] : memref<819200x128xf32, #tpu.memory_space<hbm>> -> memref<200x128xf32, #tpu.memory_space<hbm>>
    %dma_start3A_806 = arith.constant 0 : i32
    %dma_start3A_807 = arith.constant 0 : i32
    %dma_start3A_808 = tpu.memref_slice %arg6[%dma_start3A_797, %dma_start3A_806, %dma_start3A_807] : memref<4x200x128xf32, #tpu.memory_space<vmem>> -> memref<1x200x128xf32, #tpu.memory_space<vmem>>
    %dma_start3A_809 = tpu.memref_squeeze %dma_start3A_808 : memref<1x200x128xf32, #tpu.memory_space<vmem>> -> memref<200x128xf32, #tpu.memory_space<vmem>>
    tpu.enqueue_dma source(%dma_start3A_809 : memref<200x128xf32, #tpu.memory_space<vmem>>) target(%dma_start3A_805 : memref<200x128xf32, #tpu.memory_space<hbm>>) target_semaphore(%arg14 : memref<!tpu.dma_semaphore, #tpu.memory_space<semaphore_mem>>)
    %add3A_810 = arith.constant 11600 : i32
    %add3A_811 = arith.addi %mul3A_2, %add3A_810 : i32
    %dma_wait3A_812 = arith.constant 2 : i32
    %dma_wait3A_813 = arith.constant 0 : i32
    %dma_wait3A_814 = arith.constant 0 : i32
    %dma_wait3A_815 = tpu.memref_slice %arg6[%dma_wait3A_812, %dma_wait3A_813, %dma_wait3A_814] : memref<4x200x128xf32, #tpu.memory_space<vmem>> -> memref<1x200x128xf32, #tpu.memory_space<vmem>>
    %dma_wait3A_816 = tpu.memref_squeeze %dma_wait3A_815 : memref<1x200x128xf32, #tpu.memory_space<vmem>> -> memref<200x128xf32, #tpu.memory_space<vmem>>
    %dma_wait3A_817 = arith.constant 0 : i32
    %dma_wait3A_818 = tpu.memref_slice %arg4[%add3A_811, %dma_wait3A_817] : memref<819200x128xf32, #tpu.memory_space<hbm>> -> memref<200x128xf32, #tpu.memory_space<hbm>>
    %dma_wait3A_819 = arith.constant 0 : i32
    %dma_wait3A_820 = tpu.memref_slice %arg4[%add3A_811, %dma_wait3A_819] : memref<819200x128xf32, #tpu.memory_space<hbm>> -> memref<200x128xf32, #tpu.memory_space<hbm>>
    %dma_wait3A_821 = arith.constant 0 : i32
    %dma_wait3A_822 = arith.constant 0 : i32
    %dma_wait3A_823 = tpu.memref_slice %arg6[%dma_wait3A_812, %dma_wait3A_821, %dma_wait3A_822] : memref<4x200x128xf32, #tpu.memory_space<vmem>> -> memref<1x200x128xf32, #tpu.memory_space<vmem>>
    %dma_wait3A_824 = tpu.memref_squeeze %dma_wait3A_823 : memref<1x200x128xf32, #tpu.memory_space<vmem>> -> memref<200x128xf32, #tpu.memory_space<vmem>>
    tpu.wait_dma2 semaphore(%arg16 : memref<!tpu.dma_semaphore, #tpu.memory_space<semaphore_mem>>) src(%dma_wait3A_824 : memref<200x128xf32, #tpu.memory_space<vmem>>) dst(%dma_wait3A_820 : memref<200x128xf32, #tpu.memory_space<hbm>>)
    %dma_start3A_825 = arith.constant 1 : i32
    %dma_start3A_826 = arith.constant 30 : i32
    %dma_start3A_827 = arith.constant 2 : i32
    %dma_start3A_828 = arith.constant 0 : i32
    %dma_start3A_829 = arith.constant 0 : i32
    %dma_start3A_830 = tpu.memref_slice %arg6[%dma_start3A_827, %dma_start3A_828, %dma_start3A_829] : memref<4x200x128xf32, #tpu.memory_space<vmem>> -> memref<1x128x128xf32, #tpu.memory_space<vmem>>
    %dma_start3A_831 = tpu.memref_squeeze %dma_start3A_830 : memref<1x128x128xf32, #tpu.memory_space<vmem>> -> memref<128x128xf32, #tpu.memory_space<vmem>>
    %dma_start3A_832 = arith.constant 0 : i32
    %dma_start3A_833 = tpu.memref_slice %arg5[%dma_start3A_825, %dma_start3A_826, %dma_start3A_832] : memref<2x32x200xi32, #tpu.memory_space<vmem>> -> memref<1x1x128xi32, #tpu.memory_space<vmem>>
    %dma_start3A_834 = tpu.memref_squeeze %dma_start3A_833 : memref<1x1x128xi32, #tpu.memory_space<vmem>> -> memref<128xi32, #tpu.memory_space<vmem>>
    %dma_start3A_835 = arith.constant 0 : i32
    %dma_start3A_836 = arith.constant 0 : i32
    %dma_start3A_837 = tpu.memref_slice %arg7[%dma_start3A_835, %dma_start3A_836] : memref<1000x128xf32, #tpu.memory_space<vmem_shared>> -> memref<1000x128xf32, #tpu.memory_space<vmem_shared>>
    tpu.enqueue_indirect_dma source(%dma_start3A_837 : memref<1000x128xf32, #tpu.memory_space<vmem_shared>>) target(%dma_start3A_831 : memref<128x128xf32, #tpu.memory_space<vmem>>) offsets(%dma_start3A_834 : memref<128xi32, #tpu.memory_space<vmem>>) semaphore(%arg12 : memref<!tpu.dma_semaphore, #tpu.memory_space<semaphore_mem>>)
    %dma_start3A_838 = arith.constant 1 : i32
    %dma_start3A_839 = arith.constant 30 : i32
    %dma_start3A_840 = arith.constant 2 : i32
    %dma_start3A_841 = arith.constant 128 : i32
    %dma_start3A_842 = arith.constant 0 : i32
    %dma_start3A_843 = tpu.memref_slice %arg6[%dma_start3A_840, %dma_start3A_841, %dma_start3A_842] : memref<4x200x128xf32, #tpu.memory_space<vmem>> -> memref<1x72x128xf32, #tpu.memory_space<vmem>>
    %dma_start3A_844 = tpu.memref_squeeze %dma_start3A_843 : memref<1x72x128xf32, #tpu.memory_space<vmem>> -> memref<72x128xf32, #tpu.memory_space<vmem>>
    %dma_start3A_845 = arith.constant 128 : i32
    %dma_start3A_846 = tpu.memref_slice %arg5[%dma_start3A_838, %dma_start3A_839, %dma_start3A_845] : memref<2x32x200xi32, #tpu.memory_space<vmem>> -> memref<1x1x72xi32, #tpu.memory_space<vmem>>
    %dma_start3A_847 = tpu.memref_squeeze %dma_start3A_846 : memref<1x1x72xi32, #tpu.memory_space<vmem>> -> memref<72xi32, #tpu.memory_space<vmem>>
    %dma_start3A_848 = arith.constant 0 : i32
    %dma_start3A_849 = arith.constant 0 : i32
    %dma_start3A_850 = tpu.memref_slice %arg7[%dma_start3A_848, %dma_start3A_849] : memref<1000x128xf32, #tpu.memory_space<vmem_shared>> -> memref<1000x128xf32, #tpu.memory_space<vmem_shared>>
    tpu.enqueue_indirect_dma source(%dma_start3A_850 : memref<1000x128xf32, #tpu.memory_space<vmem_shared>>) target(%dma_start3A_844 : memref<72x128xf32, #tpu.memory_space<vmem>>) offsets(%dma_start3A_847 : memref<72xi32, #tpu.memory_space<vmem>>) semaphore(%arg12 : memref<!tpu.dma_semaphore, #tpu.memory_space<semaphore_mem>>)
    %dma_wait3A_851 = arith.constant 1 : i32
    %dma_wait3A_852 = arith.constant 29 : i32
    %dma_wait3A_853 = arith.constant 1 : i32
    %dma_wait3A_854 = arith.constant 0 : i32
    %dma_wait3A_855 = arith.constant 0 : i32
    %dma_wait3A_856 = tpu.memref_slice %arg6[%dma_wait3A_853, %dma_wait3A_854, %dma_wait3A_855] : memref<4x200x128xf32, #tpu.memory_space<vmem>> -> memref<1x128x128xf32, #tpu.memory_space<vmem>>
    %dma_wait3A_857 = tpu.memref_squeeze %dma_wait3A_856 : memref<1x128x128xf32, #tpu.memory_space<vmem>> -> memref<128x128xf32, #tpu.memory_space<vmem>>
    %dma_wait3A_858 = arith.constant 0 : i32
    %dma_wait3A_859 = tpu.memref_slice %arg5[%dma_wait3A_851, %dma_wait3A_852, %dma_wait3A_858] : memref<2x32x200xi32, #tpu.memory_space<vmem>> -> memref<1x1x128xi32, #tpu.memory_space<vmem>>
    %dma_wait3A_860 = tpu.memref_squeeze %dma_wait3A_859 : memref<1x1x128xi32, #tpu.memory_space<vmem>> -> memref<128xi32, #tpu.memory_space<vmem>>
    %dma_wait3A_861 = arith.constant 0 : i32
    %dma_wait3A_862 = arith.constant 0 : i32
    %dma_wait3A_863 = tpu.memref_slice %arg7[%dma_wait3A_861, %dma_wait3A_862] : memref<1000x128xf32, #tpu.memory_space<vmem_shared>> -> memref<1000x128xf32, #tpu.memory_space<vmem_shared>>
    tpu.wait_indirect_dma semaphore(%arg11 : memref<!tpu.dma_semaphore, #tpu.memory_space<semaphore_mem>>) src(%dma_wait3A_863 : memref<1000x128xf32, #tpu.memory_space<vmem_shared>>) dst(%dma_wait3A_857 : memref<128x128xf32, #tpu.memory_space<vmem>>)
    %dma_wait3A_864 = arith.constant 1 : i32
    %dma_wait3A_865 = arith.constant 29 : i32
    %dma_wait3A_866 = arith.constant 1 : i32
    %dma_wait3A_867 = arith.constant 128 : i32
    %dma_wait3A_868 = arith.constant 0 : i32
    %dma_wait3A_869 = tpu.memref_slice %arg6[%dma_wait3A_866, %dma_wait3A_867, %dma_wait3A_868] : memref<4x200x128xf32, #tpu.memory_space<vmem>> -> memref<1x72x128xf32, #tpu.memory_space<vmem>>
    %dma_wait3A_870 = tpu.memref_squeeze %dma_wait3A_869 : memref<1x72x128xf32, #tpu.memory_space<vmem>> -> memref<72x128xf32, #tpu.memory_space<vmem>>
    %dma_wait3A_871 = arith.constant 128 : i32
    %dma_wait3A_872 = tpu.memref_slice %arg5[%dma_wait3A_864, %dma_wait3A_865, %dma_wait3A_871] : memref<2x32x200xi32, #tpu.memory_space<vmem>> -> memref<1x1x72xi32, #tpu.memory_space<vmem>>
    %dma_wait3A_873 = tpu.memref_squeeze %dma_wait3A_872 : memref<1x1x72xi32, #tpu.memory_space<vmem>> -> memref<72xi32, #tpu.memory_space<vmem>>
    %dma_wait3A_874 = arith.constant 0 : i32
    %dma_wait3A_875 = arith.constant 0 : i32
    %dma_wait3A_876 = tpu.memref_slice %arg7[%dma_wait3A_874, %dma_wait3A_875] : memref<1000x128xf32, #tpu.memory_space<vmem_shared>> -> memref<1000x128xf32, #tpu.memory_space<vmem_shared>>
    tpu.wait_indirect_dma semaphore(%arg11 : memref<!tpu.dma_semaphore, #tpu.memory_space<semaphore_mem>>) src(%dma_wait3A_876 : memref<1000x128xf32, #tpu.memory_space<vmem_shared>>) dst(%dma_wait3A_870 : memref<72x128xf32, #tpu.memory_space<vmem>>)
    %add3A_877 = arith.constant 12200 : i32
    %add3A_878 = arith.addi %mul3A_2, %add3A_877 : i32
    %dma_start3A_879 = arith.constant 1 : i32
    %dma_start3A_880 = arith.constant 0 : i32
    %dma_start3A_881 = arith.constant 0 : i32
    %dma_start3A_882 = tpu.memref_slice %arg6[%dma_start3A_879, %dma_start3A_880, %dma_start3A_881] : memref<4x200x128xf32, #tpu.memory_space<vmem>> -> memref<1x200x128xf32, #tpu.memory_space<vmem>>
    %dma_start3A_883 = tpu.memref_squeeze %dma_start3A_882 : memref<1x200x128xf32, #tpu.memory_space<vmem>> -> memref<200x128xf32, #tpu.memory_space<vmem>>
    %dma_start3A_884 = arith.constant 0 : i32
    %dma_start3A_885 = tpu.memref_slice %arg4[%add3A_878, %dma_start3A_884] : memref<819200x128xf32, #tpu.memory_space<hbm>> -> memref<200x128xf32, #tpu.memory_space<hbm>>
    %dma_start3A_886 = arith.constant 0 : i32
    %dma_start3A_887 = tpu.memref_slice %arg4[%add3A_878, %dma_start3A_886] : memref<819200x128xf32, #tpu.memory_space<hbm>> -> memref<200x128xf32, #tpu.memory_space<hbm>>
    %dma_start3A_888 = arith.constant 0 : i32
    %dma_start3A_889 = arith.constant 0 : i32
    %dma_start3A_890 = tpu.memref_slice %arg6[%dma_start3A_879, %dma_start3A_888, %dma_start3A_889] : memref<4x200x128xf32, #tpu.memory_space<vmem>> -> memref<1x200x128xf32, #tpu.memory_space<vmem>>
    %dma_start3A_891 = tpu.memref_squeeze %dma_start3A_890 : memref<1x200x128xf32, #tpu.memory_space<vmem>> -> memref<200x128xf32, #tpu.memory_space<vmem>>
    tpu.enqueue_dma source(%dma_start3A_891 : memref<200x128xf32, #tpu.memory_space<vmem>>) target(%dma_start3A_887 : memref<200x128xf32, #tpu.memory_space<hbm>>) target_semaphore(%arg15 : memref<!tpu.dma_semaphore, #tpu.memory_space<semaphore_mem>>)
    %add3A_892 = arith.constant 11800 : i32
    %add3A_893 = arith.addi %mul3A_2, %add3A_892 : i32
    %dma_wait3A_894 = arith.constant 3 : i32
    %dma_wait3A_895 = arith.constant 0 : i32
    %dma_wait3A_896 = arith.constant 0 : i32
    %dma_wait3A_897 = tpu.memref_slice %arg6[%dma_wait3A_894, %dma_wait3A_895, %dma_wait3A_896] : memref<4x200x128xf32, #tpu.memory_space<vmem>> -> memref<1x200x128xf32, #tpu.memory_space<vmem>>
    %dma_wait3A_898 = tpu.memref_squeeze %dma_wait3A_897 : memref<1x200x128xf32, #tpu.memory_space<vmem>> -> memref<200x128xf32, #tpu.memory_space<vmem>>
    %dma_wait3A_899 = arith.constant 0 : i32
    %dma_wait3A_900 = tpu.memref_slice %arg4[%add3A_893, %dma_wait3A_899] : memref<819200x128xf32, #tpu.memory_space<hbm>> -> memref<200x128xf32, #tpu.memory_space<hbm>>
    %dma_wait3A_901 = arith.constant 0 : i32
    %dma_wait3A_902 = tpu.memref_slice %arg4[%add3A_893, %dma_wait3A_901] : memref<819200x128xf32, #tpu.memory_space<hbm>> -> memref<200x128xf32, #tpu.memory_space<hbm>>
    %dma_wait3A_903 = arith.constant 0 : i32
    %dma_wait3A_904 = arith.constant 0 : i32
    %dma_wait3A_905 = tpu.memref_slice %arg6[%dma_wait3A_894, %dma_wait3A_903, %dma_wait3A_904] : memref<4x200x128xf32, #tpu.memory_space<vmem>> -> memref<1x200x128xf32, #tpu.memory_space<vmem>>
    %dma_wait3A_906 = tpu.memref_squeeze %dma_wait3A_905 : memref<1x200x128xf32, #tpu.memory_space<vmem>> -> memref<200x128xf32, #tpu.memory_space<vmem>>
    tpu.wait_dma2 semaphore(%arg17 : memref<!tpu.dma_semaphore, #tpu.memory_space<semaphore_mem>>) src(%dma_wait3A_906 : memref<200x128xf32, #tpu.memory_space<vmem>>) dst(%dma_wait3A_902 : memref<200x128xf32, #tpu.memory_space<hbm>>)
    %dma_start3A_907 = arith.constant 1 : i32
    %dma_start3A_908 = arith.constant 31 : i32
    %dma_start3A_909 = arith.constant 3 : i32
    %dma_start3A_910 = arith.constant 0 : i32
    %dma_start3A_911 = arith.constant 0 : i32
    %dma_start3A_912 = tpu.memref_slice %arg6[%dma_start3A_909, %dma_start3A_910, %dma_start3A_911] : memref<4x200x128xf32, #tpu.memory_space<vmem>> -> memref<1x128x128xf32, #tpu.memory_space<vmem>>
    %dma_start3A_913 = tpu.memref_squeeze %dma_start3A_912 : memref<1x128x128xf32, #tpu.memory_space<vmem>> -> memref<128x128xf32, #tpu.memory_space<vmem>>
    %dma_start3A_914 = arith.constant 0 : i32
    %dma_start3A_915 = tpu.memref_slice %arg5[%dma_start3A_907, %dma_start3A_908, %dma_start3A_914] : memref<2x32x200xi32, #tpu.memory_space<vmem>> -> memref<1x1x128xi32, #tpu.memory_space<vmem>>
    %dma_start3A_916 = tpu.memref_squeeze %dma_start3A_915 : memref<1x1x128xi32, #tpu.memory_space<vmem>> -> memref<128xi32, #tpu.memory_space<vmem>>
    %dma_start3A_917 = arith.constant 0 : i32
    %dma_start3A_918 = arith.constant 0 : i32
    %dma_start3A_919 = tpu.memref_slice %arg7[%dma_start3A_917, %dma_start3A_918] : memref<1000x128xf32, #tpu.memory_space<vmem_shared>> -> memref<1000x128xf32, #tpu.memory_space<vmem_shared>>
    tpu.enqueue_indirect_dma source(%dma_start3A_919 : memref<1000x128xf32, #tpu.memory_space<vmem_shared>>) target(%dma_start3A_913 : memref<128x128xf32, #tpu.memory_space<vmem>>) offsets(%dma_start3A_916 : memref<128xi32, #tpu.memory_space<vmem>>) semaphore(%arg13 : memref<!tpu.dma_semaphore, #tpu.memory_space<semaphore_mem>>)
    %dma_start3A_920 = arith.constant 1 : i32
    %dma_start3A_921 = arith.constant 31 : i32
    %dma_start3A_922 = arith.constant 3 : i32
    %dma_start3A_923 = arith.constant 128 : i32
    %dma_start3A_924 = arith.constant 0 : i32
    %dma_start3A_925 = tpu.memref_slice %arg6[%dma_start3A_922, %dma_start3A_923, %dma_start3A_924] : memref<4x200x128xf32, #tpu.memory_space<vmem>> -> memref<1x72x128xf32, #tpu.memory_space<vmem>>
    %dma_start3A_926 = tpu.memref_squeeze %dma_start3A_925 : memref<1x72x128xf32, #tpu.memory_space<vmem>> -> memref<72x128xf32, #tpu.memory_space<vmem>>
    %dma_start3A_927 = arith.constant 128 : i32
    %dma_start3A_928 = tpu.memref_slice %arg5[%dma_start3A_920, %dma_start3A_921, %dma_start3A_927] : memref<2x32x200xi32, #tpu.memory_space<vmem>> -> memref<1x1x72xi32, #tpu.memory_space<vmem>>
    %dma_start3A_929 = tpu.memref_squeeze %dma_start3A_928 : memref<1x1x72xi32, #tpu.memory_space<vmem>> -> memref<72xi32, #tpu.memory_space<vmem>>
    %dma_start3A_930 = arith.constant 0 : i32
    %dma_start3A_931 = arith.constant 0 : i32
    %dma_start3A_932 = tpu.memref_slice %arg7[%dma_start3A_930, %dma_start3A_931] : memref<1000x128xf32, #tpu.memory_space<vmem_shared>> -> memref<1000x128xf32, #tpu.memory_space<vmem_shared>>
    tpu.enqueue_indirect_dma source(%dma_start3A_932 : memref<1000x128xf32, #tpu.memory_space<vmem_shared>>) target(%dma_start3A_926 : memref<72x128xf32, #tpu.memory_space<vmem>>) offsets(%dma_start3A_929 : memref<72xi32, #tpu.memory_space<vmem>>) semaphore(%arg13 : memref<!tpu.dma_semaphore, #tpu.memory_space<semaphore_mem>>)
    %add3A_933 = arith.constant 64 : i32
    %add3A_934 = arith.addi %mul3A_4, %add3A_933 : i32
    %dma_wait3A_935 = arith.constant 0 : i32
    %dma_wait3A_936 = arith.constant 0 : i32
    %dma_wait3A_937 = arith.constant 0 : i32
    %dma_wait3A_938 = tpu.memref_slice %arg5[%dma_wait3A_935, %dma_wait3A_936, %dma_wait3A_937] : memref<2x32x200xi32, #tpu.memory_space<vmem>> -> memref<1x32x200xi32, #tpu.memory_space<vmem>>
    %dma_wait3A_939 = tpu.memref_squeeze %dma_wait3A_938 : memref<1x32x200xi32, #tpu.memory_space<vmem>> -> memref<32x200xi32, #tpu.memory_space<vmem>>
    %dma_wait3A_940 = arith.constant 0 : i32
    %dma_wait3A_941 = tpu.memref_slice %arg2[%add3A_934, %dma_wait3A_940] : memref<4096x200xi32, #tpu.memory_space<hbm>> -> memref<32x200xi32, #tpu.memory_space<hbm>>
    %dma_wait3A_942 = arith.constant 0 : i32
    %dma_wait3A_943 = arith.constant 0 : i32
    %dma_wait3A_944 = tpu.memref_slice %arg5[%dma_wait3A_935, %dma_wait3A_942, %dma_wait3A_943] : memref<2x32x200xi32, #tpu.memory_space<vmem>> -> memref<1x32x200xi32, #tpu.memory_space<vmem>>
    %dma_wait3A_945 = tpu.memref_squeeze %dma_wait3A_944 : memref<1x32x200xi32, #tpu.memory_space<vmem>> -> memref<32x200xi32, #tpu.memory_space<vmem>>
    %dma_wait3A_946 = arith.constant 0 : i32
    %dma_wait3A_947 = tpu.memref_slice %arg2[%add3A_934, %dma_wait3A_946] : memref<4096x200xi32, #tpu.memory_space<hbm>> -> memref<32x200xi32, #tpu.memory_space<hbm>>
    tpu.wait_dma2 semaphore(%arg8 : memref<!tpu.dma_semaphore, #tpu.memory_space<semaphore_mem>>) src(%dma_wait3A_947 : memref<32x200xi32, #tpu.memory_space<hbm>>) dst(%dma_wait3A_945 : memref<32x200xi32, #tpu.memory_space<vmem>>)
    %dma_wait3A_948 = arith.constant 1 : i32
    %dma_wait3A_949 = arith.constant 30 : i32
    %dma_wait3A_950 = arith.constant 2 : i32
    %dma_wait3A_951 = arith.constant 0 : i32
    %dma_wait3A_952 = arith.constant 0 : i32
    %dma_wait3A_953 = tpu.memref_slice %arg6[%dma_wait3A_950, %dma_wait3A_951, %dma_wait3A_952] : memref<4x200x128xf32, #tpu.memory_space<vmem>> -> memref<1x128x128xf32, #tpu.memory_space<vmem>>
    %dma_wait3A_954 = tpu.memref_squeeze %dma_wait3A_953 : memref<1x128x128xf32, #tpu.memory_space<vmem>> -> memref<128x128xf32, #tpu.memory_space<vmem>>
    %dma_wait3A_955 = arith.constant 0 : i32
    %dma_wait3A_956 = tpu.memref_slice %arg5[%dma_wait3A_948, %dma_wait3A_949, %dma_wait3A_955] : memref<2x32x200xi32, #tpu.memory_space<vmem>> -> memref<1x1x128xi32, #tpu.memory_space<vmem>>
    %dma_wait3A_957 = tpu.memref_squeeze %dma_wait3A_956 : memref<1x1x128xi32, #tpu.memory_space<vmem>> -> memref<128xi32, #tpu.memory_space<vmem>>
    %dma_wait3A_958 = arith.constant 0 : i32
    %dma_wait3A_959 = arith.constant 0 : i32
    %dma_wait3A_960 = tpu.memref_slice %arg7[%dma_wait3A_958, %dma_wait3A_959] : memref<1000x128xf32, #tpu.memory_space<vmem_shared>> -> memref<1000x128xf32, #tpu.memory_space<vmem_shared>>
    tpu.wait_indirect_dma semaphore(%arg12 : memref<!tpu.dma_semaphore, #tpu.memory_space<semaphore_mem>>) src(%dma_wait3A_960 : memref<1000x128xf32, #tpu.memory_space<vmem_shared>>) dst(%dma_wait3A_954 : memref<128x128xf32, #tpu.memory_space<vmem>>)
    %dma_wait3A_961 = arith.constant 1 : i32
    %dma_wait3A_962 = arith.constant 30 : i32
    %dma_wait3A_963 = arith.constant 2 : i32
    %dma_wait3A_964 = arith.constant 128 : i32
    %dma_wait3A_965 = arith.constant 0 : i32
    %dma_wait3A_966 = tpu.memref_slice %arg6[%dma_wait3A_963, %dma_wait3A_964, %dma_wait3A_965] : memref<4x200x128xf32, #tpu.memory_space<vmem>> -> memref<1x72x128xf32, #tpu.memory_space<vmem>>
    %dma_wait3A_967 = tpu.memref_squeeze %dma_wait3A_966 : memref<1x72x128xf32, #tpu.memory_space<vmem>> -> memref<72x128xf32, #tpu.memory_space<vmem>>
    %dma_wait3A_968 = arith.constant 128 : i32
    %dma_wait3A_969 = tpu.memref_slice %arg5[%dma_wait3A_961, %dma_wait3A_962, %dma_wait3A_968] : memref<2x32x200xi32, #tpu.memory_space<vmem>> -> memref<1x1x72xi32, #tpu.memory_space<vmem>>
    %dma_wait3A_970 = tpu.memref_squeeze %dma_wait3A_969 : memref<1x1x72xi32, #tpu.memory_space<vmem>> -> memref<72xi32, #tpu.memory_space<vmem>>
    %dma_wait3A_971 = arith.constant 0 : i32
    %dma_wait3A_972 = arith.constant 0 : i32
    %dma_wait3A_973 = tpu.memref_slice %arg7[%dma_wait3A_971, %dma_wait3A_972] : memref<1000x128xf32, #tpu.memory_space<vmem_shared>> -> memref<1000x128xf32, #tpu.memory_space<vmem_shared>>
    tpu.wait_indirect_dma semaphore(%arg12 : memref<!tpu.dma_semaphore, #tpu.memory_space<semaphore_mem>>) src(%dma_wait3A_973 : memref<1000x128xf32, #tpu.memory_space<vmem_shared>>) dst(%dma_wait3A_967 : memref<72x128xf32, #tpu.memory_space<vmem>>)
    %add3A_974 = arith.constant 12400 : i32
    %add3A_975 = arith.addi %mul3A_2, %add3A_974 : i32
    %dma_start3A_976 = arith.constant 2 : i32
    %dma_start3A_977 = arith.constant 0 : i32
    %dma_start3A_978 = arith.constant 0 : i32
    %dma_start3A_979 = tpu.memref_slice %arg6[%dma_start3A_976, %dma_start3A_977, %dma_start3A_978] : memref<4x200x128xf32, #tpu.memory_space<vmem>> -> memref<1x200x128xf32, #tpu.memory_space<vmem>>
    %dma_start3A_980 = tpu.memref_squeeze %dma_start3A_979 : memref<1x200x128xf32, #tpu.memory_space<vmem>> -> memref<200x128xf32, #tpu.memory_space<vmem>>
    %dma_start3A_981 = arith.constant 0 : i32
    %dma_start3A_982 = tpu.memref_slice %arg4[%add3A_975, %dma_start3A_981] : memref<819200x128xf32, #tpu.memory_space<hbm>> -> memref<200x128xf32, #tpu.memory_space<hbm>>
    %dma_start3A_983 = arith.constant 0 : i32
    %dma_start3A_984 = tpu.memref_slice %arg4[%add3A_975, %dma_start3A_983] : memref<819200x128xf32, #tpu.memory_space<hbm>> -> memref<200x128xf32, #tpu.memory_space<hbm>>
    %dma_start3A_985 = arith.constant 0 : i32
    %dma_start3A_986 = arith.constant 0 : i32
    %dma_start3A_987 = tpu.memref_slice %arg6[%dma_start3A_976, %dma_start3A_985, %dma_start3A_986] : memref<4x200x128xf32, #tpu.memory_space<vmem>> -> memref<1x200x128xf32, #tpu.memory_space<vmem>>
    %dma_start3A_988 = tpu.memref_squeeze %dma_start3A_987 : memref<1x200x128xf32, #tpu.memory_space<vmem>> -> memref<200x128xf32, #tpu.memory_space<vmem>>
    tpu.enqueue_dma source(%dma_start3A_988 : memref<200x128xf32, #tpu.memory_space<vmem>>) target(%dma_start3A_984 : memref<200x128xf32, #tpu.memory_space<hbm>>) target_semaphore(%arg16 : memref<!tpu.dma_semaphore, #tpu.memory_space<semaphore_mem>>)
    %add3A_989 = arith.constant 12000 : i32
    %add3A_990 = arith.addi %mul3A_2, %add3A_989 : i32
    %dma_wait3A_991 = arith.constant 0 : i32
    %dma_wait3A_992 = arith.constant 0 : i32
    %dma_wait3A_993 = arith.constant 0 : i32
    %dma_wait3A_994 = tpu.memref_slice %arg6[%dma_wait3A_991, %dma_wait3A_992, %dma_wait3A_993] : memref<4x200x128xf32, #tpu.memory_space<vmem>> -> memref<1x200x128xf32, #tpu.memory_space<vmem>>
    %dma_wait3A_995 = tpu.memref_squeeze %dma_wait3A_994 : memref<1x200x128xf32, #tpu.memory_space<vmem>> -> memref<200x128xf32, #tpu.memory_space<vmem>>
    %dma_wait3A_996 = arith.constant 0 : i32
    %dma_wait3A_997 = tpu.memref_slice %arg4[%add3A_990, %dma_wait3A_996] : memref<819200x128xf32, #tpu.memory_space<hbm>> -> memref<200x128xf32, #tpu.memory_space<hbm>>
    %dma_wait3A_998 = arith.constant 0 : i32
    %dma_wait3A_999 = tpu.memref_slice %arg4[%add3A_990, %dma_wait3A_998] : memref<819200x128xf32, #tpu.memory_space<hbm>> -> memref<200x128xf32, #tpu.memory_space<hbm>>
    %dma_wait3A_1000 = arith.constant 0 : i32
    %dma_wait3A_1001 = arith.constant 0 : i32
    %dma_wait3A_1002 = tpu.memref_slice %arg6[%dma_wait3A_991, %dma_wait3A_1000, %dma_wait3A_1001] : memref<4x200x128xf32, #tpu.memory_space<vmem>> -> memref<1x200x128xf32, #tpu.memory_space<vmem>>
    %dma_wait3A_1003 = tpu.memref_squeeze %dma_wait3A_1002 : memref<1x200x128xf32, #tpu.memory_space<vmem>> -> memref<200x128xf32, #tpu.memory_space<vmem>>
    tpu.wait_dma2 semaphore(%arg14 : memref<!tpu.dma_semaphore, #tpu.memory_space<semaphore_mem>>) src(%dma_wait3A_1003 : memref<200x128xf32, #tpu.memory_space<vmem>>) dst(%dma_wait3A_999 : memref<200x128xf32, #tpu.memory_space<hbm>>)
    %dma_start3A_1004 = arith.constant 0 : i32
    %dma_start3A_1005 = arith.constant 0 : i32
    %dma_start3A_1006 = arith.constant 0 : i32
    %dma_start3A_1007 = arith.constant 0 : i32
    %dma_start3A_1008 = arith.constant 0 : i32
    %dma_start3A_1009 = tpu.memref_slice %arg6[%dma_start3A_1006, %dma_start3A_1007, %dma_start3A_1008] : memref<4x200x128xf32, #tpu.memory_space<vmem>> -> memref<1x128x128xf32, #tpu.memory_space<vmem>>
    %dma_start3A_1010 = tpu.memref_squeeze %dma_start3A_1009 : memref<1x128x128xf32, #tpu.memory_space<vmem>> -> memref<128x128xf32, #tpu.memory_space<vmem>>
    %dma_start3A_1011 = arith.constant 0 : i32
    %dma_start3A_1012 = tpu.memref_slice %arg5[%dma_start3A_1004, %dma_start3A_1005, %dma_start3A_1011] : memref<2x32x200xi32, #tpu.memory_space<vmem>> -> memref<1x1x128xi32, #tpu.memory_space<vmem>>
    %dma_start3A_1013 = tpu.memref_squeeze %dma_start3A_1012 : memref<1x1x128xi32, #tpu.memory_space<vmem>> -> memref<128xi32, #tpu.memory_space<vmem>>
    %dma_start3A_1014 = arith.constant 0 : i32
    %dma_start3A_1015 = arith.constant 0 : i32
    %dma_start3A_1016 = tpu.memref_slice %arg7[%dma_start3A_1014, %dma_start3A_1015] : memref<1000x128xf32, #tpu.memory_space<vmem_shared>> -> memref<1000x128xf32, #tpu.memory_space<vmem_shared>>
    tpu.enqueue_indirect_dma source(%dma_start3A_1016 : memref<1000x128xf32, #tpu.memory_space<vmem_shared>>) target(%dma_start3A_1010 : memref<128x128xf32, #tpu.memory_space<vmem>>) offsets(%dma_start3A_1013 : memref<128xi32, #tpu.memory_space<vmem>>) semaphore(%arg10 : memref<!tpu.dma_semaphore, #tpu.memory_space<semaphore_mem>>)
    %dma_start3A_1017 = arith.constant 0 : i32
    %dma_start3A_1018 = arith.constant 0 : i32
    %dma_start3A_1019 = arith.constant 0 : i32
    %dma_start3A_1020 = arith.constant 128 : i32
    %dma_start3A_1021 = arith.constant 0 : i32
    %dma_start3A_1022 = tpu.memref_slice %arg6[%dma_start3A_1019, %dma_start3A_1020, %dma_start3A_1021] : memref<4x200x128xf32, #tpu.memory_space<vmem>> -> memref<1x72x128xf32, #tpu.memory_space<vmem>>
    %dma_start3A_1023 = tpu.memref_squeeze %dma_start3A_1022 : memref<1x72x128xf32, #tpu.memory_space<vmem>> -> memref<72x128xf32, #tpu.memory_space<vmem>>
    %dma_start3A_1024 = arith.constant 128 : i32
    %dma_start3A_1025 = tpu.memref_slice %arg5[%dma_start3A_1017, %dma_start3A_1018, %dma_start3A_1024] : memref<2x32x200xi32, #tpu.memory_space<vmem>> -> memref<1x1x72xi32, #tpu.memory_space<vmem>>
    %dma_start3A_1026 = tpu.memref_squeeze %dma_start3A_1025 : memref<1x1x72xi32, #tpu.memory_space<vmem>> -> memref<72xi32, #tpu.memory_space<vmem>>
    %dma_start3A_1027 = arith.constant 0 : i32
    %dma_start3A_1028 = arith.constant 0 : i32
    %dma_start3A_1029 = tpu.memref_slice %arg7[%dma_start3A_1027, %dma_start3A_1028] : memref<1000x128xf32, #tpu.memory_space<vmem_shared>> -> memref<1000x128xf32, #tpu.memory_space<vmem_shared>>
    tpu.enqueue_indirect_dma source(%dma_start3A_1029 : memref<1000x128xf32, #tpu.memory_space<vmem_shared>>) target(%dma_start3A_1023 : memref<72x128xf32, #tpu.memory_space<vmem>>) offsets(%dma_start3A_1026 : memref<72xi32, #tpu.memory_space<vmem>>) semaphore(%arg10 : memref<!tpu.dma_semaphore, #tpu.memory_space<semaphore_mem>>)
    %dma_wait3A_1030 = arith.constant 1 : i32
    %dma_wait3A_1031 = arith.constant 31 : i32
    %dma_wait3A_1032 = arith.constant 3 : i32
    %dma_wait3A_1033 = arith.constant 0 : i32
    %dma_wait3A_1034 = arith.constant 0 : i32
    %dma_wait3A_1035 = tpu.memref_slice %arg6[%dma_wait3A_1032, %dma_wait3A_1033, %dma_wait3A_1034] : memref<4x200x128xf32, #tpu.memory_space<vmem>> -> memref<1x128x128xf32, #tpu.memory_space<vmem>>
    %dma_wait3A_1036 = tpu.memref_squeeze %dma_wait3A_1035 : memref<1x128x128xf32, #tpu.memory_space<vmem>> -> memref<128x128xf32, #tpu.memory_space<vmem>>
    %dma_wait3A_1037 = arith.constant 0 : i32
    %dma_wait3A_1038 = tpu.memref_slice %arg5[%dma_wait3A_1030, %dma_wait3A_1031, %dma_wait3A_1037] : memref<2x32x200xi32, #tpu.memory_space<vmem>> -> memref<1x1x128xi32, #tpu.memory_space<vmem>>
    %dma_wait3A_1039 = tpu.memref_squeeze %dma_wait3A_1038 : memref<1x1x128xi32, #tpu.memory_space<vmem>> -> memref<128xi32, #tpu.memory_space<vmem>>
    %dma_wait3A_1040 = arith.constant 0 : i32
    %dma_wait3A_1041 = arith.constant 0 : i32
    %dma_wait3A_1042 = tpu.memref_slice %arg7[%dma_wait3A_1040, %dma_wait3A_1041] : memref<1000x128xf32, #tpu.memory_space<vmem_shared>> -> memref<1000x128xf32, #tpu.memory_space<vmem_shared>>
    tpu.wait_indirect_dma semaphore(%arg13 : memref<!tpu.dma_semaphore, #tpu.memory_space<semaphore_mem>>) src(%dma_wait3A_1042 : memref<1000x128xf32, #tpu.memory_space<vmem_shared>>) dst(%dma_wait3A_1036 : memref<128x128xf32, #tpu.memory_space<vmem>>)
    %dma_wait3A_1043 = arith.constant 1 : i32
    %dma_wait3A_1044 = arith.constant 31 : i32
    %dma_wait3A_1045 = arith.constant 3 : i32
    %dma_wait3A_1046 = arith.constant 128 : i32
    %dma_wait3A_1047 = arith.constant 0 : i32
    %dma_wait3A_1048 = tpu.memref_slice %arg6[%dma_wait3A_1045, %dma_wait3A_1046, %dma_wait3A_1047] : memref<4x200x128xf32, #tpu.memory_space<vmem>> -> memref<1x72x128xf32, #tpu.memory_space<vmem>>
    %dma_wait3A_1049 = tpu.memref_squeeze %dma_wait3A_1048 : memref<1x72x128xf32, #tpu.memory_space<vmem>> -> memref<72x128xf32, #tpu.memory_space<vmem>>
    %dma_wait3A_1050 = arith.constant 128 : i32
    %dma_wait3A_1051 = tpu.memref_slice %arg5[%dma_wait3A_1043, %dma_wait3A_1044, %dma_wait3A_1050] : memref<2x32x200xi32, #tpu.memory_space<vmem>> -> memref<1x1x72xi32, #tpu.memory_space<vmem>>
    %dma_wait3A_1052 = tpu.memref_squeeze %dma_wait3A_1051 : memref<1x1x72xi32, #tpu.memory_space<vmem>> -> memref<72xi32, #tpu.memory_space<vmem>>
    %dma_wait3A_1053 = arith.constant 0 : i32
    %dma_wait3A_1054 = arith.constant 0 : i32
    %dma_wait3A_1055 = tpu.memref_slice %arg7[%dma_wait3A_1053, %dma_wait3A_1054] : memref<1000x128xf32, #tpu.memory_space<vmem_shared>> -> memref<1000x128xf32, #tpu.memory_space<vmem_shared>>
    tpu.wait_indirect_dma semaphore(%arg13 : memref<!tpu.dma_semaphore, #tpu.memory_space<semaphore_mem>>) src(%dma_wait3A_1055 : memref<1000x128xf32, #tpu.memory_space<vmem_shared>>) dst(%dma_wait3A_1049 : memref<72x128xf32, #tpu.memory_space<vmem>>)
    %add3A_1056 = arith.constant 12600 : i32
    %add3A_1057 = arith.addi %mul3A_2, %add3A_1056 : i32
    %dma_start3A_1058 = arith.constant 3 : i32
    %dma_start3A_1059 = arith.constant 0 : i32
    %dma_start3A_1060 = arith.constant 0 : i32
    %dma_start3A_1061 = tpu.memref_slice %arg6[%dma_start3A_1058, %dma_start3A_1059, %dma_start3A_1060] : memref<4x200x128xf32, #tpu.memory_space<vmem>> -> memref<1x200x128xf32, #tpu.memory_space<vmem>>
    %dma_start3A_1062 = tpu.memref_squeeze %dma_start3A_1061 : memref<1x200x128xf32, #tpu.memory_space<vmem>> -> memref<200x128xf32, #tpu.memory_space<vmem>>
    %dma_start3A_1063 = arith.constant 0 : i32
    %dma_start3A_1064 = tpu.memref_slice %arg4[%add3A_1057, %dma_start3A_1063] : memref<819200x128xf32, #tpu.memory_space<hbm>> -> memref<200x128xf32, #tpu.memory_space<hbm>>
    %dma_start3A_1065 = arith.constant 0 : i32
    %dma_start3A_1066 = tpu.memref_slice %arg4[%add3A_1057, %dma_start3A_1065] : memref<819200x128xf32, #tpu.memory_space<hbm>> -> memref<200x128xf32, #tpu.memory_space<hbm>>
    %dma_start3A_1067 = arith.constant 0 : i32
    %dma_start3A_1068 = arith.constant 0 : i32
    %dma_start3A_1069 = tpu.memref_slice %arg6[%dma_start3A_1058, %dma_start3A_1067, %dma_start3A_1068] : memref<4x200x128xf32, #tpu.memory_space<vmem>> -> memref<1x200x128xf32, #tpu.memory_space<vmem>>
    %dma_start3A_1070 = tpu.memref_squeeze %dma_start3A_1069 : memref<1x200x128xf32, #tpu.memory_space<vmem>> -> memref<200x128xf32, #tpu.memory_space<vmem>>
    tpu.enqueue_dma source(%dma_start3A_1070 : memref<200x128xf32, #tpu.memory_space<vmem>>) target(%dma_start3A_1066 : memref<200x128xf32, #tpu.memory_space<hbm>>) target_semaphore(%arg17 : memref<!tpu.dma_semaphore, #tpu.memory_space<semaphore_mem>>)
    %add3A_1071 = arith.constant 12200 : i32
    %add3A_1072 = arith.addi %mul3A_2, %add3A_1071 : i32
    %dma_wait3A_1073 = arith.constant 1 : i32
    %dma_wait3A_1074 = arith.constant 0 : i32
    %dma_wait3A_1075 = arith.constant 0 : i32
    %dma_wait3A_1076 = tpu.memref_slice %arg6[%dma_wait3A_1073, %dma_wait3A_1074, %dma_wait3A_1075] : memref<4x200x128xf32, #tpu.memory_space<vmem>> -> memref<1x200x128xf32, #tpu.memory_space<vmem>>
    %dma_wait3A_1077 = tpu.memref_squeeze %dma_wait3A_1076 : memref<1x200x128xf32, #tpu.memory_space<vmem>> -> memref<200x128xf32, #tpu.memory_space<vmem>>
    %dma_wait3A_1078 = arith.constant 0 : i32
    %dma_wait3A_1079 = tpu.memref_slice %arg4[%add3A_1072, %dma_wait3A_1078] : memref<819200x128xf32, #tpu.memory_space<hbm>> -> memref<200x128xf32, #tpu.memory_space<hbm>>
    %dma_wait3A_1080 = arith.constant 0 : i32
    %dma_wait3A_1081 = tpu.memref_slice %arg4[%add3A_1072, %dma_wait3A_1080] : memref<819200x128xf32, #tpu.memory_space<hbm>> -> memref<200x128xf32, #tpu.memory_space<hbm>>
    %dma_wait3A_1082 = arith.constant 0 : i32
    %dma_wait3A_1083 = arith.constant 0 : i32
    %dma_wait3A_1084 = tpu.memref_slice %arg6[%dma_wait3A_1073, %dma_wait3A_1082, %dma_wait3A_1083] : memref<4x200x128xf32, #tpu.memory_space<vmem>> -> memref<1x200x128xf32, #tpu.memory_space<vmem>>
    %dma_wait3A_1085 = tpu.memref_squeeze %dma_wait3A_1084 : memref<1x200x128xf32, #tpu.memory_space<vmem>> -> memref<200x128xf32, #tpu.memory_space<vmem>>
    tpu.wait_dma2 semaphore(%arg15 : memref<!tpu.dma_semaphore, #tpu.memory_space<semaphore_mem>>) src(%dma_wait3A_1085 : memref<200x128xf32, #tpu.memory_space<vmem>>) dst(%dma_wait3A_1081 : memref<200x128xf32, #tpu.memory_space<hbm>>)
    %dma_start3A_1086 = arith.constant 0 : i32
    %dma_start3A_1087 = arith.constant 1 : i32
    %dma_start3A_1088 = arith.constant 1 : i32
    %dma_start3A_1089 = arith.constant 0 : i32
    %dma_start3A_1090 = arith.constant 0 : i32
    %dma_start3A_1091 = tpu.memref_slice %arg6[%dma_start3A_1088, %dma_start3A_1089, %dma_start3A_1090] : memref<4x200x128xf32, #tpu.memory_space<vmem>> -> memref<1x128x128xf32, #tpu.memory_space<vmem>>
    %dma_start3A_1092 = tpu.memref_squeeze %dma_start3A_1091 : memref<1x128x128xf32, #tpu.memory_space<vmem>> -> memref<128x128xf32, #tpu.memory_space<vmem>>
    %dma_start3A_1093 = arith.constant 0 : i32
    %dma_start3A_1094 = tpu.memref_slice %arg5[%dma_start3A_1086, %dma_start3A_1087, %dma_start3A_1093] : memref<2x32x200xi32, #tpu.memory_space<vmem>> -> memref<1x1x128xi32, #tpu.memory_space<vmem>>
    %dma_start3A_1095 = tpu.memref_squeeze %dma_start3A_1094 : memref<1x1x128xi32, #tpu.memory_space<vmem>> -> memref<128xi32, #tpu.memory_space<vmem>>
    %dma_start3A_1096 = arith.constant 0 : i32
    %dma_start3A_1097 = arith.constant 0 : i32
    %dma_start3A_1098 = tpu.memref_slice %arg7[%dma_start3A_1096, %dma_start3A_1097] : memref<1000x128xf32, #tpu.memory_space<vmem_shared>> -> memref<1000x128xf32, #tpu.memory_space<vmem_shared>>
    tpu.enqueue_indirect_dma source(%dma_start3A_1098 : memref<1000x128xf32, #tpu.memory_space<vmem_shared>>) target(%dma_start3A_1092 : memref<128x128xf32, #tpu.memory_space<vmem>>) offsets(%dma_start3A_1095 : memref<128xi32, #tpu.memory_space<vmem>>) semaphore(%arg11 : memref<!tpu.dma_semaphore, #tpu.memory_space<semaphore_mem>>)
    %dma_start3A_1099 = arith.constant 0 : i32
    %dma_start3A_1100 = arith.constant 1 : i32
    %dma_start3A_1101 = arith.constant 1 : i32
    %dma_start3A_1102 = arith.constant 128 : i32
    %dma_start3A_1103 = arith.constant 0 : i32
    %dma_start3A_1104 = tpu.memref_slice %arg6[%dma_start3A_1101, %dma_start3A_1102, %dma_start3A_1103] : memref<4x200x128xf32, #tpu.memory_space<vmem>> -> memref<1x72x128xf32, #tpu.memory_space<vmem>>
    %dma_start3A_1105 = tpu.memref_squeeze %dma_start3A_1104 : memref<1x72x128xf32, #tpu.memory_space<vmem>> -> memref<72x128xf32, #tpu.memory_space<vmem>>
    %dma_start3A_1106 = arith.constant 128 : i32
    %dma_start3A_1107 = tpu.memref_slice %arg5[%dma_start3A_1099, %dma_start3A_1100, %dma_start3A_1106] : memref<2x32x200xi32, #tpu.memory_space<vmem>> -> memref<1x1x72xi32, #tpu.memory_space<vmem>>
    %dma_start3A_1108 = tpu.memref_squeeze %dma_start3A_1107 : memref<1x1x72xi32, #tpu.memory_space<vmem>> -> memref<72xi32, #tpu.memory_space<vmem>>
    %dma_start3A_1109 = arith.constant 0 : i32
    %dma_start3A_1110 = arith.constant 0 : i32
    %dma_start3A_1111 = tpu.memref_slice %arg7[%dma_start3A_1109, %dma_start3A_1110] : memref<1000x128xf32, #tpu.memory_space<vmem_shared>> -> memref<1000x128xf32, #tpu.memory_space<vmem_shared>>
    tpu.enqueue_indirect_dma source(%dma_start3A_1111 : memref<1000x128xf32, #tpu.memory_space<vmem_shared>>) target(%dma_start3A_1105 : memref<72x128xf32, #tpu.memory_space<vmem>>) offsets(%dma_start3A_1108 : memref<72xi32, #tpu.memory_space<vmem>>) semaphore(%arg11 : memref<!tpu.dma_semaphore, #tpu.memory_space<semaphore_mem>>)
    %add3A_1112 = arith.constant 96 : i32
    %add3A_1113 = arith.addi %mul3A_4, %add3A_1112 : i32
    %dma_start3A_1114 = arith.constant 1 : i32
    %dma_start3A_1115 = arith.constant 0 : i32
    %dma_start3A_1116 = arith.constant 0 : i32
    %dma_start3A_1117 = tpu.memref_slice %arg5[%dma_start3A_1114, %dma_start3A_1115, %dma_start3A_1116] : memref<2x32x200xi32, #tpu.memory_space<vmem>> -> memref<1x32x200xi32, #tpu.memory_space<vmem>>
    %dma_start3A_1118 = tpu.memref_squeeze %dma_start3A_1117 : memref<1x32x200xi32, #tpu.memory_space<vmem>> -> memref<32x200xi32, #tpu.memory_space<vmem>>
    %dma_start3A_1119 = arith.constant 0 : i32
    %dma_start3A_1120 = tpu.memref_slice %arg2[%add3A_1113, %dma_start3A_1119] : memref<4096x200xi32, #tpu.memory_space<hbm>> -> memref<32x200xi32, #tpu.memory_space<hbm>>
    %dma_start3A_1121 = arith.constant 0 : i32
    %dma_start3A_1122 = arith.constant 0 : i32
    %dma_start3A_1123 = tpu.memref_slice %arg5[%dma_start3A_1114, %dma_start3A_1121, %dma_start3A_1122] : memref<2x32x200xi32, #tpu.memory_space<vmem>> -> memref<1x32x200xi32, #tpu.memory_space<vmem>>
    %dma_start3A_1124 = tpu.memref_squeeze %dma_start3A_1123 : memref<1x32x200xi32, #tpu.memory_space<vmem>> -> memref<32x200xi32, #tpu.memory_space<vmem>>
    %dma_start3A_1125 = arith.constant 0 : i32
    %dma_start3A_1126 = tpu.memref_slice %arg2[%add3A_1113, %dma_start3A_1125] : memref<4096x200xi32, #tpu.memory_space<hbm>> -> memref<32x200xi32, #tpu.memory_space<hbm>>
    tpu.enqueue_dma source(%dma_start3A_1126 : memref<32x200xi32, #tpu.memory_space<hbm>>) target(%dma_start3A_1124 : memref<32x200xi32, #tpu.memory_space<vmem>>) target_semaphore(%arg9 : memref<!tpu.dma_semaphore, #tpu.memory_space<semaphore_mem>>)
    %scan3A_1127 = arith.constant 0 : i32
    %scan3A_1128 = arith.constant 0 : i32
    %scan3A_1129 = arith.constant 7 : i32
    %scan3A_1130 = arith.addi %scan3A_1128, %scan3A_1129 : i32
    %scan3A_1131 = arith.constant 1 : i32
    scf.for %scan3A_1788 = %scan3A_1128 to %scan3A_1130 step %scan3A_1131  : i32 {
      %mul3A_1789 = arith.constant 4 : i32
      %mul3A_1790 = arith.muli %scan3A_1788, %mul3A_1789 : i32
      %add3A_1791 = arith.constant 0 : i32
      %add3A_1792 = arith.addi %mul3A_1790, %add3A_1791 : i32
      %add3A_1793 = arith.constant 0 : i32
      %add3A_1794 = arith.addi %mul3A_1790, %add3A_1793 : i32
      %add3A_1795 = arith.constant 2 : i32
      %add3A_1796 = arith.addi %add3A_1794, %add3A_1795 : i32
      %add3A_1797 = arith.constant 64 : i32
      %add3A_1798 = arith.addi %add3A_1797, %add3A_1792 : i32
      %dma_wait3A_1799 = arith.constant 0 : i32
      %dma_wait3A_1800 = arith.constant 0 : i32
      %dma_wait3A_1801 = arith.constant 0 : i32
      %dma_wait3A_1802 = arith.constant 0 : i32
      %dma_wait3A_1803 = tpu.memref_slice %arg6[%dma_wait3A_1800, %dma_wait3A_1801, %dma_wait3A_1802] : memref<4x200x128xf32, #tpu.memory_space<vmem>> -> memref<1x128x128xf32, #tpu.memory_space<vmem>>
      %dma_wait3A_1804 = tpu.memref_squeeze %dma_wait3A_1803 : memref<1x128x128xf32, #tpu.memory_space<vmem>> -> memref<128x128xf32, #tpu.memory_space<vmem>>
      %dma_wait3A_1805 = arith.constant 0 : i32
      %dma_wait3A_1806 = tpu.memref_slice %arg5[%dma_wait3A_1799, %add3A_1792, %dma_wait3A_1805] : memref<2x32x200xi32, #tpu.memory_space<vmem>> -> memref<1x1x128xi32, #tpu.memory_space<vmem>>
      %dma_wait3A_1807 = tpu.memref_squeeze %dma_wait3A_1806 : memref<1x1x128xi32, #tpu.memory_space<vmem>> -> memref<128xi32, #tpu.memory_space<vmem>>
      %dma_wait3A_1808 = arith.constant 0 : i32
      %dma_wait3A_1809 = arith.constant 0 : i32
      %dma_wait3A_1810 = tpu.memref_slice %arg7[%dma_wait3A_1808, %dma_wait3A_1809] : memref<1000x128xf32, #tpu.memory_space<vmem_shared>> -> memref<1000x128xf32, #tpu.memory_space<vmem_shared>>
      tpu.wait_indirect_dma semaphore(%arg10 : memref<!tpu.dma_semaphore, #tpu.memory_space<semaphore_mem>>) src(%dma_wait3A_1810 : memref<1000x128xf32, #tpu.memory_space<vmem_shared>>) dst(%dma_wait3A_1804 : memref<128x128xf32, #tpu.memory_space<vmem>>)
      %dma_wait3A_1811 = arith.constant 0 : i32
      %dma_wait3A_1812 = arith.constant 0 : i32
      %dma_wait3A_1813 = arith.constant 128 : i32
      %dma_wait3A_1814 = arith.constant 0 : i32
      %dma_wait3A_1815 = tpu.memref_slice %arg6[%dma_wait3A_1812, %dma_wait3A_1813, %dma_wait3A_1814] : memref<4x200x128xf32, #tpu.memory_space<vmem>> -> memref<1x72x128xf32, #tpu.memory_space<vmem>>
      %dma_wait3A_1816 = tpu.memref_squeeze %dma_wait3A_1815 : memref<1x72x128xf32, #tpu.memory_space<vmem>> -> memref<72x128xf32, #tpu.memory_space<vmem>>
      %dma_wait3A_1817 = arith.constant 128 : i32
      %dma_wait3A_1818 = tpu.memref_slice %arg5[%dma_wait3A_1811, %add3A_1792, %dma_wait3A_1817] : memref<2x32x200xi32, #tpu.memory_space<vmem>> -> memref<1x1x72xi32, #tpu.memory_space<vmem>>
      %dma_wait3A_1819 = tpu.memref_squeeze %dma_wait3A_1818 : memref<1x1x72xi32, #tpu.memory_space<vmem>> -> memref<72xi32, #tpu.memory_space<vmem>>
      %dma_wait3A_1820 = arith.constant 0 : i32
      %dma_wait3A_1821 = arith.constant 0 : i32
      %dma_wait3A_1822 = tpu.memref_slice %arg7[%dma_wait3A_1820, %dma_wait3A_1821] : memref<1000x128xf32, #tpu.memory_space<vmem_shared>> -> memref<1000x128xf32, #tpu.memory_space<vmem_shared>>
      tpu.wait_indirect_dma semaphore(%arg10 : memref<!tpu.dma_semaphore, #tpu.memory_space<semaphore_mem>>) src(%dma_wait3A_1822 : memref<1000x128xf32, #tpu.memory_space<vmem_shared>>) dst(%dma_wait3A_1816 : memref<72x128xf32, #tpu.memory_space<vmem>>)
      %mul3A_1823 = arith.constant 200 : i32
      %mul3A_1824 = arith.muli %add3A_1798, %mul3A_1823 : i32
      %add3A_1825 = arith.addi %mul3A_2, %mul3A_1824 : i32
      %dma_start3A_1826 = arith.constant 0 : i32
      %dma_start3A_1827 = arith.constant 0 : i32
      %dma_start3A_1828 = arith.constant 0 : i32
      %dma_start3A_1829 = tpu.memref_slice %arg6[%dma_start3A_1826, %dma_start3A_1827, %dma_start3A_1828] : memref<4x200x128xf32, #tpu.memory_space<vmem>> -> memref<1x200x128xf32, #tpu.memory_space<vmem>>
      %dma_start3A_1830 = tpu.memref_squeeze %dma_start3A_1829 : memref<1x200x128xf32, #tpu.memory_space<vmem>> -> memref<200x128xf32, #tpu.memory_space<vmem>>
      %dma_start3A_1831 = arith.constant 0 : i32
      %dma_start3A_1832 = tpu.memref_slice %arg4[%add3A_1825, %dma_start3A_1831] : memref<819200x128xf32, #tpu.memory_space<hbm>> -> memref<200x128xf32, #tpu.memory_space<hbm>>
      %dma_start3A_1833 = arith.constant 0 : i32
      %dma_start3A_1834 = tpu.memref_slice %arg4[%add3A_1825, %dma_start3A_1833] : memref<819200x128xf32, #tpu.memory_space<hbm>> -> memref<200x128xf32, #tpu.memory_space<hbm>>
      %dma_start3A_1835 = arith.constant 0 : i32
      %dma_start3A_1836 = arith.constant 0 : i32
      %dma_start3A_1837 = tpu.memref_slice %arg6[%dma_start3A_1826, %dma_start3A_1835, %dma_start3A_1836] : memref<4x200x128xf32, #tpu.memory_space<vmem>> -> memref<1x200x128xf32, #tpu.memory_space<vmem>>
      %dma_start3A_1838 = tpu.memref_squeeze %dma_start3A_1837 : memref<1x200x128xf32, #tpu.memory_space<vmem>> -> memref<200x128xf32, #tpu.memory_space<vmem>>
      tpu.enqueue_dma source(%dma_start3A_1838 : memref<200x128xf32, #tpu.memory_space<vmem>>) target(%dma_start3A_1834 : memref<200x128xf32, #tpu.memory_space<hbm>>) target_semaphore(%arg14 : memref<!tpu.dma_semaphore, #tpu.memory_space<semaphore_mem>>)
      %sub3A = arith.constant 2 : i32
      %sub3A_1839 = arith.subi %add3A_1798, %sub3A : i32
      %mul3A_1840 = arith.constant 200 : i32
      %mul3A_1841 = arith.muli %sub3A_1839, %mul3A_1840 : i32
      %add3A_1842 = arith.addi %mul3A_2, %mul3A_1841 : i32
      %dma_wait3A_1843 = arith.constant 2 : i32
      %dma_wait3A_1844 = arith.constant 0 : i32
      %dma_wait3A_1845 = arith.constant 0 : i32
      %dma_wait3A_1846 = tpu.memref_slice %arg6[%dma_wait3A_1843, %dma_wait3A_1844, %dma_wait3A_1845] : memref<4x200x128xf32, #tpu.memory_space<vmem>> -> memref<1x200x128xf32, #tpu.memory_space<vmem>>
      %dma_wait3A_1847 = tpu.memref_squeeze %dma_wait3A_1846 : memref<1x200x128xf32, #tpu.memory_space<vmem>> -> memref<200x128xf32, #tpu.memory_space<vmem>>
      %dma_wait3A_1848 = arith.constant 0 : i32
      %dma_wait3A_1849 = tpu.memref_slice %arg4[%add3A_1842, %dma_wait3A_1848] : memref<819200x128xf32, #tpu.memory_space<hbm>> -> memref<200x128xf32, #tpu.memory_space<hbm>>
      %dma_wait3A_1850 = arith.constant 0 : i32
      %dma_wait3A_1851 = tpu.memref_slice %arg4[%add3A_1842, %dma_wait3A_1850] : memref<819200x128xf32, #tpu.memory_space<hbm>> -> memref<200x128xf32, #tpu.memory_space<hbm>>
      %dma_wait3A_1852 = arith.constant 0 : i32
      %dma_wait3A_1853 = arith.constant 0 : i32
      %dma_wait3A_1854 = tpu.memref_slice %arg6[%dma_wait3A_1843, %dma_wait3A_1852, %dma_wait3A_1853] : memref<4x200x128xf32, #tpu.memory_space<vmem>> -> memref<1x200x128xf32, #tpu.memory_space<vmem>>
      %dma_wait3A_1855 = tpu.memref_squeeze %dma_wait3A_1854 : memref<1x200x128xf32, #tpu.memory_space<vmem>> -> memref<200x128xf32, #tpu.memory_space<vmem>>
      tpu.wait_dma2 semaphore(%arg16 : memref<!tpu.dma_semaphore, #tpu.memory_space<semaphore_mem>>) src(%dma_wait3A_1855 : memref<200x128xf32, #tpu.memory_space<vmem>>) dst(%dma_wait3A_1851 : memref<200x128xf32, #tpu.memory_space<hbm>>)
      %dma_start3A_1856 = arith.constant 0 : i32
      %dma_start3A_1857 = arith.constant 2 : i32
      %dma_start3A_1858 = arith.constant 0 : i32
      %dma_start3A_1859 = arith.constant 0 : i32
      %dma_start3A_1860 = tpu.memref_slice %arg6[%dma_start3A_1857, %dma_start3A_1858, %dma_start3A_1859] : memref<4x200x128xf32, #tpu.memory_space<vmem>> -> memref<1x128x128xf32, #tpu.memory_space<vmem>>
      %dma_start3A_1861 = tpu.memref_squeeze %dma_start3A_1860 : memref<1x128x128xf32, #tpu.memory_space<vmem>> -> memref<128x128xf32, #tpu.memory_space<vmem>>
      %dma_start3A_1862 = arith.constant 0 : i32
      %dma_start3A_1863 = tpu.memref_slice %arg5[%dma_start3A_1856, %add3A_1796, %dma_start3A_1862] : memref<2x32x200xi32, #tpu.memory_space<vmem>> -> memref<1x1x128xi32, #tpu.memory_space<vmem>>
      %dma_start3A_1864 = tpu.memref_squeeze %dma_start3A_1863 : memref<1x1x128xi32, #tpu.memory_space<vmem>> -> memref<128xi32, #tpu.memory_space<vmem>>
      %dma_start3A_1865 = arith.constant 0 : i32
      %dma_start3A_1866 = arith.constant 0 : i32
      %dma_start3A_1867 = tpu.memref_slice %arg7[%dma_start3A_1865, %dma_start3A_1866] : memref<1000x128xf32, #tpu.memory_space<vmem_shared>> -> memref<1000x128xf32, #tpu.memory_space<vmem_shared>>
      tpu.enqueue_indirect_dma source(%dma_start3A_1867 : memref<1000x128xf32, #tpu.memory_space<vmem_shared>>) target(%dma_start3A_1861 : memref<128x128xf32, #tpu.memory_space<vmem>>) offsets(%dma_start3A_1864 : memref<128xi32, #tpu.memory_space<vmem>>) semaphore(%arg12 : memref<!tpu.dma_semaphore, #tpu.memory_space<semaphore_mem>>)
      %dma_start3A_1868 = arith.constant 0 : i32
      %dma_start3A_1869 = arith.constant 2 : i32
      %dma_start3A_1870 = arith.constant 128 : i32
      %dma_start3A_1871 = arith.constant 0 : i32
      %dma_start3A_1872 = tpu.memref_slice %arg6[%dma_start3A_1869, %dma_start3A_1870, %dma_start3A_1871] : memref<4x200x128xf32, #tpu.memory_space<vmem>> -> memref<1x72x128xf32, #tpu.memory_space<vmem>>
      %dma_start3A_1873 = tpu.memref_squeeze %dma_start3A_1872 : memref<1x72x128xf32, #tpu.memory_space<vmem>> -> memref<72x128xf32, #tpu.memory_space<vmem>>
      %dma_start3A_1874 = arith.constant 128 : i32
      %dma_start3A_1875 = tpu.memref_slice %arg5[%dma_start3A_1868, %add3A_1796, %dma_start3A_1874] : memref<2x32x200xi32, #tpu.memory_space<vmem>> -> memref<1x1x72xi32, #tpu.memory_space<vmem>>
      %dma_start3A_1876 = tpu.memref_squeeze %dma_start3A_1875 : memref<1x1x72xi32, #tpu.memory_space<vmem>> -> memref<72xi32, #tpu.memory_space<vmem>>
      %dma_start3A_1877 = arith.constant 0 : i32
      %dma_start3A_1878 = arith.constant 0 : i32
      %dma_start3A_1879 = tpu.memref_slice %arg7[%dma_start3A_1877, %dma_start3A_1878] : memref<1000x128xf32, #tpu.memory_space<vmem_shared>> -> memref<1000x128xf32, #tpu.memory_space<vmem_shared>>
      tpu.enqueue_indirect_dma source(%dma_start3A_1879 : memref<1000x128xf32, #tpu.memory_space<vmem_shared>>) target(%dma_start3A_1873 : memref<72x128xf32, #tpu.memory_space<vmem>>) offsets(%dma_start3A_1876 : memref<72xi32, #tpu.memory_space<vmem>>) semaphore(%arg12 : memref<!tpu.dma_semaphore, #tpu.memory_space<semaphore_mem>>)
      %add3A_1880 = arith.constant 1 : i32
      %add3A_1881 = arith.addi %mul3A_1790, %add3A_1880 : i32
      %add3A_1882 = arith.constant 1 : i32
      %add3A_1883 = arith.addi %mul3A_1790, %add3A_1882 : i32
      %add3A_1884 = arith.constant 2 : i32
      %add3A_1885 = arith.addi %add3A_1883, %add3A_1884 : i32
      %add3A_1886 = arith.constant 64 : i32
      %add3A_1887 = arith.addi %add3A_1886, %add3A_1881 : i32
      %dma_wait3A_1888 = arith.constant 0 : i32
      %dma_wait3A_1889 = arith.constant 1 : i32
      %dma_wait3A_1890 = arith.constant 0 : i32
      %dma_wait3A_1891 = arith.constant 0 : i32
      %dma_wait3A_1892 = tpu.memref_slice %arg6[%dma_wait3A_1889, %dma_wait3A_1890, %dma_wait3A_1891] : memref<4x200x128xf32, #tpu.memory_space<vmem>> -> memref<1x128x128xf32, #tpu.memory_space<vmem>>
      %dma_wait3A_1893 = tpu.memref_squeeze %dma_wait3A_1892 : memref<1x128x128xf32, #tpu.memory_space<vmem>> -> memref<128x128xf32, #tpu.memory_space<vmem>>
      %dma_wait3A_1894 = arith.constant 0 : i32
      %dma_wait3A_1895 = tpu.memref_slice %arg5[%dma_wait3A_1888, %add3A_1881, %dma_wait3A_1894] : memref<2x32x200xi32, #tpu.memory_space<vmem>> -> memref<1x1x128xi32, #tpu.memory_space<vmem>>
      %dma_wait3A_1896 = tpu.memref_squeeze %dma_wait3A_1895 : memref<1x1x128xi32, #tpu.memory_space<vmem>> -> memref<128xi32, #tpu.memory_space<vmem>>
      %dma_wait3A_1897 = arith.constant 0 : i32
      %dma_wait3A_1898 = arith.constant 0 : i32
      %dma_wait3A_1899 = tpu.memref_slice %arg7[%dma_wait3A_1897, %dma_wait3A_1898] : memref<1000x128xf32, #tpu.memory_space<vmem_shared>> -> memref<1000x128xf32, #tpu.memory_space<vmem_shared>>
      tpu.wait_indirect_dma semaphore(%arg11 : memref<!tpu.dma_semaphore, #tpu.memory_space<semaphore_mem>>) src(%dma_wait3A_1899 : memref<1000x128xf32, #tpu.memory_space<vmem_shared>>) dst(%dma_wait3A_1893 : memref<128x128xf32, #tpu.memory_space<vmem>>)
      %dma_wait3A_1900 = arith.constant 0 : i32
      %dma_wait3A_1901 = arith.constant 1 : i32
      %dma_wait3A_1902 = arith.constant 128 : i32
      %dma_wait3A_1903 = arith.constant 0 : i32
      %dma_wait3A_1904 = tpu.memref_slice %arg6[%dma_wait3A_1901, %dma_wait3A_1902, %dma_wait3A_1903] : memref<4x200x128xf32, #tpu.memory_space<vmem>> -> memref<1x72x128xf32, #tpu.memory_space<vmem>>
      %dma_wait3A_1905 = tpu.memref_squeeze %dma_wait3A_1904 : memref<1x72x128xf32, #tpu.memory_space<vmem>> -> memref<72x128xf32, #tpu.memory_space<vmem>>
      %dma_wait3A_1906 = arith.constant 128 : i32
      %dma_wait3A_1907 = tpu.memref_slice %arg5[%dma_wait3A_1900, %add3A_1881, %dma_wait3A_1906] : memref<2x32x200xi32, #tpu.memory_space<vmem>> -> memref<1x1x72xi32, #tpu.memory_space<vmem>>
      %dma_wait3A_1908 = tpu.memref_squeeze %dma_wait3A_1907 : memref<1x1x72xi32, #tpu.memory_space<vmem>> -> memref<72xi32, #tpu.memory_space<vmem>>
      %dma_wait3A_1909 = arith.constant 0 : i32
      %dma_wait3A_1910 = arith.constant 0 : i32
      %dma_wait3A_1911 = tpu.memref_slice %arg7[%dma_wait3A_1909, %dma_wait3A_1910] : memref<1000x128xf32, #tpu.memory_space<vmem_shared>> -> memref<1000x128xf32, #tpu.memory_space<vmem_shared>>
      tpu.wait_indirect_dma semaphore(%arg11 : memref<!tpu.dma_semaphore, #tpu.memory_space<semaphore_mem>>) src(%dma_wait3A_1911 : memref<1000x128xf32, #tpu.memory_space<vmem_shared>>) dst(%dma_wait3A_1905 : memref<72x128xf32, #tpu.memory_space<vmem>>)
      %mul3A_1912 = arith.constant 200 : i32
      %mul3A_1913 = arith.muli %add3A_1887, %mul3A_1912 : i32
      %add3A_1914 = arith.addi %mul3A_2, %mul3A_1913 : i32
      %dma_start3A_1915 = arith.constant 1 : i32
      %dma_start3A_1916 = arith.constant 0 : i32
      %dma_start3A_1917 = arith.constant 0 : i32
      %dma_start3A_1918 = tpu.memref_slice %arg6[%dma_start3A_1915, %dma_start3A_1916, %dma_start3A_1917] : memref<4x200x128xf32, #tpu.memory_space<vmem>> -> memref<1x200x128xf32, #tpu.memory_space<vmem>>
      %dma_start3A_1919 = tpu.memref_squeeze %dma_start3A_1918 : memref<1x200x128xf32, #tpu.memory_space<vmem>> -> memref<200x128xf32, #tpu.memory_space<vmem>>
      %dma_start3A_1920 = arith.constant 0 : i32
      %dma_start3A_1921 = tpu.memref_slice %arg4[%add3A_1914, %dma_start3A_1920] : memref<819200x128xf32, #tpu.memory_space<hbm>> -> memref<200x128xf32, #tpu.memory_space<hbm>>
      %dma_start3A_1922 = arith.constant 0 : i32
      %dma_start3A_1923 = tpu.memref_slice %arg4[%add3A_1914, %dma_start3A_1922] : memref<819200x128xf32, #tpu.memory_space<hbm>> -> memref<200x128xf32, #tpu.memory_space<hbm>>
      %dma_start3A_1924 = arith.constant 0 : i32
      %dma_start3A_1925 = arith.constant 0 : i32
      %dma_start3A_1926 = tpu.memref_slice %arg6[%dma_start3A_1915, %dma_start3A_1924, %dma_start3A_1925] : memref<4x200x128xf32, #tpu.memory_space<vmem>> -> memref<1x200x128xf32, #tpu.memory_space<vmem>>
      %dma_start3A_1927 = tpu.memref_squeeze %dma_start3A_1926 : memref<1x200x128xf32, #tpu.memory_space<vmem>> -> memref<200x128xf32, #tpu.memory_space<vmem>>
      tpu.enqueue_dma source(%dma_start3A_1927 : memref<200x128xf32, #tpu.memory_space<vmem>>) target(%dma_start3A_1923 : memref<200x128xf32, #tpu.memory_space<hbm>>) target_semaphore(%arg15 : memref<!tpu.dma_semaphore, #tpu.memory_space<semaphore_mem>>)
      %sub3A_1928 = arith.constant 2 : i32
      %sub3A_1929 = arith.subi %add3A_1887, %sub3A_1928 : i32
      %mul3A_1930 = arith.constant 200 : i32
      %mul3A_1931 = arith.muli %sub3A_1929, %mul3A_1930 : i32
      %add3A_1932 = arith.addi %mul3A_2, %mul3A_1931 : i32
      %dma_wait3A_1933 = arith.constant 3 : i32
      %dma_wait3A_1934 = arith.constant 0 : i32
      %dma_wait3A_1935 = arith.constant 0 : i32
      %dma_wait3A_1936 = tpu.memref_slice %arg6[%dma_wait3A_1933, %dma_wait3A_1934, %dma_wait3A_1935] : memref<4x200x128xf32, #tpu.memory_space<vmem>> -> memref<1x200x128xf32, #tpu.memory_space<vmem>>
      %dma_wait3A_1937 = tpu.memref_squeeze %dma_wait3A_1936 : memref<1x200x128xf32, #tpu.memory_space<vmem>> -> memref<200x128xf32, #tpu.memory_space<vmem>>
      %dma_wait3A_1938 = arith.constant 0 : i32
      %dma_wait3A_1939 = tpu.memref_slice %arg4[%add3A_1932, %dma_wait3A_1938] : memref<819200x128xf32, #tpu.memory_space<hbm>> -> memref<200x128xf32, #tpu.memory_space<hbm>>
      %dma_wait3A_1940 = arith.constant 0 : i32
      %dma_wait3A_1941 = tpu.memref_slice %arg4[%add3A_1932, %dma_wait3A_1940] : memref<819200x128xf32, #tpu.memory_space<hbm>> -> memref<200x128xf32, #tpu.memory_space<hbm>>
      %dma_wait3A_1942 = arith.constant 0 : i32
      %dma_wait3A_1943 = arith.constant 0 : i32
      %dma_wait3A_1944 = tpu.memref_slice %arg6[%dma_wait3A_1933, %dma_wait3A_1942, %dma_wait3A_1943] : memref<4x200x128xf32, #tpu.memory_space<vmem>> -> memref<1x200x128xf32, #tpu.memory_space<vmem>>
      %dma_wait3A_1945 = tpu.memref_squeeze %dma_wait3A_1944 : memref<1x200x128xf32, #tpu.memory_space<vmem>> -> memref<200x128xf32, #tpu.memory_space<vmem>>
      tpu.wait_dma2 semaphore(%arg17 : memref<!tpu.dma_semaphore, #tpu.memory_space<semaphore_mem>>) src(%dma_wait3A_1945 : memref<200x128xf32, #tpu.memory_space<vmem>>) dst(%dma_wait3A_1941 : memref<200x128xf32, #tpu.memory_space<hbm>>)
      %dma_start3A_1946 = arith.constant 0 : i32
      %dma_start3A_1947 = arith.constant 3 : i32
      %dma_start3A_1948 = arith.constant 0 : i32
      %dma_start3A_1949 = arith.constant 0 : i32
      %dma_start3A_1950 = tpu.memref_slice %arg6[%dma_start3A_1947, %dma_start3A_1948, %dma_start3A_1949] : memref<4x200x128xf32, #tpu.memory_space<vmem>> -> memref<1x128x128xf32, #tpu.memory_space<vmem>>
      %dma_start3A_1951 = tpu.memref_squeeze %dma_start3A_1950 : memref<1x128x128xf32, #tpu.memory_space<vmem>> -> memref<128x128xf32, #tpu.memory_space<vmem>>
      %dma_start3A_1952 = arith.constant 0 : i32
      %dma_start3A_1953 = tpu.memref_slice %arg5[%dma_start3A_1946, %add3A_1885, %dma_start3A_1952] : memref<2x32x200xi32, #tpu.memory_space<vmem>> -> memref<1x1x128xi32, #tpu.memory_space<vmem>>
      %dma_start3A_1954 = tpu.memref_squeeze %dma_start3A_1953 : memref<1x1x128xi32, #tpu.memory_space<vmem>> -> memref<128xi32, #tpu.memory_space<vmem>>
      %dma_start3A_1955 = arith.constant 0 : i32
      %dma_start3A_1956 = arith.constant 0 : i32
      %dma_start3A_1957 = tpu.memref_slice %arg7[%dma_start3A_1955, %dma_start3A_1956] : memref<1000x128xf32, #tpu.memory_space<vmem_shared>> -> memref<1000x128xf32, #tpu.memory_space<vmem_shared>>
      tpu.enqueue_indirect_dma source(%dma_start3A_1957 : memref<1000x128xf32, #tpu.memory_space<vmem_shared>>) target(%dma_start3A_1951 : memref<128x128xf32, #tpu.memory_space<vmem>>) offsets(%dma_start3A_1954 : memref<128xi32, #tpu.memory_space<vmem>>) semaphore(%arg13 : memref<!tpu.dma_semaphore, #tpu.memory_space<semaphore_mem>>)
      %dma_start3A_1958 = arith.constant 0 : i32
      %dma_start3A_1959 = arith.constant 3 : i32
      %dma_start3A_1960 = arith.constant 128 : i32
      %dma_start3A_1961 = arith.constant 0 : i32
      %dma_start3A_1962 = tpu.memref_slice %arg6[%dma_start3A_1959, %dma_start3A_1960, %dma_start3A_1961] : memref<4x200x128xf32, #tpu.memory_space<vmem>> -> memref<1x72x128xf32, #tpu.memory_space<vmem>>
      %dma_start3A_1963 = tpu.memref_squeeze %dma_start3A_1962 : memref<1x72x128xf32, #tpu.memory_space<vmem>> -> memref<72x128xf32, #tpu.memory_space<vmem>>
      %dma_start3A_1964 = arith.constant 128 : i32
      %dma_start3A_1965 = tpu.memref_slice %arg5[%dma_start3A_1958, %add3A_1885, %dma_start3A_1964] : memref<2x32x200xi32, #tpu.memory_space<vmem>> -> memref<1x1x72xi32, #tpu.memory_space<vmem>>
      %dma_start3A_1966 = tpu.memref_squeeze %dma_start3A_1965 : memref<1x1x72xi32, #tpu.memory_space<vmem>> -> memref<72xi32, #tpu.memory_space<vmem>>
      %dma_start3A_1967 = arith.constant 0 : i32
      %dma_start3A_1968 = arith.constant 0 : i32
      %dma_start3A_1969 = tpu.memref_slice %arg7[%dma_start3A_1967, %dma_start3A_1968] : memref<1000x128xf32, #tpu.memory_space<vmem_shared>> -> memref<1000x128xf32, #tpu.memory_space<vmem_shared>>
      tpu.enqueue_indirect_dma source(%dma_start3A_1969 : memref<1000x128xf32, #tpu.memory_space<vmem_shared>>) target(%dma_start3A_1963 : memref<72x128xf32, #tpu.memory_space<vmem>>) offsets(%dma_start3A_1966 : memref<72xi32, #tpu.memory_space<vmem>>) semaphore(%arg13 : memref<!tpu.dma_semaphore, #tpu.memory_space<semaphore_mem>>)
      %add3A_1970 = arith.constant 2 : i32
      %add3A_1971 = arith.addi %mul3A_1790, %add3A_1970 : i32
      %add3A_1972 = arith.constant 2 : i32
      %add3A_1973 = arith.addi %mul3A_1790, %add3A_1972 : i32
      %add3A_1974 = arith.constant 2 : i32
      %add3A_1975 = arith.addi %add3A_1973, %add3A_1974 : i32
      %add3A_1976 = arith.constant 64 : i32
      %add3A_1977 = arith.addi %add3A_1976, %add3A_1971 : i32
      %dma_wait3A_1978 = arith.constant 0 : i32
      %dma_wait3A_1979 = arith.constant 2 : i32
      %dma_wait3A_1980 = arith.constant 0 : i32
      %dma_wait3A_1981 = arith.constant 0 : i32
      %dma_wait3A_1982 = tpu.memref_slice %arg6[%dma_wait3A_1979, %dma_wait3A_1980, %dma_wait3A_1981] : memref<4x200x128xf32, #tpu.memory_space<vmem>> -> memref<1x128x128xf32, #tpu.memory_space<vmem>>
      %dma_wait3A_1983 = tpu.memref_squeeze %dma_wait3A_1982 : memref<1x128x128xf32, #tpu.memory_space<vmem>> -> memref<128x128xf32, #tpu.memory_space<vmem>>
      %dma_wait3A_1984 = arith.constant 0 : i32
      %dma_wait3A_1985 = tpu.memref_slice %arg5[%dma_wait3A_1978, %add3A_1971, %dma_wait3A_1984] : memref<2x32x200xi32, #tpu.memory_space<vmem>> -> memref<1x1x128xi32, #tpu.memory_space<vmem>>
      %dma_wait3A_1986 = tpu.memref_squeeze %dma_wait3A_1985 : memref<1x1x128xi32, #tpu.memory_space<vmem>> -> memref<128xi32, #tpu.memory_space<vmem>>
      %dma_wait3A_1987 = arith.constant 0 : i32
      %dma_wait3A_1988 = arith.constant 0 : i32
      %dma_wait3A_1989 = tpu.memref_slice %arg7[%dma_wait3A_1987, %dma_wait3A_1988] : memref<1000x128xf32, #tpu.memory_space<vmem_shared>> -> memref<1000x128xf32, #tpu.memory_space<vmem_shared>>
      tpu.wait_indirect_dma semaphore(%arg12 : memref<!tpu.dma_semaphore, #tpu.memory_space<semaphore_mem>>) src(%dma_wait3A_1989 : memref<1000x128xf32, #tpu.memory_space<vmem_shared>>) dst(%dma_wait3A_1983 : memref<128x128xf32, #tpu.memory_space<vmem>>)
      %dma_wait3A_1990 = arith.constant 0 : i32
      %dma_wait3A_1991 = arith.constant 2 : i32
      %dma_wait3A_1992 = arith.constant 128 : i32
      %dma_wait3A_1993 = arith.constant 0 : i32
      %dma_wait3A_1994 = tpu.memref_slice %arg6[%dma_wait3A_1991, %dma_wait3A_1992, %dma_wait3A_1993] : memref<4x200x128xf32, #tpu.memory_space<vmem>> -> memref<1x72x128xf32, #tpu.memory_space<vmem>>
      %dma_wait3A_1995 = tpu.memref_squeeze %dma_wait3A_1994 : memref<1x72x128xf32, #tpu.memory_space<vmem>> -> memref<72x128xf32, #tpu.memory_space<vmem>>
      %dma_wait3A_1996 = arith.constant 128 : i32
      %dma_wait3A_1997 = tpu.memref_slice %arg5[%dma_wait3A_1990, %add3A_1971, %dma_wait3A_1996] : memref<2x32x200xi32, #tpu.memory_space<vmem>> -> memref<1x1x72xi32, #tpu.memory_space<vmem>>
      %dma_wait3A_1998 = tpu.memref_squeeze %dma_wait3A_1997 : memref<1x1x72xi32, #tpu.memory_space<vmem>> -> memref<72xi32, #tpu.memory_space<vmem>>
      %dma_wait3A_1999 = arith.constant 0 : i32
      %dma_wait3A_2000 = arith.constant 0 : i32
      %dma_wait3A_2001 = tpu.memref_slice %arg7[%dma_wait3A_1999, %dma_wait3A_2000] : memref<1000x128xf32, #tpu.memory_space<vmem_shared>> -> memref<1000x128xf32, #tpu.memory_space<vmem_shared>>
      tpu.wait_indirect_dma semaphore(%arg12 : memref<!tpu.dma_semaphore, #tpu.memory_space<semaphore_mem>>) src(%dma_wait3A_2001 : memref<1000x128xf32, #tpu.memory_space<vmem_shared>>) dst(%dma_wait3A_1995 : memref<72x128xf32, #tpu.memory_space<vmem>>)
      %mul3A_2002 = arith.constant 200 : i32
      %mul3A_2003 = arith.muli %add3A_1977, %mul3A_2002 : i32
      %add3A_2004 = arith.addi %mul3A_2, %mul3A_2003 : i32
      %dma_start3A_2005 = arith.constant 2 : i32
      %dma_start3A_2006 = arith.constant 0 : i32
      %dma_start3A_2007 = arith.constant 0 : i32
      %dma_start3A_2008 = tpu.memref_slice %arg6[%dma_start3A_2005, %dma_start3A_2006, %dma_start3A_2007] : memref<4x200x128xf32, #tpu.memory_space<vmem>> -> memref<1x200x128xf32, #tpu.memory_space<vmem>>
      %dma_start3A_2009 = tpu.memref_squeeze %dma_start3A_2008 : memref<1x200x128xf32, #tpu.memory_space<vmem>> -> memref<200x128xf32, #tpu.memory_space<vmem>>
      %dma_start3A_2010 = arith.constant 0 : i32
      %dma_start3A_2011 = tpu.memref_slice %arg4[%add3A_2004, %dma_start3A_2010] : memref<819200x128xf32, #tpu.memory_space<hbm>> -> memref<200x128xf32, #tpu.memory_space<hbm>>
      %dma_start3A_2012 = arith.constant 0 : i32
      %dma_start3A_2013 = tpu.memref_slice %arg4[%add3A_2004, %dma_start3A_2012] : memref<819200x128xf32, #tpu.memory_space<hbm>> -> memref<200x128xf32, #tpu.memory_space<hbm>>
      %dma_start3A_2014 = arith.constant 0 : i32
      %dma_start3A_2015 = arith.constant 0 : i32
      %dma_start3A_2016 = tpu.memref_slice %arg6[%dma_start3A_2005, %dma_start3A_2014, %dma_start3A_2015] : memref<4x200x128xf32, #tpu.memory_space<vmem>> -> memref<1x200x128xf32, #tpu.memory_space<vmem>>
      %dma_start3A_2017 = tpu.memref_squeeze %dma_start3A_2016 : memref<1x200x128xf32, #tpu.memory_space<vmem>> -> memref<200x128xf32, #tpu.memory_space<vmem>>
      tpu.enqueue_dma source(%dma_start3A_2017 : memref<200x128xf32, #tpu.memory_space<vmem>>) target(%dma_start3A_2013 : memref<200x128xf32, #tpu.memory_space<hbm>>) target_semaphore(%arg16 : memref<!tpu.dma_semaphore, #tpu.memory_space<semaphore_mem>>)
      %sub3A_2018 = arith.constant 2 : i32
      %sub3A_2019 = arith.subi %add3A_1977, %sub3A_2018 : i32
      %mul3A_2020 = arith.constant 200 : i32
      %mul3A_2021 = arith.muli %sub3A_2019, %mul3A_2020 : i32
      %add3A_2022 = arith.addi %mul3A_2, %mul3A_2021 : i32
      %dma_wait3A_2023 = arith.constant 0 : i32
      %dma_wait3A_2024 = arith.constant 0 : i32
      %dma_wait3A_2025 = arith.constant 0 : i32
      %dma_wait3A_2026 = tpu.memref_slice %arg6[%dma_wait3A_2023, %dma_wait3A_2024, %dma_wait3A_2025] : memref<4x200x128xf32, #tpu.memory_space<vmem>> -> memref<1x200x128xf32, #tpu.memory_space<vmem>>
      %dma_wait3A_2027 = tpu.memref_squeeze %dma_wait3A_2026 : memref<1x200x128xf32, #tpu.memory_space<vmem>> -> memref<200x128xf32, #tpu.memory_space<vmem>>
      %dma_wait3A_2028 = arith.constant 0 : i32
      %dma_wait3A_2029 = tpu.memref_slice %arg4[%add3A_2022, %dma_wait3A_2028] : memref<819200x128xf32, #tpu.memory_space<hbm>> -> memref<200x128xf32, #tpu.memory_space<hbm>>
      %dma_wait3A_2030 = arith.constant 0 : i32
      %dma_wait3A_2031 = tpu.memref_slice %arg4[%add3A_2022, %dma_wait3A_2030] : memref<819200x128xf32, #tpu.memory_space<hbm>> -> memref<200x128xf32, #tpu.memory_space<hbm>>
      %dma_wait3A_2032 = arith.constant 0 : i32
      %dma_wait3A_2033 = arith.constant 0 : i32
      %dma_wait3A_2034 = tpu.memref_slice %arg6[%dma_wait3A_2023, %dma_wait3A_2032, %dma_wait3A_2033] : memref<4x200x128xf32, #tpu.memory_space<vmem>> -> memref<1x200x128xf32, #tpu.memory_space<vmem>>
      %dma_wait3A_2035 = tpu.memref_squeeze %dma_wait3A_2034 : memref<1x200x128xf32, #tpu.memory_space<vmem>> -> memref<200x128xf32, #tpu.memory_space<vmem>>
      tpu.wait_dma2 semaphore(%arg14 : memref<!tpu.dma_semaphore, #tpu.memory_space<semaphore_mem>>) src(%dma_wait3A_2035 : memref<200x128xf32, #tpu.memory_space<vmem>>) dst(%dma_wait3A_2031 : memref<200x128xf32, #tpu.memory_space<hbm>>)
      %dma_start3A_2036 = arith.constant 0 : i32
      %dma_start3A_2037 = arith.constant 0 : i32
      %dma_start3A_2038 = arith.constant 0 : i32
      %dma_start3A_2039 = arith.constant 0 : i32
      %dma_start3A_2040 = tpu.memref_slice %arg6[%dma_start3A_2037, %dma_start3A_2038, %dma_start3A_2039] : memref<4x200x128xf32, #tpu.memory_space<vmem>> -> memref<1x128x128xf32, #tpu.memory_space<vmem>>
      %dma_start3A_2041 = tpu.memref_squeeze %dma_start3A_2040 : memref<1x128x128xf32, #tpu.memory_space<vmem>> -> memref<128x128xf32, #tpu.memory_space<vmem>>
      %dma_start3A_2042 = arith.constant 0 : i32
      %dma_start3A_2043 = tpu.memref_slice %arg5[%dma_start3A_2036, %add3A_1975, %dma_start3A_2042] : memref<2x32x200xi32, #tpu.memory_space<vmem>> -> memref<1x1x128xi32, #tpu.memory_space<vmem>>
      %dma_start3A_2044 = tpu.memref_squeeze %dma_start3A_2043 : memref<1x1x128xi32, #tpu.memory_space<vmem>> -> memref<128xi32, #tpu.memory_space<vmem>>
      %dma_start3A_2045 = arith.constant 0 : i32
      %dma_start3A_2046 = arith.constant 0 : i32
      %dma_start3A_2047 = tpu.memref_slice %arg7[%dma_start3A_2045, %dma_start3A_2046] : memref<1000x128xf32, #tpu.memory_space<vmem_shared>> -> memref<1000x128xf32, #tpu.memory_space<vmem_shared>>
      tpu.enqueue_indirect_dma source(%dma_start3A_2047 : memref<1000x128xf32, #tpu.memory_space<vmem_shared>>) target(%dma_start3A_2041 : memref<128x128xf32, #tpu.memory_space<vmem>>) offsets(%dma_start3A_2044 : memref<128xi32, #tpu.memory_space<vmem>>) semaphore(%arg10 : memref<!tpu.dma_semaphore, #tpu.memory_space<semaphore_mem>>)
      %dma_start3A_2048 = arith.constant 0 : i32
      %dma_start3A_2049 = arith.constant 0 : i32
      %dma_start3A_2050 = arith.constant 128 : i32
      %dma_start3A_2051 = arith.constant 0 : i32
      %dma_start3A_2052 = tpu.memref_slice %arg6[%dma_start3A_2049, %dma_start3A_2050, %dma_start3A_2051] : memref<4x200x128xf32, #tpu.memory_space<vmem>> -> memref<1x72x128xf32, #tpu.memory_space<vmem>>
      %dma_start3A_2053 = tpu.memref_squeeze %dma_start3A_2052 : memref<1x72x128xf32, #tpu.memory_space<vmem>> -> memref<72x128xf32, #tpu.memory_space<vmem>>
      %dma_start3A_2054 = arith.constant 128 : i32
      %dma_start3A_2055 = tpu.memref_slice %arg5[%dma_start3A_2048, %add3A_1975, %dma_start3A_2054] : memref<2x32x200xi32, #tpu.memory_space<vmem>> -> memref<1x1x72xi32, #tpu.memory_space<vmem>>
      %dma_start3A_2056 = tpu.memref_squeeze %dma_start3A_2055 : memref<1x1x72xi32, #tpu.memory_space<vmem>> -> memref<72xi32, #tpu.memory_space<vmem>>
      %dma_start3A_2057 = arith.constant 0 : i32
      %dma_start3A_2058 = arith.constant 0 : i32
      %dma_start3A_2059 = tpu.memref_slice %arg7[%dma_start3A_2057, %dma_start3A_2058] : memref<1000x128xf32, #tpu.memory_space<vmem_shared>> -> memref<1000x128xf32, #tpu.memory_space<vmem_shared>>
      tpu.enqueue_indirect_dma source(%dma_start3A_2059 : memref<1000x128xf32, #tpu.memory_space<vmem_shared>>) target(%dma_start3A_2053 : memref<72x128xf32, #tpu.memory_space<vmem>>) offsets(%dma_start3A_2056 : memref<72xi32, #tpu.memory_space<vmem>>) semaphore(%arg10 : memref<!tpu.dma_semaphore, #tpu.memory_space<semaphore_mem>>)
      %add3A_2060 = arith.constant 3 : i32
      %add3A_2061 = arith.addi %mul3A_1790, %add3A_2060 : i32
      %add3A_2062 = arith.constant 3 : i32
      %add3A_2063 = arith.addi %mul3A_1790, %add3A_2062 : i32
      %add3A_2064 = arith.constant 2 : i32
      %add3A_2065 = arith.addi %add3A_2063, %add3A_2064 : i32
      %add3A_2066 = arith.constant 64 : i32
      %add3A_2067 = arith.addi %add3A_2066, %add3A_2061 : i32
      %dma_wait3A_2068 = arith.constant 0 : i32
      %dma_wait3A_2069 = arith.constant 3 : i32
      %dma_wait3A_2070 = arith.constant 0 : i32
      %dma_wait3A_2071 = arith.constant 0 : i32
      %dma_wait3A_2072 = tpu.memref_slice %arg6[%dma_wait3A_2069, %dma_wait3A_2070, %dma_wait3A_2071] : memref<4x200x128xf32, #tpu.memory_space<vmem>> -> memref<1x128x128xf32, #tpu.memory_space<vmem>>
      %dma_wait3A_2073 = tpu.memref_squeeze %dma_wait3A_2072 : memref<1x128x128xf32, #tpu.memory_space<vmem>> -> memref<128x128xf32, #tpu.memory_space<vmem>>
      %dma_wait3A_2074 = arith.constant 0 : i32
      %dma_wait3A_2075 = tpu.memref_slice %arg5[%dma_wait3A_2068, %add3A_2061, %dma_wait3A_2074] : memref<2x32x200xi32, #tpu.memory_space<vmem>> -> memref<1x1x128xi32, #tpu.memory_space<vmem>>
      %dma_wait3A_2076 = tpu.memref_squeeze %dma_wait3A_2075 : memref<1x1x128xi32, #tpu.memory_space<vmem>> -> memref<128xi32, #tpu.memory_space<vmem>>
      %dma_wait3A_2077 = arith.constant 0 : i32
      %dma_wait3A_2078 = arith.constant 0 : i32
      %dma_wait3A_2079 = tpu.memref_slice %arg7[%dma_wait3A_2077, %dma_wait3A_2078] : memref<1000x128xf32, #tpu.memory_space<vmem_shared>> -> memref<1000x128xf32, #tpu.memory_space<vmem_shared>>
      tpu.wait_indirect_dma semaphore(%arg13 : memref<!tpu.dma_semaphore, #tpu.memory_space<semaphore_mem>>) src(%dma_wait3A_2079 : memref<1000x128xf32, #tpu.memory_space<vmem_shared>>) dst(%dma_wait3A_2073 : memref<128x128xf32, #tpu.memory_space<vmem>>)
      %dma_wait3A_2080 = arith.constant 0 : i32
      %dma_wait3A_2081 = arith.constant 3 : i32
      %dma_wait3A_2082 = arith.constant 128 : i32
      %dma_wait3A_2083 = arith.constant 0 : i32
      %dma_wait3A_2084 = tpu.memref_slice %arg6[%dma_wait3A_2081, %dma_wait3A_2082, %dma_wait3A_2083] : memref<4x200x128xf32, #tpu.memory_space<vmem>> -> memref<1x72x128xf32, #tpu.memory_space<vmem>>
      %dma_wait3A_2085 = tpu.memref_squeeze %dma_wait3A_2084 : memref<1x72x128xf32, #tpu.memory_space<vmem>> -> memref<72x128xf32, #tpu.memory_space<vmem>>
      %dma_wait3A_2086 = arith.constant 128 : i32
      %dma_wait3A_2087 = tpu.memref_slice %arg5[%dma_wait3A_2080, %add3A_2061, %dma_wait3A_2086] : memref<2x32x200xi32, #tpu.memory_space<vmem>> -> memref<1x1x72xi32, #tpu.memory_space<vmem>>
      %dma_wait3A_2088 = tpu.memref_squeeze %dma_wait3A_2087 : memref<1x1x72xi32, #tpu.memory_space<vmem>> -> memref<72xi32, #tpu.memory_space<vmem>>
      %dma_wait3A_2089 = arith.constant 0 : i32
      %dma_wait3A_2090 = arith.constant 0 : i32
      %dma_wait3A_2091 = tpu.memref_slice %arg7[%dma_wait3A_2089, %dma_wait3A_2090] : memref<1000x128xf32, #tpu.memory_space<vmem_shared>> -> memref<1000x128xf32, #tpu.memory_space<vmem_shared>>
      tpu.wait_indirect_dma semaphore(%arg13 : memref<!tpu.dma_semaphore, #tpu.memory_space<semaphore_mem>>) src(%dma_wait3A_2091 : memref<1000x128xf32, #tpu.memory_space<vmem_shared>>) dst(%dma_wait3A_2085 : memref<72x128xf32, #tpu.memory_space<vmem>>)
      %mul3A_2092 = arith.constant 200 : i32
      %mul3A_2093 = arith.muli %add3A_2067, %mul3A_2092 : i32
      %add3A_2094 = arith.addi %mul3A_2, %mul3A_2093 : i32
      %dma_start3A_2095 = arith.constant 3 : i32
      %dma_start3A_2096 = arith.constant 0 : i32
      %dma_start3A_2097 = arith.constant 0 : i32
      %dma_start3A_2098 = tpu.memref_slice %arg6[%dma_start3A_2095, %dma_start3A_2096, %dma_start3A_2097] : memref<4x200x128xf32, #tpu.memory_space<vmem>> -> memref<1x200x128xf32, #tpu.memory_space<vmem>>
      %dma_start3A_2099 = tpu.memref_squeeze %dma_start3A_2098 : memref<1x200x128xf32, #tpu.memory_space<vmem>> -> memref<200x128xf32, #tpu.memory_space<vmem>>
      %dma_start3A_2100 = arith.constant 0 : i32
      %dma_start3A_2101 = tpu.memref_slice %arg4[%add3A_2094, %dma_start3A_2100] : memref<819200x128xf32, #tpu.memory_space<hbm>> -> memref<200x128xf32, #tpu.memory_space<hbm>>
      %dma_start3A_2102 = arith.constant 0 : i32
      %dma_start3A_2103 = tpu.memref_slice %arg4[%add3A_2094, %dma_start3A_2102] : memref<819200x128xf32, #tpu.memory_space<hbm>> -> memref<200x128xf32, #tpu.memory_space<hbm>>
      %dma_start3A_2104 = arith.constant 0 : i32
      %dma_start3A_2105 = arith.constant 0 : i32
      %dma_start3A_2106 = tpu.memref_slice %arg6[%dma_start3A_2095, %dma_start3A_2104, %dma_start3A_2105] : memref<4x200x128xf32, #tpu.memory_space<vmem>> -> memref<1x200x128xf32, #tpu.memory_space<vmem>>
      %dma_start3A_2107 = tpu.memref_squeeze %dma_start3A_2106 : memref<1x200x128xf32, #tpu.memory_space<vmem>> -> memref<200x128xf32, #tpu.memory_space<vmem>>
      tpu.enqueue_dma source(%dma_start3A_2107 : memref<200x128xf32, #tpu.memory_space<vmem>>) target(%dma_start3A_2103 : memref<200x128xf32, #tpu.memory_space<hbm>>) target_semaphore(%arg17 : memref<!tpu.dma_semaphore, #tpu.memory_space<semaphore_mem>>)
      %sub3A_2108 = arith.constant 2 : i32
      %sub3A_2109 = arith.subi %add3A_2067, %sub3A_2108 : i32
      %mul3A_2110 = arith.constant 200 : i32
      %mul3A_2111 = arith.muli %sub3A_2109, %mul3A_2110 : i32
      %add3A_2112 = arith.addi %mul3A_2, %mul3A_2111 : i32
      %dma_wait3A_2113 = arith.constant 1 : i32
      %dma_wait3A_2114 = arith.constant 0 : i32
      %dma_wait3A_2115 = arith.constant 0 : i32
      %dma_wait3A_2116 = tpu.memref_slice %arg6[%dma_wait3A_2113, %dma_wait3A_2114, %dma_wait3A_2115] : memref<4x200x128xf32, #tpu.memory_space<vmem>> -> memref<1x200x128xf32, #tpu.memory_space<vmem>>
      %dma_wait3A_2117 = tpu.memref_squeeze %dma_wait3A_2116 : memref<1x200x128xf32, #tpu.memory_space<vmem>> -> memref<200x128xf32, #tpu.memory_space<vmem>>
      %dma_wait3A_2118 = arith.constant 0 : i32
      %dma_wait3A_2119 = tpu.memref_slice %arg4[%add3A_2112, %dma_wait3A_2118] : memref<819200x128xf32, #tpu.memory_space<hbm>> -> memref<200x128xf32, #tpu.memory_space<hbm>>
      %dma_wait3A_2120 = arith.constant 0 : i32
      %dma_wait3A_2121 = tpu.memref_slice %arg4[%add3A_2112, %dma_wait3A_2120] : memref<819200x128xf32, #tpu.memory_space<hbm>> -> memref<200x128xf32, #tpu.memory_space<hbm>>
      %dma_wait3A_2122 = arith.constant 0 : i32
      %dma_wait3A_2123 = arith.constant 0 : i32
      %dma_wait3A_2124 = tpu.memref_slice %arg6[%dma_wait3A_2113, %dma_wait3A_2122, %dma_wait3A_2123] : memref<4x200x128xf32, #tpu.memory_space<vmem>> -> memref<1x200x128xf32, #tpu.memory_space<vmem>>
      %dma_wait3A_2125 = tpu.memref_squeeze %dma_wait3A_2124 : memref<1x200x128xf32, #tpu.memory_space<vmem>> -> memref<200x128xf32, #tpu.memory_space<vmem>>
      tpu.wait_dma2 semaphore(%arg15 : memref<!tpu.dma_semaphore, #tpu.memory_space<semaphore_mem>>) src(%dma_wait3A_2125 : memref<200x128xf32, #tpu.memory_space<vmem>>) dst(%dma_wait3A_2121 : memref<200x128xf32, #tpu.memory_space<hbm>>)
      %dma_start3A_2126 = arith.constant 0 : i32
      %dma_start3A_2127 = arith.constant 1 : i32
      %dma_start3A_2128 = arith.constant 0 : i32
      %dma_start3A_2129 = arith.constant 0 : i32
      %dma_start3A_2130 = tpu.memref_slice %arg6[%dma_start3A_2127, %dma_start3A_2128, %dma_start3A_2129] : memref<4x200x128xf32, #tpu.memory_space<vmem>> -> memref<1x128x128xf32, #tpu.memory_space<vmem>>
      %dma_start3A_2131 = tpu.memref_squeeze %dma_start3A_2130 : memref<1x128x128xf32, #tpu.memory_space<vmem>> -> memref<128x128xf32, #tpu.memory_space<vmem>>
      %dma_start3A_2132 = arith.constant 0 : i32
      %dma_start3A_2133 = tpu.memref_slice %arg5[%dma_start3A_2126, %add3A_2065, %dma_start3A_2132] : memref<2x32x200xi32, #tpu.memory_space<vmem>> -> memref<1x1x128xi32, #tpu.memory_space<vmem>>
      %dma_start3A_2134 = tpu.memref_squeeze %dma_start3A_2133 : memref<1x1x128xi32, #tpu.memory_space<vmem>> -> memref<128xi32, #tpu.memory_space<vmem>>
      %dma_start3A_2135 = arith.constant 0 : i32
      %dma_start3A_2136 = arith.constant 0 : i32
      %dma_start3A_2137 = tpu.memref_slice %arg7[%dma_start3A_2135, %dma_start3A_2136] : memref<1000x128xf32, #tpu.memory_space<vmem_shared>> -> memref<1000x128xf32, #tpu.memory_space<vmem_shared>>
      tpu.enqueue_indirect_dma source(%dma_start3A_2137 : memref<1000x128xf32, #tpu.memory_space<vmem_shared>>) target(%dma_start3A_2131 : memref<128x128xf32, #tpu.memory_space<vmem>>) offsets(%dma_start3A_2134 : memref<128xi32, #tpu.memory_space<vmem>>) semaphore(%arg11 : memref<!tpu.dma_semaphore, #tpu.memory_space<semaphore_mem>>)
      %dma_start3A_2138 = arith.constant 0 : i32
      %dma_start3A_2139 = arith.constant 1 : i32
      %dma_start3A_2140 = arith.constant 128 : i32
      %dma_start3A_2141 = arith.constant 0 : i32
      %dma_start3A_2142 = tpu.memref_slice %arg6[%dma_start3A_2139, %dma_start3A_2140, %dma_start3A_2141] : memref<4x200x128xf32, #tpu.memory_space<vmem>> -> memref<1x72x128xf32, #tpu.memory_space<vmem>>
      %dma_start3A_2143 = tpu.memref_squeeze %dma_start3A_2142 : memref<1x72x128xf32, #tpu.memory_space<vmem>> -> memref<72x128xf32, #tpu.memory_space<vmem>>
      %dma_start3A_2144 = arith.constant 128 : i32
      %dma_start3A_2145 = tpu.memref_slice %arg5[%dma_start3A_2138, %add3A_2065, %dma_start3A_2144] : memref<2x32x200xi32, #tpu.memory_space<vmem>> -> memref<1x1x72xi32, #tpu.memory_space<vmem>>
      %dma_start3A_2146 = tpu.memref_squeeze %dma_start3A_2145 : memref<1x1x72xi32, #tpu.memory_space<vmem>> -> memref<72xi32, #tpu.memory_space<vmem>>
      %dma_start3A_2147 = arith.constant 0 : i32
      %dma_start3A_2148 = arith.constant 0 : i32
      %dma_start3A_2149 = tpu.memref_slice %arg7[%dma_start3A_2147, %dma_start3A_2148] : memref<1000x128xf32, #tpu.memory_space<vmem_shared>> -> memref<1000x128xf32, #tpu.memory_space<vmem_shared>>
      tpu.enqueue_indirect_dma source(%dma_start3A_2149 : memref<1000x128xf32, #tpu.memory_space<vmem_shared>>) target(%dma_start3A_2143 : memref<72x128xf32, #tpu.memory_space<vmem>>) offsets(%dma_start3A_2146 : memref<72xi32, #tpu.memory_space<vmem>>) semaphore(%arg11 : memref<!tpu.dma_semaphore, #tpu.memory_space<semaphore_mem>>)
    }
    %scan3A_1132 = arith.constant 7 : i32
    %dma_wait3A_1133 = arith.constant 0 : i32
    %dma_wait3A_1134 = arith.constant 28 : i32
    %dma_wait3A_1135 = arith.constant 0 : i32
    %dma_wait3A_1136 = arith.constant 0 : i32
    %dma_wait3A_1137 = arith.constant 0 : i32
    %dma_wait3A_1138 = tpu.memref_slice %arg6[%dma_wait3A_1135, %dma_wait3A_1136, %dma_wait3A_1137] : memref<4x200x128xf32, #tpu.memory_space<vmem>> -> memref<1x128x128xf32, #tpu.memory_space<vmem>>
    %dma_wait3A_1139 = tpu.memref_squeeze %dma_wait3A_1138 : memref<1x128x128xf32, #tpu.memory_space<vmem>> -> memref<128x128xf32, #tpu.memory_space<vmem>>
    %dma_wait3A_1140 = arith.constant 0 : i32
    %dma_wait3A_1141 = tpu.memref_slice %arg5[%dma_wait3A_1133, %dma_wait3A_1134, %dma_wait3A_1140] : memref<2x32x200xi32, #tpu.memory_space<vmem>> -> memref<1x1x128xi32, #tpu.memory_space<vmem>>
    %dma_wait3A_1142 = tpu.memref_squeeze %dma_wait3A_1141 : memref<1x1x128xi32, #tpu.memory_space<vmem>> -> memref<128xi32, #tpu.memory_space<vmem>>
    %dma_wait3A_1143 = arith.constant 0 : i32
    %dma_wait3A_1144 = arith.constant 0 : i32
    %dma_wait3A_1145 = tpu.memref_slice %arg7[%dma_wait3A_1143, %dma_wait3A_1144] : memref<1000x128xf32, #tpu.memory_space<vmem_shared>> -> memref<1000x128xf32, #tpu.memory_space<vmem_shared>>
    tpu.wait_indirect_dma semaphore(%arg10 : memref<!tpu.dma_semaphore, #tpu.memory_space<semaphore_mem>>) src(%dma_wait3A_1145 : memref<1000x128xf32, #tpu.memory_space<vmem_shared>>) dst(%dma_wait3A_1139 : memref<128x128xf32, #tpu.memory_space<vmem>>)
    %dma_wait3A_1146 = arith.constant 0 : i32
    %dma_wait3A_1147 = arith.constant 28 : i32
    %dma_wait3A_1148 = arith.constant 0 : i32
    %dma_wait3A_1149 = arith.constant 128 : i32
    %dma_wait3A_1150 = arith.constant 0 : i32
    %dma_wait3A_1151 = tpu.memref_slice %arg6[%dma_wait3A_1148, %dma_wait3A_1149, %dma_wait3A_1150] : memref<4x200x128xf32, #tpu.memory_space<vmem>> -> memref<1x72x128xf32, #tpu.memory_space<vmem>>
    %dma_wait3A_1152 = tpu.memref_squeeze %dma_wait3A_1151 : memref<1x72x128xf32, #tpu.memory_space<vmem>> -> memref<72x128xf32, #tpu.memory_space<vmem>>
    %dma_wait3A_1153 = arith.constant 128 : i32
    %dma_wait3A_1154 = tpu.memref_slice %arg5[%dma_wait3A_1146, %dma_wait3A_1147, %dma_wait3A_1153] : memref<2x32x200xi32, #tpu.memory_space<vmem>> -> memref<1x1x72xi32, #tpu.memory_space<vmem>>
    %dma_wait3A_1155 = tpu.memref_squeeze %dma_wait3A_1154 : memref<1x1x72xi32, #tpu.memory_space<vmem>> -> memref<72xi32, #tpu.memory_space<vmem>>
    %dma_wait3A_1156 = arith.constant 0 : i32
    %dma_wait3A_1157 = arith.constant 0 : i32
    %dma_wait3A_1158 = tpu.memref_slice %arg7[%dma_wait3A_1156, %dma_wait3A_1157] : memref<1000x128xf32, #tpu.memory_space<vmem_shared>> -> memref<1000x128xf32, #tpu.memory_space<vmem_shared>>
    tpu.wait_indirect_dma semaphore(%arg10 : memref<!tpu.dma_semaphore, #tpu.memory_space<semaphore_mem>>) src(%dma_wait3A_1158 : memref<1000x128xf32, #tpu.memory_space<vmem_shared>>) dst(%dma_wait3A_1152 : memref<72x128xf32, #tpu.memory_space<vmem>>)
    %add3A_1159 = arith.constant 18400 : i32
    %add3A_1160 = arith.addi %mul3A_2, %add3A_1159 : i32
    %dma_start3A_1161 = arith.constant 0 : i32
    %dma_start3A_1162 = arith.constant 0 : i32
    %dma_start3A_1163 = arith.constant 0 : i32
    %dma_start3A_1164 = tpu.memref_slice %arg6[%dma_start3A_1161, %dma_start3A_1162, %dma_start3A_1163] : memref<4x200x128xf32, #tpu.memory_space<vmem>> -> memref<1x200x128xf32, #tpu.memory_space<vmem>>
    %dma_start3A_1165 = tpu.memref_squeeze %dma_start3A_1164 : memref<1x200x128xf32, #tpu.memory_space<vmem>> -> memref<200x128xf32, #tpu.memory_space<vmem>>
    %dma_start3A_1166 = arith.constant 0 : i32
    %dma_start3A_1167 = tpu.memref_slice %arg4[%add3A_1160, %dma_start3A_1166] : memref<819200x128xf32, #tpu.memory_space<hbm>> -> memref<200x128xf32, #tpu.memory_space<hbm>>
    %dma_start3A_1168 = arith.constant 0 : i32
    %dma_start3A_1169 = tpu.memref_slice %arg4[%add3A_1160, %dma_start3A_1168] : memref<819200x128xf32, #tpu.memory_space<hbm>> -> memref<200x128xf32, #tpu.memory_space<hbm>>
    %dma_start3A_1170 = arith.constant 0 : i32
    %dma_start3A_1171 = arith.constant 0 : i32
    %dma_start3A_1172 = tpu.memref_slice %arg6[%dma_start3A_1161, %dma_start3A_1170, %dma_start3A_1171] : memref<4x200x128xf32, #tpu.memory_space<vmem>> -> memref<1x200x128xf32, #tpu.memory_space<vmem>>
    %dma_start3A_1173 = tpu.memref_squeeze %dma_start3A_1172 : memref<1x200x128xf32, #tpu.memory_space<vmem>> -> memref<200x128xf32, #tpu.memory_space<vmem>>
    tpu.enqueue_dma source(%dma_start3A_1173 : memref<200x128xf32, #tpu.memory_space<vmem>>) target(%dma_start3A_1169 : memref<200x128xf32, #tpu.memory_space<hbm>>) target_semaphore(%arg14 : memref<!tpu.dma_semaphore, #tpu.memory_space<semaphore_mem>>)
    %add3A_1174 = arith.constant 18000 : i32
    %add3A_1175 = arith.addi %mul3A_2, %add3A_1174 : i32
    %dma_wait3A_1176 = arith.constant 2 : i32
    %dma_wait3A_1177 = arith.constant 0 : i32
    %dma_wait3A_1178 = arith.constant 0 : i32
    %dma_wait3A_1179 = tpu.memref_slice %arg6[%dma_wait3A_1176, %dma_wait3A_1177, %dma_wait3A_1178] : memref<4x200x128xf32, #tpu.memory_space<vmem>> -> memref<1x200x128xf32, #tpu.memory_space<vmem>>
    %dma_wait3A_1180 = tpu.memref_squeeze %dma_wait3A_1179 : memref<1x200x128xf32, #tpu.memory_space<vmem>> -> memref<200x128xf32, #tpu.memory_space<vmem>>
    %dma_wait3A_1181 = arith.constant 0 : i32
    %dma_wait3A_1182 = tpu.memref_slice %arg4[%add3A_1175, %dma_wait3A_1181] : memref<819200x128xf32, #tpu.memory_space<hbm>> -> memref<200x128xf32, #tpu.memory_space<hbm>>
    %dma_wait3A_1183 = arith.constant 0 : i32
    %dma_wait3A_1184 = tpu.memref_slice %arg4[%add3A_1175, %dma_wait3A_1183] : memref<819200x128xf32, #tpu.memory_space<hbm>> -> memref<200x128xf32, #tpu.memory_space<hbm>>
    %dma_wait3A_1185 = arith.constant 0 : i32
    %dma_wait3A_1186 = arith.constant 0 : i32
    %dma_wait3A_1187 = tpu.memref_slice %arg6[%dma_wait3A_1176, %dma_wait3A_1185, %dma_wait3A_1186] : memref<4x200x128xf32, #tpu.memory_space<vmem>> -> memref<1x200x128xf32, #tpu.memory_space<vmem>>
    %dma_wait3A_1188 = tpu.memref_squeeze %dma_wait3A_1187 : memref<1x200x128xf32, #tpu.memory_space<vmem>> -> memref<200x128xf32, #tpu.memory_space<vmem>>
    tpu.wait_dma2 semaphore(%arg16 : memref<!tpu.dma_semaphore, #tpu.memory_space<semaphore_mem>>) src(%dma_wait3A_1188 : memref<200x128xf32, #tpu.memory_space<vmem>>) dst(%dma_wait3A_1184 : memref<200x128xf32, #tpu.memory_space<hbm>>)
    %dma_start3A_1189 = arith.constant 0 : i32
    %dma_start3A_1190 = arith.constant 30 : i32
    %dma_start3A_1191 = arith.constant 2 : i32
    %dma_start3A_1192 = arith.constant 0 : i32
    %dma_start3A_1193 = arith.constant 0 : i32
    %dma_start3A_1194 = tpu.memref_slice %arg6[%dma_start3A_1191, %dma_start3A_1192, %dma_start3A_1193] : memref<4x200x128xf32, #tpu.memory_space<vmem>> -> memref<1x128x128xf32, #tpu.memory_space<vmem>>
    %dma_start3A_1195 = tpu.memref_squeeze %dma_start3A_1194 : memref<1x128x128xf32, #tpu.memory_space<vmem>> -> memref<128x128xf32, #tpu.memory_space<vmem>>
    %dma_start3A_1196 = arith.constant 0 : i32
    %dma_start3A_1197 = tpu.memref_slice %arg5[%dma_start3A_1189, %dma_start3A_1190, %dma_start3A_1196] : memref<2x32x200xi32, #tpu.memory_space<vmem>> -> memref<1x1x128xi32, #tpu.memory_space<vmem>>
    %dma_start3A_1198 = tpu.memref_squeeze %dma_start3A_1197 : memref<1x1x128xi32, #tpu.memory_space<vmem>> -> memref<128xi32, #tpu.memory_space<vmem>>
    %dma_start3A_1199 = arith.constant 0 : i32
    %dma_start3A_1200 = arith.constant 0 : i32
    %dma_start3A_1201 = tpu.memref_slice %arg7[%dma_start3A_1199, %dma_start3A_1200] : memref<1000x128xf32, #tpu.memory_space<vmem_shared>> -> memref<1000x128xf32, #tpu.memory_space<vmem_shared>>
    tpu.enqueue_indirect_dma source(%dma_start3A_1201 : memref<1000x128xf32, #tpu.memory_space<vmem_shared>>) target(%dma_start3A_1195 : memref<128x128xf32, #tpu.memory_space<vmem>>) offsets(%dma_start3A_1198 : memref<128xi32, #tpu.memory_space<vmem>>) semaphore(%arg12 : memref<!tpu.dma_semaphore, #tpu.memory_space<semaphore_mem>>)
    %dma_start3A_1202 = arith.constant 0 : i32
    %dma_start3A_1203 = arith.constant 30 : i32
    %dma_start3A_1204 = arith.constant 2 : i32
    %dma_start3A_1205 = arith.constant 128 : i32
    %dma_start3A_1206 = arith.constant 0 : i32
    %dma_start3A_1207 = tpu.memref_slice %arg6[%dma_start3A_1204, %dma_start3A_1205, %dma_start3A_1206] : memref<4x200x128xf32, #tpu.memory_space<vmem>> -> memref<1x72x128xf32, #tpu.memory_space<vmem>>
    %dma_start3A_1208 = tpu.memref_squeeze %dma_start3A_1207 : memref<1x72x128xf32, #tpu.memory_space<vmem>> -> memref<72x128xf32, #tpu.memory_space<vmem>>
    %dma_start3A_1209 = arith.constant 128 : i32
    %dma_start3A_1210 = tpu.memref_slice %arg5[%dma_start3A_1202, %dma_start3A_1203, %dma_start3A_1209] : memref<2x32x200xi32, #tpu.memory_space<vmem>> -> memref<1x1x72xi32, #tpu.memory_space<vmem>>
    %dma_start3A_1211 = tpu.memref_squeeze %dma_start3A_1210 : memref<1x1x72xi32, #tpu.memory_space<vmem>> -> memref<72xi32, #tpu.memory_space<vmem>>
    %dma_start3A_1212 = arith.constant 0 : i32
    %dma_start3A_1213 = arith.constant 0 : i32
    %dma_start3A_1214 = tpu.memref_slice %arg7[%dma_start3A_1212, %dma_start3A_1213] : memref<1000x128xf32, #tpu.memory_space<vmem_shared>> -> memref<1000x128xf32, #tpu.memory_space<vmem_shared>>
    tpu.enqueue_indirect_dma source(%dma_start3A_1214 : memref<1000x128xf32, #tpu.memory_space<vmem_shared>>) target(%dma_start3A_1208 : memref<72x128xf32, #tpu.memory_space<vmem>>) offsets(%dma_start3A_1211 : memref<72xi32, #tpu.memory_space<vmem>>) semaphore(%arg12 : memref<!tpu.dma_semaphore, #tpu.memory_space<semaphore_mem>>)
    %dma_wait3A_1215 = arith.constant 0 : i32
    %dma_wait3A_1216 = arith.constant 29 : i32
    %dma_wait3A_1217 = arith.constant 1 : i32
    %dma_wait3A_1218 = arith.constant 0 : i32
    %dma_wait3A_1219 = arith.constant 0 : i32
    %dma_wait3A_1220 = tpu.memref_slice %arg6[%dma_wait3A_1217, %dma_wait3A_1218, %dma_wait3A_1219] : memref<4x200x128xf32, #tpu.memory_space<vmem>> -> memref<1x128x128xf32, #tpu.memory_space<vmem>>
    %dma_wait3A_1221 = tpu.memref_squeeze %dma_wait3A_1220 : memref<1x128x128xf32, #tpu.memory_space<vmem>> -> memref<128x128xf32, #tpu.memory_space<vmem>>
    %dma_wait3A_1222 = arith.constant 0 : i32
    %dma_wait3A_1223 = tpu.memref_slice %arg5[%dma_wait3A_1215, %dma_wait3A_1216, %dma_wait3A_1222] : memref<2x32x200xi32, #tpu.memory_space<vmem>> -> memref<1x1x128xi32, #tpu.memory_space<vmem>>
    %dma_wait3A_1224 = tpu.memref_squeeze %dma_wait3A_1223 : memref<1x1x128xi32, #tpu.memory_space<vmem>> -> memref<128xi32, #tpu.memory_space<vmem>>
    %dma_wait3A_1225 = arith.constant 0 : i32
    %dma_wait3A_1226 = arith.constant 0 : i32
    %dma_wait3A_1227 = tpu.memref_slice %arg7[%dma_wait3A_1225, %dma_wait3A_1226] : memref<1000x128xf32, #tpu.memory_space<vmem_shared>> -> memref<1000x128xf32, #tpu.memory_space<vmem_shared>>
    tpu.wait_indirect_dma semaphore(%arg11 : memref<!tpu.dma_semaphore, #tpu.memory_space<semaphore_mem>>) src(%dma_wait3A_1227 : memref<1000x128xf32, #tpu.memory_space<vmem_shared>>) dst(%dma_wait3A_1221 : memref<128x128xf32, #tpu.memory_space<vmem>>)
    %dma_wait3A_1228 = arith.constant 0 : i32
    %dma_wait3A_1229 = arith.constant 29 : i32
    %dma_wait3A_1230 = arith.constant 1 : i32
    %dma_wait3A_1231 = arith.constant 128 : i32
    %dma_wait3A_1232 = arith.constant 0 : i32
    %dma_wait3A_1233 = tpu.memref_slice %arg6[%dma_wait3A_1230, %dma_wait3A_1231, %dma_wait3A_1232] : memref<4x200x128xf32, #tpu.memory_space<vmem>> -> memref<1x72x128xf32, #tpu.memory_space<vmem>>
    %dma_wait3A_1234 = tpu.memref_squeeze %dma_wait3A_1233 : memref<1x72x128xf32, #tpu.memory_space<vmem>> -> memref<72x128xf32, #tpu.memory_space<vmem>>
    %dma_wait3A_1235 = arith.constant 128 : i32
    %dma_wait3A_1236 = tpu.memref_slice %arg5[%dma_wait3A_1228, %dma_wait3A_1229, %dma_wait3A_1235] : memref<2x32x200xi32, #tpu.memory_space<vmem>> -> memref<1x1x72xi32, #tpu.memory_space<vmem>>
    %dma_wait3A_1237 = tpu.memref_squeeze %dma_wait3A_1236 : memref<1x1x72xi32, #tpu.memory_space<vmem>> -> memref<72xi32, #tpu.memory_space<vmem>>
    %dma_wait3A_1238 = arith.constant 0 : i32
    %dma_wait3A_1239 = arith.constant 0 : i32
    %dma_wait3A_1240 = tpu.memref_slice %arg7[%dma_wait3A_1238, %dma_wait3A_1239] : memref<1000x128xf32, #tpu.memory_space<vmem_shared>> -> memref<1000x128xf32, #tpu.memory_space<vmem_shared>>
    tpu.wait_indirect_dma semaphore(%arg11 : memref<!tpu.dma_semaphore, #tpu.memory_space<semaphore_mem>>) src(%dma_wait3A_1240 : memref<1000x128xf32, #tpu.memory_space<vmem_shared>>) dst(%dma_wait3A_1234 : memref<72x128xf32, #tpu.memory_space<vmem>>)
    %add3A_1241 = arith.constant 18600 : i32
    %add3A_1242 = arith.addi %mul3A_2, %add3A_1241 : i32
    %dma_start3A_1243 = arith.constant 1 : i32
    %dma_start3A_1244 = arith.constant 0 : i32
    %dma_start3A_1245 = arith.constant 0 : i32
    %dma_start3A_1246 = tpu.memref_slice %arg6[%dma_start3A_1243, %dma_start3A_1244, %dma_start3A_1245] : memref<4x200x128xf32, #tpu.memory_space<vmem>> -> memref<1x200x128xf32, #tpu.memory_space<vmem>>
    %dma_start3A_1247 = tpu.memref_squeeze %dma_start3A_1246 : memref<1x200x128xf32, #tpu.memory_space<vmem>> -> memref<200x128xf32, #tpu.memory_space<vmem>>
    %dma_start3A_1248 = arith.constant 0 : i32
    %dma_start3A_1249 = tpu.memref_slice %arg4[%add3A_1242, %dma_start3A_1248] : memref<819200x128xf32, #tpu.memory_space<hbm>> -> memref<200x128xf32, #tpu.memory_space<hbm>>
    %dma_start3A_1250 = arith.constant 0 : i32
    %dma_start3A_1251 = tpu.memref_slice %arg4[%add3A_1242, %dma_start3A_1250] : memref<819200x128xf32, #tpu.memory_space<hbm>> -> memref<200x128xf32, #tpu.memory_space<hbm>>
    %dma_start3A_1252 = arith.constant 0 : i32
    %dma_start3A_1253 = arith.constant 0 : i32
    %dma_start3A_1254 = tpu.memref_slice %arg6[%dma_start3A_1243, %dma_start3A_1252, %dma_start3A_1253] : memref<4x200x128xf32, #tpu.memory_space<vmem>> -> memref<1x200x128xf32, #tpu.memory_space<vmem>>
    %dma_start3A_1255 = tpu.memref_squeeze %dma_start3A_1254 : memref<1x200x128xf32, #tpu.memory_space<vmem>> -> memref<200x128xf32, #tpu.memory_space<vmem>>
    tpu.enqueue_dma source(%dma_start3A_1255 : memref<200x128xf32, #tpu.memory_space<vmem>>) target(%dma_start3A_1251 : memref<200x128xf32, #tpu.memory_space<hbm>>) target_semaphore(%arg15 : memref<!tpu.dma_semaphore, #tpu.memory_space<semaphore_mem>>)
    %add3A_1256 = arith.constant 18200 : i32
    %add3A_1257 = arith.addi %mul3A_2, %add3A_1256 : i32
    %dma_wait3A_1258 = arith.constant 3 : i32
    %dma_wait3A_1259 = arith.constant 0 : i32
    %dma_wait3A_1260 = arith.constant 0 : i32
    %dma_wait3A_1261 = tpu.memref_slice %arg6[%dma_wait3A_1258, %dma_wait3A_1259, %dma_wait3A_1260] : memref<4x200x128xf32, #tpu.memory_space<vmem>> -> memref<1x200x128xf32, #tpu.memory_space<vmem>>
    %dma_wait3A_1262 = tpu.memref_squeeze %dma_wait3A_1261 : memref<1x200x128xf32, #tpu.memory_space<vmem>> -> memref<200x128xf32, #tpu.memory_space<vmem>>
    %dma_wait3A_1263 = arith.constant 0 : i32
    %dma_wait3A_1264 = tpu.memref_slice %arg4[%add3A_1257, %dma_wait3A_1263] : memref<819200x128xf32, #tpu.memory_space<hbm>> -> memref<200x128xf32, #tpu.memory_space<hbm>>
    %dma_wait3A_1265 = arith.constant 0 : i32
    %dma_wait3A_1266 = tpu.memref_slice %arg4[%add3A_1257, %dma_wait3A_1265] : memref<819200x128xf32, #tpu.memory_space<hbm>> -> memref<200x128xf32, #tpu.memory_space<hbm>>
    %dma_wait3A_1267 = arith.constant 0 : i32
    %dma_wait3A_1268 = arith.constant 0 : i32
    %dma_wait3A_1269 = tpu.memref_slice %arg6[%dma_wait3A_1258, %dma_wait3A_1267, %dma_wait3A_1268] : memref<4x200x128xf32, #tpu.memory_space<vmem>> -> memref<1x200x128xf32, #tpu.memory_space<vmem>>
    %dma_wait3A_1270 = tpu.memref_squeeze %dma_wait3A_1269 : memref<1x200x128xf32, #tpu.memory_space<vmem>> -> memref<200x128xf32, #tpu.memory_space<vmem>>
    tpu.wait_dma2 semaphore(%arg17 : memref<!tpu.dma_semaphore, #tpu.memory_space<semaphore_mem>>) src(%dma_wait3A_1270 : memref<200x128xf32, #tpu.memory_space<vmem>>) dst(%dma_wait3A_1266 : memref<200x128xf32, #tpu.memory_space<hbm>>)
    %dma_start3A_1271 = arith.constant 0 : i32
    %dma_start3A_1272 = arith.constant 31 : i32
    %dma_start3A_1273 = arith.constant 3 : i32
    %dma_start3A_1274 = arith.constant 0 : i32
    %dma_start3A_1275 = arith.constant 0 : i32
    %dma_start3A_1276 = tpu.memref_slice %arg6[%dma_start3A_1273, %dma_start3A_1274, %dma_start3A_1275] : memref<4x200x128xf32, #tpu.memory_space<vmem>> -> memref<1x128x128xf32, #tpu.memory_space<vmem>>
    %dma_start3A_1277 = tpu.memref_squeeze %dma_start3A_1276 : memref<1x128x128xf32, #tpu.memory_space<vmem>> -> memref<128x128xf32, #tpu.memory_space<vmem>>
    %dma_start3A_1278 = arith.constant 0 : i32
    %dma_start3A_1279 = tpu.memref_slice %arg5[%dma_start3A_1271, %dma_start3A_1272, %dma_start3A_1278] : memref<2x32x200xi32, #tpu.memory_space<vmem>> -> memref<1x1x128xi32, #tpu.memory_space<vmem>>
    %dma_start3A_1280 = tpu.memref_squeeze %dma_start3A_1279 : memref<1x1x128xi32, #tpu.memory_space<vmem>> -> memref<128xi32, #tpu.memory_space<vmem>>
    %dma_start3A_1281 = arith.constant 0 : i32
    %dma_start3A_1282 = arith.constant 0 : i32
    %dma_start3A_1283 = tpu.memref_slice %arg7[%dma_start3A_1281, %dma_start3A_1282] : memref<1000x128xf32, #tpu.memory_space<vmem_shared>> -> memref<1000x128xf32, #tpu.memory_space<vmem_shared>>
    tpu.enqueue_indirect_dma source(%dma_start3A_1283 : memref<1000x128xf32, #tpu.memory_space<vmem_shared>>) target(%dma_start3A_1277 : memref<128x128xf32, #tpu.memory_space<vmem>>) offsets(%dma_start3A_1280 : memref<128xi32, #tpu.memory_space<vmem>>) semaphore(%arg13 : memref<!tpu.dma_semaphore, #tpu.memory_space<semaphore_mem>>)
    %dma_start3A_1284 = arith.constant 0 : i32
    %dma_start3A_1285 = arith.constant 31 : i32
    %dma_start3A_1286 = arith.constant 3 : i32
    %dma_start3A_1287 = arith.constant 128 : i32
    %dma_start3A_1288 = arith.constant 0 : i32
    %dma_start3A_1289 = tpu.memref_slice %arg6[%dma_start3A_1286, %dma_start3A_1287, %dma_start3A_1288] : memref<4x200x128xf32, #tpu.memory_space<vmem>> -> memref<1x72x128xf32, #tpu.memory_space<vmem>>
    %dma_start3A_1290 = tpu.memref_squeeze %dma_start3A_1289 : memref<1x72x128xf32, #tpu.memory_space<vmem>> -> memref<72x128xf32, #tpu.memory_space<vmem>>
    %dma_start3A_1291 = arith.constant 128 : i32
    %dma_start3A_1292 = tpu.memref_slice %arg5[%dma_start3A_1284, %dma_start3A_1285, %dma_start3A_1291] : memref<2x32x200xi32, #tpu.memory_space<vmem>> -> memref<1x1x72xi32, #tpu.memory_space<vmem>>
    %dma_start3A_1293 = tpu.memref_squeeze %dma_start3A_1292 : memref<1x1x72xi32, #tpu.memory_space<vmem>> -> memref<72xi32, #tpu.memory_space<vmem>>
    %dma_start3A_1294 = arith.constant 0 : i32
    %dma_start3A_1295 = arith.constant 0 : i32
    %dma_start3A_1296 = tpu.memref_slice %arg7[%dma_start3A_1294, %dma_start3A_1295] : memref<1000x128xf32, #tpu.memory_space<vmem_shared>> -> memref<1000x128xf32, #tpu.memory_space<vmem_shared>>
    tpu.enqueue_indirect_dma source(%dma_start3A_1296 : memref<1000x128xf32, #tpu.memory_space<vmem_shared>>) target(%dma_start3A_1290 : memref<72x128xf32, #tpu.memory_space<vmem>>) offsets(%dma_start3A_1293 : memref<72xi32, #tpu.memory_space<vmem>>) semaphore(%arg13 : memref<!tpu.dma_semaphore, #tpu.memory_space<semaphore_mem>>)
    %add3A_1297 = arith.constant 96 : i32
    %add3A_1298 = arith.addi %mul3A_4, %add3A_1297 : i32
    %dma_wait3A_1299 = arith.constant 1 : i32
    %dma_wait3A_1300 = arith.constant 0 : i32
    %dma_wait3A_1301 = arith.constant 0 : i32
    %dma_wait3A_1302 = tpu.memref_slice %arg5[%dma_wait3A_1299, %dma_wait3A_1300, %dma_wait3A_1301] : memref<2x32x200xi32, #tpu.memory_space<vmem>> -> memref<1x32x200xi32, #tpu.memory_space<vmem>>
    %dma_wait3A_1303 = tpu.memref_squeeze %dma_wait3A_1302 : memref<1x32x200xi32, #tpu.memory_space<vmem>> -> memref<32x200xi32, #tpu.memory_space<vmem>>
    %dma_wait3A_1304 = arith.constant 0 : i32
    %dma_wait3A_1305 = tpu.memref_slice %arg2[%add3A_1298, %dma_wait3A_1304] : memref<4096x200xi32, #tpu.memory_space<hbm>> -> memref<32x200xi32, #tpu.memory_space<hbm>>
    %dma_wait3A_1306 = arith.constant 0 : i32
    %dma_wait3A_1307 = arith.constant 0 : i32
    %dma_wait3A_1308 = tpu.memref_slice %arg5[%dma_wait3A_1299, %dma_wait3A_1306, %dma_wait3A_1307] : memref<2x32x200xi32, #tpu.memory_space<vmem>> -> memref<1x32x200xi32, #tpu.memory_space<vmem>>
    %dma_wait3A_1309 = tpu.memref_squeeze %dma_wait3A_1308 : memref<1x32x200xi32, #tpu.memory_space<vmem>> -> memref<32x200xi32, #tpu.memory_space<vmem>>
    %dma_wait3A_1310 = arith.constant 0 : i32
    %dma_wait3A_1311 = tpu.memref_slice %arg2[%add3A_1298, %dma_wait3A_1310] : memref<4096x200xi32, #tpu.memory_space<hbm>> -> memref<32x200xi32, #tpu.memory_space<hbm>>
    tpu.wait_dma2 semaphore(%arg9 : memref<!tpu.dma_semaphore, #tpu.memory_space<semaphore_mem>>) src(%dma_wait3A_1311 : memref<32x200xi32, #tpu.memory_space<hbm>>) dst(%dma_wait3A_1309 : memref<32x200xi32, #tpu.memory_space<vmem>>)
    %dma_wait3A_1312 = arith.constant 0 : i32
    %dma_wait3A_1313 = arith.constant 30 : i32
    %dma_wait3A_1314 = arith.constant 2 : i32
    %dma_wait3A_1315 = arith.constant 0 : i32
    %dma_wait3A_1316 = arith.constant 0 : i32
    %dma_wait3A_1317 = tpu.memref_slice %arg6[%dma_wait3A_1314, %dma_wait3A_1315, %dma_wait3A_1316] : memref<4x200x128xf32, #tpu.memory_space<vmem>> -> memref<1x128x128xf32, #tpu.memory_space<vmem>>
    %dma_wait3A_1318 = tpu.memref_squeeze %dma_wait3A_1317 : memref<1x128x128xf32, #tpu.memory_space<vmem>> -> memref<128x128xf32, #tpu.memory_space<vmem>>
    %dma_wait3A_1319 = arith.constant 0 : i32
    %dma_wait3A_1320 = tpu.memref_slice %arg5[%dma_wait3A_1312, %dma_wait3A_1313, %dma_wait3A_1319] : memref<2x32x200xi32, #tpu.memory_space<vmem>> -> memref<1x1x128xi32, #tpu.memory_space<vmem>>
    %dma_wait3A_1321 = tpu.memref_squeeze %dma_wait3A_1320 : memref<1x1x128xi32, #tpu.memory_space<vmem>> -> memref<128xi32, #tpu.memory_space<vmem>>
    %dma_wait3A_1322 = arith.constant 0 : i32
    %dma_wait3A_1323 = arith.constant 0 : i32
    %dma_wait3A_1324 = tpu.memref_slice %arg7[%dma_wait3A_1322, %dma_wait3A_1323] : memref<1000x128xf32, #tpu.memory_space<vmem_shared>> -> memref<1000x128xf32, #tpu.memory_space<vmem_shared>>
    tpu.wait_indirect_dma semaphore(%arg12 : memref<!tpu.dma_semaphore, #tpu.memory_space<semaphore_mem>>) src(%dma_wait3A_1324 : memref<1000x128xf32, #tpu.memory_space<vmem_shared>>) dst(%dma_wait3A_1318 : memref<128x128xf32, #tpu.memory_space<vmem>>)
    %dma_wait3A_1325 = arith.constant 0 : i32
    %dma_wait3A_1326 = arith.constant 30 : i32
    %dma_wait3A_1327 = arith.constant 2 : i32
    %dma_wait3A_1328 = arith.constant 128 : i32
    %dma_wait3A_1329 = arith.constant 0 : i32
    %dma_wait3A_1330 = tpu.memref_slice %arg6[%dma_wait3A_1327, %dma_wait3A_1328, %dma_wait3A_1329] : memref<4x200x128xf32, #tpu.memory_space<vmem>> -> memref<1x72x128xf32, #tpu.memory_space<vmem>>
    %dma_wait3A_1331 = tpu.memref_squeeze %dma_wait3A_1330 : memref<1x72x128xf32, #tpu.memory_space<vmem>> -> memref<72x128xf32, #tpu.memory_space<vmem>>
    %dma_wait3A_1332 = arith.constant 128 : i32
    %dma_wait3A_1333 = tpu.memref_slice %arg5[%dma_wait3A_1325, %dma_wait3A_1326, %dma_wait3A_1332] : memref<2x32x200xi32, #tpu.memory_space<vmem>> -> memref<1x1x72xi32, #tpu.memory_space<vmem>>
    %dma_wait3A_1334 = tpu.memref_squeeze %dma_wait3A_1333 : memref<1x1x72xi32, #tpu.memory_space<vmem>> -> memref<72xi32, #tpu.memory_space<vmem>>
    %dma_wait3A_1335 = arith.constant 0 : i32
    %dma_wait3A_1336 = arith.constant 0 : i32
    %dma_wait3A_1337 = tpu.memref_slice %arg7[%dma_wait3A_1335, %dma_wait3A_1336] : memref<1000x128xf32, #tpu.memory_space<vmem_shared>> -> memref<1000x128xf32, #tpu.memory_space<vmem_shared>>
    tpu.wait_indirect_dma semaphore(%arg12 : memref<!tpu.dma_semaphore, #tpu.memory_space<semaphore_mem>>) src(%dma_wait3A_1337 : memref<1000x128xf32, #tpu.memory_space<vmem_shared>>) dst(%dma_wait3A_1331 : memref<72x128xf32, #tpu.memory_space<vmem>>)
    %add3A_1338 = arith.constant 18800 : i32
    %add3A_1339 = arith.addi %mul3A_2, %add3A_1338 : i32
    %dma_start3A_1340 = arith.constant 2 : i32
    %dma_start3A_1341 = arith.constant 0 : i32
    %dma_start3A_1342 = arith.constant 0 : i32
    %dma_start3A_1343 = tpu.memref_slice %arg6[%dma_start3A_1340, %dma_start3A_1341, %dma_start3A_1342] : memref<4x200x128xf32, #tpu.memory_space<vmem>> -> memref<1x200x128xf32, #tpu.memory_space<vmem>>
    %dma_start3A_1344 = tpu.memref_squeeze %dma_start3A_1343 : memref<1x200x128xf32, #tpu.memory_space<vmem>> -> memref<200x128xf32, #tpu.memory_space<vmem>>
    %dma_start3A_1345 = arith.constant 0 : i32
    %dma_start3A_1346 = tpu.memref_slice %arg4[%add3A_1339, %dma_start3A_1345] : memref<819200x128xf32, #tpu.memory_space<hbm>> -> memref<200x128xf32, #tpu.memory_space<hbm>>
    %dma_start3A_1347 = arith.constant 0 : i32
    %dma_start3A_1348 = tpu.memref_slice %arg4[%add3A_1339, %dma_start3A_1347] : memref<819200x128xf32, #tpu.memory_space<hbm>> -> memref<200x128xf32, #tpu.memory_space<hbm>>
    %dma_start3A_1349 = arith.constant 0 : i32
    %dma_start3A_1350 = arith.constant 0 : i32
    %dma_start3A_1351 = tpu.memref_slice %arg6[%dma_start3A_1340, %dma_start3A_1349, %dma_start3A_1350] : memref<4x200x128xf32, #tpu.memory_space<vmem>> -> memref<1x200x128xf32, #tpu.memory_space<vmem>>
    %dma_start3A_1352 = tpu.memref_squeeze %dma_start3A_1351 : memref<1x200x128xf32, #tpu.memory_space<vmem>> -> memref<200x128xf32, #tpu.memory_space<vmem>>
    tpu.enqueue_dma source(%dma_start3A_1352 : memref<200x128xf32, #tpu.memory_space<vmem>>) target(%dma_start3A_1348 : memref<200x128xf32, #tpu.memory_space<hbm>>) target_semaphore(%arg16 : memref<!tpu.dma_semaphore, #tpu.memory_space<semaphore_mem>>)
    %add3A_1353 = arith.constant 18400 : i32
    %add3A_1354 = arith.addi %mul3A_2, %add3A_1353 : i32
    %dma_wait3A_1355 = arith.constant 0 : i32
    %dma_wait3A_1356 = arith.constant 0 : i32
    %dma_wait3A_1357 = arith.constant 0 : i32
    %dma_wait3A_1358 = tpu.memref_slice %arg6[%dma_wait3A_1355, %dma_wait3A_1356, %dma_wait3A_1357] : memref<4x200x128xf32, #tpu.memory_space<vmem>> -> memref<1x200x128xf32, #tpu.memory_space<vmem>>
    %dma_wait3A_1359 = tpu.memref_squeeze %dma_wait3A_1358 : memref<1x200x128xf32, #tpu.memory_space<vmem>> -> memref<200x128xf32, #tpu.memory_space<vmem>>
    %dma_wait3A_1360 = arith.constant 0 : i32
    %dma_wait3A_1361 = tpu.memref_slice %arg4[%add3A_1354, %dma_wait3A_1360] : memref<819200x128xf32, #tpu.memory_space<hbm>> -> memref<200x128xf32, #tpu.memory_space<hbm>>
    %dma_wait3A_1362 = arith.constant 0 : i32
    %dma_wait3A_1363 = tpu.memref_slice %arg4[%add3A_1354, %dma_wait3A_1362] : memref<819200x128xf32, #tpu.memory_space<hbm>> -> memref<200x128xf32, #tpu.memory_space<hbm>>
    %dma_wait3A_1364 = arith.constant 0 : i32
    %dma_wait3A_1365 = arith.constant 0 : i32
    %dma_wait3A_1366 = tpu.memref_slice %arg6[%dma_wait3A_1355, %dma_wait3A_1364, %dma_wait3A_1365] : memref<4x200x128xf32, #tpu.memory_space<vmem>> -> memref<1x200x128xf32, #tpu.memory_space<vmem>>
    %dma_wait3A_1367 = tpu.memref_squeeze %dma_wait3A_1366 : memref<1x200x128xf32, #tpu.memory_space<vmem>> -> memref<200x128xf32, #tpu.memory_space<vmem>>
    tpu.wait_dma2 semaphore(%arg14 : memref<!tpu.dma_semaphore, #tpu.memory_space<semaphore_mem>>) src(%dma_wait3A_1367 : memref<200x128xf32, #tpu.memory_space<vmem>>) dst(%dma_wait3A_1363 : memref<200x128xf32, #tpu.memory_space<hbm>>)
    %dma_start3A_1368 = arith.constant 1 : i32
    %dma_start3A_1369 = arith.constant 0 : i32
    %dma_start3A_1370 = arith.constant 0 : i32
    %dma_start3A_1371 = arith.constant 0 : i32
    %dma_start3A_1372 = arith.constant 0 : i32
    %dma_start3A_1373 = tpu.memref_slice %arg6[%dma_start3A_1370, %dma_start3A_1371, %dma_start3A_1372] : memref<4x200x128xf32, #tpu.memory_space<vmem>> -> memref<1x128x128xf32, #tpu.memory_space<vmem>>
    %dma_start3A_1374 = tpu.memref_squeeze %dma_start3A_1373 : memref<1x128x128xf32, #tpu.memory_space<vmem>> -> memref<128x128xf32, #tpu.memory_space<vmem>>
    %dma_start3A_1375 = arith.constant 0 : i32
    %dma_start3A_1376 = tpu.memref_slice %arg5[%dma_start3A_1368, %dma_start3A_1369, %dma_start3A_1375] : memref<2x32x200xi32, #tpu.memory_space<vmem>> -> memref<1x1x128xi32, #tpu.memory_space<vmem>>
    %dma_start3A_1377 = tpu.memref_squeeze %dma_start3A_1376 : memref<1x1x128xi32, #tpu.memory_space<vmem>> -> memref<128xi32, #tpu.memory_space<vmem>>
    %dma_start3A_1378 = arith.constant 0 : i32
    %dma_start3A_1379 = arith.constant 0 : i32
    %dma_start3A_1380 = tpu.memref_slice %arg7[%dma_start3A_1378, %dma_start3A_1379] : memref<1000x128xf32, #tpu.memory_space<vmem_shared>> -> memref<1000x128xf32, #tpu.memory_space<vmem_shared>>
    tpu.enqueue_indirect_dma source(%dma_start3A_1380 : memref<1000x128xf32, #tpu.memory_space<vmem_shared>>) target(%dma_start3A_1374 : memref<128x128xf32, #tpu.memory_space<vmem>>) offsets(%dma_start3A_1377 : memref<128xi32, #tpu.memory_space<vmem>>) semaphore(%arg10 : memref<!tpu.dma_semaphore, #tpu.memory_space<semaphore_mem>>)
    %dma_start3A_1381 = arith.constant 1 : i32
    %dma_start3A_1382 = arith.constant 0 : i32
    %dma_start3A_1383 = arith.constant 0 : i32
    %dma_start3A_1384 = arith.constant 128 : i32
    %dma_start3A_1385 = arith.constant 0 : i32
    %dma_start3A_1386 = tpu.memref_slice %arg6[%dma_start3A_1383, %dma_start3A_1384, %dma_start3A_1385] : memref<4x200x128xf32, #tpu.memory_space<vmem>> -> memref<1x72x128xf32, #tpu.memory_space<vmem>>
    %dma_start3A_1387 = tpu.memref_squeeze %dma_start3A_1386 : memref<1x72x128xf32, #tpu.memory_space<vmem>> -> memref<72x128xf32, #tpu.memory_space<vmem>>
    %dma_start3A_1388 = arith.constant 128 : i32
    %dma_start3A_1389 = tpu.memref_slice %arg5[%dma_start3A_1381, %dma_start3A_1382, %dma_start3A_1388] : memref<2x32x200xi32, #tpu.memory_space<vmem>> -> memref<1x1x72xi32, #tpu.memory_space<vmem>>
    %dma_start3A_1390 = tpu.memref_squeeze %dma_start3A_1389 : memref<1x1x72xi32, #tpu.memory_space<vmem>> -> memref<72xi32, #tpu.memory_space<vmem>>
    %dma_start3A_1391 = arith.constant 0 : i32
    %dma_start3A_1392 = arith.constant 0 : i32
    %dma_start3A_1393 = tpu.memref_slice %arg7[%dma_start3A_1391, %dma_start3A_1392] : memref<1000x128xf32, #tpu.memory_space<vmem_shared>> -> memref<1000x128xf32, #tpu.memory_space<vmem_shared>>
    tpu.enqueue_indirect_dma source(%dma_start3A_1393 : memref<1000x128xf32, #tpu.memory_space<vmem_shared>>) target(%dma_start3A_1387 : memref<72x128xf32, #tpu.memory_space<vmem>>) offsets(%dma_start3A_1390 : memref<72xi32, #tpu.memory_space<vmem>>) semaphore(%arg10 : memref<!tpu.dma_semaphore, #tpu.memory_space<semaphore_mem>>)
    %dma_wait3A_1394 = arith.constant 0 : i32
    %dma_wait3A_1395 = arith.constant 31 : i32
    %dma_wait3A_1396 = arith.constant 3 : i32
    %dma_wait3A_1397 = arith.constant 0 : i32
    %dma_wait3A_1398 = arith.constant 0 : i32
    %dma_wait3A_1399 = tpu.memref_slice %arg6[%dma_wait3A_1396, %dma_wait3A_1397, %dma_wait3A_1398] : memref<4x200x128xf32, #tpu.memory_space<vmem>> -> memref<1x128x128xf32, #tpu.memory_space<vmem>>
    %dma_wait3A_1400 = tpu.memref_squeeze %dma_wait3A_1399 : memref<1x128x128xf32, #tpu.memory_space<vmem>> -> memref<128x128xf32, #tpu.memory_space<vmem>>
    %dma_wait3A_1401 = arith.constant 0 : i32
    %dma_wait3A_1402 = tpu.memref_slice %arg5[%dma_wait3A_1394, %dma_wait3A_1395, %dma_wait3A_1401] : memref<2x32x200xi32, #tpu.memory_space<vmem>> -> memref<1x1x128xi32, #tpu.memory_space<vmem>>
    %dma_wait3A_1403 = tpu.memref_squeeze %dma_wait3A_1402 : memref<1x1x128xi32, #tpu.memory_space<vmem>> -> memref<128xi32, #tpu.memory_space<vmem>>
    %dma_wait3A_1404 = arith.constant 0 : i32
    %dma_wait3A_1405 = arith.constant 0 : i32
    %dma_wait3A_1406 = tpu.memref_slice %arg7[%dma_wait3A_1404, %dma_wait3A_1405] : memref<1000x128xf32, #tpu.memory_space<vmem_shared>> -> memref<1000x128xf32, #tpu.memory_space<vmem_shared>>
    tpu.wait_indirect_dma semaphore(%arg13 : memref<!tpu.dma_semaphore, #tpu.memory_space<semaphore_mem>>) src(%dma_wait3A_1406 : memref<1000x128xf32, #tpu.memory_space<vmem_shared>>) dst(%dma_wait3A_1400 : memref<128x128xf32, #tpu.memory_space<vmem>>)
    %dma_wait3A_1407 = arith.constant 0 : i32
    %dma_wait3A_1408 = arith.constant 31 : i32
    %dma_wait3A_1409 = arith.constant 3 : i32
    %dma_wait3A_1410 = arith.constant 128 : i32
    %dma_wait3A_1411 = arith.constant 0 : i32
    %dma_wait3A_1412 = tpu.memref_slice %arg6[%dma_wait3A_1409, %dma_wait3A_1410, %dma_wait3A_1411] : memref<4x200x128xf32, #tpu.memory_space<vmem>> -> memref<1x72x128xf32, #tpu.memory_space<vmem>>
    %dma_wait3A_1413 = tpu.memref_squeeze %dma_wait3A_1412 : memref<1x72x128xf32, #tpu.memory_space<vmem>> -> memref<72x128xf32, #tpu.memory_space<vmem>>
    %dma_wait3A_1414 = arith.constant 128 : i32
    %dma_wait3A_1415 = tpu.memref_slice %arg5[%dma_wait3A_1407, %dma_wait3A_1408, %dma_wait3A_1414] : memref<2x32x200xi32, #tpu.memory_space<vmem>> -> memref<1x1x72xi32, #tpu.memory_space<vmem>>
    %dma_wait3A_1416 = tpu.memref_squeeze %dma_wait3A_1415 : memref<1x1x72xi32, #tpu.memory_space<vmem>> -> memref<72xi32, #tpu.memory_space<vmem>>
    %dma_wait3A_1417 = arith.constant 0 : i32
    %dma_wait3A_1418 = arith.constant 0 : i32
    %dma_wait3A_1419 = tpu.memref_slice %arg7[%dma_wait3A_1417, %dma_wait3A_1418] : memref<1000x128xf32, #tpu.memory_space<vmem_shared>> -> memref<1000x128xf32, #tpu.memory_space<vmem_shared>>
    tpu.wait_indirect_dma semaphore(%arg13 : memref<!tpu.dma_semaphore, #tpu.memory_space<semaphore_mem>>) src(%dma_wait3A_1419 : memref<1000x128xf32, #tpu.memory_space<vmem_shared>>) dst(%dma_wait3A_1413 : memref<72x128xf32, #tpu.memory_space<vmem>>)
    %add3A_1420 = arith.constant 19000 : i32
    %add3A_1421 = arith.addi %mul3A_2, %add3A_1420 : i32
    %dma_start3A_1422 = arith.constant 3 : i32
    %dma_start3A_1423 = arith.constant 0 : i32
    %dma_start3A_1424 = arith.constant 0 : i32
    %dma_start3A_1425 = tpu.memref_slice %arg6[%dma_start3A_1422, %dma_start3A_1423, %dma_start3A_1424] : memref<4x200x128xf32, #tpu.memory_space<vmem>> -> memref<1x200x128xf32, #tpu.memory_space<vmem>>
    %dma_start3A_1426 = tpu.memref_squeeze %dma_start3A_1425 : memref<1x200x128xf32, #tpu.memory_space<vmem>> -> memref<200x128xf32, #tpu.memory_space<vmem>>
    %dma_start3A_1427 = arith.constant 0 : i32
    %dma_start3A_1428 = tpu.memref_slice %arg4[%add3A_1421, %dma_start3A_1427] : memref<819200x128xf32, #tpu.memory_space<hbm>> -> memref<200x128xf32, #tpu.memory_space<hbm>>
    %dma_start3A_1429 = arith.constant 0 : i32
    %dma_start3A_1430 = tpu.memref_slice %arg4[%add3A_1421, %dma_start3A_1429] : memref<819200x128xf32, #tpu.memory_space<hbm>> -> memref<200x128xf32, #tpu.memory_space<hbm>>
    %dma_start3A_1431 = arith.constant 0 : i32
    %dma_start3A_1432 = arith.constant 0 : i32
    %dma_start3A_1433 = tpu.memref_slice %arg6[%dma_start3A_1422, %dma_start3A_1431, %dma_start3A_1432] : memref<4x200x128xf32, #tpu.memory_space<vmem>> -> memref<1x200x128xf32, #tpu.memory_space<vmem>>
    %dma_start3A_1434 = tpu.memref_squeeze %dma_start3A_1433 : memref<1x200x128xf32, #tpu.memory_space<vmem>> -> memref<200x128xf32, #tpu.memory_space<vmem>>
    tpu.enqueue_dma source(%dma_start3A_1434 : memref<200x128xf32, #tpu.memory_space<vmem>>) target(%dma_start3A_1430 : memref<200x128xf32, #tpu.memory_space<hbm>>) target_semaphore(%arg17 : memref<!tpu.dma_semaphore, #tpu.memory_space<semaphore_mem>>)
    %add3A_1435 = arith.constant 18600 : i32
    %add3A_1436 = arith.addi %mul3A_2, %add3A_1435 : i32
    %dma_wait3A_1437 = arith.constant 1 : i32
    %dma_wait3A_1438 = arith.constant 0 : i32
    %dma_wait3A_1439 = arith.constant 0 : i32
    %dma_wait3A_1440 = tpu.memref_slice %arg6[%dma_wait3A_1437, %dma_wait3A_1438, %dma_wait3A_1439] : memref<4x200x128xf32, #tpu.memory_space<vmem>> -> memref<1x200x128xf32, #tpu.memory_space<vmem>>
    %dma_wait3A_1441 = tpu.memref_squeeze %dma_wait3A_1440 : memref<1x200x128xf32, #tpu.memory_space<vmem>> -> memref<200x128xf32, #tpu.memory_space<vmem>>
    %dma_wait3A_1442 = arith.constant 0 : i32
    %dma_wait3A_1443 = tpu.memref_slice %arg4[%add3A_1436, %dma_wait3A_1442] : memref<819200x128xf32, #tpu.memory_space<hbm>> -> memref<200x128xf32, #tpu.memory_space<hbm>>
    %dma_wait3A_1444 = arith.constant 0 : i32
    %dma_wait3A_1445 = tpu.memref_slice %arg4[%add3A_1436, %dma_wait3A_1444] : memref<819200x128xf32, #tpu.memory_space<hbm>> -> memref<200x128xf32, #tpu.memory_space<hbm>>
    %dma_wait3A_1446 = arith.constant 0 : i32
    %dma_wait3A_1447 = arith.constant 0 : i32
    %dma_wait3A_1448 = tpu.memref_slice %arg6[%dma_wait3A_1437, %dma_wait3A_1446, %dma_wait3A_1447] : memref<4x200x128xf32, #tpu.memory_space<vmem>> -> memref<1x200x128xf32, #tpu.memory_space<vmem>>
    %dma_wait3A_1449 = tpu.memref_squeeze %dma_wait3A_1448 : memref<1x200x128xf32, #tpu.memory_space<vmem>> -> memref<200x128xf32, #tpu.memory_space<vmem>>
    tpu.wait_dma2 semaphore(%arg15 : memref<!tpu.dma_semaphore, #tpu.memory_space<semaphore_mem>>) src(%dma_wait3A_1449 : memref<200x128xf32, #tpu.memory_space<vmem>>) dst(%dma_wait3A_1445 : memref<200x128xf32, #tpu.memory_space<hbm>>)
    %dma_start3A_1450 = arith.constant 1 : i32
    %dma_start3A_1451 = arith.constant 1 : i32
    %dma_start3A_1452 = arith.constant 1 : i32
    %dma_start3A_1453 = arith.constant 0 : i32
    %dma_start3A_1454 = arith.constant 0 : i32
    %dma_start3A_1455 = tpu.memref_slice %arg6[%dma_start3A_1452, %dma_start3A_1453, %dma_start3A_1454] : memref<4x200x128xf32, #tpu.memory_space<vmem>> -> memref<1x128x128xf32, #tpu.memory_space<vmem>>
    %dma_start3A_1456 = tpu.memref_squeeze %dma_start3A_1455 : memref<1x128x128xf32, #tpu.memory_space<vmem>> -> memref<128x128xf32, #tpu.memory_space<vmem>>
    %dma_start3A_1457 = arith.constant 0 : i32
    %dma_start3A_1458 = tpu.memref_slice %arg5[%dma_start3A_1450, %dma_start3A_1451, %dma_start3A_1457] : memref<2x32x200xi32, #tpu.memory_space<vmem>> -> memref<1x1x128xi32, #tpu.memory_space<vmem>>
    %dma_start3A_1459 = tpu.memref_squeeze %dma_start3A_1458 : memref<1x1x128xi32, #tpu.memory_space<vmem>> -> memref<128xi32, #tpu.memory_space<vmem>>
    %dma_start3A_1460 = arith.constant 0 : i32
    %dma_start3A_1461 = arith.constant 0 : i32
    %dma_start3A_1462 = tpu.memref_slice %arg7[%dma_start3A_1460, %dma_start3A_1461] : memref<1000x128xf32, #tpu.memory_space<vmem_shared>> -> memref<1000x128xf32, #tpu.memory_space<vmem_shared>>
    tpu.enqueue_indirect_dma source(%dma_start3A_1462 : memref<1000x128xf32, #tpu.memory_space<vmem_shared>>) target(%dma_start3A_1456 : memref<128x128xf32, #tpu.memory_space<vmem>>) offsets(%dma_start3A_1459 : memref<128xi32, #tpu.memory_space<vmem>>) semaphore(%arg11 : memref<!tpu.dma_semaphore, #tpu.memory_space<semaphore_mem>>)
    %dma_start3A_1463 = arith.constant 1 : i32
    %dma_start3A_1464 = arith.constant 1 : i32
    %dma_start3A_1465 = arith.constant 1 : i32
    %dma_start3A_1466 = arith.constant 128 : i32
    %dma_start3A_1467 = arith.constant 0 : i32
    %dma_start3A_1468 = tpu.memref_slice %arg6[%dma_start3A_1465, %dma_start3A_1466, %dma_start3A_1467] : memref<4x200x128xf32, #tpu.memory_space<vmem>> -> memref<1x72x128xf32, #tpu.memory_space<vmem>>
    %dma_start3A_1469 = tpu.memref_squeeze %dma_start3A_1468 : memref<1x72x128xf32, #tpu.memory_space<vmem>> -> memref<72x128xf32, #tpu.memory_space<vmem>>
    %dma_start3A_1470 = arith.constant 128 : i32
    %dma_start3A_1471 = tpu.memref_slice %arg5[%dma_start3A_1463, %dma_start3A_1464, %dma_start3A_1470] : memref<2x32x200xi32, #tpu.memory_space<vmem>> -> memref<1x1x72xi32, #tpu.memory_space<vmem>>
    %dma_start3A_1472 = tpu.memref_squeeze %dma_start3A_1471 : memref<1x1x72xi32, #tpu.memory_space<vmem>> -> memref<72xi32, #tpu.memory_space<vmem>>
    %dma_start3A_1473 = arith.constant 0 : i32
    %dma_start3A_1474 = arith.constant 0 : i32
    %dma_start3A_1475 = tpu.memref_slice %arg7[%dma_start3A_1473, %dma_start3A_1474] : memref<1000x128xf32, #tpu.memory_space<vmem_shared>> -> memref<1000x128xf32, #tpu.memory_space<vmem_shared>>
    tpu.enqueue_indirect_dma source(%dma_start3A_1475 : memref<1000x128xf32, #tpu.memory_space<vmem_shared>>) target(%dma_start3A_1469 : memref<72x128xf32, #tpu.memory_space<vmem>>) offsets(%dma_start3A_1472 : memref<72xi32, #tpu.memory_space<vmem>>) semaphore(%arg11 : memref<!tpu.dma_semaphore, #tpu.memory_space<semaphore_mem>>)
    %scan3A_1476 = arith.constant 0 : i32
    %scan3A_1477 = arith.constant 0 : i32
    %scan3A_1478 = arith.constant 7 : i32
    %scan3A_1479 = arith.addi %scan3A_1477, %scan3A_1478 : i32
    %scan3A_1480 = arith.constant 1 : i32
    scf.for %scan3A_1788 = %scan3A_1477 to %scan3A_1479 step %scan3A_1480  : i32 {
      %mul3A_1789 = arith.constant 4 : i32
      %mul3A_1790 = arith.muli %scan3A_1788, %mul3A_1789 : i32
      %add3A_1791 = arith.constant 0 : i32
      %add3A_1792 = arith.addi %mul3A_1790, %add3A_1791 : i32
      %add3A_1793 = arith.constant 0 : i32
      %add3A_1794 = arith.addi %mul3A_1790, %add3A_1793 : i32
      %add3A_1795 = arith.constant 2 : i32
      %add3A_1796 = arith.addi %add3A_1794, %add3A_1795 : i32
      %add3A_1797 = arith.constant 96 : i32
      %add3A_1798 = arith.addi %add3A_1797, %add3A_1792 : i32
      %dma_wait3A_1799 = arith.constant 1 : i32
      %dma_wait3A_1800 = arith.constant 0 : i32
      %dma_wait3A_1801 = arith.constant 0 : i32
      %dma_wait3A_1802 = arith.constant 0 : i32
      %dma_wait3A_1803 = tpu.memref_slice %arg6[%dma_wait3A_1800, %dma_wait3A_1801, %dma_wait3A_1802] : memref<4x200x128xf32, #tpu.memory_space<vmem>> -> memref<1x128x128xf32, #tpu.memory_space<vmem>>
      %dma_wait3A_1804 = tpu.memref_squeeze %dma_wait3A_1803 : memref<1x128x128xf32, #tpu.memory_space<vmem>> -> memref<128x128xf32, #tpu.memory_space<vmem>>
      %dma_wait3A_1805 = arith.constant 0 : i32
      %dma_wait3A_1806 = tpu.memref_slice %arg5[%dma_wait3A_1799, %add3A_1792, %dma_wait3A_1805] : memref<2x32x200xi32, #tpu.memory_space<vmem>> -> memref<1x1x128xi32, #tpu.memory_space<vmem>>
      %dma_wait3A_1807 = tpu.memref_squeeze %dma_wait3A_1806 : memref<1x1x128xi32, #tpu.memory_space<vmem>> -> memref<128xi32, #tpu.memory_space<vmem>>
      %dma_wait3A_1808 = arith.constant 0 : i32
      %dma_wait3A_1809 = arith.constant 0 : i32
      %dma_wait3A_1810 = tpu.memref_slice %arg7[%dma_wait3A_1808, %dma_wait3A_1809] : memref<1000x128xf32, #tpu.memory_space<vmem_shared>> -> memref<1000x128xf32, #tpu.memory_space<vmem_shared>>
      tpu.wait_indirect_dma semaphore(%arg10 : memref<!tpu.dma_semaphore, #tpu.memory_space<semaphore_mem>>) src(%dma_wait3A_1810 : memref<1000x128xf32, #tpu.memory_space<vmem_shared>>) dst(%dma_wait3A_1804 : memref<128x128xf32, #tpu.memory_space<vmem>>)
      %dma_wait3A_1811 = arith.constant 1 : i32
      %dma_wait3A_1812 = arith.constant 0 : i32
      %dma_wait3A_1813 = arith.constant 128 : i32
      %dma_wait3A_1814 = arith.constant 0 : i32
      %dma_wait3A_1815 = tpu.memref_slice %arg6[%dma_wait3A_1812, %dma_wait3A_1813, %dma_wait3A_1814] : memref<4x200x128xf32, #tpu.memory_space<vmem>> -> memref<1x72x128xf32, #tpu.memory_space<vmem>>
      %dma_wait3A_1816 = tpu.memref_squeeze %dma_wait3A_1815 : memref<1x72x128xf32, #tpu.memory_space<vmem>> -> memref<72x128xf32, #tpu.memory_space<vmem>>
      %dma_wait3A_1817 = arith.constant 128 : i32
      %dma_wait3A_1818 = tpu.memref_slice %arg5[%dma_wait3A_1811, %add3A_1792, %dma_wait3A_1817] : memref<2x32x200xi32, #tpu.memory_space<vmem>> -> memref<1x1x72xi32, #tpu.memory_space<vmem>>
      %dma_wait3A_1819 = tpu.memref_squeeze %dma_wait3A_1818 : memref<1x1x72xi32, #tpu.memory_space<vmem>> -> memref<72xi32, #tpu.memory_space<vmem>>
      %dma_wait3A_1820 = arith.constant 0 : i32
      %dma_wait3A_1821 = arith.constant 0 : i32
      %dma_wait3A_1822 = tpu.memref_slice %arg7[%dma_wait3A_1820, %dma_wait3A_1821] : memref<1000x128xf32, #tpu.memory_space<vmem_shared>> -> memref<1000x128xf32, #tpu.memory_space<vmem_shared>>
      tpu.wait_indirect_dma semaphore(%arg10 : memref<!tpu.dma_semaphore, #tpu.memory_space<semaphore_mem>>) src(%dma_wait3A_1822 : memref<1000x128xf32, #tpu.memory_space<vmem_shared>>) dst(%dma_wait3A_1816 : memref<72x128xf32, #tpu.memory_space<vmem>>)
      %mul3A_1823 = arith.constant 200 : i32
      %mul3A_1824 = arith.muli %add3A_1798, %mul3A_1823 : i32
      %add3A_1825 = arith.addi %mul3A_2, %mul3A_1824 : i32
      %dma_start3A_1826 = arith.constant 0 : i32
      %dma_start3A_1827 = arith.constant 0 : i32
      %dma_start3A_1828 = arith.constant 0 : i32
      %dma_start3A_1829 = tpu.memref_slice %arg6[%dma_start3A_1826, %dma_start3A_1827, %dma_start3A_1828] : memref<4x200x128xf32, #tpu.memory_space<vmem>> -> memref<1x200x128xf32, #tpu.memory_space<vmem>>
      %dma_start3A_1830 = tpu.memref_squeeze %dma_start3A_1829 : memref<1x200x128xf32, #tpu.memory_space<vmem>> -> memref<200x128xf32, #tpu.memory_space<vmem>>
      %dma_start3A_1831 = arith.constant 0 : i32
      %dma_start3A_1832 = tpu.memref_slice %arg4[%add3A_1825, %dma_start3A_1831] : memref<819200x128xf32, #tpu.memory_space<hbm>> -> memref<200x128xf32, #tpu.memory_space<hbm>>
      %dma_start3A_1833 = arith.constant 0 : i32
      %dma_start3A_1834 = tpu.memref_slice %arg4[%add3A_1825, %dma_start3A_1833] : memref<819200x128xf32, #tpu.memory_space<hbm>> -> memref<200x128xf32, #tpu.memory_space<hbm>>
      %dma_start3A_1835 = arith.constant 0 : i32
      %dma_start3A_1836 = arith.constant 0 : i32
      %dma_start3A_1837 = tpu.memref_slice %arg6[%dma_start3A_1826, %dma_start3A_1835, %dma_start3A_1836] : memref<4x200x128xf32, #tpu.memory_space<vmem>> -> memref<1x200x128xf32, #tpu.memory_space<vmem>>
      %dma_start3A_1838 = tpu.memref_squeeze %dma_start3A_1837 : memref<1x200x128xf32, #tpu.memory_space<vmem>> -> memref<200x128xf32, #tpu.memory_space<vmem>>
      tpu.enqueue_dma source(%dma_start3A_1838 : memref<200x128xf32, #tpu.memory_space<vmem>>) target(%dma_start3A_1834 : memref<200x128xf32, #tpu.memory_space<hbm>>) target_semaphore(%arg14 : memref<!tpu.dma_semaphore, #tpu.memory_space<semaphore_mem>>)
      %sub3A = arith.constant 2 : i32
      %sub3A_1839 = arith.subi %add3A_1798, %sub3A : i32
      %mul3A_1840 = arith.constant 200 : i32
      %mul3A_1841 = arith.muli %sub3A_1839, %mul3A_1840 : i32
      %add3A_1842 = arith.addi %mul3A_2, %mul3A_1841 : i32
      %dma_wait3A_1843 = arith.constant 2 : i32
      %dma_wait3A_1844 = arith.constant 0 : i32
      %dma_wait3A_1845 = arith.constant 0 : i32
      %dma_wait3A_1846 = tpu.memref_slice %arg6[%dma_wait3A_1843, %dma_wait3A_1844, %dma_wait3A_1845] : memref<4x200x128xf32, #tpu.memory_space<vmem>> -> memref<1x200x128xf32, #tpu.memory_space<vmem>>
      %dma_wait3A_1847 = tpu.memref_squeeze %dma_wait3A_1846 : memref<1x200x128xf32, #tpu.memory_space<vmem>> -> memref<200x128xf32, #tpu.memory_space<vmem>>
      %dma_wait3A_1848 = arith.constant 0 : i32
      %dma_wait3A_1849 = tpu.memref_slice %arg4[%add3A_1842, %dma_wait3A_1848] : memref<819200x128xf32, #tpu.memory_space<hbm>> -> memref<200x128xf32, #tpu.memory_space<hbm>>
      %dma_wait3A_1850 = arith.constant 0 : i32
      %dma_wait3A_1851 = tpu.memref_slice %arg4[%add3A_1842, %dma_wait3A_1850] : memref<819200x128xf32, #tpu.memory_space<hbm>> -> memref<200x128xf32, #tpu.memory_space<hbm>>
      %dma_wait3A_1852 = arith.constant 0 : i32
      %dma_wait3A_1853 = arith.constant 0 : i32
      %dma_wait3A_1854 = tpu.memref_slice %arg6[%dma_wait3A_1843, %dma_wait3A_1852, %dma_wait3A_1853] : memref<4x200x128xf32, #tpu.memory_space<vmem>> -> memref<1x200x128xf32, #tpu.memory_space<vmem>>
      %dma_wait3A_1855 = tpu.memref_squeeze %dma_wait3A_1854 : memref<1x200x128xf32, #tpu.memory_space<vmem>> -> memref<200x128xf32, #tpu.memory_space<vmem>>
      tpu.wait_dma2 semaphore(%arg16 : memref<!tpu.dma_semaphore, #tpu.memory_space<semaphore_mem>>) src(%dma_wait3A_1855 : memref<200x128xf32, #tpu.memory_space<vmem>>) dst(%dma_wait3A_1851 : memref<200x128xf32, #tpu.memory_space<hbm>>)
      %dma_start3A_1856 = arith.constant 1 : i32
      %dma_start3A_1857 = arith.constant 2 : i32
      %dma_start3A_1858 = arith.constant 0 : i32
      %dma_start3A_1859 = arith.constant 0 : i32
      %dma_start3A_1860 = tpu.memref_slice %arg6[%dma_start3A_1857, %dma_start3A_1858, %dma_start3A_1859] : memref<4x200x128xf32, #tpu.memory_space<vmem>> -> memref<1x128x128xf32, #tpu.memory_space<vmem>>
      %dma_start3A_1861 = tpu.memref_squeeze %dma_start3A_1860 : memref<1x128x128xf32, #tpu.memory_space<vmem>> -> memref<128x128xf32, #tpu.memory_space<vmem>>
      %dma_start3A_1862 = arith.constant 0 : i32
      %dma_start3A_1863 = tpu.memref_slice %arg5[%dma_start3A_1856, %add3A_1796, %dma_start3A_1862] : memref<2x32x200xi32, #tpu.memory_space<vmem>> -> memref<1x1x128xi32, #tpu.memory_space<vmem>>
      %dma_start3A_1864 = tpu.memref_squeeze %dma_start3A_1863 : memref<1x1x128xi32, #tpu.memory_space<vmem>> -> memref<128xi32, #tpu.memory_space<vmem>>
      %dma_start3A_1865 = arith.constant 0 : i32
      %dma_start3A_1866 = arith.constant 0 : i32
      %dma_start3A_1867 = tpu.memref_slice %arg7[%dma_start3A_1865, %dma_start3A_1866] : memref<1000x128xf32, #tpu.memory_space<vmem_shared>> -> memref<1000x128xf32, #tpu.memory_space<vmem_shared>>
      tpu.enqueue_indirect_dma source(%dma_start3A_1867 : memref<1000x128xf32, #tpu.memory_space<vmem_shared>>) target(%dma_start3A_1861 : memref<128x128xf32, #tpu.memory_space<vmem>>) offsets(%dma_start3A_1864 : memref<128xi32, #tpu.memory_space<vmem>>) semaphore(%arg12 : memref<!tpu.dma_semaphore, #tpu.memory_space<semaphore_mem>>)
      %dma_start3A_1868 = arith.constant 1 : i32
      %dma_start3A_1869 = arith.constant 2 : i32
      %dma_start3A_1870 = arith.constant 128 : i32
      %dma_start3A_1871 = arith.constant 0 : i32
      %dma_start3A_1872 = tpu.memref_slice %arg6[%dma_start3A_1869, %dma_start3A_1870, %dma_start3A_1871] : memref<4x200x128xf32, #tpu.memory_space<vmem>> -> memref<1x72x128xf32, #tpu.memory_space<vmem>>
      %dma_start3A_1873 = tpu.memref_squeeze %dma_start3A_1872 : memref<1x72x128xf32, #tpu.memory_space<vmem>> -> memref<72x128xf32, #tpu.memory_space<vmem>>
      %dma_start3A_1874 = arith.constant 128 : i32
      %dma_start3A_1875 = tpu.memref_slice %arg5[%dma_start3A_1868, %add3A_1796, %dma_start3A_1874] : memref<2x32x200xi32, #tpu.memory_space<vmem>> -> memref<1x1x72xi32, #tpu.memory_space<vmem>>
      %dma_start3A_1876 = tpu.memref_squeeze %dma_start3A_1875 : memref<1x1x72xi32, #tpu.memory_space<vmem>> -> memref<72xi32, #tpu.memory_space<vmem>>
      %dma_start3A_1877 = arith.constant 0 : i32
      %dma_start3A_1878 = arith.constant 0 : i32
      %dma_start3A_1879 = tpu.memref_slice %arg7[%dma_start3A_1877, %dma_start3A_1878] : memref<1000x128xf32, #tpu.memory_space<vmem_shared>> -> memref<1000x128xf32, #tpu.memory_space<vmem_shared>>
      tpu.enqueue_indirect_dma source(%dma_start3A_1879 : memref<1000x128xf32, #tpu.memory_space<vmem_shared>>) target(%dma_start3A_1873 : memref<72x128xf32, #tpu.memory_space<vmem>>) offsets(%dma_start3A_1876 : memref<72xi32, #tpu.memory_space<vmem>>) semaphore(%arg12 : memref<!tpu.dma_semaphore, #tpu.memory_space<semaphore_mem>>)
      %add3A_1880 = arith.constant 1 : i32
      %add3A_1881 = arith.addi %mul3A_1790, %add3A_1880 : i32
      %add3A_1882 = arith.constant 1 : i32
      %add3A_1883 = arith.addi %mul3A_1790, %add3A_1882 : i32
      %add3A_1884 = arith.constant 2 : i32
      %add3A_1885 = arith.addi %add3A_1883, %add3A_1884 : i32
      %add3A_1886 = arith.constant 96 : i32
      %add3A_1887 = arith.addi %add3A_1886, %add3A_1881 : i32
      %dma_wait3A_1888 = arith.constant 1 : i32
      %dma_wait3A_1889 = arith.constant 1 : i32
      %dma_wait3A_1890 = arith.constant 0 : i32
      %dma_wait3A_1891 = arith.constant 0 : i32
      %dma_wait3A_1892 = tpu.memref_slice %arg6[%dma_wait3A_1889, %dma_wait3A_1890, %dma_wait3A_1891] : memref<4x200x128xf32, #tpu.memory_space<vmem>> -> memref<1x128x128xf32, #tpu.memory_space<vmem>>
      %dma_wait3A_1893 = tpu.memref_squeeze %dma_wait3A_1892 : memref<1x128x128xf32, #tpu.memory_space<vmem>> -> memref<128x128xf32, #tpu.memory_space<vmem>>
      %dma_wait3A_1894 = arith.constant 0 : i32
      %dma_wait3A_1895 = tpu.memref_slice %arg5[%dma_wait3A_1888, %add3A_1881, %dma_wait3A_1894] : memref<2x32x200xi32, #tpu.memory_space<vmem>> -> memref<1x1x128xi32, #tpu.memory_space<vmem>>
      %dma_wait3A_1896 = tpu.memref_squeeze %dma_wait3A_1895 : memref<1x1x128xi32, #tpu.memory_space<vmem>> -> memref<128xi32, #tpu.memory_space<vmem>>
      %dma_wait3A_1897 = arith.constant 0 : i32
      %dma_wait3A_1898 = arith.constant 0 : i32
      %dma_wait3A_1899 = tpu.memref_slice %arg7[%dma_wait3A_1897, %dma_wait3A_1898] : memref<1000x128xf32, #tpu.memory_space<vmem_shared>> -> memref<1000x128xf32, #tpu.memory_space<vmem_shared>>
      tpu.wait_indirect_dma semaphore(%arg11 : memref<!tpu.dma_semaphore, #tpu.memory_space<semaphore_mem>>) src(%dma_wait3A_1899 : memref<1000x128xf32, #tpu.memory_space<vmem_shared>>) dst(%dma_wait3A_1893 : memref<128x128xf32, #tpu.memory_space<vmem>>)
      %dma_wait3A_1900 = arith.constant 1 : i32
      %dma_wait3A_1901 = arith.constant 1 : i32
      %dma_wait3A_1902 = arith.constant 128 : i32
      %dma_wait3A_1903 = arith.constant 0 : i32
      %dma_wait3A_1904 = tpu.memref_slice %arg6[%dma_wait3A_1901, %dma_wait3A_1902, %dma_wait3A_1903] : memref<4x200x128xf32, #tpu.memory_space<vmem>> -> memref<1x72x128xf32, #tpu.memory_space<vmem>>
      %dma_wait3A_1905 = tpu.memref_squeeze %dma_wait3A_1904 : memref<1x72x128xf32, #tpu.memory_space<vmem>> -> memref<72x128xf32, #tpu.memory_space<vmem>>
      %dma_wait3A_1906 = arith.constant 128 : i32
      %dma_wait3A_1907 = tpu.memref_slice %arg5[%dma_wait3A_1900, %add3A_1881, %dma_wait3A_1906] : memref<2x32x200xi32, #tpu.memory_space<vmem>> -> memref<1x1x72xi32, #tpu.memory_space<vmem>>
      %dma_wait3A_1908 = tpu.memref_squeeze %dma_wait3A_1907 : memref<1x1x72xi32, #tpu.memory_space<vmem>> -> memref<72xi32, #tpu.memory_space<vmem>>
      %dma_wait3A_1909 = arith.constant 0 : i32
      %dma_wait3A_1910 = arith.constant 0 : i32
      %dma_wait3A_1911 = tpu.memref_slice %arg7[%dma_wait3A_1909, %dma_wait3A_1910] : memref<1000x128xf32, #tpu.memory_space<vmem_shared>> -> memref<1000x128xf32, #tpu.memory_space<vmem_shared>>
      tpu.wait_indirect_dma semaphore(%arg11 : memref<!tpu.dma_semaphore, #tpu.memory_space<semaphore_mem>>) src(%dma_wait3A_1911 : memref<1000x128xf32, #tpu.memory_space<vmem_shared>>) dst(%dma_wait3A_1905 : memref<72x128xf32, #tpu.memory_space<vmem>>)
      %mul3A_1912 = arith.constant 200 : i32
      %mul3A_1913 = arith.muli %add3A_1887, %mul3A_1912 : i32
      %add3A_1914 = arith.addi %mul3A_2, %mul3A_1913 : i32
      %dma_start3A_1915 = arith.constant 1 : i32
      %dma_start3A_1916 = arith.constant 0 : i32
      %dma_start3A_1917 = arith.constant 0 : i32
      %dma_start3A_1918 = tpu.memref_slice %arg6[%dma_start3A_1915, %dma_start3A_1916, %dma_start3A_1917] : memref<4x200x128xf32, #tpu.memory_space<vmem>> -> memref<1x200x128xf32, #tpu.memory_space<vmem>>
      %dma_start3A_1919 = tpu.memref_squeeze %dma_start3A_1918 : memref<1x200x128xf32, #tpu.memory_space<vmem>> -> memref<200x128xf32, #tpu.memory_space<vmem>>
      %dma_start3A_1920 = arith.constant 0 : i32
      %dma_start3A_1921 = tpu.memref_slice %arg4[%add3A_1914, %dma_start3A_1920] : memref<819200x128xf32, #tpu.memory_space<hbm>> -> memref<200x128xf32, #tpu.memory_space<hbm>>
      %dma_start3A_1922 = arith.constant 0 : i32
      %dma_start3A_1923 = tpu.memref_slice %arg4[%add3A_1914, %dma_start3A_1922] : memref<819200x128xf32, #tpu.memory_space<hbm>> -> memref<200x128xf32, #tpu.memory_space<hbm>>
      %dma_start3A_1924 = arith.constant 0 : i32
      %dma_start3A_1925 = arith.constant 0 : i32
      %dma_start3A_1926 = tpu.memref_slice %arg6[%dma_start3A_1915, %dma_start3A_1924, %dma_start3A_1925] : memref<4x200x128xf32, #tpu.memory_space<vmem>> -> memref<1x200x128xf32, #tpu.memory_space<vmem>>
      %dma_start3A_1927 = tpu.memref_squeeze %dma_start3A_1926 : memref<1x200x128xf32, #tpu.memory_space<vmem>> -> memref<200x128xf32, #tpu.memory_space<vmem>>
      tpu.enqueue_dma source(%dma_start3A_1927 : memref<200x128xf32, #tpu.memory_space<vmem>>) target(%dma_start3A_1923 : memref<200x128xf32, #tpu.memory_space<hbm>>) target_semaphore(%arg15 : memref<!tpu.dma_semaphore, #tpu.memory_space<semaphore_mem>>)
      %sub3A_1928 = arith.constant 2 : i32
      %sub3A_1929 = arith.subi %add3A_1887, %sub3A_1928 : i32
      %mul3A_1930 = arith.constant 200 : i32
      %mul3A_1931 = arith.muli %sub3A_1929, %mul3A_1930 : i32
      %add3A_1932 = arith.addi %mul3A_2, %mul3A_1931 : i32
      %dma_wait3A_1933 = arith.constant 3 : i32
      %dma_wait3A_1934 = arith.constant 0 : i32
      %dma_wait3A_1935 = arith.constant 0 : i32
      %dma_wait3A_1936 = tpu.memref_slice %arg6[%dma_wait3A_1933, %dma_wait3A_1934, %dma_wait3A_1935] : memref<4x200x128xf32, #tpu.memory_space<vmem>> -> memref<1x200x128xf32, #tpu.memory_space<vmem>>
      %dma_wait3A_1937 = tpu.memref_squeeze %dma_wait3A_1936 : memref<1x200x128xf32, #tpu.memory_space<vmem>> -> memref<200x128xf32, #tpu.memory_space<vmem>>
      %dma_wait3A_1938 = arith.constant 0 : i32
      %dma_wait3A_1939 = tpu.memref_slice %arg4[%add3A_1932, %dma_wait3A_1938] : memref<819200x128xf32, #tpu.memory_space<hbm>> -> memref<200x128xf32, #tpu.memory_space<hbm>>
      %dma_wait3A_1940 = arith.constant 0 : i32
      %dma_wait3A_1941 = tpu.memref_slice %arg4[%add3A_1932, %dma_wait3A_1940] : memref<819200x128xf32, #tpu.memory_space<hbm>> -> memref<200x128xf32, #tpu.memory_space<hbm>>
      %dma_wait3A_1942 = arith.constant 0 : i32
      %dma_wait3A_1943 = arith.constant 0 : i32
      %dma_wait3A_1944 = tpu.memref_slice %arg6[%dma_wait3A_1933, %dma_wait3A_1942, %dma_wait3A_1943] : memref<4x200x128xf32, #tpu.memory_space<vmem>> -> memref<1x200x128xf32, #tpu.memory_space<vmem>>
      %dma_wait3A_1945 = tpu.memref_squeeze %dma_wait3A_1944 : memref<1x200x128xf32, #tpu.memory_space<vmem>> -> memref<200x128xf32, #tpu.memory_space<vmem>>
      tpu.wait_dma2 semaphore(%arg17 : memref<!tpu.dma_semaphore, #tpu.memory_space<semaphore_mem>>) src(%dma_wait3A_1945 : memref<200x128xf32, #tpu.memory_space<vmem>>) dst(%dma_wait3A_1941 : memref<200x128xf32, #tpu.memory_space<hbm>>)
      %dma_start3A_1946 = arith.constant 1 : i32
      %dma_start3A_1947 = arith.constant 3 : i32
      %dma_start3A_1948 = arith.constant 0 : i32
      %dma_start3A_1949 = arith.constant 0 : i32
      %dma_start3A_1950 = tpu.memref_slice %arg6[%dma_start3A_1947, %dma_start3A_1948, %dma_start3A_1949] : memref<4x200x128xf32, #tpu.memory_space<vmem>> -> memref<1x128x128xf32, #tpu.memory_space<vmem>>
      %dma_start3A_1951 = tpu.memref_squeeze %dma_start3A_1950 : memref<1x128x128xf32, #tpu.memory_space<vmem>> -> memref<128x128xf32, #tpu.memory_space<vmem>>
      %dma_start3A_1952 = arith.constant 0 : i32
      %dma_start3A_1953 = tpu.memref_slice %arg5[%dma_start3A_1946, %add3A_1885, %dma_start3A_1952] : memref<2x32x200xi32, #tpu.memory_space<vmem>> -> memref<1x1x128xi32, #tpu.memory_space<vmem>>
      %dma_start3A_1954 = tpu.memref_squeeze %dma_start3A_1953 : memref<1x1x128xi32, #tpu.memory_space<vmem>> -> memref<128xi32, #tpu.memory_space<vmem>>
      %dma_start3A_1955 = arith.constant 0 : i32
      %dma_start3A_1956 = arith.constant 0 : i32
      %dma_start3A_1957 = tpu.memref_slice %arg7[%dma_start3A_1955, %dma_start3A_1956] : memref<1000x128xf32, #tpu.memory_space<vmem_shared>> -> memref<1000x128xf32, #tpu.memory_space<vmem_shared>>
      tpu.enqueue_indirect_dma source(%dma_start3A_1957 : memref<1000x128xf32, #tpu.memory_space<vmem_shared>>) target(%dma_start3A_1951 : memref<128x128xf32, #tpu.memory_space<vmem>>) offsets(%dma_start3A_1954 : memref<128xi32, #tpu.memory_space<vmem>>) semaphore(%arg13 : memref<!tpu.dma_semaphore, #tpu.memory_space<semaphore_mem>>)
      %dma_start3A_1958 = arith.constant 1 : i32
      %dma_start3A_1959 = arith.constant 3 : i32
      %dma_start3A_1960 = arith.constant 128 : i32
      %dma_start3A_1961 = arith.constant 0 : i32
      %dma_start3A_1962 = tpu.memref_slice %arg6[%dma_start3A_1959, %dma_start3A_1960, %dma_start3A_1961] : memref<4x200x128xf32, #tpu.memory_space<vmem>> -> memref<1x72x128xf32, #tpu.memory_space<vmem>>
      %dma_start3A_1963 = tpu.memref_squeeze %dma_start3A_1962 : memref<1x72x128xf32, #tpu.memory_space<vmem>> -> memref<72x128xf32, #tpu.memory_space<vmem>>
      %dma_start3A_1964 = arith.constant 128 : i32
      %dma_start3A_1965 = tpu.memref_slice %arg5[%dma_start3A_1958, %add3A_1885, %dma_start3A_1964] : memref<2x32x200xi32, #tpu.memory_space<vmem>> -> memref<1x1x72xi32, #tpu.memory_space<vmem>>
      %dma_start3A_1966 = tpu.memref_squeeze %dma_start3A_1965 : memref<1x1x72xi32, #tpu.memory_space<vmem>> -> memref<72xi32, #tpu.memory_space<vmem>>
      %dma_start3A_1967 = arith.constant 0 : i32
      %dma_start3A_1968 = arith.constant 0 : i32
      %dma_start3A_1969 = tpu.memref_slice %arg7[%dma_start3A_1967, %dma_start3A_1968] : memref<1000x128xf32, #tpu.memory_space<vmem_shared>> -> memref<1000x128xf32, #tpu.memory_space<vmem_shared>>
      tpu.enqueue_indirect_dma source(%dma_start3A_1969 : memref<1000x128xf32, #tpu.memory_space<vmem_shared>>) target(%dma_start3A_1963 : memref<72x128xf32, #tpu.memory_space<vmem>>) offsets(%dma_start3A_1966 : memref<72xi32, #tpu.memory_space<vmem>>) semaphore(%arg13 : memref<!tpu.dma_semaphore, #tpu.memory_space<semaphore_mem>>)
      %add3A_1970 = arith.constant 2 : i32
      %add3A_1971 = arith.addi %mul3A_1790, %add3A_1970 : i32
      %add3A_1972 = arith.constant 2 : i32
      %add3A_1973 = arith.addi %mul3A_1790, %add3A_1972 : i32
      %add3A_1974 = arith.constant 2 : i32
      %add3A_1975 = arith.addi %add3A_1973, %add3A_1974 : i32
      %add3A_1976 = arith.constant 96 : i32
      %add3A_1977 = arith.addi %add3A_1976, %add3A_1971 : i32
      %dma_wait3A_1978 = arith.constant 1 : i32
      %dma_wait3A_1979 = arith.constant 2 : i32
      %dma_wait3A_1980 = arith.constant 0 : i32
      %dma_wait3A_1981 = arith.constant 0 : i32
      %dma_wait3A_1982 = tpu.memref_slice %arg6[%dma_wait3A_1979, %dma_wait3A_1980, %dma_wait3A_1981] : memref<4x200x128xf32, #tpu.memory_space<vmem>> -> memref<1x128x128xf32, #tpu.memory_space<vmem>>
      %dma_wait3A_1983 = tpu.memref_squeeze %dma_wait3A_1982 : memref<1x128x128xf32, #tpu.memory_space<vmem>> -> memref<128x128xf32, #tpu.memory_space<vmem>>
      %dma_wait3A_1984 = arith.constant 0 : i32
      %dma_wait3A_1985 = tpu.memref_slice %arg5[%dma_wait3A_1978, %add3A_1971, %dma_wait3A_1984] : memref<2x32x200xi32, #tpu.memory_space<vmem>> -> memref<1x1x128xi32, #tpu.memory_space<vmem>>
      %dma_wait3A_1986 = tpu.memref_squeeze %dma_wait3A_1985 : memref<1x1x128xi32, #tpu.memory_space<vmem>> -> memref<128xi32, #tpu.memory_space<vmem>>
      %dma_wait3A_1987 = arith.constant 0 : i32
      %dma_wait3A_1988 = arith.constant 0 : i32
      %dma_wait3A_1989 = tpu.memref_slice %arg7[%dma_wait3A_1987, %dma_wait3A_1988] : memref<1000x128xf32, #tpu.memory_space<vmem_shared>> -> memref<1000x128xf32, #tpu.memory_space<vmem_shared>>
      tpu.wait_indirect_dma semaphore(%arg12 : memref<!tpu.dma_semaphore, #tpu.memory_space<semaphore_mem>>) src(%dma_wait3A_1989 : memref<1000x128xf32, #tpu.memory_space<vmem_shared>>) dst(%dma_wait3A_1983 : memref<128x128xf32, #tpu.memory_space<vmem>>)
      %dma_wait3A_1990 = arith.constant 1 : i32
      %dma_wait3A_1991 = arith.constant 2 : i32
      %dma_wait3A_1992 = arith.constant 128 : i32
      %dma_wait3A_1993 = arith.constant 0 : i32
      %dma_wait3A_1994 = tpu.memref_slice %arg6[%dma_wait3A_1991, %dma_wait3A_1992, %dma_wait3A_1993] : memref<4x200x128xf32, #tpu.memory_space<vmem>> -> memref<1x72x128xf32, #tpu.memory_space<vmem>>
      %dma_wait3A_1995 = tpu.memref_squeeze %dma_wait3A_1994 : memref<1x72x128xf32, #tpu.memory_space<vmem>> -> memref<72x128xf32, #tpu.memory_space<vmem>>
      %dma_wait3A_1996 = arith.constant 128 : i32
      %dma_wait3A_1997 = tpu.memref_slice %arg5[%dma_wait3A_1990, %add3A_1971, %dma_wait3A_1996] : memref<2x32x200xi32, #tpu.memory_space<vmem>> -> memref<1x1x72xi32, #tpu.memory_space<vmem>>
      %dma_wait3A_1998 = tpu.memref_squeeze %dma_wait3A_1997 : memref<1x1x72xi32, #tpu.memory_space<vmem>> -> memref<72xi32, #tpu.memory_space<vmem>>
      %dma_wait3A_1999 = arith.constant 0 : i32
      %dma_wait3A_2000 = arith.constant 0 : i32
      %dma_wait3A_2001 = tpu.memref_slice %arg7[%dma_wait3A_1999, %dma_wait3A_2000] : memref<1000x128xf32, #tpu.memory_space<vmem_shared>> -> memref<1000x128xf32, #tpu.memory_space<vmem_shared>>
      tpu.wait_indirect_dma semaphore(%arg12 : memref<!tpu.dma_semaphore, #tpu.memory_space<semaphore_mem>>) src(%dma_wait3A_2001 : memref<1000x128xf32, #tpu.memory_space<vmem_shared>>) dst(%dma_wait3A_1995 : memref<72x128xf32, #tpu.memory_space<vmem>>)
      %mul3A_2002 = arith.constant 200 : i32
      %mul3A_2003 = arith.muli %add3A_1977, %mul3A_2002 : i32
      %add3A_2004 = arith.addi %mul3A_2, %mul3A_2003 : i32
      %dma_start3A_2005 = arith.constant 2 : i32
      %dma_start3A_2006 = arith.constant 0 : i32
      %dma_start3A_2007 = arith.constant 0 : i32
      %dma_start3A_2008 = tpu.memref_slice %arg6[%dma_start3A_2005, %dma_start3A_2006, %dma_start3A_2007] : memref<4x200x128xf32, #tpu.memory_space<vmem>> -> memref<1x200x128xf32, #tpu.memory_space<vmem>>
      %dma_start3A_2009 = tpu.memref_squeeze %dma_start3A_2008 : memref<1x200x128xf32, #tpu.memory_space<vmem>> -> memref<200x128xf32, #tpu.memory_space<vmem>>
      %dma_start3A_2010 = arith.constant 0 : i32
      %dma_start3A_2011 = tpu.memref_slice %arg4[%add3A_2004, %dma_start3A_2010] : memref<819200x128xf32, #tpu.memory_space<hbm>> -> memref<200x128xf32, #tpu.memory_space<hbm>>
      %dma_start3A_2012 = arith.constant 0 : i32
      %dma_start3A_2013 = tpu.memref_slice %arg4[%add3A_2004, %dma_start3A_2012] : memref<819200x128xf32, #tpu.memory_space<hbm>> -> memref<200x128xf32, #tpu.memory_space<hbm>>
      %dma_start3A_2014 = arith.constant 0 : i32
      %dma_start3A_2015 = arith.constant 0 : i32
      %dma_start3A_2016 = tpu.memref_slice %arg6[%dma_start3A_2005, %dma_start3A_2014, %dma_start3A_2015] : memref<4x200x128xf32, #tpu.memory_space<vmem>> -> memref<1x200x128xf32, #tpu.memory_space<vmem>>
      %dma_start3A_2017 = tpu.memref_squeeze %dma_start3A_2016 : memref<1x200x128xf32, #tpu.memory_space<vmem>> -> memref<200x128xf32, #tpu.memory_space<vmem>>
      tpu.enqueue_dma source(%dma_start3A_2017 : memref<200x128xf32, #tpu.memory_space<vmem>>) target(%dma_start3A_2013 : memref<200x128xf32, #tpu.memory_space<hbm>>) target_semaphore(%arg16 : memref<!tpu.dma_semaphore, #tpu.memory_space<semaphore_mem>>)
      %sub3A_2018 = arith.constant 2 : i32
      %sub3A_2019 = arith.subi %add3A_1977, %sub3A_2018 : i32
      %mul3A_2020 = arith.constant 200 : i32
      %mul3A_2021 = arith.muli %sub3A_2019, %mul3A_2020 : i32
      %add3A_2022 = arith.addi %mul3A_2, %mul3A_2021 : i32
      %dma_wait3A_2023 = arith.constant 0 : i32
      %dma_wait3A_2024 = arith.constant 0 : i32
      %dma_wait3A_2025 = arith.constant 0 : i32
      %dma_wait3A_2026 = tpu.memref_slice %arg6[%dma_wait3A_2023, %dma_wait3A_2024, %dma_wait3A_2025] : memref<4x200x128xf32, #tpu.memory_space<vmem>> -> memref<1x200x128xf32, #tpu.memory_space<vmem>>
      %dma_wait3A_2027 = tpu.memref_squeeze %dma_wait3A_2026 : memref<1x200x128xf32, #tpu.memory_space<vmem>> -> memref<200x128xf32, #tpu.memory_space<vmem>>
      %dma_wait3A_2028 = arith.constant 0 : i32
      %dma_wait3A_2029 = tpu.memref_slice %arg4[%add3A_2022, %dma_wait3A_2028] : memref<819200x128xf32, #tpu.memory_space<hbm>> -> memref<200x128xf32, #tpu.memory_space<hbm>>
      %dma_wait3A_2030 = arith.constant 0 : i32
      %dma_wait3A_2031 = tpu.memref_slice %arg4[%add3A_2022, %dma_wait3A_2030] : memref<819200x128xf32, #tpu.memory_space<hbm>> -> memref<200x128xf32, #tpu.memory_space<hbm>>
      %dma_wait3A_2032 = arith.constant 0 : i32
      %dma_wait3A_2033 = arith.constant 0 : i32
      %dma_wait3A_2034 = tpu.memref_slice %arg6[%dma_wait3A_2023, %dma_wait3A_2032, %dma_wait3A_2033] : memref<4x200x128xf32, #tpu.memory_space<vmem>> -> memref<1x200x128xf32, #tpu.memory_space<vmem>>
      %dma_wait3A_2035 = tpu.memref_squeeze %dma_wait3A_2034 : memref<1x200x128xf32, #tpu.memory_space<vmem>> -> memref<200x128xf32, #tpu.memory_space<vmem>>
      tpu.wait_dma2 semaphore(%arg14 : memref<!tpu.dma_semaphore, #tpu.memory_space<semaphore_mem>>) src(%dma_wait3A_2035 : memref<200x128xf32, #tpu.memory_space<vmem>>) dst(%dma_wait3A_2031 : memref<200x128xf32, #tpu.memory_space<hbm>>)
      %dma_start3A_2036 = arith.constant 1 : i32
      %dma_start3A_2037 = arith.constant 0 : i32
      %dma_start3A_2038 = arith.constant 0 : i32
      %dma_start3A_2039 = arith.constant 0 : i32
      %dma_start3A_2040 = tpu.memref_slice %arg6[%dma_start3A_2037, %dma_start3A_2038, %dma_start3A_2039] : memref<4x200x128xf32, #tpu.memory_space<vmem>> -> memref<1x128x128xf32, #tpu.memory_space<vmem>>
      %dma_start3A_2041 = tpu.memref_squeeze %dma_start3A_2040 : memref<1x128x128xf32, #tpu.memory_space<vmem>> -> memref<128x128xf32, #tpu.memory_space<vmem>>
      %dma_start3A_2042 = arith.constant 0 : i32
      %dma_start3A_2043 = tpu.memref_slice %arg5[%dma_start3A_2036, %add3A_1975, %dma_start3A_2042] : memref<2x32x200xi32, #tpu.memory_space<vmem>> -> memref<1x1x128xi32, #tpu.memory_space<vmem>>
      %dma_start3A_2044 = tpu.memref_squeeze %dma_start3A_2043 : memref<1x1x128xi32, #tpu.memory_space<vmem>> -> memref<128xi32, #tpu.memory_space<vmem>>
      %dma_start3A_2045 = arith.constant 0 : i32
      %dma_start3A_2046 = arith.constant 0 : i32
      %dma_start3A_2047 = tpu.memref_slice %arg7[%dma_start3A_2045, %dma_start3A_2046] : memref<1000x128xf32, #tpu.memory_space<vmem_shared>> -> memref<1000x128xf32, #tpu.memory_space<vmem_shared>>
      tpu.enqueue_indirect_dma source(%dma_start3A_2047 : memref<1000x128xf32, #tpu.memory_space<vmem_shared>>) target(%dma_start3A_2041 : memref<128x128xf32, #tpu.memory_space<vmem>>) offsets(%dma_start3A_2044 : memref<128xi32, #tpu.memory_space<vmem>>) semaphore(%arg10 : memref<!tpu.dma_semaphore, #tpu.memory_space<semaphore_mem>>)
      %dma_start3A_2048 = arith.constant 1 : i32
      %dma_start3A_2049 = arith.constant 0 : i32
      %dma_start3A_2050 = arith.constant 128 : i32
      %dma_start3A_2051 = arith.constant 0 : i32
      %dma_start3A_2052 = tpu.memref_slice %arg6[%dma_start3A_2049, %dma_start3A_2050, %dma_start3A_2051] : memref<4x200x128xf32, #tpu.memory_space<vmem>> -> memref<1x72x128xf32, #tpu.memory_space<vmem>>
      %dma_start3A_2053 = tpu.memref_squeeze %dma_start3A_2052 : memref<1x72x128xf32, #tpu.memory_space<vmem>> -> memref<72x128xf32, #tpu.memory_space<vmem>>
      %dma_start3A_2054 = arith.constant 128 : i32
      %dma_start3A_2055 = tpu.memref_slice %arg5[%dma_start3A_2048, %add3A_1975, %dma_start3A_2054] : memref<2x32x200xi32, #tpu.memory_space<vmem>> -> memref<1x1x72xi32, #tpu.memory_space<vmem>>
      %dma_start3A_2056 = tpu.memref_squeeze %dma_start3A_2055 : memref<1x1x72xi32, #tpu.memory_space<vmem>> -> memref<72xi32, #tpu.memory_space<vmem>>
      %dma_start3A_2057 = arith.constant 0 : i32
      %dma_start3A_2058 = arith.constant 0 : i32
      %dma_start3A_2059 = tpu.memref_slice %arg7[%dma_start3A_2057, %dma_start3A_2058] : memref<1000x128xf32, #tpu.memory_space<vmem_shared>> -> memref<1000x128xf32, #tpu.memory_space<vmem_shared>>
      tpu.enqueue_indirect_dma source(%dma_start3A_2059 : memref<1000x128xf32, #tpu.memory_space<vmem_shared>>) target(%dma_start3A_2053 : memref<72x128xf32, #tpu.memory_space<vmem>>) offsets(%dma_start3A_2056 : memref<72xi32, #tpu.memory_space<vmem>>) semaphore(%arg10 : memref<!tpu.dma_semaphore, #tpu.memory_space<semaphore_mem>>)
      %add3A_2060 = arith.constant 3 : i32
      %add3A_2061 = arith.addi %mul3A_1790, %add3A_2060 : i32
      %add3A_2062 = arith.constant 3 : i32
      %add3A_2063 = arith.addi %mul3A_1790, %add3A_2062 : i32
      %add3A_2064 = arith.constant 2 : i32
      %add3A_2065 = arith.addi %add3A_2063, %add3A_2064 : i32
      %add3A_2066 = arith.constant 96 : i32
      %add3A_2067 = arith.addi %add3A_2066, %add3A_2061 : i32
      %dma_wait3A_2068 = arith.constant 1 : i32
      %dma_wait3A_2069 = arith.constant 3 : i32
      %dma_wait3A_2070 = arith.constant 0 : i32
      %dma_wait3A_2071 = arith.constant 0 : i32
      %dma_wait3A_2072 = tpu.memref_slice %arg6[%dma_wait3A_2069, %dma_wait3A_2070, %dma_wait3A_2071] : memref<4x200x128xf32, #tpu.memory_space<vmem>> -> memref<1x128x128xf32, #tpu.memory_space<vmem>>
      %dma_wait3A_2073 = tpu.memref_squeeze %dma_wait3A_2072 : memref<1x128x128xf32, #tpu.memory_space<vmem>> -> memref<128x128xf32, #tpu.memory_space<vmem>>
      %dma_wait3A_2074 = arith.constant 0 : i32
      %dma_wait3A_2075 = tpu.memref_slice %arg5[%dma_wait3A_2068, %add3A_2061, %dma_wait3A_2074] : memref<2x32x200xi32, #tpu.memory_space<vmem>> -> memref<1x1x128xi32, #tpu.memory_space<vmem>>
      %dma_wait3A_2076 = tpu.memref_squeeze %dma_wait3A_2075 : memref<1x1x128xi32, #tpu.memory_space<vmem>> -> memref<128xi32, #tpu.memory_space<vmem>>
      %dma_wait3A_2077 = arith.constant 0 : i32
      %dma_wait3A_2078 = arith.constant 0 : i32
      %dma_wait3A_2079 = tpu.memref_slice %arg7[%dma_wait3A_2077, %dma_wait3A_2078] : memref<1000x128xf32, #tpu.memory_space<vmem_shared>> -> memref<1000x128xf32, #tpu.memory_space<vmem_shared>>
      tpu.wait_indirect_dma semaphore(%arg13 : memref<!tpu.dma_semaphore, #tpu.memory_space<semaphore_mem>>) src(%dma_wait3A_2079 : memref<1000x128xf32, #tpu.memory_space<vmem_shared>>) dst(%dma_wait3A_2073 : memref<128x128xf32, #tpu.memory_space<vmem>>)
      %dma_wait3A_2080 = arith.constant 1 : i32
      %dma_wait3A_2081 = arith.constant 3 : i32
      %dma_wait3A_2082 = arith.constant 128 : i32
      %dma_wait3A_2083 = arith.constant 0 : i32
      %dma_wait3A_2084 = tpu.memref_slice %arg6[%dma_wait3A_2081, %dma_wait3A_2082, %dma_wait3A_2083] : memref<4x200x128xf32, #tpu.memory_space<vmem>> -> memref<1x72x128xf32, #tpu.memory_space<vmem>>
      %dma_wait3A_2085 = tpu.memref_squeeze %dma_wait3A_2084 : memref<1x72x128xf32, #tpu.memory_space<vmem>> -> memref<72x128xf32, #tpu.memory_space<vmem>>
      %dma_wait3A_2086 = arith.constant 128 : i32
      %dma_wait3A_2087 = tpu.memref_slice %arg5[%dma_wait3A_2080, %add3A_2061, %dma_wait3A_2086] : memref<2x32x200xi32, #tpu.memory_space<vmem>> -> memref<1x1x72xi32, #tpu.memory_space<vmem>>
      %dma_wait3A_2088 = tpu.memref_squeeze %dma_wait3A_2087 : memref<1x1x72xi32, #tpu.memory_space<vmem>> -> memref<72xi32, #tpu.memory_space<vmem>>
      %dma_wait3A_2089 = arith.constant 0 : i32
      %dma_wait3A_2090 = arith.constant 0 : i32
      %dma_wait3A_2091 = tpu.memref_slice %arg7[%dma_wait3A_2089, %dma_wait3A_2090] : memref<1000x128xf32, #tpu.memory_space<vmem_shared>> -> memref<1000x128xf32, #tpu.memory_space<vmem_shared>>
      tpu.wait_indirect_dma semaphore(%arg13 : memref<!tpu.dma_semaphore, #tpu.memory_space<semaphore_mem>>) src(%dma_wait3A_2091 : memref<1000x128xf32, #tpu.memory_space<vmem_shared>>) dst(%dma_wait3A_2085 : memref<72x128xf32, #tpu.memory_space<vmem>>)
      %mul3A_2092 = arith.constant 200 : i32
      %mul3A_2093 = arith.muli %add3A_2067, %mul3A_2092 : i32
      %add3A_2094 = arith.addi %mul3A_2, %mul3A_2093 : i32
      %dma_start3A_2095 = arith.constant 3 : i32
      %dma_start3A_2096 = arith.constant 0 : i32
      %dma_start3A_2097 = arith.constant 0 : i32
      %dma_start3A_2098 = tpu.memref_slice %arg6[%dma_start3A_2095, %dma_start3A_2096, %dma_start3A_2097] : memref<4x200x128xf32, #tpu.memory_space<vmem>> -> memref<1x200x128xf32, #tpu.memory_space<vmem>>
      %dma_start3A_2099 = tpu.memref_squeeze %dma_start3A_2098 : memref<1x200x128xf32, #tpu.memory_space<vmem>> -> memref<200x128xf32, #tpu.memory_space<vmem>>
      %dma_start3A_2100 = arith.constant 0 : i32
      %dma_start3A_2101 = tpu.memref_slice %arg4[%add3A_2094, %dma_start3A_2100] : memref<819200x128xf32, #tpu.memory_space<hbm>> -> memref<200x128xf32, #tpu.memory_space<hbm>>
      %dma_start3A_2102 = arith.constant 0 : i32
      %dma_start3A_2103 = tpu.memref_slice %arg4[%add3A_2094, %dma_start3A_2102] : memref<819200x128xf32, #tpu.memory_space<hbm>> -> memref<200x128xf32, #tpu.memory_space<hbm>>
      %dma_start3A_2104 = arith.constant 0 : i32
      %dma_start3A_2105 = arith.constant 0 : i32
      %dma_start3A_2106 = tpu.memref_slice %arg6[%dma_start3A_2095, %dma_start3A_2104, %dma_start3A_2105] : memref<4x200x128xf32, #tpu.memory_space<vmem>> -> memref<1x200x128xf32, #tpu.memory_space<vmem>>
      %dma_start3A_2107 = tpu.memref_squeeze %dma_start3A_2106 : memref<1x200x128xf32, #tpu.memory_space<vmem>> -> memref<200x128xf32, #tpu.memory_space<vmem>>
      tpu.enqueue_dma source(%dma_start3A_2107 : memref<200x128xf32, #tpu.memory_space<vmem>>) target(%dma_start3A_2103 : memref<200x128xf32, #tpu.memory_space<hbm>>) target_semaphore(%arg17 : memref<!tpu.dma_semaphore, #tpu.memory_space<semaphore_mem>>)
      %sub3A_2108 = arith.constant 2 : i32
      %sub3A_2109 = arith.subi %add3A_2067, %sub3A_2108 : i32
      %mul3A_2110 = arith.constant 200 : i32
      %mul3A_2111 = arith.muli %sub3A_2109, %mul3A_2110 : i32
      %add3A_2112 = arith.addi %mul3A_2, %mul3A_2111 : i32
      %dma_wait3A_2113 = arith.constant 1 : i32
      %dma_wait3A_2114 = arith.constant 0 : i32
      %dma_wait3A_2115 = arith.constant 0 : i32
      %dma_wait3A_2116 = tpu.memref_slice %arg6[%dma_wait3A_2113, %dma_wait3A_2114, %dma_wait3A_2115] : memref<4x200x128xf32, #tpu.memory_space<vmem>> -> memref<1x200x128xf32, #tpu.memory_space<vmem>>
      %dma_wait3A_2117 = tpu.memref_squeeze %dma_wait3A_2116 : memref<1x200x128xf32, #tpu.memory_space<vmem>> -> memref<200x128xf32, #tpu.memory_space<vmem>>
      %dma_wait3A_2118 = arith.constant 0 : i32
      %dma_wait3A_2119 = tpu.memref_slice %arg4[%add3A_2112, %dma_wait3A_2118] : memref<819200x128xf32, #tpu.memory_space<hbm>> -> memref<200x128xf32, #tpu.memory_space<hbm>>
      %dma_wait3A_2120 = arith.constant 0 : i32
      %dma_wait3A_2121 = tpu.memref_slice %arg4[%add3A_2112, %dma_wait3A_2120] : memref<819200x128xf32, #tpu.memory_space<hbm>> -> memref<200x128xf32, #tpu.memory_space<hbm>>
      %dma_wait3A_2122 = arith.constant 0 : i32
      %dma_wait3A_2123 = arith.constant 0 : i32
      %dma_wait3A_2124 = tpu.memref_slice %arg6[%dma_wait3A_2113, %dma_wait3A_2122, %dma_wait3A_2123] : memref<4x200x128xf32, #tpu.memory_space<vmem>> -> memref<1x200x128xf32, #tpu.memory_space<vmem>>
      %dma_wait3A_2125 = tpu.memref_squeeze %dma_wait3A_2124 : memref<1x200x128xf32, #tpu.memory_space<vmem>> -> memref<200x128xf32, #tpu.memory_space<vmem>>
      tpu.wait_dma2 semaphore(%arg15 : memref<!tpu.dma_semaphore, #tpu.memory_space<semaphore_mem>>) src(%dma_wait3A_2125 : memref<200x128xf32, #tpu.memory_space<vmem>>) dst(%dma_wait3A_2121 : memref<200x128xf32, #tpu.memory_space<hbm>>)
      %dma_start3A_2126 = arith.constant 1 : i32
      %dma_start3A_2127 = arith.constant 1 : i32
      %dma_start3A_2128 = arith.constant 0 : i32
      %dma_start3A_2129 = arith.constant 0 : i32
      %dma_start3A_2130 = tpu.memref_slice %arg6[%dma_start3A_2127, %dma_start3A_2128, %dma_start3A_2129] : memref<4x200x128xf32, #tpu.memory_space<vmem>> -> memref<1x128x128xf32, #tpu.memory_space<vmem>>
      %dma_start3A_2131 = tpu.memref_squeeze %dma_start3A_2130 : memref<1x128x128xf32, #tpu.memory_space<vmem>> -> memref<128x128xf32, #tpu.memory_space<vmem>>
      %dma_start3A_2132 = arith.constant 0 : i32
      %dma_start3A_2133 = tpu.memref_slice %arg5[%dma_start3A_2126, %add3A_2065, %dma_start3A_2132] : memref<2x32x200xi32, #tpu.memory_space<vmem>> -> memref<1x1x128xi32, #tpu.memory_space<vmem>>
      %dma_start3A_2134 = tpu.memref_squeeze %dma_start3A_2133 : memref<1x1x128xi32, #tpu.memory_space<vmem>> -> memref<128xi32, #tpu.memory_space<vmem>>
      %dma_start3A_2135 = arith.constant 0 : i32
      %dma_start3A_2136 = arith.constant 0 : i32
      %dma_start3A_2137 = tpu.memref_slice %arg7[%dma_start3A_2135, %dma_start3A_2136] : memref<1000x128xf32, #tpu.memory_space<vmem_shared>> -> memref<1000x128xf32, #tpu.memory_space<vmem_shared>>
      tpu.enqueue_indirect_dma source(%dma_start3A_2137 : memref<1000x128xf32, #tpu.memory_space<vmem_shared>>) target(%dma_start3A_2131 : memref<128x128xf32, #tpu.memory_space<vmem>>) offsets(%dma_start3A_2134 : memref<128xi32, #tpu.memory_space<vmem>>) semaphore(%arg11 : memref<!tpu.dma_semaphore, #tpu.memory_space<semaphore_mem>>)
      %dma_start3A_2138 = arith.constant 1 : i32
      %dma_start3A_2139 = arith.constant 1 : i32
      %dma_start3A_2140 = arith.constant 128 : i32
      %dma_start3A_2141 = arith.constant 0 : i32
      %dma_start3A_2142 = tpu.memref_slice %arg6[%dma_start3A_2139, %dma_start3A_2140, %dma_start3A_2141] : memref<4x200x128xf32, #tpu.memory_space<vmem>> -> memref<1x72x128xf32, #tpu.memory_space<vmem>>
      %dma_start3A_2143 = tpu.memref_squeeze %dma_start3A_2142 : memref<1x72x128xf32, #tpu.memory_space<vmem>> -> memref<72x128xf32, #tpu.memory_space<vmem>>
      %dma_start3A_2144 = arith.constant 128 : i32
      %dma_start3A_2145 = tpu.memref_slice %arg5[%dma_start3A_2138, %add3A_2065, %dma_start3A_2144] : memref<2x32x200xi32, #tpu.memory_space<vmem>> -> memref<1x1x72xi32, #tpu.memory_space<vmem>>
      %dma_start3A_2146 = tpu.memref_squeeze %dma_start3A_2145 : memref<1x1x72xi32, #tpu.memory_space<vmem>> -> memref<72xi32, #tpu.memory_space<vmem>>
      %dma_start3A_2147 = arith.constant 0 : i32
      %dma_start3A_2148 = arith.constant 0 : i32
      %dma_start3A_2149 = tpu.memref_slice %arg7[%dma_start3A_2147, %dma_start3A_2148] : memref<1000x128xf32, #tpu.memory_space<vmem_shared>> -> memref<1000x128xf32, #tpu.memory_space<vmem_shared>>
      tpu.enqueue_indirect_dma source(%dma_start3A_2149 : memref<1000x128xf32, #tpu.memory_space<vmem_shared>>) target(%dma_start3A_2143 : memref<72x128xf32, #tpu.memory_space<vmem>>) offsets(%dma_start3A_2146 : memref<72xi32, #tpu.memory_space<vmem>>) semaphore(%arg11 : memref<!tpu.dma_semaphore, #tpu.memory_space<semaphore_mem>>)
    }
    %scan3A_1481 = arith.constant 7 : i32
    %dma_wait3A_1482 = arith.constant 1 : i32
    %dma_wait3A_1483 = arith.constant 28 : i32
    %dma_wait3A_1484 = arith.constant 0 : i32
    %dma_wait3A_1485 = arith.constant 0 : i32
    %dma_wait3A_1486 = arith.constant 0 : i32
    %dma_wait3A_1487 = tpu.memref_slice %arg6[%dma_wait3A_1484, %dma_wait3A_1485, %dma_wait3A_1486] : memref<4x200x128xf32, #tpu.memory_space<vmem>> -> memref<1x128x128xf32, #tpu.memory_space<vmem>>
    %dma_wait3A_1488 = tpu.memref_squeeze %dma_wait3A_1487 : memref<1x128x128xf32, #tpu.memory_space<vmem>> -> memref<128x128xf32, #tpu.memory_space<vmem>>
    %dma_wait3A_1489 = arith.constant 0 : i32
    %dma_wait3A_1490 = tpu.memref_slice %arg5[%dma_wait3A_1482, %dma_wait3A_1483, %dma_wait3A_1489] : memref<2x32x200xi32, #tpu.memory_space<vmem>> -> memref<1x1x128xi32, #tpu.memory_space<vmem>>
    %dma_wait3A_1491 = tpu.memref_squeeze %dma_wait3A_1490 : memref<1x1x128xi32, #tpu.memory_space<vmem>> -> memref<128xi32, #tpu.memory_space<vmem>>
    %dma_wait3A_1492 = arith.constant 0 : i32
    %dma_wait3A_1493 = arith.constant 0 : i32
    %dma_wait3A_1494 = tpu.memref_slice %arg7[%dma_wait3A_1492, %dma_wait3A_1493] : memref<1000x128xf32, #tpu.memory_space<vmem_shared>> -> memref<1000x128xf32, #tpu.memory_space<vmem_shared>>
    tpu.wait_indirect_dma semaphore(%arg10 : memref<!tpu.dma_semaphore, #tpu.memory_space<semaphore_mem>>) src(%dma_wait3A_1494 : memref<1000x128xf32, #tpu.memory_space<vmem_shared>>) dst(%dma_wait3A_1488 : memref<128x128xf32, #tpu.memory_space<vmem>>)
    %dma_wait3A_1495 = arith.constant 1 : i32
    %dma_wait3A_1496 = arith.constant 28 : i32
    %dma_wait3A_1497 = arith.constant 0 : i32
    %dma_wait3A_1498 = arith.constant 128 : i32
    %dma_wait3A_1499 = arith.constant 0 : i32
    %dma_wait3A_1500 = tpu.memref_slice %arg6[%dma_wait3A_1497, %dma_wait3A_1498, %dma_wait3A_1499] : memref<4x200x128xf32, #tpu.memory_space<vmem>> -> memref<1x72x128xf32, #tpu.memory_space<vmem>>
    %dma_wait3A_1501 = tpu.memref_squeeze %dma_wait3A_1500 : memref<1x72x128xf32, #tpu.memory_space<vmem>> -> memref<72x128xf32, #tpu.memory_space<vmem>>
    %dma_wait3A_1502 = arith.constant 128 : i32
    %dma_wait3A_1503 = tpu.memref_slice %arg5[%dma_wait3A_1495, %dma_wait3A_1496, %dma_wait3A_1502] : memref<2x32x200xi32, #tpu.memory_space<vmem>> -> memref<1x1x72xi32, #tpu.memory_space<vmem>>
    %dma_wait3A_1504 = tpu.memref_squeeze %dma_wait3A_1503 : memref<1x1x72xi32, #tpu.memory_space<vmem>> -> memref<72xi32, #tpu.memory_space<vmem>>
    %dma_wait3A_1505 = arith.constant 0 : i32
    %dma_wait3A_1506 = arith.constant 0 : i32
    %dma_wait3A_1507 = tpu.memref_slice %arg7[%dma_wait3A_1505, %dma_wait3A_1506] : memref<1000x128xf32, #tpu.memory_space<vmem_shared>> -> memref<1000x128xf32, #tpu.memory_space<vmem_shared>>
    tpu.wait_indirect_dma semaphore(%arg10 : memref<!tpu.dma_semaphore, #tpu.memory_space<semaphore_mem>>) src(%dma_wait3A_1507 : memref<1000x128xf32, #tpu.memory_space<vmem_shared>>) dst(%dma_wait3A_1501 : memref<72x128xf32, #tpu.memory_space<vmem>>)
    %add3A_1508 = arith.constant 24800 : i32
    %add3A_1509 = arith.addi %mul3A_2, %add3A_1508 : i32
    %dma_start3A_1510 = arith.constant 0 : i32
    %dma_start3A_1511 = arith.constant 0 : i32
    %dma_start3A_1512 = arith.constant 0 : i32
    %dma_start3A_1513 = tpu.memref_slice %arg6[%dma_start3A_1510, %dma_start3A_1511, %dma_start3A_1512] : memref<4x200x128xf32, #tpu.memory_space<vmem>> -> memref<1x200x128xf32, #tpu.memory_space<vmem>>
    %dma_start3A_1514 = tpu.memref_squeeze %dma_start3A_1513 : memref<1x200x128xf32, #tpu.memory_space<vmem>> -> memref<200x128xf32, #tpu.memory_space<vmem>>
    %dma_start3A_1515 = arith.constant 0 : i32
    %dma_start3A_1516 = tpu.memref_slice %arg4[%add3A_1509, %dma_start3A_1515] : memref<819200x128xf32, #tpu.memory_space<hbm>> -> memref<200x128xf32, #tpu.memory_space<hbm>>
    %dma_start3A_1517 = arith.constant 0 : i32
    %dma_start3A_1518 = tpu.memref_slice %arg4[%add3A_1509, %dma_start3A_1517] : memref<819200x128xf32, #tpu.memory_space<hbm>> -> memref<200x128xf32, #tpu.memory_space<hbm>>
    %dma_start3A_1519 = arith.constant 0 : i32
    %dma_start3A_1520 = arith.constant 0 : i32
    %dma_start3A_1521 = tpu.memref_slice %arg6[%dma_start3A_1510, %dma_start3A_1519, %dma_start3A_1520] : memref<4x200x128xf32, #tpu.memory_space<vmem>> -> memref<1x200x128xf32, #tpu.memory_space<vmem>>
    %dma_start3A_1522 = tpu.memref_squeeze %dma_start3A_1521 : memref<1x200x128xf32, #tpu.memory_space<vmem>> -> memref<200x128xf32, #tpu.memory_space<vmem>>
    tpu.enqueue_dma source(%dma_start3A_1522 : memref<200x128xf32, #tpu.memory_space<vmem>>) target(%dma_start3A_1518 : memref<200x128xf32, #tpu.memory_space<hbm>>) target_semaphore(%arg14 : memref<!tpu.dma_semaphore, #tpu.memory_space<semaphore_mem>>)
    %add3A_1523 = arith.constant 24400 : i32
    %add3A_1524 = arith.addi %mul3A_2, %add3A_1523 : i32
    %dma_wait3A_1525 = arith.constant 2 : i32
    %dma_wait3A_1526 = arith.constant 0 : i32
    %dma_wait3A_1527 = arith.constant 0 : i32
    %dma_wait3A_1528 = tpu.memref_slice %arg6[%dma_wait3A_1525, %dma_wait3A_1526, %dma_wait3A_1527] : memref<4x200x128xf32, #tpu.memory_space<vmem>> -> memref<1x200x128xf32, #tpu.memory_space<vmem>>
    %dma_wait3A_1529 = tpu.memref_squeeze %dma_wait3A_1528 : memref<1x200x128xf32, #tpu.memory_space<vmem>> -> memref<200x128xf32, #tpu.memory_space<vmem>>
    %dma_wait3A_1530 = arith.constant 0 : i32
    %dma_wait3A_1531 = tpu.memref_slice %arg4[%add3A_1524, %dma_wait3A_1530] : memref<819200x128xf32, #tpu.memory_space<hbm>> -> memref<200x128xf32, #tpu.memory_space<hbm>>
    %dma_wait3A_1532 = arith.constant 0 : i32
    %dma_wait3A_1533 = tpu.memref_slice %arg4[%add3A_1524, %dma_wait3A_1532] : memref<819200x128xf32, #tpu.memory_space<hbm>> -> memref<200x128xf32, #tpu.memory_space<hbm>>
    %dma_wait3A_1534 = arith.constant 0 : i32
    %dma_wait3A_1535 = arith.constant 0 : i32
    %dma_wait3A_1536 = tpu.memref_slice %arg6[%dma_wait3A_1525, %dma_wait3A_1534, %dma_wait3A_1535] : memref<4x200x128xf32, #tpu.memory_space<vmem>> -> memref<1x200x128xf32, #tpu.memory_space<vmem>>
    %dma_wait3A_1537 = tpu.memref_squeeze %dma_wait3A_1536 : memref<1x200x128xf32, #tpu.memory_space<vmem>> -> memref<200x128xf32, #tpu.memory_space<vmem>>
    tpu.wait_dma2 semaphore(%arg16 : memref<!tpu.dma_semaphore, #tpu.memory_space<semaphore_mem>>) src(%dma_wait3A_1537 : memref<200x128xf32, #tpu.memory_space<vmem>>) dst(%dma_wait3A_1533 : memref<200x128xf32, #tpu.memory_space<hbm>>)
    %dma_start3A_1538 = arith.constant 1 : i32
    %dma_start3A_1539 = arith.constant 30 : i32
    %dma_start3A_1540 = arith.constant 2 : i32
    %dma_start3A_1541 = arith.constant 0 : i32
    %dma_start3A_1542 = arith.constant 0 : i32
    %dma_start3A_1543 = tpu.memref_slice %arg6[%dma_start3A_1540, %dma_start3A_1541, %dma_start3A_1542] : memref<4x200x128xf32, #tpu.memory_space<vmem>> -> memref<1x128x128xf32, #tpu.memory_space<vmem>>
    %dma_start3A_1544 = tpu.memref_squeeze %dma_start3A_1543 : memref<1x128x128xf32, #tpu.memory_space<vmem>> -> memref<128x128xf32, #tpu.memory_space<vmem>>
    %dma_start3A_1545 = arith.constant 0 : i32
    %dma_start3A_1546 = tpu.memref_slice %arg5[%dma_start3A_1538, %dma_start3A_1539, %dma_start3A_1545] : memref<2x32x200xi32, #tpu.memory_space<vmem>> -> memref<1x1x128xi32, #tpu.memory_space<vmem>>
    %dma_start3A_1547 = tpu.memref_squeeze %dma_start3A_1546 : memref<1x1x128xi32, #tpu.memory_space<vmem>> -> memref<128xi32, #tpu.memory_space<vmem>>
    %dma_start3A_1548 = arith.constant 0 : i32
    %dma_start3A_1549 = arith.constant 0 : i32
    %dma_start3A_1550 = tpu.memref_slice %arg7[%dma_start3A_1548, %dma_start3A_1549] : memref<1000x128xf32, #tpu.memory_space<vmem_shared>> -> memref<1000x128xf32, #tpu.memory_space<vmem_shared>>
    tpu.enqueue_indirect_dma source(%dma_start3A_1550 : memref<1000x128xf32, #tpu.memory_space<vmem_shared>>) target(%dma_start3A_1544 : memref<128x128xf32, #tpu.memory_space<vmem>>) offsets(%dma_start3A_1547 : memref<128xi32, #tpu.memory_space<vmem>>) semaphore(%arg12 : memref<!tpu.dma_semaphore, #tpu.memory_space<semaphore_mem>>)
    %dma_start3A_1551 = arith.constant 1 : i32
    %dma_start3A_1552 = arith.constant 30 : i32
    %dma_start3A_1553 = arith.constant 2 : i32
    %dma_start3A_1554 = arith.constant 128 : i32
    %dma_start3A_1555 = arith.constant 0 : i32
    %dma_start3A_1556 = tpu.memref_slice %arg6[%dma_start3A_1553, %dma_start3A_1554, %dma_start3A_1555] : memref<4x200x128xf32, #tpu.memory_space<vmem>> -> memref<1x72x128xf32, #tpu.memory_space<vmem>>
    %dma_start3A_1557 = tpu.memref_squeeze %dma_start3A_1556 : memref<1x72x128xf32, #tpu.memory_space<vmem>> -> memref<72x128xf32, #tpu.memory_space<vmem>>
    %dma_start3A_1558 = arith.constant 128 : i32
    %dma_start3A_1559 = tpu.memref_slice %arg5[%dma_start3A_1551, %dma_start3A_1552, %dma_start3A_1558] : memref<2x32x200xi32, #tpu.memory_space<vmem>> -> memref<1x1x72xi32, #tpu.memory_space<vmem>>
    %dma_start3A_1560 = tpu.memref_squeeze %dma_start3A_1559 : memref<1x1x72xi32, #tpu.memory_space<vmem>> -> memref<72xi32, #tpu.memory_space<vmem>>
    %dma_start3A_1561 = arith.constant 0 : i32
    %dma_start3A_1562 = arith.constant 0 : i32
    %dma_start3A_1563 = tpu.memref_slice %arg7[%dma_start3A_1561, %dma_start3A_1562] : memref<1000x128xf32, #tpu.memory_space<vmem_shared>> -> memref<1000x128xf32, #tpu.memory_space<vmem_shared>>
    tpu.enqueue_indirect_dma source(%dma_start3A_1563 : memref<1000x128xf32, #tpu.memory_space<vmem_shared>>) target(%dma_start3A_1557 : memref<72x128xf32, #tpu.memory_space<vmem>>) offsets(%dma_start3A_1560 : memref<72xi32, #tpu.memory_space<vmem>>) semaphore(%arg12 : memref<!tpu.dma_semaphore, #tpu.memory_space<semaphore_mem>>)
    %dma_wait3A_1564 = arith.constant 1 : i32
    %dma_wait3A_1565 = arith.constant 29 : i32
    %dma_wait3A_1566 = arith.constant 1 : i32
    %dma_wait3A_1567 = arith.constant 0 : i32
    %dma_wait3A_1568 = arith.constant 0 : i32
    %dma_wait3A_1569 = tpu.memref_slice %arg6[%dma_wait3A_1566, %dma_wait3A_1567, %dma_wait3A_1568] : memref<4x200x128xf32, #tpu.memory_space<vmem>> -> memref<1x128x128xf32, #tpu.memory_space<vmem>>
    %dma_wait3A_1570 = tpu.memref_squeeze %dma_wait3A_1569 : memref<1x128x128xf32, #tpu.memory_space<vmem>> -> memref<128x128xf32, #tpu.memory_space<vmem>>
    %dma_wait3A_1571 = arith.constant 0 : i32
    %dma_wait3A_1572 = tpu.memref_slice %arg5[%dma_wait3A_1564, %dma_wait3A_1565, %dma_wait3A_1571] : memref<2x32x200xi32, #tpu.memory_space<vmem>> -> memref<1x1x128xi32, #tpu.memory_space<vmem>>
    %dma_wait3A_1573 = tpu.memref_squeeze %dma_wait3A_1572 : memref<1x1x128xi32, #tpu.memory_space<vmem>> -> memref<128xi32, #tpu.memory_space<vmem>>
    %dma_wait3A_1574 = arith.constant 0 : i32
    %dma_wait3A_1575 = arith.constant 0 : i32
    %dma_wait3A_1576 = tpu.memref_slice %arg7[%dma_wait3A_1574, %dma_wait3A_1575] : memref<1000x128xf32, #tpu.memory_space<vmem_shared>> -> memref<1000x128xf32, #tpu.memory_space<vmem_shared>>
    tpu.wait_indirect_dma semaphore(%arg11 : memref<!tpu.dma_semaphore, #tpu.memory_space<semaphore_mem>>) src(%dma_wait3A_1576 : memref<1000x128xf32, #tpu.memory_space<vmem_shared>>) dst(%dma_wait3A_1570 : memref<128x128xf32, #tpu.memory_space<vmem>>)
    %dma_wait3A_1577 = arith.constant 1 : i32
    %dma_wait3A_1578 = arith.constant 29 : i32
    %dma_wait3A_1579 = arith.constant 1 : i32
    %dma_wait3A_1580 = arith.constant 128 : i32
    %dma_wait3A_1581 = arith.constant 0 : i32
    %dma_wait3A_1582 = tpu.memref_slice %arg6[%dma_wait3A_1579, %dma_wait3A_1580, %dma_wait3A_1581] : memref<4x200x128xf32, #tpu.memory_space<vmem>> -> memref<1x72x128xf32, #tpu.memory_space<vmem>>
    %dma_wait3A_1583 = tpu.memref_squeeze %dma_wait3A_1582 : memref<1x72x128xf32, #tpu.memory_space<vmem>> -> memref<72x128xf32, #tpu.memory_space<vmem>>
    %dma_wait3A_1584 = arith.constant 128 : i32
    %dma_wait3A_1585 = tpu.memref_slice %arg5[%dma_wait3A_1577, %dma_wait3A_1578, %dma_wait3A_1584] : memref<2x32x200xi32, #tpu.memory_space<vmem>> -> memref<1x1x72xi32, #tpu.memory_space<vmem>>
    %dma_wait3A_1586 = tpu.memref_squeeze %dma_wait3A_1585 : memref<1x1x72xi32, #tpu.memory_space<vmem>> -> memref<72xi32, #tpu.memory_space<vmem>>
    %dma_wait3A_1587 = arith.constant 0 : i32
    %dma_wait3A_1588 = arith.constant 0 : i32
    %dma_wait3A_1589 = tpu.memref_slice %arg7[%dma_wait3A_1587, %dma_wait3A_1588] : memref<1000x128xf32, #tpu.memory_space<vmem_shared>> -> memref<1000x128xf32, #tpu.memory_space<vmem_shared>>
    tpu.wait_indirect_dma semaphore(%arg11 : memref<!tpu.dma_semaphore, #tpu.memory_space<semaphore_mem>>) src(%dma_wait3A_1589 : memref<1000x128xf32, #tpu.memory_space<vmem_shared>>) dst(%dma_wait3A_1583 : memref<72x128xf32, #tpu.memory_space<vmem>>)
    %add3A_1590 = arith.constant 25000 : i32
    %add3A_1591 = arith.addi %mul3A_2, %add3A_1590 : i32
    %dma_start3A_1592 = arith.constant 1 : i32
    %dma_start3A_1593 = arith.constant 0 : i32
    %dma_start3A_1594 = arith.constant 0 : i32
    %dma_start3A_1595 = tpu.memref_slice %arg6[%dma_start3A_1592, %dma_start3A_1593, %dma_start3A_1594] : memref<4x200x128xf32, #tpu.memory_space<vmem>> -> memref<1x200x128xf32, #tpu.memory_space<vmem>>
    %dma_start3A_1596 = tpu.memref_squeeze %dma_start3A_1595 : memref<1x200x128xf32, #tpu.memory_space<vmem>> -> memref<200x128xf32, #tpu.memory_space<vmem>>
    %dma_start3A_1597 = arith.constant 0 : i32
    %dma_start3A_1598 = tpu.memref_slice %arg4[%add3A_1591, %dma_start3A_1597] : memref<819200x128xf32, #tpu.memory_space<hbm>> -> memref<200x128xf32, #tpu.memory_space<hbm>>
    %dma_start3A_1599 = arith.constant 0 : i32
    %dma_start3A_1600 = tpu.memref_slice %arg4[%add3A_1591, %dma_start3A_1599] : memref<819200x128xf32, #tpu.memory_space<hbm>> -> memref<200x128xf32, #tpu.memory_space<hbm>>
    %dma_start3A_1601 = arith.constant 0 : i32
    %dma_start3A_1602 = arith.constant 0 : i32
    %dma_start3A_1603 = tpu.memref_slice %arg6[%dma_start3A_1592, %dma_start3A_1601, %dma_start3A_1602] : memref<4x200x128xf32, #tpu.memory_space<vmem>> -> memref<1x200x128xf32, #tpu.memory_space<vmem>>
    %dma_start3A_1604 = tpu.memref_squeeze %dma_start3A_1603 : memref<1x200x128xf32, #tpu.memory_space<vmem>> -> memref<200x128xf32, #tpu.memory_space<vmem>>
    tpu.enqueue_dma source(%dma_start3A_1604 : memref<200x128xf32, #tpu.memory_space<vmem>>) target(%dma_start3A_1600 : memref<200x128xf32, #tpu.memory_space<hbm>>) target_semaphore(%arg15 : memref<!tpu.dma_semaphore, #tpu.memory_space<semaphore_mem>>)
    %add3A_1605 = arith.constant 24600 : i32
    %add3A_1606 = arith.addi %mul3A_2, %add3A_1605 : i32
    %dma_wait3A_1607 = arith.constant 3 : i32
    %dma_wait3A_1608 = arith.constant 0 : i32
    %dma_wait3A_1609 = arith.constant 0 : i32
    %dma_wait3A_1610 = tpu.memref_slice %arg6[%dma_wait3A_1607, %dma_wait3A_1608, %dma_wait3A_1609] : memref<4x200x128xf32, #tpu.memory_space<vmem>> -> memref<1x200x128xf32, #tpu.memory_space<vmem>>
    %dma_wait3A_1611 = tpu.memref_squeeze %dma_wait3A_1610 : memref<1x200x128xf32, #tpu.memory_space<vmem>> -> memref<200x128xf32, #tpu.memory_space<vmem>>
    %dma_wait3A_1612 = arith.constant 0 : i32
    %dma_wait3A_1613 = tpu.memref_slice %arg4[%add3A_1606, %dma_wait3A_1612] : memref<819200x128xf32, #tpu.memory_space<hbm>> -> memref<200x128xf32, #tpu.memory_space<hbm>>
    %dma_wait3A_1614 = arith.constant 0 : i32
    %dma_wait3A_1615 = tpu.memref_slice %arg4[%add3A_1606, %dma_wait3A_1614] : memref<819200x128xf32, #tpu.memory_space<hbm>> -> memref<200x128xf32, #tpu.memory_space<hbm>>
    %dma_wait3A_1616 = arith.constant 0 : i32
    %dma_wait3A_1617 = arith.constant 0 : i32
    %dma_wait3A_1618 = tpu.memref_slice %arg6[%dma_wait3A_1607, %dma_wait3A_1616, %dma_wait3A_1617] : memref<4x200x128xf32, #tpu.memory_space<vmem>> -> memref<1x200x128xf32, #tpu.memory_space<vmem>>
    %dma_wait3A_1619 = tpu.memref_squeeze %dma_wait3A_1618 : memref<1x200x128xf32, #tpu.memory_space<vmem>> -> memref<200x128xf32, #tpu.memory_space<vmem>>
    tpu.wait_dma2 semaphore(%arg17 : memref<!tpu.dma_semaphore, #tpu.memory_space<semaphore_mem>>) src(%dma_wait3A_1619 : memref<200x128xf32, #tpu.memory_space<vmem>>) dst(%dma_wait3A_1615 : memref<200x128xf32, #tpu.memory_space<hbm>>)
    %dma_start3A_1620 = arith.constant 1 : i32
    %dma_start3A_1621 = arith.constant 31 : i32
    %dma_start3A_1622 = arith.constant 3 : i32
    %dma_start3A_1623 = arith.constant 0 : i32
    %dma_start3A_1624 = arith.constant 0 : i32
    %dma_start3A_1625 = tpu.memref_slice %arg6[%dma_start3A_1622, %dma_start3A_1623, %dma_start3A_1624] : memref<4x200x128xf32, #tpu.memory_space<vmem>> -> memref<1x128x128xf32, #tpu.memory_space<vmem>>
    %dma_start3A_1626 = tpu.memref_squeeze %dma_start3A_1625 : memref<1x128x128xf32, #tpu.memory_space<vmem>> -> memref<128x128xf32, #tpu.memory_space<vmem>>
    %dma_start3A_1627 = arith.constant 0 : i32
    %dma_start3A_1628 = tpu.memref_slice %arg5[%dma_start3A_1620, %dma_start3A_1621, %dma_start3A_1627] : memref<2x32x200xi32, #tpu.memory_space<vmem>> -> memref<1x1x128xi32, #tpu.memory_space<vmem>>
    %dma_start3A_1629 = tpu.memref_squeeze %dma_start3A_1628 : memref<1x1x128xi32, #tpu.memory_space<vmem>> -> memref<128xi32, #tpu.memory_space<vmem>>
    %dma_start3A_1630 = arith.constant 0 : i32
    %dma_start3A_1631 = arith.constant 0 : i32
    %dma_start3A_1632 = tpu.memref_slice %arg7[%dma_start3A_1630, %dma_start3A_1631] : memref<1000x128xf32, #tpu.memory_space<vmem_shared>> -> memref<1000x128xf32, #tpu.memory_space<vmem_shared>>
    tpu.enqueue_indirect_dma source(%dma_start3A_1632 : memref<1000x128xf32, #tpu.memory_space<vmem_shared>>) target(%dma_start3A_1626 : memref<128x128xf32, #tpu.memory_space<vmem>>) offsets(%dma_start3A_1629 : memref<128xi32, #tpu.memory_space<vmem>>) semaphore(%arg13 : memref<!tpu.dma_semaphore, #tpu.memory_space<semaphore_mem>>)
    %dma_start3A_1633 = arith.constant 1 : i32
    %dma_start3A_1634 = arith.constant 31 : i32
    %dma_start3A_1635 = arith.constant 3 : i32
    %dma_start3A_1636 = arith.constant 128 : i32
    %dma_start3A_1637 = arith.constant 0 : i32
    %dma_start3A_1638 = tpu.memref_slice %arg6[%dma_start3A_1635, %dma_start3A_1636, %dma_start3A_1637] : memref<4x200x128xf32, #tpu.memory_space<vmem>> -> memref<1x72x128xf32, #tpu.memory_space<vmem>>
    %dma_start3A_1639 = tpu.memref_squeeze %dma_start3A_1638 : memref<1x72x128xf32, #tpu.memory_space<vmem>> -> memref<72x128xf32, #tpu.memory_space<vmem>>
    %dma_start3A_1640 = arith.constant 128 : i32
    %dma_start3A_1641 = tpu.memref_slice %arg5[%dma_start3A_1633, %dma_start3A_1634, %dma_start3A_1640] : memref<2x32x200xi32, #tpu.memory_space<vmem>> -> memref<1x1x72xi32, #tpu.memory_space<vmem>>
    %dma_start3A_1642 = tpu.memref_squeeze %dma_start3A_1641 : memref<1x1x72xi32, #tpu.memory_space<vmem>> -> memref<72xi32, #tpu.memory_space<vmem>>
    %dma_start3A_1643 = arith.constant 0 : i32
    %dma_start3A_1644 = arith.constant 0 : i32
    %dma_start3A_1645 = tpu.memref_slice %arg7[%dma_start3A_1643, %dma_start3A_1644] : memref<1000x128xf32, #tpu.memory_space<vmem_shared>> -> memref<1000x128xf32, #tpu.memory_space<vmem_shared>>
    tpu.enqueue_indirect_dma source(%dma_start3A_1645 : memref<1000x128xf32, #tpu.memory_space<vmem_shared>>) target(%dma_start3A_1639 : memref<72x128xf32, #tpu.memory_space<vmem>>) offsets(%dma_start3A_1642 : memref<72xi32, #tpu.memory_space<vmem>>) semaphore(%arg13 : memref<!tpu.dma_semaphore, #tpu.memory_space<semaphore_mem>>)
    %dma_wait3A_1646 = arith.constant 1 : i32
    %dma_wait3A_1647 = arith.constant 30 : i32
    %dma_wait3A_1648 = arith.constant 2 : i32
    %dma_wait3A_1649 = arith.constant 0 : i32
    %dma_wait3A_1650 = arith.constant 0 : i32
    %dma_wait3A_1651 = tpu.memref_slice %arg6[%dma_wait3A_1648, %dma_wait3A_1649, %dma_wait3A_1650] : memref<4x200x128xf32, #tpu.memory_space<vmem>> -> memref<1x128x128xf32, #tpu.memory_space<vmem>>
    %dma_wait3A_1652 = tpu.memref_squeeze %dma_wait3A_1651 : memref<1x128x128xf32, #tpu.memory_space<vmem>> -> memref<128x128xf32, #tpu.memory_space<vmem>>
    %dma_wait3A_1653 = arith.constant 0 : i32
    %dma_wait3A_1654 = tpu.memref_slice %arg5[%dma_wait3A_1646, %dma_wait3A_1647, %dma_wait3A_1653] : memref<2x32x200xi32, #tpu.memory_space<vmem>> -> memref<1x1x128xi32, #tpu.memory_space<vmem>>
    %dma_wait3A_1655 = tpu.memref_squeeze %dma_wait3A_1654 : memref<1x1x128xi32, #tpu.memory_space<vmem>> -> memref<128xi32, #tpu.memory_space<vmem>>
    %dma_wait3A_1656 = arith.constant 0 : i32
    %dma_wait3A_1657 = arith.constant 0 : i32
    %dma_wait3A_1658 = tpu.memref_slice %arg7[%dma_wait3A_1656, %dma_wait3A_1657] : memref<1000x128xf32, #tpu.memory_space<vmem_shared>> -> memref<1000x128xf32, #tpu.memory_space<vmem_shared>>
    tpu.wait_indirect_dma semaphore(%arg12 : memref<!tpu.dma_semaphore, #tpu.memory_space<semaphore_mem>>) src(%dma_wait3A_1658 : memref<1000x128xf32, #tpu.memory_space<vmem_shared>>) dst(%dma_wait3A_1652 : memref<128x128xf32, #tpu.memory_space<vmem>>)
    %dma_wait3A_1659 = arith.constant 1 : i32
    %dma_wait3A_1660 = arith.constant 30 : i32
    %dma_wait3A_1661 = arith.constant 2 : i32
    %dma_wait3A_1662 = arith.constant 128 : i32
    %dma_wait3A_1663 = arith.constant 0 : i32
    %dma_wait3A_1664 = tpu.memref_slice %arg6[%dma_wait3A_1661, %dma_wait3A_1662, %dma_wait3A_1663] : memref<4x200x128xf32, #tpu.memory_space<vmem>> -> memref<1x72x128xf32, #tpu.memory_space<vmem>>
    %dma_wait3A_1665 = tpu.memref_squeeze %dma_wait3A_1664 : memref<1x72x128xf32, #tpu.memory_space<vmem>> -> memref<72x128xf32, #tpu.memory_space<vmem>>
    %dma_wait3A_1666 = arith.constant 128 : i32
    %dma_wait3A_1667 = tpu.memref_slice %arg5[%dma_wait3A_1659, %dma_wait3A_1660, %dma_wait3A_1666] : memref<2x32x200xi32, #tpu.memory_space<vmem>> -> memref<1x1x72xi32, #tpu.memory_space<vmem>>
    %dma_wait3A_1668 = tpu.memref_squeeze %dma_wait3A_1667 : memref<1x1x72xi32, #tpu.memory_space<vmem>> -> memref<72xi32, #tpu.memory_space<vmem>>
    %dma_wait3A_1669 = arith.constant 0 : i32
    %dma_wait3A_1670 = arith.constant 0 : i32
    %dma_wait3A_1671 = tpu.memref_slice %arg7[%dma_wait3A_1669, %dma_wait3A_1670] : memref<1000x128xf32, #tpu.memory_space<vmem_shared>> -> memref<1000x128xf32, #tpu.memory_space<vmem_shared>>
    tpu.wait_indirect_dma semaphore(%arg12 : memref<!tpu.dma_semaphore, #tpu.memory_space<semaphore_mem>>) src(%dma_wait3A_1671 : memref<1000x128xf32, #tpu.memory_space<vmem_shared>>) dst(%dma_wait3A_1665 : memref<72x128xf32, #tpu.memory_space<vmem>>)
    %add3A_1672 = arith.constant 25200 : i32
    %add3A_1673 = arith.addi %mul3A_2, %add3A_1672 : i32
    %dma_start3A_1674 = arith.constant 2 : i32
    %dma_start3A_1675 = arith.constant 0 : i32
    %dma_start3A_1676 = arith.constant 0 : i32
    %dma_start3A_1677 = tpu.memref_slice %arg6[%dma_start3A_1674, %dma_start3A_1675, %dma_start3A_1676] : memref<4x200x128xf32, #tpu.memory_space<vmem>> -> memref<1x200x128xf32, #tpu.memory_space<vmem>>
    %dma_start3A_1678 = tpu.memref_squeeze %dma_start3A_1677 : memref<1x200x128xf32, #tpu.memory_space<vmem>> -> memref<200x128xf32, #tpu.memory_space<vmem>>
    %dma_start3A_1679 = arith.constant 0 : i32
    %dma_start3A_1680 = tpu.memref_slice %arg4[%add3A_1673, %dma_start3A_1679] : memref<819200x128xf32, #tpu.memory_space<hbm>> -> memref<200x128xf32, #tpu.memory_space<hbm>>
    %dma_start3A_1681 = arith.constant 0 : i32
    %dma_start3A_1682 = tpu.memref_slice %arg4[%add3A_1673, %dma_start3A_1681] : memref<819200x128xf32, #tpu.memory_space<hbm>> -> memref<200x128xf32, #tpu.memory_space<hbm>>
    %dma_start3A_1683 = arith.constant 0 : i32
    %dma_start3A_1684 = arith.constant 0 : i32
    %dma_start3A_1685 = tpu.memref_slice %arg6[%dma_start3A_1674, %dma_start3A_1683, %dma_start3A_1684] : memref<4x200x128xf32, #tpu.memory_space<vmem>> -> memref<1x200x128xf32, #tpu.memory_space<vmem>>
    %dma_start3A_1686 = tpu.memref_squeeze %dma_start3A_1685 : memref<1x200x128xf32, #tpu.memory_space<vmem>> -> memref<200x128xf32, #tpu.memory_space<vmem>>
    tpu.enqueue_dma source(%dma_start3A_1686 : memref<200x128xf32, #tpu.memory_space<vmem>>) target(%dma_start3A_1682 : memref<200x128xf32, #tpu.memory_space<hbm>>) target_semaphore(%arg16 : memref<!tpu.dma_semaphore, #tpu.memory_space<semaphore_mem>>)
    %add3A_1687 = arith.constant 24800 : i32
    %add3A_1688 = arith.addi %mul3A_2, %add3A_1687 : i32
    %dma_wait3A_1689 = arith.constant 0 : i32
    %dma_wait3A_1690 = arith.constant 0 : i32
    %dma_wait3A_1691 = arith.constant 0 : i32
    %dma_wait3A_1692 = tpu.memref_slice %arg6[%dma_wait3A_1689, %dma_wait3A_1690, %dma_wait3A_1691] : memref<4x200x128xf32, #tpu.memory_space<vmem>> -> memref<1x200x128xf32, #tpu.memory_space<vmem>>
    %dma_wait3A_1693 = tpu.memref_squeeze %dma_wait3A_1692 : memref<1x200x128xf32, #tpu.memory_space<vmem>> -> memref<200x128xf32, #tpu.memory_space<vmem>>
    %dma_wait3A_1694 = arith.constant 0 : i32
    %dma_wait3A_1695 = tpu.memref_slice %arg4[%add3A_1688, %dma_wait3A_1694] : memref<819200x128xf32, #tpu.memory_space<hbm>> -> memref<200x128xf32, #tpu.memory_space<hbm>>
    %dma_wait3A_1696 = arith.constant 0 : i32
    %dma_wait3A_1697 = tpu.memref_slice %arg4[%add3A_1688, %dma_wait3A_1696] : memref<819200x128xf32, #tpu.memory_space<hbm>> -> memref<200x128xf32, #tpu.memory_space<hbm>>
    %dma_wait3A_1698 = arith.constant 0 : i32
    %dma_wait3A_1699 = arith.constant 0 : i32
    %dma_wait3A_1700 = tpu.memref_slice %arg6[%dma_wait3A_1689, %dma_wait3A_1698, %dma_wait3A_1699] : memref<4x200x128xf32, #tpu.memory_space<vmem>> -> memref<1x200x128xf32, #tpu.memory_space<vmem>>
    %dma_wait3A_1701 = tpu.memref_squeeze %dma_wait3A_1700 : memref<1x200x128xf32, #tpu.memory_space<vmem>> -> memref<200x128xf32, #tpu.memory_space<vmem>>
    tpu.wait_dma2 semaphore(%arg14 : memref<!tpu.dma_semaphore, #tpu.memory_space<semaphore_mem>>) src(%dma_wait3A_1701 : memref<200x128xf32, #tpu.memory_space<vmem>>) dst(%dma_wait3A_1697 : memref<200x128xf32, #tpu.memory_space<hbm>>)
    %dma_wait3A_1702 = arith.constant 1 : i32
    %dma_wait3A_1703 = arith.constant 31 : i32
    %dma_wait3A_1704 = arith.constant 3 : i32
    %dma_wait3A_1705 = arith.constant 0 : i32
    %dma_wait3A_1706 = arith.constant 0 : i32
    %dma_wait3A_1707 = tpu.memref_slice %arg6[%dma_wait3A_1704, %dma_wait3A_1705, %dma_wait3A_1706] : memref<4x200x128xf32, #tpu.memory_space<vmem>> -> memref<1x128x128xf32, #tpu.memory_space<vmem>>
    %dma_wait3A_1708 = tpu.memref_squeeze %dma_wait3A_1707 : memref<1x128x128xf32, #tpu.memory_space<vmem>> -> memref<128x128xf32, #tpu.memory_space<vmem>>
    %dma_wait3A_1709 = arith.constant 0 : i32
    %dma_wait3A_1710 = tpu.memref_slice %arg5[%dma_wait3A_1702, %dma_wait3A_1703, %dma_wait3A_1709] : memref<2x32x200xi32, #tpu.memory_space<vmem>> -> memref<1x1x128xi32, #tpu.memory_space<vmem>>
    %dma_wait3A_1711 = tpu.memref_squeeze %dma_wait3A_1710 : memref<1x1x128xi32, #tpu.memory_space<vmem>> -> memref<128xi32, #tpu.memory_space<vmem>>
    %dma_wait3A_1712 = arith.constant 0 : i32
    %dma_wait3A_1713 = arith.constant 0 : i32
    %dma_wait3A_1714 = tpu.memref_slice %arg7[%dma_wait3A_1712, %dma_wait3A_1713] : memref<1000x128xf32, #tpu.memory_space<vmem_shared>> -> memref<1000x128xf32, #tpu.memory_space<vmem_shared>>
    tpu.wait_indirect_dma semaphore(%arg13 : memref<!tpu.dma_semaphore, #tpu.memory_space<semaphore_mem>>) src(%dma_wait3A_1714 : memref<1000x128xf32, #tpu.memory_space<vmem_shared>>) dst(%dma_wait3A_1708 : memref<128x128xf32, #tpu.memory_space<vmem>>)
    %dma_wait3A_1715 = arith.constant 1 : i32
    %dma_wait3A_1716 = arith.constant 31 : i32
    %dma_wait3A_1717 = arith.constant 3 : i32
    %dma_wait3A_1718 = arith.constant 128 : i32
    %dma_wait3A_1719 = arith.constant 0 : i32
    %dma_wait3A_1720 = tpu.memref_slice %arg6[%dma_wait3A_1717, %dma_wait3A_1718, %dma_wait3A_1719] : memref<4x200x128xf32, #tpu.memory_space<vmem>> -> memref<1x72x128xf32, #tpu.memory_space<vmem>>
    %dma_wait3A_1721 = tpu.memref_squeeze %dma_wait3A_1720 : memref<1x72x128xf32, #tpu.memory_space<vmem>> -> memref<72x128xf32, #tpu.memory_space<vmem>>
    %dma_wait3A_1722 = arith.constant 128 : i32
    %dma_wait3A_1723 = tpu.memref_slice %arg5[%dma_wait3A_1715, %dma_wait3A_1716, %dma_wait3A_1722] : memref<2x32x200xi32, #tpu.memory_space<vmem>> -> memref<1x1x72xi32, #tpu.memory_space<vmem>>
    %dma_wait3A_1724 = tpu.memref_squeeze %dma_wait3A_1723 : memref<1x1x72xi32, #tpu.memory_space<vmem>> -> memref<72xi32, #tpu.memory_space<vmem>>
    %dma_wait3A_1725 = arith.constant 0 : i32
    %dma_wait3A_1726 = arith.constant 0 : i32
    %dma_wait3A_1727 = tpu.memref_slice %arg7[%dma_wait3A_1725, %dma_wait3A_1726] : memref<1000x128xf32, #tpu.memory_space<vmem_shared>> -> memref<1000x128xf32, #tpu.memory_space<vmem_shared>>
    tpu.wait_indirect_dma semaphore(%arg13 : memref<!tpu.dma_semaphore, #tpu.memory_space<semaphore_mem>>) src(%dma_wait3A_1727 : memref<1000x128xf32, #tpu.memory_space<vmem_shared>>) dst(%dma_wait3A_1721 : memref<72x128xf32, #tpu.memory_space<vmem>>)
    %add3A_1728 = arith.constant 25400 : i32
    %add3A_1729 = arith.addi %mul3A_2, %add3A_1728 : i32
    %dma_start3A_1730 = arith.constant 3 : i32
    %dma_start3A_1731 = arith.constant 0 : i32
    %dma_start3A_1732 = arith.constant 0 : i32
    %dma_start3A_1733 = tpu.memref_slice %arg6[%dma_start3A_1730, %dma_start3A_1731, %dma_start3A_1732] : memref<4x200x128xf32, #tpu.memory_space<vmem>> -> memref<1x200x128xf32, #tpu.memory_space<vmem>>
    %dma_start3A_1734 = tpu.memref_squeeze %dma_start3A_1733 : memref<1x200x128xf32, #tpu.memory_space<vmem>> -> memref<200x128xf32, #tpu.memory_space<vmem>>
    %dma_start3A_1735 = arith.constant 0 : i32
    %dma_start3A_1736 = tpu.memref_slice %arg4[%add3A_1729, %dma_start3A_1735] : memref<819200x128xf32, #tpu.memory_space<hbm>> -> memref<200x128xf32, #tpu.memory_space<hbm>>
    %dma_start3A_1737 = arith.constant 0 : i32
    %dma_start3A_1738 = tpu.memref_slice %arg4[%add3A_1729, %dma_start3A_1737] : memref<819200x128xf32, #tpu.memory_space<hbm>> -> memref<200x128xf32, #tpu.memory_space<hbm>>
    %dma_start3A_1739 = arith.constant 0 : i32
    %dma_start3A_1740 = arith.constant 0 : i32
    %dma_start3A_1741 = tpu.memref_slice %arg6[%dma_start3A_1730, %dma_start3A_1739, %dma_start3A_1740] : memref<4x200x128xf32, #tpu.memory_space<vmem>> -> memref<1x200x128xf32, #tpu.memory_space<vmem>>
    %dma_start3A_1742 = tpu.memref_squeeze %dma_start3A_1741 : memref<1x200x128xf32, #tpu.memory_space<vmem>> -> memref<200x128xf32, #tpu.memory_space<vmem>>
    tpu.enqueue_dma source(%dma_start3A_1742 : memref<200x128xf32, #tpu.memory_space<vmem>>) target(%dma_start3A_1738 : memref<200x128xf32, #tpu.memory_space<hbm>>) target_semaphore(%arg17 : memref<!tpu.dma_semaphore, #tpu.memory_space<semaphore_mem>>)
    %add3A_1743 = arith.constant 25000 : i32
    %add3A_1744 = arith.addi %mul3A_2, %add3A_1743 : i32
    %dma_wait3A_1745 = arith.constant 1 : i32
    %dma_wait3A_1746 = arith.constant 0 : i32
    %dma_wait3A_1747 = arith.constant 0 : i32
    %dma_wait3A_1748 = tpu.memref_slice %arg6[%dma_wait3A_1745, %dma_wait3A_1746, %dma_wait3A_1747] : memref<4x200x128xf32, #tpu.memory_space<vmem>> -> memref<1x200x128xf32, #tpu.memory_space<vmem>>
    %dma_wait3A_1749 = tpu.memref_squeeze %dma_wait3A_1748 : memref<1x200x128xf32, #tpu.memory_space<vmem>> -> memref<200x128xf32, #tpu.memory_space<vmem>>
    %dma_wait3A_1750 = arith.constant 0 : i32
    %dma_wait3A_1751 = tpu.memref_slice %arg4[%add3A_1744, %dma_wait3A_1750] : memref<819200x128xf32, #tpu.memory_space<hbm>> -> memref<200x128xf32, #tpu.memory_space<hbm>>
    %dma_wait3A_1752 = arith.constant 0 : i32
    %dma_wait3A_1753 = tpu.memref_slice %arg4[%add3A_1744, %dma_wait3A_1752] : memref<819200x128xf32, #tpu.memory_space<hbm>> -> memref<200x128xf32, #tpu.memory_space<hbm>>
    %dma_wait3A_1754 = arith.constant 0 : i32
    %dma_wait3A_1755 = arith.constant 0 : i32
    %dma_wait3A_1756 = tpu.memref_slice %arg6[%dma_wait3A_1745, %dma_wait3A_1754, %dma_wait3A_1755] : memref<4x200x128xf32, #tpu.memory_space<vmem>> -> memref<1x200x128xf32, #tpu.memory_space<vmem>>
    %dma_wait3A_1757 = tpu.memref_squeeze %dma_wait3A_1756 : memref<1x200x128xf32, #tpu.memory_space<vmem>> -> memref<200x128xf32, #tpu.memory_space<vmem>>
    tpu.wait_dma2 semaphore(%arg15 : memref<!tpu.dma_semaphore, #tpu.memory_space<semaphore_mem>>) src(%dma_wait3A_1757 : memref<200x128xf32, #tpu.memory_space<vmem>>) dst(%dma_wait3A_1753 : memref<200x128xf32, #tpu.memory_space<hbm>>)
    %add3A_1758 = arith.constant 25200 : i32
    %add3A_1759 = arith.addi %mul3A_2, %add3A_1758 : i32
    %dma_wait3A_1760 = arith.constant 2 : i32
    %dma_wait3A_1761 = arith.constant 0 : i32
    %dma_wait3A_1762 = arith.constant 0 : i32
    %dma_wait3A_1763 = tpu.memref_slice %arg6[%dma_wait3A_1760, %dma_wait3A_1761, %dma_wait3A_1762] : memref<4x200x128xf32, #tpu.memory_space<vmem>> -> memref<1x200x128xf32, #tpu.memory_space<vmem>>
    %dma_wait3A_1764 = tpu.memref_squeeze %dma_wait3A_1763 : memref<1x200x128xf32, #tpu.memory_space<vmem>> -> memref<200x128xf32, #tpu.memory_space<vmem>>
    %dma_wait3A_1765 = arith.constant 0 : i32
    %dma_wait3A_1766 = tpu.memref_slice %arg4[%add3A_1759, %dma_wait3A_1765] : memref<819200x128xf32, #tpu.memory_space<hbm>> -> memref<200x128xf32, #tpu.memory_space<hbm>>
    %dma_wait3A_1767 = arith.constant 0 : i32
    %dma_wait3A_1768 = tpu.memref_slice %arg4[%add3A_1759, %dma_wait3A_1767] : memref<819200x128xf32, #tpu.memory_space<hbm>> -> memref<200x128xf32, #tpu.memory_space<hbm>>
    %dma_wait3A_1769 = arith.constant 0 : i32
    %dma_wait3A_1770 = arith.constant 0 : i32
    %dma_wait3A_1771 = tpu.memref_slice %arg6[%dma_wait3A_1760, %dma_wait3A_1769, %dma_wait3A_1770] : memref<4x200x128xf32, #tpu.memory_space<vmem>> -> memref<1x200x128xf32, #tpu.memory_space<vmem>>
    %dma_wait3A_1772 = tpu.memref_squeeze %dma_wait3A_1771 : memref<1x200x128xf32, #tpu.memory_space<vmem>> -> memref<200x128xf32, #tpu.memory_space<vmem>>
    tpu.wait_dma2 semaphore(%arg16 : memref<!tpu.dma_semaphore, #tpu.memory_space<semaphore_mem>>) src(%dma_wait3A_1772 : memref<200x128xf32, #tpu.memory_space<vmem>>) dst(%dma_wait3A_1768 : memref<200x128xf32, #tpu.memory_space<hbm>>)
    %add3A_1773 = arith.constant 25400 : i32
    %add3A_1774 = arith.addi %mul3A_2, %add3A_1773 : i32
    %dma_wait3A_1775 = arith.constant 3 : i32
    %dma_wait3A_1776 = arith.constant 0 : i32
    %dma_wait3A_1777 = arith.constant 0 : i32
    %dma_wait3A_1778 = tpu.memref_slice %arg6[%dma_wait3A_1775, %dma_wait3A_1776, %dma_wait3A_1777] : memref<4x200x128xf32, #tpu.memory_space<vmem>> -> memref<1x200x128xf32, #tpu.memory_space<vmem>>
    %dma_wait3A_1779 = tpu.memref_squeeze %dma_wait3A_1778 : memref<1x200x128xf32, #tpu.memory_space<vmem>> -> memref<200x128xf32, #tpu.memory_space<vmem>>
    %dma_wait3A_1780 = arith.constant 0 : i32
    %dma_wait3A_1781 = tpu.memref_slice %arg4[%add3A_1774, %dma_wait3A_1780] : memref<819200x128xf32, #tpu.memory_space<hbm>> -> memref<200x128xf32, #tpu.memory_space<hbm>>
    %dma_wait3A_1782 = arith.constant 0 : i32
    %dma_wait3A_1783 = tpu.memref_slice %arg4[%add3A_1774, %dma_wait3A_1782] : memref<819200x128xf32, #tpu.memory_space<hbm>> -> memref<200x128xf32, #tpu.memory_space<hbm>>
    %dma_wait3A_1784 = arith.constant 0 : i32
    %dma_wait3A_1785 = arith.constant 0 : i32
    %dma_wait3A_1786 = tpu.memref_slice %arg6[%dma_wait3A_1775, %dma_wait3A_1784, %dma_wait3A_1785] : memref<4x200x128xf32, #tpu.memory_space<vmem>> -> memref<1x200x128xf32, #tpu.memory_space<vmem>>
    %dma_wait3A_1787 = tpu.memref_squeeze %dma_wait3A_1786 : memref<1x200x128xf32, #tpu.memory_space<vmem>> -> memref<200x128xf32, #tpu.memory_space<vmem>>
    tpu.wait_dma2 semaphore(%arg17 : memref<!tpu.dma_semaphore, #tpu.memory_space<semaphore_mem>>) src(%dma_wait3A_1787 : memref<200x128xf32, #tpu.memory_space<vmem>>) dst(%dma_wait3A_1783 : memref<200x128xf32, #tpu.memory_space<hbm>>)
    return
  }
}

</mosaic_0001>

<sc_bundles>
// kernel: kernel.3.cloned.1.call-start
scs
__scs_entry_jumppad:
0x0: {  	(pc) =	sbr.rel $0x88, $3  }
0x1: {  	(tag) =	ssettag $0x0;
	lr =	simm.s32 $0x1  }
0x2: {  	[smem:$0x3F9F] =	sst lr;
	_ =	strace $0xD0000000  }
0x3: {  	_ = 	snop  }
0x4: {  	_ = 	snop  }
0x5: {  	_ = 	snop  }
0x6: {  	_ = 	snop  }
0x7: {  	_ = 	snop  }
__scs_overlays_trampoline_lowered:
0x8: {  	[smem:$0x3FAE] =	sst s0  }
0x9: {  	[smem:$0x3FAF] =	sst s1  }
0xa: {  	[smem:$0x3FB0] =	sst s2  }
0xb: {  	[smem:$0x3FB1] =	sst s3  }
0xc: {  	[smem:$0x3FB2] =	sst s4  }
0xd: {  	[smem:$0x3FB3] =	sst s5  }
0xe: {  	[smem:$0x3FB4] =	sst s6  }
0xf: {  	[smem:$0x3FB5] =	sst s7  }
0x10: {  	[smem:$0x3FB6] =	sst s8  }
0x11: {  	[smem:$0x3FB7] =	sst s9;
	s0 =	simm.s32 @!p0 $0x0  }
0x12: {  	s1 =	sld [smem:$0x3F9D];
	s0 =	simm.s32 @p0 $0x1  }
0x13: {  	[smem:$0x3FB8] =	sst s0;
	s0 =	simm.s32 @!p1 $0x0  }
0x14: {  	s2 =	sld [smem:$0x3F9C];
	s0 =	simm.s32 @p1 $0x1  }
0x15: {  	[smem:$0x3FB9] =	sst s0;
	s0 =	simm.s32 @!p2 $0x0  }
0x16: {  	s3 =	sld [smem:$0x3FDB];
	s0 =	simm.s32 @p2 $0x1  }
0x17: {  	s4 =	simm.s32 $0x1BF5;
	[smem:$0x3FBB] =	sst s0  }
0x18: {  	s0 =	sld [smem:$0x3F9E];
	_ =	swait.ge [sflag:s4], $0x0  }
0x19: {  	s7 =	sld [smem:$0x3F9F]  }
0x1a: {  	s8 =	sadd.s32 $0xFFFFE003, lr  }
0x1b: {  	s9 =	sadd.s32 $0xFFFFFEF7, lr;
	s5 =	simm.s32 $0xFFFFFFFF;
	p2 =	slt.u32 s8, $0xFFFFF086  }
0x1c: {  	p1 =	slt.u32 s9, $0xF7A;
	s5 =	simm.s32 @!p2 $0x0  }
0x1d: {  	s5 =	simm.s32 @p1 $0x1;
	p0 =	seq.s32 s7, s2  }
0x1e: {  	s7 =	smul.u32 @!p0 $0xF7A, s2;
	p2 =	seq.s32 @!p0 s5, $0x0  }
0x1f: {  	s9 =	smul.u32 $0xF7A, s1;
	s8 =	simm.s32 @!p0 $0x1BF5;
	p2 =	por !p2, p0  }
0x20: {  	[sflag:s8] =	ssyncset.s32 @!p0 $0xFFFFF086;
	s6 =	sadd.s32 @!p0 s3, s7;
	s7 =	simm.s32 @!p0 $0x108  }
0x21: {  	s3 =	sadd.s32 s3, s9;
	s6 =	sadd.s32 @!p0 $0x88, s6;
	s7 =	simm.s32 @p2 $0x1082  }
0x22: {  	[simem:s7], [sflag:s8] =	dma.local @!p0 [hbm:s6], $0xF7A  }
0x23: {  	s9 =	sor.u32 $0xD0000000, s2;
	s6 =	simm.s32 $0x108;
	_ =	swait.ge @!p0 [sflag:s8], $0x0  }
0x24: {  	s3 =	sadd.s32 $0x88, s3;
	s6 =	simm.s32 @!p1 $0x1082;
	[sflag:s4] =	ssyncset.s32 $0xFFFFF086  }
0x25: {  	[simem:s6], [sflag:s4] =	dma.local [hbm:s3], $0xF7A  }
0x26: {  	[smem:$0x3F9F] =	sst s1;
	(tag) =	ssettag s2;
	_ =	strace s9  }
0x27: {  	s1 =	sld [smem:$0x3FAF]  }
0x28: {  	s2 =	sld [smem:$0x3FB0]  }
0x29: {  	s4 =	sld [smem:$0x3FB2]  }
0x2a: {  	p0 =	seq.s32 s5, $0x0;
	s5 =	sld [smem:$0x3FB3]  }
0x2b: {  	s6 =	sld [smem:$0x3FB4]  }
0x2c: {  	s7 =	sld [smem:$0x3FB5]  }
0x2d: {  	s3 =	simm.s32 $0x108;
	s8 =	sld [smem:$0x3FB6]  }
0x2e: {  	s3 =	simm.s32 @!p0 $0x1082;
	s9 =	sld [smem:$0x3FB7]  }
0x2f: {  	lr =	sadd.s32 s0, s3;
	s0 =	sld [smem:$0x3FAE]  }
0x30: {  	s3 =	sld [smem:$0x3FB1]  }
0x31: {  	[smem:$0x3FBA] =	sst s10  }
0x32: {  	s10 =	sld [smem:$0x3FB8];
	_ =	sdelay $0x3  }
0x33: {  	p0 =	seq.s32 s10, $0x1;
	s10 =	sld [smem:$0x3FBA];
	_ =	sdelay $0x3  }
0x34: {  	[smem:$0x3FBA] =	sst s10  }
0x35: {  	s10 =	sld [smem:$0x3FB9];
	_ =	sdelay $0x3  }
0x36: {  	p1 =	seq.s32 s10, $0x1;
	s10 =	sld [smem:$0x3FBA];
	_ =	sdelay $0x3  }
0x37: {  	[smem:$0x3FBA] =	sst s10  }
0x38: {  	s10 =	sld [smem:$0x3FBB]  }
0x39: {  	_ = 	snop;
	(pc) =	sbr.ind lr, $3  }
0x3a: {  	_ = 	snop  }
0x3b: {  	_ = 	snop  }
0x3c: {  	p2 =	seq.s32 s10, $0x1;
	s10 =	sld [smem:$0x3FBA]  }
0x3d: {  	_ =	shalt  }
0x3e: {  	_ =	shalt  }
0x3f: {  	_ =	shalt  }
0x40: {  	_ =	shalt  }
0x41: {  	_ =	shalt  }
0x42: {  	_ =	shalt  }
0x43: {  	_ =	shalt  }
0x44: {  	_ =	shalt  }
0x45: {  	_ =	shalt  }
0x46: {  	_ =	shalt  }
0x47: {  	_ =	shalt  }
0x48: {  	_ =	shalt  }
0x49: {  	_ =	shalt  }
0x4a: {  	_ =	shalt  }
0x4b: {  	_ =	shalt  }
0x4c: {  	_ =	shalt  }
0x4d: {  	_ =	shalt  }
0x4e: {  	_ =	shalt  }
0x4f: {  	_ =	shalt  }
0x50: {  	_ =	shalt  }
0x51: {  	_ =	shalt  }
0x52: {  	_ =	shalt  }
0x53: {  	_ =	shalt  }
0x54: {  	_ =	shalt  }
0x55: {  	_ =	shalt  }
0x56: {  	_ =	shalt  }
0x57: {  	_ =	shalt  }
0x58: {  	_ =	shalt  }
0x59: {  	_ =	shalt  }
0x5a: {  	_ =	shalt  }
0x5b: {  	_ =	shalt  }
0x5c: {  	_ =	shalt  }
0x5d: {  	_ =	shalt  }
0x5e: {  	_ =	shalt  }
0x5f: {  	_ =	shalt  }
0x60: {  	_ =	shalt  }
0x61: {  	_ =	shalt  }
0x62: {  	_ =	shalt  }
0x63: {  	_ =	shalt  }
0x64: {  	_ =	shalt  }
0x65: {  	_ =	shalt  }
0x66: {  	_ =	shalt  }
0x67: {  	_ =	shalt  }
0x68: {  	_ =	shalt  }
0x69: {  	_ =	shalt  }
0x6a: {  	_ =	shalt  }
0x6b: {  	_ =	shalt  }
0x6c: {  	_ =	shalt  }
0x6d: {  	_ =	shalt  }
0x6e: {  	_ =	shalt  }
0x6f: {  	_ =	shalt  }
0x70: {  	_ =	shalt  }
0x71: {  	_ =	shalt  }
0x72: {  	_ =	shalt  }
0x73: {  	_ =	shalt  }
0x74: {  	_ =	shalt  }
0x75: {  	_ =	shalt  }
0x76: {  	_ =	shalt  }
0x77: {  	_ =	shalt  }
0x78: {  	_ =	shalt  }
0x79: {  	_ =	shalt  }
0x7a: {  	_ =	shalt  }
0x7b: {  	_ =	shalt  }
0x7c: {  	_ =	shalt  }
0x7d: {  	_ =	shalt  }
0x7e: {  	_ =	shalt  }
0x7f: {  	_ =	shalt  }
0x80: {  	_ =	shalt  }
0x81: {  	_ =	shalt  }
0x82: {  	_ =	shalt  }
0x83: {  	_ =	shalt  }
0x84: {  	_ =	shalt  }
0x85: {  	_ =	shalt  }
0x86: {  	_ =	shalt  }
0x87: {  	_ =	shalt  }
.Lfunc_end0:
.L_simem_size_0:
called_computation_lowered:
.L_overlay_start_0:
0x88: {  	s2 =	sld [smem:$0x3FD9]  }
0x89: {  	s3 =	sld [smem:$0x3FFE];
	_ =	sdelay $0x1  }
0x8a: {  	s1 =	srdreg.scid  }
0x8b: {  	s0 =	sand.u32 $0x1, s1  }
0x8c: {  	s17 =	sshll.u32 s0, $0xA;
	s2 =	sadd.s32 s3, s2  }
0x8d: {  	s2 =	sadd.s32 s2, s17  }
0x8e: {  	[smem:$0x3FC6] =	sst s2  }
0x8f: {  	_ = 	snop  }
0x90: {  	s2 =	sld [smem:$0x3FC8]  }
0x91: {  	s18 =	sld [smem:$0x3FD0];
	(tm) =	ssettm $0x1  }
0x92: {  	s4 =	sld [smem:$0x3FFB];
	_ =	sdelay $0x3  }
0x93: {  	_ =	strace s4  }
0x94: {  	s4 =	sld [smem:$0x3FFC];
	_ =	sdelay $0x3  }
0x95: {  	_ =	strace s4  }
0x96: {  	s4 =	sld [smem:$0x3FFD];
	_ =	sdelay $0x3  }
0x97: {  	_ =	strace s4  }
0x98: {  	_ =	strace $0x8FFFFFFF  }
0x99: {  	s19 =	sld [smem:$0x3FDB];
	_ =	sdelay $0x1  }
0x9a: {  	s5 =	simm.s32 $_scs_section_size  }
0x9b: {  	s6 =	simm.s32 $_size__tile_overlayer_lowered;
	s7 =	simm.s32 $_tile_overlayer_lowered  }
0x9c: {  	s22 =	simm.s32 $0x1BFF;
	s21 =	sshll.u32 s7, $0x1;
	s4 =	sadd.s32 s5, s19  }
0x9d: {  	s8 =	simm.s32 $0x0;
	s20 =	sshll.u32 s6, $0x1;
	s6 =	sadd.s32 s21, s4  }
0x9e: {  	[timem:s8], [sflag:s22] =	dma.local [hbm:s6], s20  }
0x9f: {  	_ =	swait.ge [sflag:s22], s20  }
0xa0: {  	s5 =	ssub.s32 $0x0, s20;
	[sflag:s22] =	ssyncset.done $0x0  }
0xa1: {  	[sflag:s22] =	ssyncadd.s32 s5;
	_ =	sdelay $0x1  }
0xa2: {  	s23 =	simm.s32 $0x1B8B  }
0xa3: {  	_ =	swait.ge [sflag:s23], $0x1  }
0xa4: {  	[sflag:s23] =	ssyncset.done $0x0  }
0xa5: {  	s25 =	simm.s32 $0x1B8E;
	s24 =	sld [smem:$0x3FFE];
	[sflag:s23] =	ssyncadd.s32 $0xFFFFFFFF  }
0xa6: {  	s26 =	simm.s32 $execute0_lowered;
	[smem:$0x3FD2] =	sst s25  }
0xa7: {  	s6 =	sshll.u32 s26, $0x1;
	_ =	strace $0x80000046;
	[dreg:$0x1] =	wrdreg $0xFFFFFFFF  }
0xa8: {  	s28 =	simm.s32 $_size_execute0_lowered;
	s4 =	sadd.s32 s4, s6;
	[dreg:$0x0] =	wrdreg $0x0  }
0xa9: {  	s6 =	sshll.u32 s28, $0x1;
	[dreg:$0x2] =	wrdreg s4  }
0xaa: {  	[dreg:$0x3] =	wrdreg s6  }
0xab: {  	[dreg:$0x4] =	wrdreg $0xC0  }
0xac: {  	_ =	task [dreg:s8], $0x5FFFF  }
0xad: {  	[dreg:$0x1] =	wrdreg $0xFFFFFFFF  }
0xae: {  	[dreg:$0x0] =	wrdreg $0x60  }
0xaf: {  	[dreg:$0x2] =	wrdreg s24  }
0xb0: {  	[dreg:$0x3] =	wrdreg s2  }
0xb1: {  	[dreg:$0x4] =	wrdreg s18  }
0xb2: {  	[dreg:$0x5] =	wrdreg $0x1D0000  }
0xb3: {  	[dreg:$0x6] =	wrdreg $0x9  }
0xb4: {  	_ =	task.clear_ibuf [dreg:s8], $0x7FFFF;
	_ =	strace $0x90000046  }
0xb5: {  	s29 =	simm.s32 $0x9;
	_ =	strace $0x80000048  }
0xb6: {  	_ =	swait.ge [sflag:s29], $0x1  }
0xb7: {  	[sflag:s29] =	ssyncadd.s32 $0xFFFFFFFF  }
0xb8: {  	_ =	strace $0x90000048  }
0xb9: {  	_ =	sfence  }
0xba: {  	s30 =	sld [smem:$0x0];
	_ =	sdelay $0x2  }
0xbb: {  	s31 =	sshll.u32 s1, $0xD;
	s1 =	sshrl.u32 s1, $0x2  }
0xbc: {  	s3 =	sand.u32 $0x4000, s31;
	s1 =	sadd.s32 s1, s30  }
0xbd: {  	s0 =	sor.u32 s3, s0;
	s1 =	sshll.u32 s1, $0x11  }
0xbe: {  	s0 =	sor.u32 s1, s0  }
0xbf: {  	s0 =	sadd.s32 $0x8F2B, s0  }
0xc0: {  	[sflag:s0] =	ssyncadd.remote.s32 $0x1  }
0xc1: {  	_ =	sfence.sel $0xFFFF  }
0xc2: {  	[dreg:$0x0] =	wrdreg $0xFFFFFFFF;
	(pc) =	sbr.abs _section_cstart, $3  }
0xc3: {  	[dreg:$0x1] =	wrdreg $0xFFFFFFFF  }
0xc4: {  	_ =	task.clear_ibuf [dreg:s8], $0x2FFFF;
	_ =	strace $0x9FFFFFFF  }
0xc5: {  	(tm) =	ssettm $0x7FFFFFFF  }
tec
execute0_lowered:
.L_overlay_start_1:
0x0: {  	(tag) =	ssettag $0x1  }
0x1: {  	s4 =	srdreg.scid;
	s5 =	stileid.u32  }
0x2: {  	s0 =	rddreg [dreg:$0x0];
	s4 =	sand.u32 $0x1, s4;
	s6 =	sshll.u32 s5, $0x1  }
0x3: {  	s1 =	rddreg [dreg:$0x2];
	s3 =	simm.s32 $0x0;
	s6 =	sor.u32 s4, s6  }
0x4: {  	[smem:$0x7FF] =	sst s3;
	s7 =	sshll.u32 s6, $0xC  }
0x5: {  	s2 =	rddreg [dreg:$0x3];
	_ =	strace $0x80000047;
	s0 =	sadd.s32 s7, s0  }
0x6: {  	s8 =	ssub.s32 $0x2, s4;
	s9 =	smul.u32 $0x320000, s6;
	s24 =	sadd.s32 $0x400, s0  }
0x7: {  	s23 =	sshrl.u32 s8, $0x1;
	s26 =	sadd.s32 $0x800, s0;
	[dreg:$0x5] =	wrdreg s24  }
0x8: {  	s6 =	smul.u32 $0x64000, s6;
	s10 =	sadd.s32 $0xC00, s0;
	[dreg:$0x6] =	wrdreg s26  }
0x9: {  	s7 =	ssub.s32 s8, s23;
	s0 =	sadd.s32 $0x1000, s0;
	[dreg:$0xc] =	wrdreg s10  }
0xa: {  	s25 =	sshrl.u32 s9, $0x3;
	s9 =	sadd.s32 s1, s6;
	[dreg:$0x11] =	wrdreg s0  }
0xb: {  	s28 =	sadd.s32 s1, s25;
	s25 =	smax.u32 s7, $0x1;
	[dreg:$0x7] =	wrdreg s9  }
0xc: {  	s26 =	sadd.s32 $0xC80, s9;
	[dreg:$0x1b] =	wrdreg s25  }
0xd: {  	s8 =	sadd.s32 $0x15E00, s28;
	[dreg:$0x1c] =	wrdreg s26  }
0xe: {  	s29 =	sadd.s32 $0x16A80, s28;
	[dreg:$0x8] =	wrdreg s8  }
0xf: {  	s30 =	sadd.s32 $0x17700, s28;
	[dreg:$0x9] =	wrdreg s29  }
0x10: {  	s31 =	sadd.s32 $0x18380, s28;
	[dreg:$0xa] =	wrdreg s30  }
0x11: {  	s11 =	sadd.s32 $0x2EE00, s28;
	[dreg:$0xb] =	wrdreg s31  }
0x12: {  	s12 =	sadd.s32 $0x2FA80, s28;
	[dreg:$0xd] =	wrdreg s11  }
0x13: {  	s13 =	sadd.s32 $0x30700, s28;
	[dreg:$0xe] =	wrdreg s12  }
0x14: {  	s10 =	sadd.s32 $0x31380, s28;
	[dreg:$0xf] =	wrdreg s13  }
0x15: {  	s16 =	sadd.s32 $0x47E00, s28;
	[dreg:$0x10] =	wrdreg s10  }
0x16: {  	s14 =	smul.u32 $0xC8000, s5;
	s17 =	sadd.s32 $0x48A80, s28;
	[dreg:$0x12] =	wrdreg s16  }
0x17: {  	p0 =	sne.s32 s5, $0x0;
	s18 =	sadd.s32 $0x49700, s28;
	[dreg:$0x13] =	wrdreg s17  }
0x18: {  	s5 =	simm.s32 $0x80;
	s19 =	sadd.s32 $0x4A380, s28;
	[dreg:$0x14] =	wrdreg s18  }
0x19: {  	s15 =	smul.u32 $0x64000, s4;
	s20 =	sadd.s32 $0x60E00, s28;
	[dreg:$0x15] =	wrdreg s19  }
0x1a: {  	s1 =	sadd.s32 s14, s1;
	s22 =	sadd.s32 $0x61A80, s28;
	[dreg:$0x17] =	wrdreg s20  }
0x1b: {  	s7 =	simm.s32 $0x4000;
	s23 =	sadd.s32 $0x62700, s28;
	[dreg:$0x18] =	wrdreg s22  }
0x1c: {  	s14 =	simm.s32 $0x10800;
	s24 =	sadd.s32 $0x63380, s28;
	[dreg:$0x19] =	wrdreg s23  }
0x1d: {  	s21 =	sadd.s32 s15, s1;
	s28 =	sadd.s32 $0x1900, s9;
	[dreg:$0x1a] =	wrdreg s24  }
0x1e: {  	s1 =	simm.s32 $0x0;
	[dreg:$0x1d] =	wrdreg s28;
	s29 =	sadd.s32 $0x2580, s9  }
0x1f: {  	s30 =	sadd.s32 $0x3200, s21;
	s31 =	sadd.s32 $0x34580, s21;
	s8 =	simm.s32 $0x48  }
0x20: {  	s10 =	simm.s32 $0x8000;
	s11 =	simm.s32 $0xA400;
	s13 =	simm.s32 $0x3  }
0x21: {  	s16 =	simm.s32 $0x16C00;
	s18 =	simm.s32 $0x5;
	[dreg:$0x16] =	wrdreg s21  }
0x22: {  	s19 =	simm.s32 $0x7;
	s9 =	simm.s32 $0x6;
	[dreg:$0x1e] =	wrdreg s29  }
0x23: {  	s20 =	simm.s32 $0x8;
	s22 =	simm.s32 $0x9;
	[dreg:$0x1f] =	wrdreg s30  }
0x24: {  	s23 =	simm.s32 $0x4;
	s24 =	simm.s32 $0xA;
	[smem:$0x7FD] =	sst s31  }
.LBB2_1:
0x25: {  	[smem:$0x7FC] =	sst s1  }
0x26: {  	s0 =	rddreg [dreg:$0x5]  }
0x27: {  	[tilespmem:s3], [sflag:$0x1] =	stream.linear.gather [hbm4b:s0+s3], $0x2000, $0x38;
	[tilespmem:$0x1EF40] =	vst v63  }
0x28: {  	s6 =	rddreg [dreg:$0x6];
	s12 =	simm.s32 $0x2000  }
0x29: {  	[tilespmem:s12], [sflag:$0x2] =	stream.linear.gather [hbm4b:s6+s3], $0x2000, $0x38;
	[tilespmem:$0x1EF40] =	vst v63  }
0x2a: {  	s4 =	sshrl.u32 @!p0 s2, $0x3;
	s0 =	rddreg [dreg:$0x1];
	s6 =	simm.s32 @!p0 $0x1C0B  }
0x2b: {  	[spmem:s4], [sflag:s6] =	dma.local @!p0 [hbm:s0], $0x3E80  }
0x2c: {  	s4 =	simm.s32 @!p0 $0xB  }
0x2d: {  	_ =	swait.ge @!p0 [sflag:s4], $0x3E80  }
0x2e: {  	[sflag:s4] =	ssyncset.done @!p0 $0x0  }
0x2f: {  	[sflag:s4] =	ssyncadd.s32 @!p0 $0xFFFFC180  }
0x30: {  	s15 =	simm.s32 $0x1;
	[bflag:$0x0] =	sbarrier.arrive $0xFFFF  }
0x31: {  	_ =	swait.ge [sflag:s15], $0x2000  }
0x32: {  	[sflag:s15] =	ssyncset.done $0x0  }
0x33: {  	[sflag:s15] =	ssyncadd.s32 $0xFFFFE000  }
0x34: {  	[tilespmem:s7], [sflag:$0x3] =	stream.indirect.gather [spmem:s2], $0x80, s3, s5, $0xb8;
	[tilespmem:$0x1EF40] =	vst v63  }
0x35: {  	s17 =	simm.s32 $0x400  }
0x36: {  	[tilespmem:s10], [sflag:$0x3] =	stream.indirect.gather [spmem:s2], $0x80, s17, s8, $0xb8;
	[tilespmem:$0x1EF40] =	vst v63  }
0x37: {  	_ = 	snop  }
0x38: {  	[tilespmem:s11], [sflag:$0x4] =	stream.indirect.gather [spmem:s2], $0x80, s5, s5, $0xb8;
	[tilespmem:$0x1EF40] =	vst v63  }
0x39: {  	s1 =	simm.s32 $0xE400;
	s28 =	simm.s32 $0x480  }
0x3a: {  	[tilespmem:s1], [sflag:$0x4] =	stream.indirect.gather [spmem:s2], $0x80, s28, s8, $0xb8;
	[tilespmem:$0x1EF40] =	vst v63  }
0x3b: {  	_ =	swait.ge [sflag:s13], $0x4000  }
0x3c: {  	[sflag:s13] =	ssyncset.done $0x0  }
0x3d: {  	[sflag:s13] =	ssyncadd.s32 $0xFFFFC000  }
0x3e: {  	_ =	swait.ge [sflag:s13], $0x2400  }
0x3f: {  	[sflag:s13] =	ssyncset.done $0x0  }
0x40: {  	s25 =	rddreg [dreg:$0x7];
	[sflag:s13] =	ssyncadd.s32 $0xFFFFDC00  }
0x41: {  	[hbm4b:s25+s3] =	stream.linear.scatter [tilespmem:s7], [sflag:$0x7], $0x6400, $0x38;
	[tilespmem:$0x1EF40] =	vst v63  }
0x42: {  	s26 =	simm.s32 $0x100  }
0x43: {  	[tilespmem:s14], [sflag:$0x5] =	stream.indirect.gather [spmem:s2], $0x80, s26, s5, $0xb8;
	[tilespmem:$0x1EF40] =	vst v63  }
0x44: {  	s4 =	simm.s32 $0x500;
	s17 =	simm.s32 $0x14800  }
0x45: {  	[tilespmem:s17], [sflag:$0x5] =	stream.indirect.gather [spmem:s2], $0x80, s4, s8, $0xb8;
	[tilespmem:$0x1EF40] =	vst v63  }
0x46: {  	_ =	swait.ge [sflag:s23], $0x4000  }
0x47: {  	[sflag:s23] =	ssyncset.done $0x0  }
0x48: {  	[sflag:s23] =	ssyncadd.s32 $0xFFFFC000  }
0x49: {  	_ =	swait.ge [sflag:s23], $0x2400  }
0x4a: {  	[sflag:s23] =	ssyncset.done $0x0  }
0x4b: {  	s6 =	rddreg [dreg:$0x1c];
	[sflag:s23] =	ssyncadd.s32 $0xFFFFDC00  }
0x4c: {  	[hbm4b:s6+s3] =	stream.linear.scatter [tilespmem:s11], [sflag:$0x8], $0x6400, $0x38;
	[tilespmem:$0x1EF40] =	vst v63  }
0x4d: {  	s12 =	simm.s32 $0x180  }
0x4e: {  	[tilespmem:s16], [sflag:$0x6] =	stream.indirect.gather [spmem:s2], $0x80, s12, s5, $0xb8;
	[tilespmem:$0x1EF40] =	vst v63  }
0x4f: {  	s15 =	simm.s32 $0x580;
	s25 =	simm.s32 $0x1AC00  }
0x50: {  	[tilespmem:s25], [sflag:$0x6] =	stream.indirect.gather [spmem:s2], $0x80, s15, s8, $0xb8;
	[tilespmem:$0x1EF40] =	vst v63  }
0x51: {  	_ =	swait.ge [sflag:s18], $0x4000  }
0x52: {  	[sflag:s18] =	ssyncset.done $0x0  }
0x53: {  	[sflag:s18] =	ssyncadd.s32 $0xFFFFC000  }
0x54: {  	_ =	swait.ge [sflag:s18], $0x2400  }
0x55: {  	[sflag:s18] =	ssyncset.done $0x0  }
0x56: {  	s26 =	rddreg [dreg:$0x1d];
	[sflag:s18] =	ssyncadd.s32 $0xFFFFDC00  }
0x57: {  	[hbm4b:s26+s3] =	stream.linear.scatter [tilespmem:s14], [sflag:$0x9], $0x6400, $0x38;
	[tilespmem:$0x1EF40] =	vst v63  }
0x58: {  	_ =	swait.ge [sflag:s19], $0x6400  }
0x59: {  	[sflag:s19] =	ssyncset.done $0x0  }
0x5a: {  	s4 =	simm.s32 $0x200;
	[sflag:s19] =	ssyncadd.s32 $0xFFFF9C00  }
0x5b: {  	[tilespmem:s7], [sflag:$0x3] =	stream.indirect.gather [spmem:s2], $0x80, s4, s5, $0xb8;
	[tilespmem:$0x1EF40] =	vst v63  }
0x5c: {  	s6 =	simm.s32 $0x600  }
0x5d: {  	[tilespmem:s10], [sflag:$0x3] =	stream.indirect.gather [spmem:s2], $0x80, s6, s8, $0xb8;
	[tilespmem:$0x1EF40] =	vst v63  }
0x5e: {  	_ =	swait.ge [sflag:s9], $0x4000  }
0x5f: {  	[sflag:s9] =	ssyncset.done $0x0  }
0x60: {  	[sflag:s9] =	ssyncadd.s32 $0xFFFFC000  }
0x61: {  	_ =	swait.ge [sflag:s9], $0x2400  }
0x62: {  	[sflag:s9] =	ssyncset.done $0x0  }
0x63: {  	s12 =	rddreg [dreg:$0x1e];
	[sflag:s9] =	ssyncadd.s32 $0xFFFFDC00  }
0x64: {  	[hbm4b:s12+s3] =	stream.linear.scatter [tilespmem:s16], [sflag:$0xA], $0x6400, $0x38;
	[tilespmem:$0x1EF40] =	vst v63  }
0x65: {  	_ =	swait.ge [sflag:s20], $0x6400  }
0x66: {  	[sflag:s20] =	ssyncset.done $0x0  }
0x67: {  	s15 =	simm.s32 $0x280;
	[sflag:s20] =	ssyncadd.s32 $0xFFFF9C00  }
0x68: {  	[tilespmem:s11], [sflag:$0x4] =	stream.indirect.gather [spmem:s2], $0x80, s15, s5, $0xb8;
	[tilespmem:$0x1EF40] =	vst v63  }
0x69: {  	s26 =	simm.s32 $0x680  }
0x6a: {  	[tilespmem:s1], [sflag:$0x4] =	stream.indirect.gather [spmem:s2], $0x80, s26, s8, $0xb8;
	[tilespmem:$0x1EF40] =	vst v63  }
0x6b: {  	_ =	swait.ge [sflag:s13], $0x4000  }
0x6c: {  	[sflag:s13] =	ssyncset.done $0x0  }
0x6d: {  	[sflag:s13] =	ssyncadd.s32 $0xFFFFC000  }
0x6e: {  	s15 =	simm.s32 $0x300;
	_ =	swait.ge [sflag:s13], $0x2400  }
0x6f: {  	s6 =	sand.u32 $0x300, s15;
	s26 =	simm.s32 $0x2;
	[sflag:s13] =	ssyncset.done $0x0  }
0x70: {  	s26 =	sand.u32 $0x3, s26;
	s31 =	rddreg [dreg:$0x1f];
	[sflag:s13] =	ssyncadd.s32 $0xFFFFDC00  }
0x71: {  	[hbm4b:s31+s3] =	stream.linear.scatter [tilespmem:s7], [sflag:$0x7], $0x6400, $0x38;
	[tilespmem:$0x1EF40] =	vst v63  }
0x72: {  	s1 =	simm.s32 $0x400;
	s26 =	sshll.u32 s26, $0x8;
	_ =	swait.ge [sflag:s22], $0x6400  }
0x73: {  	s4 =	sand.u32 $0x1800, s1;
	s26 =	sadd.s32 $0x900, s26;
	[sflag:s22] =	ssyncset.done $0x0  }
0x74: {  	s6 =	sor.u32 s6, s4;
	s0 =	sadd.s32 $0xFFFFFC00, s26;
	[sflag:s22] =	ssyncadd.s32 $0xFFFF9C00  }
0x75: {  	[tilespmem:s14], [sflag:$0x5] =	stream.indirect.gather [spmem:s2], $0x80, s6, s5, $0xb8;
	[tilespmem:$0x1EF40] =	vst v63  }
0x76: {  	s6 =	sor.u32 $0x400, s0  }
0x77: {  	[tilespmem:s17], [sflag:$0x5] =	stream.indirect.gather [spmem:s2], $0x80, s6, s8, $0xb8;
	[tilespmem:$0x1EF40] =	vst v63  }
0x78: {  	_ =	swait.ge [sflag:s23], $0x4000  }
0x79: {  	[sflag:s23] =	ssyncset.done $0x0  }
0x7a: {  	[sflag:s23] =	ssyncadd.s32 $0xFFFFC000  }
0x7b: {  	_ =	swait.ge [sflag:s23], $0x2400  }
0x7c: {  	[sflag:s23] =	ssyncset.done $0x0  }
0x7d: {  	s1 =	sadd.s32 $0xC80, s31;
	s17 =	sand.u32 $0x7, s23;
	[sflag:s23] =	ssyncadd.s32 $0xFFFFDC00  }
0x7e: {  	[hbm4b:s1+s3] =	stream.linear.scatter [tilespmem:s11], [sflag:$0x8], $0x6400, $0x38;
	[tilespmem:$0x1EF40] =	vst v63  }
0x7f: {  	s0 =	simm.s32 $0x380;
	s26 =	sshll.u32 s17, $0x7;
	_ =	swait.ge [sflag:s24], $0x6400  }
0x80: {  	s6 =	sand.u32 $0x380, s0;
	s26 =	sadd.s32 $0x900, s26;
	[sflag:s24] =	ssyncset.done $0x0  }
0x81: {  	s4 =	sor.u32 s6, s4;
	s1 =	sadd.s32 $0xFFFFFC80, s26;
	[sflag:s24] =	ssyncadd.s32 $0xFFFF9C00  }
0x82: {  	[tilespmem:s16], [sflag:$0x6] =	stream.indirect.gather [spmem:s2], $0x80, s4, s5, $0xb8;
	[tilespmem:$0x1EF40] =	vst v63  }
0x83: {  	s6 =	sor.u32 $0x400, s1  }
0x84: {  	[tilespmem:s25], [sflag:$0x6] =	stream.indirect.gather [spmem:s2], $0x80, s6, s8, $0xb8;
	[tilespmem:$0x1EF40] =	vst v63  }
0x85: {  	_ =	swait.ge [sflag:s18], $0x4000  }
0x86: {  	[sflag:s18] =	ssyncset.done $0x0  }
0x87: {  	[sflag:s18] =	ssyncadd.s32 $0xFFFFC000  }
0x88: {  	p1 =	por $0x0, $0x0;
	_ =	swait.ge [sflag:s18], $0x2400  }
0x89: {  	s0 =	simm.s32 $0x800;
	s4 =	simm.s32 $0x1;
	[sflag:s18] =	ssyncset.done $0x0  }
0x8a: {  	s26 =	sadd.s32 $0x1900, s31;
	s4 =	simm.s32 @!p1 $0x0;
	[sflag:s18] =	ssyncadd.s32 $0xFFFFDC00  }
0x8b: {  	[hbm4b:s26+s3] =	stream.linear.scatter [tilespmem:s14], [sflag:$0x9], $0x6400, $0x38;
	[tilespmem:$0x1EF40] =	vst v63  }
0x8c: {  	s1 =	simm.s32 $0x400;
	s4 =	sshll.u32 s4, $0x9;
	_ =	swait.ge [sflag:s19], $0x6400  }
0x8d: {  	s6 =	sand.u32 $0x3800, s0;
	s26 =	sand.u32 $0x200, s1;
	[sflag:s19] =	ssyncset.done $0x0  }
0x8e: {  	s4 =	sadd.s32 $0x800, s4;
	s6 =	sor.u32 s26, s6;
	[sflag:s19] =	ssyncadd.s32 $0xFFFF9C00  }
0x8f: {  	[tilespmem:s7], [sflag:$0x3] =	stream.indirect.gather [spmem:s2], $0x80, s6, s5, $0xb8;
	[tilespmem:$0x1EF40] =	vst v63  }
0x90: {  	s4 =	sor.u32 $0x400, s4  }
0x91: {  	[tilespmem:s10], [sflag:$0x3] =	stream.indirect.gather [spmem:s2], $0x80, s4, s8, $0xb8;
	[tilespmem:$0x1EF40] =	vst v63  }
0x92: {  	_ =	swait.ge [sflag:s9], $0x4000  }
0x93: {  	[sflag:s9] =	ssyncset.done $0x0  }
0x94: {  	s29 =	simm.s32 $0x2;
	s12 =	simm.s32 $0xE400;
	[sflag:s9] =	ssyncadd.s32 $0xFFFFC000  }
0x95: {  	s15 =	simm.s32 $0x14800;
	s17 =	simm.s32 $0x1AC00;
	_ =	swait.ge [sflag:s9], $0x2400  }
0x96: {  	p1 =	por !p1, !p1;
	s25 =	simm.s32 $0x900;
	[sflag:s9] =	ssyncset.done $0x0  }
0x97: {  	s26 =	sand.u32 $0x280, s28;
	s6 =	sadd.s32 $0x2580, s31;
	[sflag:s9] =	ssyncadd.s32 $0xFFFFDC00  }
0x98: {  	[hbm4b:s6+s3] =	stream.linear.scatter [tilespmem:s16], [sflag:$0xA], $0x6400, $0x38;
	[tilespmem:$0x1EF40] =	vst v63  }
0x99: {  	s28 =	simm.s32 $0x680;
	s4 =	sand.u32 $0x3800, s25;
	_ =	swait.ge [sflag:s20], $0x6400  }
0x9a: {  	s4 =	sor.u32 s26, s4;
	s26 =	simm.s32 $0xD00;
	[sflag:s20] =	ssyncset.done $0x0  }
0x9b: {  	s30 =	sor.u32 $0x400, s4;
	s6 =	simm.s32 $0x4;
	[sflag:s20] =	ssyncadd.s32 $0xFFFF9C00  }
0x9c: {  	[tilespmem:s11], [sflag:$0x4] =	stream.indirect.gather [spmem:s2], $0x80, s4, s5, $0xb8;
	[tilespmem:$0x1EF40] =	vst v63  }
.LBB2_2:
0x9d: {  	s6 =	sadd.s32 $0x4, s6  }
0x9e: {  	s29 =	sadd.s32 $0x2, s29;
	s31 =	sadd.s32 $0x3200, s31;
	s4 =	smov.u32 s26  }
0x9f: {  	[tilespmem:s12], [sflag:$0x4] =	stream.indirect.gather [spmem:s2], $0x80, s30, s8, $0xb8;
	[tilespmem:$0x1EF40] =	vst v63  }
0xa0: {  	p2 =	sne.s32 s26, $0x1D00;
	s26 =	sadd.s32 $0x400, s26;
	_ =	swait.ge [sflag:s13], $0x4000  }
0xa1: {  	[sflag:s13] =	ssyncset.done $0x0  }
0xa2: {  	[sflag:s13] =	ssyncadd.s32 $0xFFFFC000  }
0xa3: {  	_ =	swait.ge [sflag:s13], $0x2400  }
0xa4: {  	[sflag:s13] =	ssyncset.done $0x0  }
0xa5: {  	s0 =	sadd.s32 $0xFFFFFE80, s28;
	s30 =	sadd.s32 $0xFFFFFB00, s4;
	[sflag:s13] =	ssyncadd.s32 $0xFFFFDC00  }
0xa6: {  	[hbm4b:s31+s3] =	stream.linear.scatter [tilespmem:s7], [sflag:$0x7], $0x6400, $0x38;
	[tilespmem:$0x1EF40] =	vst v63  }
0xa7: {  	s1 =	sand.u32 $0x3, s29;
	s0 =	sand.u32 $0x300, s0;
	_ =	swait.ge [sflag:s22], $0x6400  }
0xa8: {  	s1 =	sshll.u32 s1, $0x8;
	s30 =	sand.u32 $0x1800, s30;
	[sflag:s22] =	ssyncset.done $0x0  }
0xa9: {  	s1 =	sadd.s32 s4, s1;
	s0 =	sor.u32 s0, s30;
	[sflag:s22] =	ssyncadd.s32 $0xFFFF9C00  }
0xaa: {  	[tilespmem:s14], [sflag:$0x5] =	stream.indirect.gather [spmem:s2], $0x80, s0, s5, $0xb8;
	[tilespmem:$0x1EF40] =	vst v63  }
0xab: {  	s0 =	sadd.s32 $0xFFFFFC00, s1  }
0xac: {  	s0 =	sor.u32 $0x400, s0  }
0xad: {  	[tilespmem:s15], [sflag:$0x5] =	stream.indirect.gather [spmem:s2], $0x80, s0, s8, $0xb8;
	[tilespmem:$0x1EF40] =	vst v63  }
0xae: {  	_ =	swait.ge [sflag:s23], $0x4000  }
0xaf: {  	[sflag:s23] =	ssyncset.done $0x0  }
0xb0: {  	[sflag:s23] =	ssyncadd.s32 $0xFFFFC000  }
0xb1: {  	_ =	swait.ge [sflag:s23], $0x2400  }
0xb2: {  	s0 =	sadd.s32 $0xC80, s31;
	[sflag:s23] =	ssyncset.done $0x0  }
0xb3: {  	s25 =	sadd.s32 $0xFFFFFF00, s28;
	s1 =	sand.u32 $0x7, s6;
	[sflag:s23] =	ssyncadd.s32 $0xFFFFDC00  }
0xb4: {  	[hbm4b:s0+s3] =	stream.linear.scatter [tilespmem:s11], [sflag:$0x8], $0x6400, $0x38;
	[tilespmem:$0x1EF40] =	vst v63  }
0xb5: {  	s0 =	sshll.u32 s1, $0x7;
	s1 =	sand.u32 $0x380, s25;
	_ =	swait.ge [sflag:s24], $0x6400  }
0xb6: {  	s0 =	sadd.s32 s4, s0;
	s1 =	sor.u32 s1, s30;
	[sflag:s24] =	ssyncset.done $0x0  }
0xb7: {  	s0 =	sadd.s32 $0xFFFFFC80, s0;
	[sflag:s24] =	ssyncadd.s32 $0xFFFF9C00  }
0xb8: {  	[tilespmem:s16], [sflag:$0x6] =	stream.indirect.gather [spmem:s2], $0x80, s1, s5, $0xb8;
	[tilespmem:$0x1EF40] =	vst v63  }
0xb9: {  	s0 =	sor.u32 $0x400, s0  }
0xba: {  	[tilespmem:s17], [sflag:$0x6] =	stream.indirect.gather [spmem:s2], $0x80, s0, s8, $0xb8;
	[tilespmem:$0x1EF40] =	vst v63  }
0xbb: {  	_ =	swait.ge [sflag:s18], $0x4000  }
0xbc: {  	[sflag:s18] =	ssyncset.done $0x0  }
0xbd: {  	s0 =	simm.s32 $0x1;
	[sflag:s18] =	ssyncadd.s32 $0xFFFFC000  }
0xbe: {  	s0 =	simm.s32 @!p1 $0x0;
	_ =	swait.ge [sflag:s18], $0x2400  }
0xbf: {  	s1 =	sadd.s32 $0x1900, s31;
	s0 =	sshll.u32 s0, $0x9;
	[sflag:s18] =	ssyncset.done $0x0  }
0xc0: {  	s25 =	sadd.s32 $0xFFFFFF00, s4;
	s30 =	sadd.s32 $0xFFFFFF80, s28;
	[sflag:s18] =	ssyncadd.s32 $0xFFFFDC00  }
0xc1: {  	[hbm4b:s1+s3] =	stream.linear.scatter [tilespmem:s14], [sflag:$0x9], $0x6400, $0x38;
	[tilespmem:$0x1EF40] =	vst v63  }
0xc2: {  	s30 =	sand.u32 $0x200, s30;
	s1 =	sand.u32 $0x3800, s25;
	_ =	swait.ge [sflag:s19], $0x6400  }
0xc3: {  	s0 =	sadd.s32 s0, s25;
	s1 =	sor.u32 s30, s1;
	[sflag:s19] =	ssyncset.done $0x0  }
0xc4: {  	s0 =	sor.u32 $0x400, s0;
	[sflag:s19] =	ssyncadd.s32 $0xFFFF9C00  }
0xc5: {  	[tilespmem:s7], [sflag:$0x3] =	stream.indirect.gather [spmem:s2], $0x80, s1, s5, $0xb8;
	[tilespmem:$0x1EF40] =	vst v63  }
0xc6: {  	_ = 	snop  }
0xc7: {  	[tilespmem:s10], [sflag:$0x3] =	stream.indirect.gather [spmem:s2], $0x80, s0, s8, $0xb8;
	[tilespmem:$0x1EF40] =	vst v63  }
0xc8: {  	_ =	swait.ge [sflag:s9], $0x4000  }
0xc9: {  	[sflag:s9] =	ssyncset.done $0x0  }
0xca: {  	[sflag:s9] =	ssyncadd.s32 $0xFFFFC000  }
0xcb: {  	_ =	swait.ge [sflag:s9], $0x2400  }
0xcc: {  	s0 =	sadd.s32 $0x2580, s31;
	[sflag:s9] =	ssyncset.done $0x0  }
0xcd: {  	[sflag:s9] =	ssyncadd.s32 $0xFFFFDC00  }
0xce: {  	[hbm4b:s0+s3] =	stream.linear.scatter [tilespmem:s16], [sflag:$0xA], $0x6400, $0x38;
	[tilespmem:$0x1EF40] =	vst v63  }
.Ltmp0:
0xcf: {  	_ = 	snop;
	(pc) =	sbr.rel @p2 .LBB2_2-.Ltmp0, $4  }
0xd0: {  	s1 =	sand.u32 $0x280, s28;
	s0 =	sand.u32 $0x3800, s4;
	_ =	swait.ge [sflag:s20], $0x6400  }
0xd1: {  	p1 =	por !p1, !p1;
	s0 =	sor.u32 s1, s0;
	[sflag:s20] =	ssyncset.done $0x0  }
0xd2: {  	s28 =	sadd.s32 $0x200, s28;
	s30 =	sor.u32 $0x400, s0;
	[sflag:s20] =	ssyncadd.s32 $0xFFFF9C00  }
0xd3: {  	[tilespmem:s11], [sflag:$0x4] =	stream.indirect.gather [spmem:s2], $0x80, s0, s5, $0xb8;
	[tilespmem:$0x1EF40] =	vst v63  }
0xd4: {  	s4 =	simm.s32 $0xE400  }
0xd5: {  	[tilespmem:s4], [sflag:$0x4] =	stream.indirect.gather [spmem:s2], $0x80, s30, s8, $0xb8;
	[tilespmem:$0x1EF40] =	vst v63  }
0xd6: {  	_ =	swait.ge [sflag:s13], $0x4000  }
0xd7: {  	[sflag:s13] =	ssyncset.done $0x0  }
0xd8: {  	[sflag:s13] =	ssyncadd.s32 $0xFFFFC000  }
0xd9: {  	_ =	swait.ge [sflag:s13], $0x2400  }
0xda: {  	[sflag:s13] =	ssyncset.done $0x0  }
0xdb: {  	s0 =	simm.s32 $0x0;
	s1 =	rddreg [dreg:$0x8];
	[sflag:s13] =	ssyncadd.s32 $0xFFFFDC00  }
0xdc: {  	[hbm4b:s1+s0] =	stream.linear.scatter [tilespmem:s7], [sflag:$0x7], $0x6400, $0x38;
	[tilespmem:$0x1EF40] =	vst v63  }
0xdd: {  	_ =	swait.ge [sflag:s22], $0x6400  }
0xde: {  	[sflag:s22] =	ssyncset.done $0x0  }
0xdf: {  	s31 =	simm.s32 $0x1B00;
	[sflag:s22] =	ssyncadd.s32 $0xFFFF9C00  }
0xe0: {  	[tilespmem:s14], [sflag:$0x5] =	stream.indirect.gather [spmem:s2], $0x80, s31, s5, $0xb8;
	[tilespmem:$0x1EF40] =	vst v63  }
0xe1: {  	s12 =	simm.s32 $0x14800;
	s6 =	simm.s32 $0x1F00  }
0xe2: {  	[tilespmem:s12], [sflag:$0x5] =	stream.indirect.gather [spmem:s2], $0x80, s6, s8, $0xb8;
	[tilespmem:$0x1EF40] =	vst v63  }
0xe3: {  	_ =	swait.ge [sflag:s23], $0x4000  }
0xe4: {  	[sflag:s23] =	ssyncset.done $0x0  }
0xe5: {  	[sflag:s23] =	ssyncadd.s32 $0xFFFFC000  }
0xe6: {  	_ =	swait.ge [sflag:s23], $0x2400  }
0xe7: {  	[sflag:s23] =	ssyncset.done $0x0  }
0xe8: {  	s15 =	rddreg [dreg:$0x9];
	[sflag:s23] =	ssyncadd.s32 $0xFFFFDC00  }
0xe9: {  	[hbm4b:s15+s0] =	stream.linear.scatter [tilespmem:s11], [sflag:$0x8], $0x6400, $0x38;
	[tilespmem:$0x1EF40] =	vst v63  }
0xea: {  	_ =	swait.ge [sflag:s24], $0x6400  }
0xeb: {  	[sflag:s24] =	ssyncset.done $0x0  }
0xec: {  	s17 =	simm.s32 $0x1B80;
	[sflag:s24] =	ssyncadd.s32 $0xFFFF9C00  }
0xed: {  	[tilespmem:s16], [sflag:$0x6] =	stream.indirect.gather [spmem:s2], $0x80, s17, s5, $0xb8;
	[tilespmem:$0x1EF40] =	vst v63  }
0xee: {  	s28 =	simm.s32 $0x1AC00;
	s25 =	simm.s32 $0x1F80;
	s26 =	simm.s32 $0x2  }
0xef: {  	[tilespmem:s28], [sflag:$0x6] =	stream.indirect.gather [spmem:s2], $0x80, s25, s8, $0xb8;
	[tilespmem:$0x1EF40] =	vst v63  }
0xf0: {  	_ =	swait.ge [sflag:s26], $0x2000  }
0xf1: {  	[sflag:s26] =	ssyncset.done $0x0  }
0xf2: {  	[sflag:s26] =	ssyncadd.s32 $0xFFFFE000  }
0xf3: {  	_ =	swait.ge [sflag:s18], $0x4000  }
0xf4: {  	[sflag:s18] =	ssyncset.done $0x0  }
0xf5: {  	[sflag:s18] =	ssyncadd.s32 $0xFFFFC000  }
0xf6: {  	_ =	swait.ge [sflag:s18], $0x2400  }
0xf7: {  	[sflag:s18] =	ssyncset.done $0x0  }
0xf8: {  	s29 =	rddreg [dreg:$0xa];
	[sflag:s18] =	ssyncadd.s32 $0xFFFFDC00  }
0xf9: {  	[hbm4b:s29+s0] =	stream.linear.scatter [tilespmem:s14], [sflag:$0x9], $0x6400, $0x38;
	[tilespmem:$0x1EF40] =	vst v63  }
0xfa: {  	_ =	swait.ge [sflag:s19], $0x6400  }
0xfb: {  	[sflag:s19] =	ssyncset.done $0x0  }
0xfc: {  	s30 =	simm.s32 $0x2000;
	[sflag:s19] =	ssyncadd.s32 $0xFFFF9C00  }
0xfd: {  	[tilespmem:s7], [sflag:$0x3] =	stream.indirect.gather [spmem:s2], $0x80, s30, s5, $0xb8;
	[tilespmem:$0x1EF40] =	vst v63  }
0xfe: {  	s31 =	simm.s32 $0x2400  }
0xff: {  	[tilespmem:s10], [sflag:$0x3] =	stream.indirect.gather [spmem:s2], $0x80, s31, s8, $0xb8;
	[tilespmem:$0x1EF40] =	vst v63  }
0x100: {  	_ =	swait.ge [sflag:s9], $0x4000  }
0x101: {  	[sflag:s9] =	ssyncset.done $0x0  }
0x102: {  	[sflag:s9] =	ssyncadd.s32 $0xFFFFC000  }
0x103: {  	_ =	swait.ge [sflag:s9], $0x2400  }
0x104: {  	[sflag:s9] =	ssyncset.done $0x0  }
0x105: {  	s6 =	rddreg [dreg:$0xb];
	[sflag:s9] =	ssyncadd.s32 $0xFFFFDC00  }
0x106: {  	[hbm4b:s6+s0] =	stream.linear.scatter [tilespmem:s16], [sflag:$0xA], $0x6400, $0x38;
	[tilespmem:$0x1EF40] =	vst v63  }
0x107: {  	_ =	swait.ge [sflag:s20], $0x6400  }
0x108: {  	[sflag:s20] =	ssyncset.done $0x0  }
0x109: {  	s15 =	simm.s32 $0x2080;
	[sflag:s20] =	ssyncadd.s32 $0xFFFF9C00  }
0x10a: {  	[tilespmem:s11], [sflag:$0x4] =	stream.indirect.gather [spmem:s2], $0x80, s15, s5, $0xb8;
	[tilespmem:$0x1EF40] =	vst v63  }
0x10b: {  	s17 =	simm.s32 $0x2480  }
0x10c: {  	[tilespmem:s4], [sflag:$0x4] =	stream.indirect.gather [spmem:s2], $0x80, s17, s8, $0xb8;
	[tilespmem:$0x1EF40] =	vst v63  }
0x10d: {  	s25 =	rddreg [dreg:$0xc]  }
0x10e: {  	[tilespmem:s0], [sflag:$0x1] =	stream.linear.gather [hbm4b:s25+s0], $0x2000, $0x38;
	[tilespmem:$0x1EF40] =	vst v63  }
0x10f: {  	_ =	swait.ge [sflag:s13], $0x4000  }
0x110: {  	[sflag:s13] =	ssyncset.done $0x0  }
0x111: {  	[sflag:s13] =	ssyncadd.s32 $0xFFFFC000  }
0x112: {  	_ =	swait.ge [sflag:s13], $0x2400  }
0x113: {  	s1 =	sadd.s32 $0x0, s21;
	[sflag:s13] =	ssyncset.done $0x0  }
0x114: {  	s26 =	sadd.s32 $0x19000, s1;
	[sflag:s13] =	ssyncadd.s32 $0xFFFFDC00  }
0x115: {  	[hbm4b:s26+s3] =	stream.linear.scatter [tilespmem:s7], [sflag:$0x7], $0x6400, $0x38;
	[tilespmem:$0x1EF40] =	vst v63  }
0x116: {  	s29 =	sand.u32 $0x1800, s0;
	s0 =	sand.u32 $0x200, s0;
	_ =	swait.ge [sflag:s22], $0x6400  }
0x117: {  	s25 =	sor.u32 $0x2000, s29;
	s6 =	sor.u32 $0x100, s0;
	[sflag:s22] =	ssyncset.done $0x0  }
0x118: {  	s4 =	sor.u32 $0x2400, s29;
	s26 =	sor.u32 s6, s25;
	[sflag:s22] =	ssyncadd.s32 $0xFFFF9C00  }
0x119: {  	[tilespmem:s14], [sflag:$0x5] =	stream.indirect.gather [spmem:s2], $0x80, s26, s5, $0xb8;
	[tilespmem:$0x1EF40] =	vst v63  }
0x11a: {  	s6 =	sor.u32 s6, s4  }
0x11b: {  	[tilespmem:s12], [sflag:$0x5] =	stream.indirect.gather [spmem:s2], $0x80, s6, s8, $0xb8;
	[tilespmem:$0x1EF40] =	vst v63  }
0x11c: {  	_ =	swait.ge [sflag:s23], $0x4000  }
0x11d: {  	[sflag:s23] =	ssyncset.done $0x0  }
0x11e: {  	[sflag:s23] =	ssyncadd.s32 $0xFFFFC000  }
0x11f: {  	_ =	swait.ge [sflag:s23], $0x2400  }
0x120: {  	[sflag:s23] =	ssyncset.done $0x0  }
0x121: {  	s30 =	sadd.s32 $0x19C80, s1;
	[sflag:s23] =	ssyncadd.s32 $0xFFFFDC00  }
0x122: {  	[hbm4b:s30+s3] =	stream.linear.scatter [tilespmem:s11], [sflag:$0x8], $0x6400, $0x38;
	[tilespmem:$0x1EF40] =	vst v63  }
0x123: {  	_ =	swait.ge [sflag:s24], $0x6400  }
0x124: {  	s0 =	sor.u32 $0x180, s0;
	[sflag:s24] =	ssyncset.done $0x0  }
0x125: {  	s31 =	sor.u32 s0, s25;
	[sflag:s24] =	ssyncadd.s32 $0xFFFF9C00  }
0x126: {  	[tilespmem:s16], [sflag:$0x6] =	stream.indirect.gather [spmem:s2], $0x80, s31, s5, $0xb8;
	[tilespmem:$0x1EF40] =	vst v63  }
0x127: {  	s0 =	sor.u32 s0, s4  }
0x128: {  	[tilespmem:s28], [sflag:$0x6] =	stream.indirect.gather [spmem:s2], $0x80, s0, s8, $0xb8;
	[tilespmem:$0x1EF40] =	vst v63  }
0x129: {  	_ =	swait.ge [sflag:s18], $0x4000  }
0x12a: {  	[sflag:s18] =	ssyncset.done $0x0  }
0x12b: {  	[sflag:s18] =	ssyncadd.s32 $0xFFFFC000  }
0x12c: {  	_ =	swait.ge [sflag:s18], $0x2400  }
0x12d: {  	s26 =	simm.s32 $0x200;
	[sflag:s18] =	ssyncset.done $0x0  }
0x12e: {  	s6 =	sadd.s32 $0x1A900, s1;
	s28 =	simm.s32 $0x400;
	[sflag:s18] =	ssyncadd.s32 $0xFFFFDC00  }
0x12f: {  	[hbm4b:s6+s3] =	stream.linear.scatter [tilespmem:s14], [sflag:$0x9], $0x6400, $0x38;
	[tilespmem:$0x1EF40] =	vst v63  }
0x130: {  	s25 =	sand.u32 $0x200, s26;
	s15 =	sand.u32 $0x3800, s28;
	_ =	swait.ge [sflag:s19], $0x6400  }
0x131: {  	s0 =	sor.u32 s25, s15;
	[sflag:s19] =	ssyncset.done $0x0  }
0x132: {  	s4 =	sadd.s32 $0x2000, s0;
	[sflag:s19] =	ssyncadd.s32 $0xFFFF9C00  }
0x133: {  	[tilespmem:s7], [sflag:$0x3] =	stream.indirect.gather [spmem:s2], $0x80, s4, s5, $0xb8;
	[tilespmem:$0x1EF40] =	vst v63  }
0x134: {  	s0 =	sadd.s32 $0x2400, s0  }
0x135: {  	[tilespmem:s10], [sflag:$0x3] =	stream.indirect.gather [spmem:s2], $0x80, s0, s8, $0xb8;
	[tilespmem:$0x1EF40] =	vst v63  }
0x136: {  	_ =	swait.ge [sflag:s9], $0x4000  }
0x137: {  	[sflag:s9] =	ssyncset.done $0x0  }
0x138: {  	s17 =	simm.s32 $0x14800;
	[sflag:s9] =	ssyncadd.s32 $0xFFFFC000  }
0x139: {  	s29 =	sadd.s32 $0x1B580, s1;
	s12 =	simm.s32 $0x1AC00;
	_ =	swait.ge [sflag:s9], $0x2400  }
0x13a: {  	s30 =	simm.s32 $0x500;
	s31 =	simm.s32 $0x280;
	[sflag:s9] =	ssyncset.done $0x0  }
0x13b: {  	s1 =	sand.u32 $0x280, s31;
	s15 =	simm.s32 $0x8000;
	[sflag:s9] =	ssyncadd.s32 $0xFFFFDC00  }
0x13c: {  	[hbm4b:s29+s3] =	stream.linear.scatter [tilespmem:s16], [sflag:$0xA], $0x6400, $0x38;
	[tilespmem:$0x1EF40] =	vst v63  }
0x13d: {  	s6 =	simm.s32 $0x3200;
	s0 =	sand.u32 $0x3800, s30;
	_ =	swait.ge [sflag:s20], $0x6400  }
0x13e: {  	s10 =	smov.u32 s21;
	s0 =	sor.u32 s1, s0;
	[sflag:s20] =	ssyncset.done $0x0  }
0x13f: {  	s1 =	sadd.s32 $0x2000, s0;
	s4 =	sadd.s32 $0x2400, s0;
	[sflag:s20] =	ssyncadd.s32 $0xFFFF9C00  }
0x140: {  	[tilespmem:s11], [sflag:$0x4] =	stream.indirect.gather [spmem:s2], $0x80, s1, s5, $0xb8;
	[tilespmem:$0x1EF40] =	vst v63  }
.LBB2_4:
0x141: {  	s0 =	simm.s32 $0xE400  }
0x142: {  	[tilespmem:s0], [sflag:$0x4] =	stream.indirect.gather [spmem:s2], $0x80, s4, s8, $0xb8;
	[tilespmem:$0x1EF40] =	vst v63  }
0x143: {  	s29 =	smov.u32 s28;
	s0 =	smov.u32 s6;
	s4 =	smov.u32 s26  }
0x144: {  	p1 =	sne.s32 s6, $0x12C00;
	s6 =	sadd.s32 $0x3200, s6;
	_ =	swait.ge [sflag:s13], $0x4000  }
0x145: {  	[sflag:s13] =	ssyncset.done $0x0  }
0x146: {  	[sflag:s13] =	ssyncadd.s32 $0xFFFFC000  }
0x147: {  	_ =	swait.ge [sflag:s13], $0x2400  }
0x148: {  	s31 =	sadd.s32 s0, s10;
	[sflag:s13] =	ssyncset.done $0x0  }
0x149: {  	s0 =	sadd.s32 $0x19000, s31;
	[sflag:s13] =	ssyncadd.s32 $0xFFFFDC00  }
0x14a: {  	[hbm4b:s0+s3] =	stream.linear.scatter [tilespmem:s7], [sflag:$0x7], $0x6400, $0x38;
	[tilespmem:$0x1EF40] =	vst v63  }
0x14b: {  	s1 =	sand.u32 $0x200, s26;
	s0 =	sand.u32 $0x1800, s28;
	_ =	swait.ge [sflag:s22], $0x6400  }
0x14c: {  	s25 =	sor.u32 $0x100, s1;
	s30 =	sor.u32 $0x2000, s0;
	[sflag:s22] =	ssyncset.done $0x0  }
0x14d: {  	s0 =	sor.u32 $0x2400, s0;
	s21 =	sor.u32 s25, s30;
	[sflag:s22] =	ssyncadd.s32 $0xFFFF9C00  }
0x14e: {  	[tilespmem:s14], [sflag:$0x5] =	stream.indirect.gather [spmem:s2], $0x80, s21, s5, $0xb8;
	[tilespmem:$0x1EF40] =	vst v63  }
0x14f: {  	s1 =	sor.u32 $0x180, s1;
	s21 =	sor.u32 s25, s0  }
0x150: {  	[tilespmem:s17], [sflag:$0x5] =	stream.indirect.gather [spmem:s2], $0x80, s21, s8, $0xb8;
	[tilespmem:$0x1EF40] =	vst v63  }
0x151: {  	s0 =	sor.u32 s1, s0;
	s21 =	sor.u32 s1, s30;
	_ =	swait.ge [sflag:s23], $0x4000  }
0x152: {  	[sflag:s23] =	ssyncset.done $0x0  }
0x153: {  	[sflag:s23] =	ssyncadd.s32 $0xFFFFC000  }
0x154: {  	_ =	swait.ge [sflag:s23], $0x2400  }
0x155: {  	[sflag:s23] =	ssyncset.done $0x0  }
0x156: {  	s1 =	sadd.s32 $0x19C80, s31;
	[sflag:s23] =	ssyncadd.s32 $0xFFFFDC00  }
0x157: {  	[hbm4b:s1+s3] =	stream.linear.scatter [tilespmem:s11], [sflag:$0x8], $0x6400, $0x38;
	[tilespmem:$0x1EF40] =	vst v63  }
0x158: {  	_ =	swait.ge [sflag:s24], $0x6400  }
0x159: {  	[sflag:s24] =	ssyncset.done $0x0  }
0x15a: {  	[sflag:s24] =	ssyncadd.s32 $0xFFFF9C00  }
0x15b: {  	[tilespmem:s16], [sflag:$0x6] =	stream.indirect.gather [spmem:s2], $0x80, s21, s5, $0xb8;
	[tilespmem:$0x1EF40] =	vst v63  }
0x15c: {  	_ = 	snop  }
0x15d: {  	[tilespmem:s12], [sflag:$0x6] =	stream.indirect.gather [spmem:s2], $0x80, s0, s8, $0xb8;
	[tilespmem:$0x1EF40] =	vst v63  }
0x15e: {  	_ =	swait.ge [sflag:s18], $0x4000  }
0x15f: {  	[sflag:s18] =	ssyncset.done $0x0  }
0x160: {  	[sflag:s18] =	ssyncadd.s32 $0xFFFFC000  }
0x161: {  	_ =	swait.ge [sflag:s18], $0x2400  }
0x162: {  	s26 =	sadd.s32 $0x200, s26;
	[sflag:s18] =	ssyncset.done $0x0  }
0x163: {  	s28 =	sadd.s32 $0x400, s28;
	s0 =	sadd.s32 $0x1A900, s31;
	[sflag:s18] =	ssyncadd.s32 $0xFFFFDC00  }
0x164: {  	[hbm4b:s0+s3] =	stream.linear.scatter [tilespmem:s14], [sflag:$0x9], $0x6400, $0x38;
	[tilespmem:$0x1EF40] =	vst v63  }
0x165: {  	s1 =	sand.u32 $0x200, s26;
	s0 =	sand.u32 $0x3800, s28;
	_ =	swait.ge [sflag:s19], $0x6400  }
0x166: {  	s0 =	sor.u32 s1, s0;
	[sflag:s19] =	ssyncset.done $0x0  }
0x167: {  	s1 =	sadd.s32 $0x2000, s0;
	[sflag:s19] =	ssyncadd.s32 $0xFFFF9C00  }
0x168: {  	[tilespmem:s7], [sflag:$0x3] =	stream.indirect.gather [spmem:s2], $0x80, s1, s5, $0xb8;
	[tilespmem:$0x1EF40] =	vst v63  }
0x169: {  	s0 =	sadd.s32 $0x2400, s0  }
0x16a: {  	[tilespmem:s15], [sflag:$0x3] =	stream.indirect.gather [spmem:s2], $0x80, s0, s8, $0xb8;
	[tilespmem:$0x1EF40] =	vst v63  }
0x16b: {  	_ =	swait.ge [sflag:s9], $0x4000  }
0x16c: {  	[sflag:s9] =	ssyncset.done $0x0  }
0x16d: {  	[sflag:s9] =	ssyncadd.s32 $0xFFFFC000  }
0x16e: {  	_ =	swait.ge [sflag:s9], $0x2400  }
0x16f: {  	s1 =	sadd.s32 $0x280, s4;
	s0 =	sadd.s32 $0x500, s29;
	[sflag:s9] =	ssyncset.done $0x0  }
0x170: {  	s4 =	sadd.s32 $0x1B580, s31;
	s1 =	sand.u32 $0x280, s1;
	[sflag:s9] =	ssyncadd.s32 $0xFFFFDC00  }
0x171: {  	[hbm4b:s4+s3] =	stream.linear.scatter [tilespmem:s16], [sflag:$0xA], $0x6400, $0x38;
	[tilespmem:$0x1EF40] =	vst v63  }
.Ltmp1:
0x172: {  	s0 =	sand.u32 $0x3800, s0;
	_ =	swait.ge [sflag:s20], $0x6400;
	(pc) =	sbr.rel @p1 .LBB2_4-.Ltmp1, $4  }
0x173: {  	s0 =	sor.u32 s1, s0;
	[sflag:s20] =	ssyncset.done $0x0  }
0x174: {  	s1 =	sadd.s32 $0x2000, s0;
	[sflag:s20] =	ssyncadd.s32 $0xFFFF9C00  }
0x175: {  	[tilespmem:s11], [sflag:$0x4] =	stream.indirect.gather [spmem:s2], $0x80, s1, s5, $0xb8;
	[tilespmem:$0x1EF40] =	vst v63  }
0x176: {  	s4 =	sadd.s32 $0x2400, s0  }
0x177: {  	s6 =	simm.s32 $0xE400  }
0x178: {  	[tilespmem:s6], [sflag:$0x4] =	stream.indirect.gather [spmem:s2], $0x80, s4, s8, $0xb8;
	[tilespmem:$0x1EF40] =	vst v63  }
0x179: {  	_ =	swait.ge [sflag:s13], $0x4000  }
0x17a: {  	[sflag:s13] =	ssyncset.done $0x0  }
0x17b: {  	[sflag:s13] =	ssyncadd.s32 $0xFFFFC000  }
0x17c: {  	_ =	swait.ge [sflag:s13], $0x2400  }
0x17d: {  	[sflag:s13] =	ssyncset.done $0x0  }
0x17e: {  	s0 =	simm.s32 $0x0;
	s1 =	rddreg [dreg:$0xd];
	[sflag:s13] =	ssyncadd.s32 $0xFFFFDC00  }
0x17f: {  	[hbm4b:s1+s0] =	stream.linear.scatter [tilespmem:s7], [sflag:$0x7], $0x6400, $0x38;
	[tilespmem:$0x1EF40] =	vst v63  }
0x180: {  	_ =	swait.ge [sflag:s22], $0x6400  }
0x181: {  	[sflag:s22] =	ssyncset.done $0x0  }
0x182: {  	s4 =	simm.s32 $0x3B00;
	[sflag:s22] =	ssyncadd.s32 $0xFFFF9C00  }
0x183: {  	[tilespmem:s14], [sflag:$0x5] =	stream.indirect.gather [spmem:s2], $0x80, s4, s5, $0xb8;
	[tilespmem:$0x1EF40] =	vst v63  }
0x184: {  	s21 =	simm.s32 $0x14800;
	s10 =	simm.s32 $0x3F00  }
0x185: {  	[tilespmem:s21], [sflag:$0x5] =	stream.indirect.gather [spmem:s2], $0x80, s10, s8, $0xb8;
	[tilespmem:$0x1EF40] =	vst v63  }
0x186: {  	_ =	swait.ge [sflag:s23], $0x4000  }
0x187: {  	[sflag:s23] =	ssyncset.done $0x0  }
0x188: {  	[sflag:s23] =	ssyncadd.s32 $0xFFFFC000  }
0x189: {  	_ =	swait.ge [sflag:s23], $0x2400  }
0x18a: {  	[sflag:s23] =	ssyncset.done $0x0  }
0x18b: {  	s12 =	rddreg [dreg:$0xe];
	[sflag:s23] =	ssyncadd.s32 $0xFFFFDC00  }
0x18c: {  	[hbm4b:s12+s0] =	stream.linear.scatter [tilespmem:s11], [sflag:$0x8], $0x6400, $0x38;
	[tilespmem:$0x1EF40] =	vst v63  }
0x18d: {  	_ =	swait.ge [sflag:s24], $0x6400  }
0x18e: {  	[sflag:s24] =	ssyncset.done $0x0  }
0x18f: {  	s15 =	simm.s32 $0x3B80;
	[sflag:s24] =	ssyncadd.s32 $0xFFFF9C00  }
0x190: {  	[tilespmem:s16], [sflag:$0x6] =	stream.indirect.gather [spmem:s2], $0x80, s15, s5, $0xb8;
	[tilespmem:$0x1EF40] =	vst v63  }
0x191: {  	s25 =	simm.s32 $0x1AC00;
	s17 =	simm.s32 $0x3F80;
	s26 =	simm.s32 $0x1  }
0x192: {  	[tilespmem:s25], [sflag:$0x6] =	stream.indirect.gather [spmem:s2], $0x80, s17, s8, $0xb8;
	[tilespmem:$0x1EF40] =	vst v63  }
0x193: {  	_ =	swait.ge [sflag:s26], $0x2000  }
0x194: {  	[sflag:s26] =	ssyncset.done $0x0  }
0x195: {  	[sflag:s26] =	ssyncadd.s32 $0xFFFFE000  }
0x196: {  	_ =	swait.ge [sflag:s18], $0x4000  }
0x197: {  	[sflag:s18] =	ssyncset.done $0x0  }
0x198: {  	[sflag:s18] =	ssyncadd.s32 $0xFFFFC000  }
0x199: {  	_ =	swait.ge [sflag:s18], $0x2400  }
0x19a: {  	[sflag:s18] =	ssyncset.done $0x0  }
0x19b: {  	s29 =	rddreg [dreg:$0xf];
	[sflag:s18] =	ssyncadd.s32 $0xFFFFDC00  }
0x19c: {  	[hbm4b:s29+s0] =	stream.linear.scatter [tilespmem:s14], [sflag:$0x9], $0x6400, $0x38;
	[tilespmem:$0x1EF40] =	vst v63  }
0x19d: {  	_ =	swait.ge [sflag:s19], $0x6400  }
0x19e: {  	[sflag:s19] =	ssyncset.done $0x0  }
0x19f: {  	[sflag:s19] =	ssyncadd.s32 $0xFFFF9C00  }
0x1a0: {  	[tilespmem:s7], [sflag:$0x3] =	stream.indirect.gather [spmem:s2], $0x80, s0, s5, $0xb8;
	[tilespmem:$0x1EF40] =	vst v63  }
0x1a1: {  	s30 =	simm.s32 $0x400;
	s29 =	simm.s32 $0x8000  }
0x1a2: {  	[tilespmem:s29], [sflag:$0x3] =	stream.indirect.gather [spmem:s2], $0x80, s30, s8, $0xb8;
	[tilespmem:$0x1EF40] =	vst v63  }
0x1a3: {  	_ =	swait.ge [sflag:s9], $0x4000  }
0x1a4: {  	[sflag:s9] =	ssyncset.done $0x0  }
0x1a5: {  	[sflag:s9] =	ssyncadd.s32 $0xFFFFC000  }
0x1a6: {  	_ =	swait.ge [sflag:s9], $0x2400  }
0x1a7: {  	[sflag:s9] =	ssyncset.done $0x0  }
0x1a8: {  	s31 =	rddreg [dreg:$0x10];
	[sflag:s9] =	ssyncadd.s32 $0xFFFFDC00  }
0x1a9: {  	[hbm4b:s31+s0] =	stream.linear.scatter [tilespmem:s16], [sflag:$0xA], $0x6400, $0x38;
	[tilespmem:$0x1EF40] =	vst v63  }
0x1aa: {  	_ =	swait.ge [sflag:s20], $0x6400  }
0x1ab: {  	[sflag:s20] =	ssyncset.done $0x0  }
0x1ac: {  	[sflag:s20] =	ssyncadd.s32 $0xFFFF9C00  }
0x1ad: {  	[tilespmem:s11], [sflag:$0x4] =	stream.indirect.gather [spmem:s2], $0x80, s5, s5, $0xb8;
	[tilespmem:$0x1EF40] =	vst v63  }
0x1ae: {  	s4 =	simm.s32 $0x480  }
0x1af: {  	[tilespmem:s6], [sflag:$0x4] =	stream.indirect.gather [spmem:s2], $0x80, s4, s8, $0xb8;
	[tilespmem:$0x1EF40] =	vst v63  }
0x1b0: {  	s10 =	simm.s32 $0x2000;
	s6 =	rddreg [dreg:$0x11]  }
0x1b1: {  	[tilespmem:s10], [sflag:$0x2] =	stream.linear.gather [hbm4b:s6+s0], $0x2000, $0x38;
	[tilespmem:$0x1EF40] =	vst v63  }
0x1b2: {  	_ =	swait.ge [sflag:s13], $0x4000  }
0x1b3: {  	[sflag:s13] =	ssyncset.done $0x0  }
0x1b4: {  	[sflag:s13] =	ssyncadd.s32 $0xFFFFC000  }
0x1b5: {  	_ =	swait.ge [sflag:s13], $0x2400  }
0x1b6: {  	s10 =	sld [smem:$0x7FD]  }
0x1b7: {  	p2 =	por $0x0, $0x0;
	s1 =	simm.s32 $0x1  }
0x1b8: {  	s1 =	simm.s32 @!p2 $0x0;
	[sflag:s13] =	ssyncset.done $0x0  }
0x1b9: {  	s1 =	sshll.u32 s1, $0x9;
	[sflag:s13] =	ssyncadd.s32 $0xFFFFDC00;
	s12 =	sadd.s32 $0xFFFFDA80, s10  }
0x1ba: {  	[hbm4b:s12+s3] =	stream.linear.scatter [tilespmem:s7], [sflag:$0x7], $0x6400, $0x38;
	[tilespmem:$0x1EF40] =	vst v63  }
0x1bb: {  	s17 =	sand.u32 $0x1800, s0;
	s0 =	sand.u32 $0x200, s0;
	_ =	swait.ge [sflag:s22], $0x6400  }
0x1bc: {  	s1 =	sadd.s32 $0x0, s1;
	s0 =	sor.u32 s17, s0;
	[sflag:s22] =	ssyncset.done $0x0  }
0x1bd: {  	s26 =	sadd.s32 $0x100, s1;
	s30 =	sor.u32 $0x100, s0;
	[sflag:s22] =	ssyncadd.s32 $0xFFFF9C00  }
0x1be: {  	[tilespmem:s14], [sflag:$0x5] =	stream.indirect.gather [spmem:s2], $0x80, s30, s5, $0xb8;
	[tilespmem:$0x1EF40] =	vst v63  }
0x1bf: {  	s4 =	sor.u32 $0x400, s26  }
0x1c0: {  	[tilespmem:s21], [sflag:$0x5] =	stream.indirect.gather [spmem:s2], $0x80, s4, s8, $0xb8;
	[tilespmem:$0x1EF40] =	vst v63  }
0x1c1: {  	_ =	swait.ge [sflag:s23], $0x4000  }
0x1c2: {  	[sflag:s23] =	ssyncset.done $0x0  }
0x1c3: {  	[sflag:s23] =	ssyncadd.s32 $0xFFFFC000  }
0x1c4: {  	_ =	swait.ge [sflag:s23], $0x2400  }
0x1c5: {  	[sflag:s23] =	ssyncset.done $0x0  }
0x1c6: {  	s31 =	sadd.s32 $0xFFFFE700, s10;
	[sflag:s23] =	ssyncadd.s32 $0xFFFFDC00  }
0x1c7: {  	[hbm4b:s31+s3] =	stream.linear.scatter [tilespmem:s11], [sflag:$0x8], $0x6400, $0x38;
	[tilespmem:$0x1EF40] =	vst v63  }
0x1c8: {  	_ =	swait.ge [sflag:s24], $0x6400  }
0x1c9: {  	[sflag:s24] =	ssyncset.done $0x0  }
0x1ca: {  	s1 =	sadd.s32 $0x180, s1;
	s0 =	sor.u32 $0x180, s0;
	[sflag:s24] =	ssyncadd.s32 $0xFFFF9C00  }
0x1cb: {  	[tilespmem:s16], [sflag:$0x6] =	stream.indirect.gather [spmem:s2], $0x80, s0, s5, $0xb8;
	[tilespmem:$0x1EF40] =	vst v63  }
0x1cc: {  	s4 =	sor.u32 $0x400, s1  }
0x1cd: {  	[tilespmem:s25], [sflag:$0x6] =	stream.indirect.gather [spmem:s2], $0x80, s4, s8, $0xb8;
	[tilespmem:$0x1EF40] =	vst v63  }
0x1ce: {  	_ =	swait.ge [sflag:s18], $0x4000  }
0x1cf: {  	[sflag:s18] =	ssyncset.done $0x0  }
0x1d0: {  	[sflag:s18] =	ssyncadd.s32 $0xFFFFC000  }
0x1d1: {  	p1 =	por $0x1, $0x1;
	_ =	swait.ge [sflag:s18], $0x2400  }
0x1d2: {  	s28 =	simm.s32 $0x400;
	s26 =	simm.s32 $0x200;
	[sflag:s18] =	ssyncset.done $0x0  }
0x1d3: {  	s6 =	sadd.s32 $0xFFFFF380, s10;
	s0 =	simm.s32 $0x1;
	[sflag:s18] =	ssyncadd.s32 $0xFFFFDC00  }
0x1d4: {  	[hbm4b:s6+s3] =	stream.linear.scatter [tilespmem:s14], [sflag:$0x9], $0x6400, $0x38;
	[tilespmem:$0x1EF40] =	vst v63  }
0x1d5: {  	s21 =	sand.u32 $0x3800, s28;
	s0 =	simm.s32 @!p1 $0x0;
	_ =	swait.ge [sflag:s19], $0x6400  }
0x1d6: {  	s0 =	sshll.u32 s0, $0x9;
	s25 =	sand.u32 $0x200, s26;
	[sflag:s19] =	ssyncset.done $0x0  }
0x1d7: {  	s1 =	sor.u32 s25, s21;
	s0 =	sadd.s32 $0x400, s0;
	[sflag:s19] =	ssyncadd.s32 $0xFFFF9C00  }
0x1d8: {  	[tilespmem:s7], [sflag:$0x3] =	stream.indirect.gather [spmem:s2], $0x80, s1, s5, $0xb8;
	[tilespmem:$0x1EF40] =	vst v63  }
0x1d9: {  	s0 =	sor.u32 $0x400, s0  }
0x1da: {  	[tilespmem:s29], [sflag:$0x3] =	stream.indirect.gather [spmem:s2], $0x80, s0, s8, $0xb8;
	[tilespmem:$0x1EF40] =	vst v63  }
0x1db: {  	_ =	swait.ge [sflag:s9], $0x4000  }
0x1dc: {  	[sflag:s9] =	ssyncset.done $0x0  }
0x1dd: {  	p2 =	por !p2, !p2;
	[sflag:s9] =	ssyncadd.s32 $0xFFFFC000  }
0x1de: {  	s15 =	simm.s32 $0xE400;
	s17 =	simm.s32 $0x14800;
	_ =	swait.ge [sflag:s9], $0x2400  }
0x1df: {  	s12 =	simm.s32 $0x1AC00;
	s30 =	simm.s32 $0x280;
	[sflag:s9] =	ssyncset.done $0x0  }
0x1e0: {  	s31 =	simm.s32 $0x500;
	p1 =	por !p1, !p1;
	[sflag:s9] =	ssyncadd.s32 $0xFFFFDC00  }
0x1e1: {  	[hbm4b:s10+s3] =	stream.linear.scatter [tilespmem:s16], [sflag:$0xA], $0x6400, $0x38;
	[tilespmem:$0x1EF40] =	vst v63  }
0x1e2: {  	s1 =	sand.u32 $0x3800, s31;
	s0 =	sand.u32 $0x280, s30;
	_ =	swait.ge [sflag:s20], $0x6400  }
0x1e3: {  	s6 =	sadd.s32 $0x3200, s10;
	s0 =	sor.u32 s0, s1;
	[sflag:s20] =	ssyncset.done $0x0  }
0x1e4: {  	s4 =	sor.u32 $0x400, s0;
	s10 =	simm.s32 $0x8000;
	[sflag:s20] =	ssyncadd.s32 $0xFFFF9C00  }
0x1e5: {  	[tilespmem:s11], [sflag:$0x4] =	stream.indirect.gather [spmem:s2], $0x80, s0, s5, $0xb8;
	[tilespmem:$0x1EF40] =	vst v63  }
.LBB2_6:
0x1e6: {  	[tilespmem:s15], [sflag:$0x4] =	stream.indirect.gather [spmem:s2], $0x80, s4, s8, $0xb8;
	[tilespmem:$0x1EF40] =	vst v63  }
0x1e7: {  	s4 =	smov.u32 s28  }
0x1e8: {  	s29 =	smov.u32 s26;
	s0 =	simm.s32 $0x1;
	s30 =	sadd.s32 $0x400, s28  }
0x1e9: {  	s1 =	simm.s32 $0x1;
	s0 =	simm.s32 @!p2 $0x0;
	_ =	swait.ge [sflag:s13], $0x4000  }
0x1ea: {  	s1 =	simm.s32 @!p1 $0x0;
	s0 =	sshll.u32 s0, $0x9;
	[sflag:s13] =	ssyncset.done $0x0  }
0x1eb: {  	s1 =	sshll.u32 s1, $0x9;
	[sflag:s13] =	ssyncadd.s32 $0xFFFFC000;
	s0 =	sadd.s32 s0, s4  }
0x1ec: {  	_ =	swait.ge [sflag:s13], $0x2400;
	s21 =	sadd.s32 $0x100, s0;
	s0 =	sadd.s32 $0x180, s0  }
0x1ed: {  	p3 =	sne.s32 s28, $0x1800;
	s31 =	sadd.s32 s1, s30;
	[sflag:s13] =	ssyncset.done $0x0  }
0x1ee: {  	s1 =	sadd.s32 $0xFFFFDA80, s6;
	[sflag:s13] =	ssyncadd.s32 $0xFFFFDC00  }
0x1ef: {  	[hbm4b:s1+s3] =	stream.linear.scatter [tilespmem:s7], [sflag:$0x7], $0x6400, $0x38;
	[tilespmem:$0x1EF40] =	vst v63  }
0x1f0: {  	s25 =	sand.u32 $0x200, s26;
	s1 =	sand.u32 $0x1800, s4;
	_ =	swait.ge [sflag:s22], $0x6400  }
0x1f1: {  	s1 =	sor.u32 s1, s25;
	[sflag:s22] =	ssyncset.done $0x0  }
0x1f2: {  	s25 =	sor.u32 $0x100, s1;
	[sflag:s22] =	ssyncadd.s32 $0xFFFF9C00  }
0x1f3: {  	[tilespmem:s14], [sflag:$0x5] =	stream.indirect.gather [spmem:s2], $0x80, s25, s5, $0xb8;
	[tilespmem:$0x1EF40] =	vst v63  }
0x1f4: {  	s21 =	sor.u32 $0x400, s21  }
0x1f5: {  	[tilespmem:s17], [sflag:$0x5] =	stream.indirect.gather [spmem:s2], $0x80, s21, s8, $0xb8;
	[tilespmem:$0x1EF40] =	vst v63  }
0x1f6: {  	_ =	swait.ge [sflag:s23], $0x4000  }
0x1f7: {  	[sflag:s23] =	ssyncset.done $0x0  }
0x1f8: {  	[sflag:s23] =	ssyncadd.s32 $0xFFFFC000  }
0x1f9: {  	_ =	swait.ge [sflag:s23], $0x2400  }
0x1fa: {  	[sflag:s23] =	ssyncset.done $0x0  }
0x1fb: {  	s21 =	sadd.s32 $0xFFFFE700, s6;
	[sflag:s23] =	ssyncadd.s32 $0xFFFFDC00  }
0x1fc: {  	[hbm4b:s21+s3] =	stream.linear.scatter [tilespmem:s11], [sflag:$0x8], $0x6400, $0x38;
	[tilespmem:$0x1EF40] =	vst v63  }
0x1fd: {  	_ =	swait.ge [sflag:s24], $0x6400  }
0x1fe: {  	[sflag:s24] =	ssyncset.done $0x0  }
0x1ff: {  	s1 =	sor.u32 $0x180, s1;
	[sflag:s24] =	ssyncadd.s32 $0xFFFF9C00  }
0x200: {  	[tilespmem:s16], [sflag:$0x6] =	stream.indirect.gather [spmem:s2], $0x80, s1, s5, $0xb8;
	[tilespmem:$0x1EF40] =	vst v63  }
0x201: {  	s0 =	sor.u32 $0x400, s0  }
0x202: {  	[tilespmem:s12], [sflag:$0x6] =	stream.indirect.gather [spmem:s2], $0x80, s0, s8, $0xb8;
	[tilespmem:$0x1EF40] =	vst v63  }
0x203: {  	_ =	swait.ge [sflag:s18], $0x4000  }
0x204: {  	[sflag:s18] =	ssyncset.done $0x0  }
0x205: {  	[sflag:s18] =	ssyncadd.s32 $0xFFFFC000  }
0x206: {  	_ =	swait.ge [sflag:s18], $0x2400  }
0x207: {  	[sflag:s18] =	ssyncset.done $0x0  }
0x208: {  	s0 =	sadd.s32 $0xFFFFF380, s6;
	[sflag:s18] =	ssyncadd.s32 $0xFFFFDC00  }
0x209: {  	[hbm4b:s0+s3] =	stream.linear.scatter [tilespmem:s14], [sflag:$0x9], $0x6400, $0x38;
	[tilespmem:$0x1EF40] =	vst v63  }
0x20a: {  	s26 =	sadd.s32 $0x200, s26;
	_ =	swait.ge [sflag:s19], $0x6400  }
0x20b: {  	s1 =	sand.u32 $0x200, s26;
	s0 =	sand.u32 $0x3800, s30;
	[sflag:s19] =	ssyncset.done $0x0  }
0x20c: {  	s0 =	sor.u32 s1, s0;
	[sflag:s19] =	ssyncadd.s32 $0xFFFF9C00  }
0x20d: {  	[tilespmem:s7], [sflag:$0x3] =	stream.indirect.gather [spmem:s2], $0x80, s0, s5, $0xb8;
	[tilespmem:$0x1EF40] =	vst v63  }
0x20e: {  	s0 =	sor.u32 $0x400, s31  }
0x20f: {  	[tilespmem:s10], [sflag:$0x3] =	stream.indirect.gather [spmem:s2], $0x80, s0, s8, $0xb8;
	[tilespmem:$0x1EF40] =	vst v63  }
0x210: {  	_ =	swait.ge [sflag:s9], $0x4000  }
0x211: {  	[sflag:s9] =	ssyncset.done $0x0  }
0x212: {  	[sflag:s9] =	ssyncadd.s32 $0xFFFFC000  }
0x213: {  	_ =	swait.ge [sflag:s9], $0x2400  }
0x214: {  	[sflag:s9] =	ssyncset.done $0x0  }
0x215: {  	p1 =	por !p1, !p1;
	s0 =	sadd.s32 $0x280, s29;
	[sflag:s9] =	ssyncadd.s32 $0xFFFFDC00  }
0x216: {  	[hbm4b:s6+s3] =	stream.linear.scatter [tilespmem:s16], [sflag:$0xA], $0x6400, $0x38;
	[tilespmem:$0x1EF40] =	vst v63  }
.Ltmp2:
0x217: {  	s1 =	sadd.s32 $0x500, s4;
	_ =	swait.ge [sflag:s20], $0x6400;
	(pc) =	sbr.rel @p3 .LBB2_6-.Ltmp2, $4  }
0x218: {  	s1 =	sand.u32 $0x3800, s1;
	s0 =	sand.u32 $0x280, s0;
	[sflag:s20] =	ssyncset.done $0x0  }
0x219: {  	p2 =	por !p2, !p2;
	s0 =	sor.u32 s0, s1;
	[sflag:s20] =	ssyncadd.s32 $0xFFFF9C00  }
0x21a: {  	[tilespmem:s11], [sflag:$0x4] =	stream.indirect.gather [spmem:s2], $0x80, s0, s5, $0xb8;
	[tilespmem:$0x1EF40] =	vst v63  }
0x21b: {  	s28 =	smov.u32 s30;
	s4 =	sor.u32 $0x400, s0;
	s6 =	sadd.s32 $0x3200, s6  }
0x21c: {  	s6 =	simm.s32 $0xE400  }
0x21d: {  	[tilespmem:s6], [sflag:$0x4] =	stream.indirect.gather [spmem:s2], $0x80, s4, s8, $0xb8;
	[tilespmem:$0x1EF40] =	vst v63  }
0x21e: {  	_ =	swait.ge [sflag:s13], $0x4000  }
0x21f: {  	[sflag:s13] =	ssyncset.done $0x0  }
0x220: {  	[sflag:s13] =	ssyncadd.s32 $0xFFFFC000  }
0x221: {  	_ =	swait.ge [sflag:s13], $0x2400  }
0x222: {  	[sflag:s13] =	ssyncset.done $0x0  }
0x223: {  	s0 =	simm.s32 $0x0;
	s1 =	rddreg [dreg:$0x12];
	[sflag:s13] =	ssyncadd.s32 $0xFFFFDC00  }
0x224: {  	[hbm4b:s1+s0] =	stream.linear.scatter [tilespmem:s7], [sflag:$0x7], $0x6400, $0x38;
	[tilespmem:$0x1EF40] =	vst v63  }
0x225: {  	_ =	swait.ge [sflag:s22], $0x6400  }
0x226: {  	[sflag:s22] =	ssyncset.done $0x0  }
0x227: {  	s4 =	simm.s32 $0x1B00;
	[sflag:s22] =	ssyncadd.s32 $0xFFFF9C00  }
0x228: {  	[tilespmem:s14], [sflag:$0x5] =	stream.indirect.gather [spmem:s2], $0x80, s4, s5, $0xb8;
	[tilespmem:$0x1EF40] =	vst v63  }
0x229: {  	s26 =	simm.s32 $0x14800;
	s12 =	simm.s32 $0x1F00  }
0x22a: {  	[tilespmem:s26], [sflag:$0x5] =	stream.indirect.gather [spmem:s2], $0x80, s12, s8, $0xb8;
	[tilespmem:$0x1EF40] =	vst v63  }
0x22b: {  	_ =	swait.ge [sflag:s23], $0x4000  }
0x22c: {  	[sflag:s23] =	ssyncset.done $0x0  }
0x22d: {  	[sflag:s23] =	ssyncadd.s32 $0xFFFFC000  }
0x22e: {  	_ =	swait.ge [sflag:s23], $0x2400  }
0x22f: {  	[sflag:s23] =	ssyncset.done $0x0  }
0x230: {  	s15 =	rddreg [dreg:$0x13];
	[sflag:s23] =	ssyncadd.s32 $0xFFFFDC00  }
0x231: {  	[hbm4b:s15+s0] =	stream.linear.scatter [tilespmem:s11], [sflag:$0x8], $0x6400, $0x38;
	[tilespmem:$0x1EF40] =	vst v63  }
0x232: {  	_ =	swait.ge [sflag:s24], $0x6400  }
0x233: {  	[sflag:s24] =	ssyncset.done $0x0  }
0x234: {  	s17 =	simm.s32 $0x1B80;
	[sflag:s24] =	ssyncadd.s32 $0xFFFF9C00  }
0x235: {  	[tilespmem:s16], [sflag:$0x6] =	stream.indirect.gather [spmem:s2], $0x80, s17, s5, $0xb8;
	[tilespmem:$0x1EF40] =	vst v63  }
0x236: {  	s28 =	simm.s32 $0x1AC00;
	s21 =	simm.s32 $0x1F80;
	s25 =	simm.s32 $0x2  }
0x237: {  	[tilespmem:s28], [sflag:$0x6] =	stream.indirect.gather [spmem:s2], $0x80, s21, s8, $0xb8;
	[tilespmem:$0x1EF40] =	vst v63  }
0x238: {  	_ =	swait.ge [sflag:s25], $0x2000  }
0x239: {  	[sflag:s25] =	ssyncset.done $0x0  }
0x23a: {  	[sflag:s25] =	ssyncadd.s32 $0xFFFFE000  }
0x23b: {  	_ =	swait.ge [sflag:s18], $0x4000  }
0x23c: {  	[sflag:s18] =	ssyncset.done $0x0  }
0x23d: {  	[sflag:s18] =	ssyncadd.s32 $0xFFFFC000  }
0x23e: {  	_ =	swait.ge [sflag:s18], $0x2400  }
0x23f: {  	[sflag:s18] =	ssyncset.done $0x0  }
0x240: {  	s29 =	rddreg [dreg:$0x14];
	[sflag:s18] =	ssyncadd.s32 $0xFFFFDC00  }
0x241: {  	[hbm4b:s29+s0] =	stream.linear.scatter [tilespmem:s14], [sflag:$0x9], $0x6400, $0x38;
	[tilespmem:$0x1EF40] =	vst v63  }
0x242: {  	_ =	swait.ge [sflag:s19], $0x6400  }
0x243: {  	[sflag:s19] =	ssyncset.done $0x0  }
0x244: {  	s30 =	simm.s32 $0x2000;
	[sflag:s19] =	ssyncadd.s32 $0xFFFF9C00  }
0x245: {  	[tilespmem:s7], [sflag:$0x3] =	stream.indirect.gather [spmem:s2], $0x80, s30, s5, $0xb8;
	[tilespmem:$0x1EF40] =	vst v63  }
0x246: {  	s31 =	simm.s32 $0x2400  }
0x247: {  	[tilespmem:s10], [sflag:$0x3] =	stream.indirect.gather [spmem:s2], $0x80, s31, s8, $0xb8;
	[tilespmem:$0x1EF40] =	vst v63  }
0x248: {  	_ =	swait.ge [sflag:s9], $0x4000  }
0x249: {  	[sflag:s9] =	ssyncset.done $0x0  }
0x24a: {  	[sflag:s9] =	ssyncadd.s32 $0xFFFFC000  }
0x24b: {  	_ =	swait.ge [sflag:s9], $0x2400  }
0x24c: {  	[sflag:s9] =	ssyncset.done $0x0  }
0x24d: {  	s4 =	rddreg [dreg:$0x15];
	[sflag:s9] =	ssyncadd.s32 $0xFFFFDC00  }
0x24e: {  	[hbm4b:s4+s0] =	stream.linear.scatter [tilespmem:s16], [sflag:$0xA], $0x6400, $0x38;
	[tilespmem:$0x1EF40] =	vst v63  }
0x24f: {  	_ =	swait.ge [sflag:s20], $0x6400  }
0x250: {  	[sflag:s20] =	ssyncset.done $0x0  }
0x251: {  	s10 =	simm.s32 $0x2080;
	[sflag:s20] =	ssyncadd.s32 $0xFFFF9C00  }
0x252: {  	[tilespmem:s11], [sflag:$0x4] =	stream.indirect.gather [spmem:s2], $0x80, s10, s5, $0xb8;
	[tilespmem:$0x1EF40] =	vst v63  }
0x253: {  	s12 =	simm.s32 $0x2480  }
0x254: {  	[tilespmem:s6], [sflag:$0x4] =	stream.indirect.gather [spmem:s2], $0x80, s12, s8, $0xb8;
	[tilespmem:$0x1EF40] =	vst v63  }
0x255: {  	_ =	swait.ge [sflag:s13], $0x4000  }
0x256: {  	[sflag:s13] =	ssyncset.done $0x0  }
0x257: {  	[sflag:s13] =	ssyncadd.s32 $0xFFFFC000  }
0x258: {  	_ =	swait.ge [sflag:s13], $0x2400  }
0x259: {  	s10 =	rddreg [dreg:$0x16]  }
0x25a: {  	[sflag:s13] =	ssyncset.done $0x0;
	s1 =	sadd.s32 $0x0, s10  }
0x25b: {  	[sflag:s13] =	ssyncadd.s32 $0xFFFFDC00;
	s15 =	sadd.s32 $0x4B000, s1  }
0x25c: {  	[hbm4b:s15+s3] =	stream.linear.scatter [tilespmem:s7], [sflag:$0x7], $0x6400, $0x38;
	[tilespmem:$0x1EF40] =	vst v63  }
0x25d: {  	s17 =	sand.u32 $0x1800, s0;
	s0 =	sand.u32 $0x200, s0;
	_ =	swait.ge [sflag:s22], $0x6400  }
0x25e: {  	s21 =	sor.u32 $0x2000, s17;
	s29 =	sor.u32 $0x100, s0;
	[sflag:s22] =	ssyncset.done $0x0  }
0x25f: {  	s4 =	sor.u32 $0x2400, s17;
	s25 =	sor.u32 s29, s21;
	[sflag:s22] =	ssyncadd.s32 $0xFFFF9C00  }
0x260: {  	[tilespmem:s14], [sflag:$0x5] =	stream.indirect.gather [spmem:s2], $0x80, s25, s5, $0xb8;
	[tilespmem:$0x1EF40] =	vst v63  }
0x261: {  	s6 =	sor.u32 s29, s4  }
0x262: {  	[tilespmem:s26], [sflag:$0x5] =	stream.indirect.gather [spmem:s2], $0x80, s6, s8, $0xb8;
	[tilespmem:$0x1EF40] =	vst v63  }
0x263: {  	_ =	swait.ge [sflag:s23], $0x4000  }
0x264: {  	[sflag:s23] =	ssyncset.done $0x0  }
0x265: {  	[sflag:s23] =	ssyncadd.s32 $0xFFFFC000  }
0x266: {  	_ =	swait.ge [sflag:s23], $0x2400  }
0x267: {  	[sflag:s23] =	ssyncset.done $0x0  }
0x268: {  	s30 =	sadd.s32 $0x4BC80, s1;
	[sflag:s23] =	ssyncadd.s32 $0xFFFFDC00  }
0x269: {  	[hbm4b:s30+s3] =	stream.linear.scatter [tilespmem:s11], [sflag:$0x8], $0x6400, $0x38;
	[tilespmem:$0x1EF40] =	vst v63  }
0x26a: {  	_ =	swait.ge [sflag:s24], $0x6400  }
0x26b: {  	s0 =	sor.u32 $0x180, s0;
	[sflag:s24] =	ssyncset.done $0x0  }
0x26c: {  	s31 =	sor.u32 s0, s21;
	[sflag:s24] =	ssyncadd.s32 $0xFFFF9C00  }
0x26d: {  	[tilespmem:s16], [sflag:$0x6] =	stream.indirect.gather [spmem:s2], $0x80, s31, s5, $0xb8;
	[tilespmem:$0x1EF40] =	vst v63  }
0x26e: {  	s0 =	sor.u32 s0, s4  }
0x26f: {  	[tilespmem:s28], [sflag:$0x6] =	stream.indirect.gather [spmem:s2], $0x80, s0, s8, $0xb8;
	[tilespmem:$0x1EF40] =	vst v63  }
0x270: {  	_ =	swait.ge [sflag:s18], $0x4000  }
0x271: {  	[sflag:s18] =	ssyncset.done $0x0  }
0x272: {  	[sflag:s18] =	ssyncadd.s32 $0xFFFFC000  }
0x273: {  	_ =	swait.ge [sflag:s18], $0x2400  }
0x274: {  	s26 =	simm.s32 $0x200;
	[sflag:s18] =	ssyncset.done $0x0  }
0x275: {  	s6 =	sadd.s32 $0x4C900, s1;
	s28 =	simm.s32 $0x400;
	[sflag:s18] =	ssyncadd.s32 $0xFFFFDC00  }
0x276: {  	[hbm4b:s6+s3] =	stream.linear.scatter [tilespmem:s14], [sflag:$0x9], $0x6400, $0x38;
	[tilespmem:$0x1EF40] =	vst v63  }
0x277: {  	s25 =	sand.u32 $0x200, s26;
	s21 =	sand.u32 $0x3800, s28;
	_ =	swait.ge [sflag:s19], $0x6400  }
0x278: {  	s0 =	sor.u32 s25, s21;
	[sflag:s19] =	ssyncset.done $0x0  }
0x279: {  	s4 =	sadd.s32 $0x2000, s0;
	[sflag:s19] =	ssyncadd.s32 $0xFFFF9C00  }
0x27a: {  	[tilespmem:s7], [sflag:$0x3] =	stream.indirect.gather [spmem:s2], $0x80, s4, s5, $0xb8;
	[tilespmem:$0x1EF40] =	vst v63  }
0x27b: {  	s12 =	simm.s32 $0x8000;
	s0 =	sadd.s32 $0x2400, s0  }
0x27c: {  	[tilespmem:s12], [sflag:$0x3] =	stream.indirect.gather [spmem:s2], $0x80, s0, s8, $0xb8;
	[tilespmem:$0x1EF40] =	vst v63  }
0x27d: {  	_ =	swait.ge [sflag:s9], $0x4000  }
0x27e: {  	[sflag:s9] =	ssyncset.done $0x0  }
0x27f: {  	[sflag:s9] =	ssyncadd.s32 $0xFFFFC000  }
0x280: {  	s17 =	simm.s32 $0x14800;
	_ =	swait.ge [sflag:s9], $0x2400  }
0x281: {  	s29 =	sadd.s32 $0x4D580, s1;
	s15 =	simm.s32 $0x1AC00;
	[sflag:s9] =	ssyncset.done $0x0  }
0x282: {  	s30 =	simm.s32 $0x500;
	s31 =	simm.s32 $0x280;
	[sflag:s9] =	ssyncadd.s32 $0xFFFFDC00  }
0x283: {  	[hbm4b:s29+s3] =	stream.linear.scatter [tilespmem:s16], [sflag:$0xA], $0x6400, $0x38;
	[tilespmem:$0x1EF40] =	vst v63  }
0x284: {  	s1 =	sand.u32 $0x280, s31;
	s0 =	sand.u32 $0x3800, s30;
	_ =	swait.ge [sflag:s20], $0x6400  }
0x285: {  	s6 =	simm.s32 $0x3200;
	s0 =	sor.u32 s1, s0;
	[sflag:s20] =	ssyncset.done $0x0  }
0x286: {  	s1 =	sadd.s32 $0x2000, s0;
	s4 =	sadd.s32 $0x2400, s0;
	[sflag:s20] =	ssyncadd.s32 $0xFFFF9C00  }
0x287: {  	[tilespmem:s11], [sflag:$0x4] =	stream.indirect.gather [spmem:s2], $0x80, s1, s5, $0xb8;
	[tilespmem:$0x1EF40] =	vst v63  }
.LBB2_8:
0x288: {  	s0 =	simm.s32 $0xE400  }
0x289: {  	[tilespmem:s0], [sflag:$0x4] =	stream.indirect.gather [spmem:s2], $0x80, s4, s8, $0xb8;
	[tilespmem:$0x1EF40] =	vst v63  }
0x28a: {  	s29 =	smov.u32 s28;
	s0 =	smov.u32 s6;
	s4 =	smov.u32 s26  }
0x28b: {  	p1 =	sne.s32 s6, $0x12C00;
	s6 =	sadd.s32 $0x3200, s6;
	_ =	swait.ge [sflag:s13], $0x4000  }
0x28c: {  	[sflag:s13] =	ssyncset.done $0x0  }
0x28d: {  	[sflag:s13] =	ssyncadd.s32 $0xFFFFC000  }
0x28e: {  	_ =	swait.ge [sflag:s13], $0x2400  }
0x28f: {  	s31 =	sadd.s32 s0, s10;
	[sflag:s13] =	ssyncset.done $0x0  }
0x290: {  	s0 =	sadd.s32 $0x4B000, s31;
	[sflag:s13] =	ssyncadd.s32 $0xFFFFDC00  }
0x291: {  	[hbm4b:s0+s3] =	stream.linear.scatter [tilespmem:s7], [sflag:$0x7], $0x6400, $0x38;
	[tilespmem:$0x1EF40] =	vst v63  }
0x292: {  	s1 =	sand.u32 $0x200, s26;
	s0 =	sand.u32 $0x1800, s28;
	_ =	swait.ge [sflag:s22], $0x6400  }
0x293: {  	s21 =	sor.u32 $0x100, s1;
	s25 =	sor.u32 $0x2000, s0;
	[sflag:s22] =	ssyncset.done $0x0  }
0x294: {  	s0 =	sor.u32 $0x2400, s0;
	s30 =	sor.u32 s21, s25;
	[sflag:s22] =	ssyncadd.s32 $0xFFFF9C00  }
0x295: {  	[tilespmem:s14], [sflag:$0x5] =	stream.indirect.gather [spmem:s2], $0x80, s30, s5, $0xb8;
	[tilespmem:$0x1EF40] =	vst v63  }
0x296: {  	s1 =	sor.u32 $0x180, s1;
	s21 =	sor.u32 s21, s0  }
0x297: {  	[tilespmem:s17], [sflag:$0x5] =	stream.indirect.gather [spmem:s2], $0x80, s21, s8, $0xb8;
	[tilespmem:$0x1EF40] =	vst v63  }
0x298: {  	s0 =	sor.u32 s1, s0;
	s21 =	sor.u32 s1, s25;
	_ =	swait.ge [sflag:s23], $0x4000  }
0x299: {  	[sflag:s23] =	ssyncset.done $0x0  }
0x29a: {  	[sflag:s23] =	ssyncadd.s32 $0xFFFFC000  }
0x29b: {  	_ =	swait.ge [sflag:s23], $0x2400  }
0x29c: {  	[sflag:s23] =	ssyncset.done $0x0  }
0x29d: {  	s1 =	sadd.s32 $0x4BC80, s31;
	[sflag:s23] =	ssyncadd.s32 $0xFFFFDC00  }
0x29e: {  	[hbm4b:s1+s3] =	stream.linear.scatter [tilespmem:s11], [sflag:$0x8], $0x6400, $0x38;
	[tilespmem:$0x1EF40] =	vst v63  }
0x29f: {  	_ =	swait.ge [sflag:s24], $0x6400  }
0x2a0: {  	[sflag:s24] =	ssyncset.done $0x0  }
0x2a1: {  	[sflag:s24] =	ssyncadd.s32 $0xFFFF9C00  }
0x2a2: {  	[tilespmem:s16], [sflag:$0x6] =	stream.indirect.gather [spmem:s2], $0x80, s21, s5, $0xb8;
	[tilespmem:$0x1EF40] =	vst v63  }
0x2a3: {  	_ = 	snop  }
0x2a4: {  	[tilespmem:s15], [sflag:$0x6] =	stream.indirect.gather [spmem:s2], $0x80, s0, s8, $0xb8;
	[tilespmem:$0x1EF40] =	vst v63  }
0x2a5: {  	_ =	swait.ge [sflag:s18], $0x4000  }
0x2a6: {  	[sflag:s18] =	ssyncset.done $0x0  }
0x2a7: {  	[sflag:s18] =	ssyncadd.s32 $0xFFFFC000  }
0x2a8: {  	_ =	swait.ge [sflag:s18], $0x2400  }
0x2a9: {  	s26 =	sadd.s32 $0x200, s26;
	[sflag:s18] =	ssyncset.done $0x0  }
0x2aa: {  	s28 =	sadd.s32 $0x400, s28;
	s0 =	sadd.s32 $0x4C900, s31;
	[sflag:s18] =	ssyncadd.s32 $0xFFFFDC00  }
0x2ab: {  	[hbm4b:s0+s3] =	stream.linear.scatter [tilespmem:s14], [sflag:$0x9], $0x6400, $0x38;
	[tilespmem:$0x1EF40] =	vst v63  }
0x2ac: {  	s1 =	sand.u32 $0x200, s26;
	s0 =	sand.u32 $0x3800, s28;
	_ =	swait.ge [sflag:s19], $0x6400  }
0x2ad: {  	s0 =	sor.u32 s1, s0;
	[sflag:s19] =	ssyncset.done $0x0  }
0x2ae: {  	s1 =	sadd.s32 $0x2000, s0;
	[sflag:s19] =	ssyncadd.s32 $0xFFFF9C00  }
0x2af: {  	[tilespmem:s7], [sflag:$0x3] =	stream.indirect.gather [spmem:s2], $0x80, s1, s5, $0xb8;
	[tilespmem:$0x1EF40] =	vst v63  }
0x2b0: {  	s0 =	sadd.s32 $0x2400, s0  }
0x2b1: {  	[tilespmem:s12], [sflag:$0x3] =	stream.indirect.gather [spmem:s2], $0x80, s0, s8, $0xb8;
	[tilespmem:$0x1EF40] =	vst v63  }
0x2b2: {  	_ =	swait.ge [sflag:s9], $0x4000  }
0x2b3: {  	[sflag:s9] =	ssyncset.done $0x0  }
0x2b4: {  	[sflag:s9] =	ssyncadd.s32 $0xFFFFC000  }
0x2b5: {  	_ =	swait.ge [sflag:s9], $0x2400  }
0x2b6: {  	s1 =	sadd.s32 $0x280, s4;
	s0 =	sadd.s32 $0x500, s29;
	[sflag:s9] =	ssyncset.done $0x0  }
0x2b7: {  	s4 =	sadd.s32 $0x4D580, s31;
	s1 =	sand.u32 $0x280, s1;
	[sflag:s9] =	ssyncadd.s32 $0xFFFFDC00  }
0x2b8: {  	[hbm4b:s4+s3] =	stream.linear.scatter [tilespmem:s16], [sflag:$0xA], $0x6400, $0x38;
	[tilespmem:$0x1EF40] =	vst v63  }
.Ltmp3:
0x2b9: {  	s0 =	sand.u32 $0x3800, s0;
	_ =	swait.ge [sflag:s20], $0x6400;
	(pc) =	sbr.rel @p1 .LBB2_8-.Ltmp3, $4  }
0x2ba: {  	s0 =	sor.u32 s1, s0;
	[sflag:s20] =	ssyncset.done $0x0  }
0x2bb: {  	s1 =	sadd.s32 $0x2000, s0;
	[sflag:s20] =	ssyncadd.s32 $0xFFFF9C00  }
0x2bc: {  	[tilespmem:s11], [sflag:$0x4] =	stream.indirect.gather [spmem:s2], $0x80, s1, s5, $0xb8;
	[tilespmem:$0x1EF40] =	vst v63  }
0x2bd: {  	s4 =	sadd.s32 $0x2400, s0  }
0x2be: {  	s0 =	simm.s32 $0xE400  }
0x2bf: {  	[tilespmem:s0], [sflag:$0x4] =	stream.indirect.gather [spmem:s2], $0x80, s4, s8, $0xb8;
	[tilespmem:$0x1EF40] =	vst v63  }
0x2c0: {  	_ =	swait.ge [sflag:s13], $0x4000  }
0x2c1: {  	[sflag:s13] =	ssyncset.done $0x0  }
0x2c2: {  	[sflag:s13] =	ssyncadd.s32 $0xFFFFC000  }
0x2c3: {  	_ =	swait.ge [sflag:s13], $0x2400  }
0x2c4: {  	[sflag:s13] =	ssyncset.done $0x0  }
0x2c5: {  	s6 =	rddreg [dreg:$0x17];
	[sflag:s13] =	ssyncadd.s32 $0xFFFFDC00  }
0x2c6: {  	[hbm4b:s6+s3] =	stream.linear.scatter [tilespmem:s7], [sflag:$0x7], $0x6400, $0x38;
	[tilespmem:$0x1EF40] =	vst v63  }
0x2c7: {  	_ =	swait.ge [sflag:s22], $0x6400  }
0x2c8: {  	[sflag:s22] =	ssyncset.done $0x0  }
0x2c9: {  	s12 =	simm.s32 $0x3B00;
	[sflag:s22] =	ssyncadd.s32 $0xFFFF9C00  }
0x2ca: {  	[tilespmem:s14], [sflag:$0x5] =	stream.indirect.gather [spmem:s2], $0x80, s12, s5, $0xb8;
	[tilespmem:$0x1EF40] =	vst v63  }
0x2cb: {  	s21 =	simm.s32 $0x3F00  }
0x2cc: {  	[tilespmem:s17], [sflag:$0x5] =	stream.indirect.gather [spmem:s2], $0x80, s21, s8, $0xb8;
	[tilespmem:$0x1EF40] =	vst v63  }
0x2cd: {  	_ =	swait.ge [sflag:s23], $0x4000  }
0x2ce: {  	[sflag:s23] =	ssyncset.done $0x0  }
0x2cf: {  	[sflag:s23] =	ssyncadd.s32 $0xFFFFC000  }
0x2d0: {  	_ =	swait.ge [sflag:s23], $0x2400  }
0x2d1: {  	[sflag:s23] =	ssyncset.done $0x0  }
0x2d2: {  	s25 =	rddreg [dreg:$0x18];
	[sflag:s23] =	ssyncadd.s32 $0xFFFFDC00  }
0x2d3: {  	[hbm4b:s25+s3] =	stream.linear.scatter [tilespmem:s11], [sflag:$0x8], $0x6400, $0x38;
	[tilespmem:$0x1EF40] =	vst v63  }
0x2d4: {  	_ =	swait.ge [sflag:s24], $0x6400  }
0x2d5: {  	[sflag:s24] =	ssyncset.done $0x0  }
0x2d6: {  	s26 =	simm.s32 $0x3B80;
	[sflag:s24] =	ssyncadd.s32 $0xFFFF9C00  }
0x2d7: {  	[tilespmem:s16], [sflag:$0x6] =	stream.indirect.gather [spmem:s2], $0x80, s26, s5, $0xb8;
	[tilespmem:$0x1EF40] =	vst v63  }
0x2d8: {  	s28 =	simm.s32 $0x3F80  }
0x2d9: {  	[tilespmem:s15], [sflag:$0x6] =	stream.indirect.gather [spmem:s2], $0x80, s28, s8, $0xb8;
	[tilespmem:$0x1EF40] =	vst v63  }
0x2da: {  	_ =	swait.ge [sflag:s18], $0x4000  }
0x2db: {  	[sflag:s18] =	ssyncset.done $0x0  }
0x2dc: {  	[sflag:s18] =	ssyncadd.s32 $0xFFFFC000  }
0x2dd: {  	_ =	swait.ge [sflag:s18], $0x2400  }
0x2de: {  	[sflag:s18] =	ssyncset.done $0x0  }
0x2df: {  	s29 =	rddreg [dreg:$0x19];
	[sflag:s18] =	ssyncadd.s32 $0xFFFFDC00  }
0x2e0: {  	[hbm4b:s29+s3] =	stream.linear.scatter [tilespmem:s14], [sflag:$0x9], $0x6400, $0x38;
	[tilespmem:$0x1EF40] =	vst v63  }
0x2e1: {  	_ =	swait.ge [sflag:s19], $0x6400  }
0x2e2: {  	[sflag:s19] =	ssyncset.done $0x0  }
0x2e3: {  	[sflag:s19] =	ssyncadd.s32 $0xFFFF9C00  }
0x2e4: {  	_ =	swait.ge [sflag:s9], $0x4000  }
0x2e5: {  	[sflag:s9] =	ssyncset.done $0x0  }
0x2e6: {  	[sflag:s9] =	ssyncadd.s32 $0xFFFFC000  }
0x2e7: {  	_ =	swait.ge [sflag:s9], $0x2400  }
0x2e8: {  	[sflag:s9] =	ssyncset.done $0x0  }
0x2e9: {  	s30 =	rddreg [dreg:$0x1a];
	[sflag:s9] =	ssyncadd.s32 $0xFFFFDC00  }
0x2ea: {  	[hbm4b:s30+s3] =	stream.linear.scatter [tilespmem:s16], [sflag:$0xA], $0x6400, $0x38;
	[tilespmem:$0x1EF40] =	vst v63  }
0x2eb: {  	_ =	swait.ge [sflag:s20], $0x6400  }
0x2ec: {  	[sflag:s20] =	ssyncset.done $0x0  }
0x2ed: {  	[sflag:s20] =	ssyncadd.s32 $0xFFFF9C00  }
0x2ee: {  	_ =	swait.ge [sflag:s22], $0x6400  }
0x2ef: {  	[sflag:s22] =	ssyncset.done $0x0  }
0x2f0: {  	[sflag:s22] =	ssyncadd.s32 $0xFFFF9C00  }
0x2f1: {  	_ =	swait.ge [sflag:s24], $0x6400  }
0x2f2: {  	s1 =	sld [smem:$0x7FC];
	_ =	sdelay $0x2  }
0x2f3: {  	s31 =	rddreg [dreg:$0x1b];
	s1 =	sadd.s32 $0x1, s1  }
0x2f4: {  	p1 =	sne.s32 s1, s31  }
.Ltmp4:
0x2f5: {  	_ = 	snop;
	(pc) =	sbr.rel @p1 .LBB2_1-.Ltmp4, $3  }
0x2f6: {  	_ =	sdelay $0x1  }
0x2f7: {  	[sflag:s24] =	ssyncset.done $0x0  }
0x2f8: {  	s21 =	smov.u32 s10;
	s10 =	simm.s32 $0x8000;
	[sflag:s24] =	ssyncadd.s32 $0xFFFF9C00  }
0x2f9: {  	_ =	sfence.sel $0x180000  }
0x2fa: {  	[bflag:$0x0] =	sbarrier.arrive $0xFFFF  }
0x2fb: {  	_ =	strace $0x90000047  }
0x2fc: {  	[bflag:$0x2] =	sbarrier.arrive $0xFFFF  }
0x2fd: {  	s0 =	rddreg [dreg:$0x4]  }
0x2fe: {  	s0 =	sadd.s32 @!p0 $0x100000, s0  }
0x2ff: {  	[sflag:s0] =	ssyncadd.tile.s32 @!p0 $0x1;
	_ =	shalt  }
.Lfunc_end2:
_tile_overlayer_lowered:
.L_overlay_start_2:
0x300: {  	(tag) =	ssettag $0x2  }
0x301: {  	s0 =	rddreg [dreg:$0x0];
	s2 =	stileid.u32  }
0x302: {  	s1 =	rddreg [dreg:$0x1];
	p0 =	sne.s32 s2, $0x0  }
0x303: {  	s3 =	rddreg [dreg:$0x2];
	[bflag:$0x3] =	sbarrier.arrive $0xFFFF;
	s2 =	simm.s32 @!p0 $0x1C0B  }
0x304: {  	[timem:s3], [sflag:s2] =	dma.local @!p0 [hbm:s0], s1  }
0x305: {  	s0 =	simm.s32 @!p0 $0xB  }
0x306: {  	_ =	swait.ge @!p0 [sflag:s0], s1  }
0x307: {  	s1 =	ssub.s32 @!p0 $0x0, s1;
	[sflag:s0] =	ssyncset.done @!p0 $0x0  }
0x308: {  	[sflag:s0] =	ssyncadd.s32 @!p0 s1  }
0x309: {  	[bflag:$0x3] =	sbarrier.arrive $0xFFFF  }
0x30a: {  	_ =	shalt  }

</sc_bundles>
